<compile_context>
chip_gen: v7x
topology: tpu7x:2x2x1
jax: 0.10.2.dev20260603
libtpu: 0.0.44.dev20260713+nightly
codegen_flags: <defaults>
</compile_context>

<pallas_src>
import functools

import jax
import jax.numpy as jnp
from jax import lax
from jax.experimental import pallas as pl
from jax.experimental.pallas import tpu as pltpu
from jax.experimental.pallas import tpu_sc as plsc

N = 10000
IN = 128
OUT = 16
EC = 16
H = 128

NC = 2
NS = 16
NW = NC * NS
C = 128
NCH = 20
EP = NW * NCH * C
NSL = 4
SCH = NCH // NSL
ESL = EP // NSL
NP = 10240
SLAB = NP // NS

MSG_W = 128
BE = 2560


@functools.cache
def _gather_sc():
    mesh = plsc.VectorSubcoreMesh(core_axis_name="c", subcore_axis_name="s")

    @functools.partial(
        pl.kernel,
        out_type=jax.ShapeDtypeStruct((NW, SCH, C, IN), jnp.float32),
        mesh=mesh,
        scratch_types=[
            pltpu.VMEM((SCH, C), jnp.int32),
            *[pltpu.VMEM((C, IN), jnp.float32) for _ in range(SCH)],
            *[pltpu.SemaphoreType.DMA for _ in range(2 * SCH)],
        ],
    )
    def gather(x_hbm, row_hbm, xr_hbm, idx_all, *rest):
        bufs = rest[:SCH]
        sg = rest[SCH:2 * SCH]
        ss = rest[2 * SCH:3 * SCH]
        c = lax.axis_index("c")
        s = lax.axis_index("s")
        w = s * NC + c
        pltpu.sync_copy(row_hbm.at[w], idx_all)
        g = [
            pltpu.async_copy(x_hbm.at[idx_all.at[j]], bufs[j], sg[j])
            for j in range(SCH)
        ]
        st = [None] * SCH
        for j in range(SCH):
            g[j].wait()
            st[j] = pltpu.async_copy(bufs[j], xr_hbm.at[w, j], ss[j])
        for j in range(SCH):
            st[j].wait()

    return gather


NB_S = 2


@functools.cache
def _scatter_sc():
    mesh = plsc.VectorSubcoreMesh(core_axis_name="c", subcore_axis_name="s")

    @functools.partial(
        pl.kernel,
        out_type=jax.ShapeDtypeStruct((NC, NP, MSG_W), jnp.float32),
        mesh=mesh,
        scratch_types=[
            pltpu.VMEM((NCH, C), jnp.int32),
            *[pltpu.VMEM((C, MSG_W), jnp.float32) for _ in range(NB_S)],
            pltpu.VMEM_SHARED((NP, MSG_W), jnp.float32),
            *[pltpu.SemaphoreType.DMA for _ in range(2 * NB_S)],
        ],
    )
    def scatter(m0, m1, m2, m3, col_hbm, zero_hbm, out_hbm, idx_all, *rest):
        msgs = (m0, m1, m2, m3)
        bufs = rest[:NB_S]
        acc_shared = rest[NB_S]
        sm = rest[NB_S + 1:NB_S + 1 + NB_S]
        sa = rest[NB_S + 1 + NB_S:]
        c = lax.axis_index("c")
        s = lax.axis_index("s")
        w = s * NC + c
        slab = pl.ds(s * SLAB, SLAB)

        def msg_ref(j):
            return msgs[j // SCH].at[w, j % SCH]

        m = [None] * NB_S
        a = [None] * NB_S
        for j in range(NB_S):
            m[j] = pltpu.async_copy(msg_ref(j), bufs[j], sm[j])
        pltpu.sync_copy(col_hbm.at[w], idx_all)
        pltpu.sync_copy(zero_hbm, acc_shared.at[slab])
        plsc.subcore_barrier()
        for j in range(NCH):
            b = j % NB_S
            m[b].wait()
            a[b] = pltpu.async_copy(bufs[b], acc_shared.at[idx_all.at[j]], sa[b],
                                    add=True)
            jn = j + NB_S
            if jn < NCH:
                a[b].wait()
                m[b] = pltpu.async_copy(msg_ref(jn), bufs[b], sm[b])
        for j in range(NCH - NB_S, NCH):
            a[j % NB_S].wait()
        plsc.subcore_barrier()
        pltpu.sync_copy(acc_shared.at[slab], out_hbm.at[c, slab])

    return scatter


def _messages_body(ea_ref, xr_ref, w1_ref, b1_ref, w2p_ref, b2r_ref, out_ref):
    ea = ea_ref[...].T
    h = jnp.maximum(jnp.dot(ea, w1_ref[...]) + b1_ref[...], 0.0)
    kp = jnp.dot(h.astype(jnp.bfloat16), w2p_ref[...],
                 preferred_element_type=jnp.float32)
    xr = xr_ref[...]
    parts = [
        jnp.sum(xr * kp[:, o * IN:(o + 1) * IN], axis=1, keepdims=True)
        for o in range(OUT)
    ]
    m = jnp.concatenate(parts, axis=1) + jnp.dot(xr, b2r_ref[...])
    pad = jnp.concatenate(
        [jnp.ones((BE, 1), jnp.float32), jnp.zeros((BE, MSG_W - OUT - 1), jnp.float32)],
        axis=1,
    )
    out_ref[...] = jnp.concatenate([m, pad], axis=1)


def _messages_tc(ea_ts, xr_s, W1, b1_2d, W2p, B2r):
    return pl.pallas_call(
        _messages_body,
        grid=(ESL // BE,),
        in_specs=[
            pl.BlockSpec((EC, BE), lambda i: (0, i)),
            pl.BlockSpec((BE, IN), lambda i: (i, 0)),
            pl.BlockSpec((EC, H), lambda i: (0, 0)),
            pl.BlockSpec((1, H), lambda i: (0, 0)),
            pl.BlockSpec((H, OUT * IN), lambda i: (0, 0)),
            pl.BlockSpec((IN, OUT), lambda i: (0, 0)),
        ],
        out_specs=pl.BlockSpec((BE, MSG_W), lambda i: (i, 0)),
        out_shape=jax.ShapeDtypeStruct((ESL, MSG_W), jnp.float32),
    )(ea_ts, xr_s, W1, b1_2d, W2p, B2r)


def _finalize_body(acc_ref, x_ref, wr_ref, br_ref, out_ref):
    a = acc_ref[0] + acc_ref[1]
    m = a[:, :OUT]
    deg = a[:, OUT:OUT + 1]
    root = jnp.dot(x_ref[...], wr_ref[...]) + br_ref[...]
    out_ref[...] = m / jnp.maximum(deg, 1.0) + root


def _finalize_tc(acc, x, Wr, br_2d, bn=1000):
    return pl.pallas_call(
        _finalize_body,
        grid=(N // bn,),
        in_specs=[
            pl.BlockSpec((NC, bn, MSG_W), lambda i: (0, i, 0)),
            pl.BlockSpec((bn, IN), lambda i: (i, 0)),
            pl.BlockSpec((IN, OUT), lambda i: (0, 0)),
            pl.BlockSpec((1, OUT), lambda i: (0, 0)),
        ],
        out_specs=pl.BlockSpec((bn, OUT), lambda i: (i, 0)),
        out_shape=jax.ShapeDtypeStruct((N, OUT), jnp.float32),
    )(acc, x, Wr, br_2d)


def kernel(x, edge_index, edge_attr, W1, b1, W2, b2, Wr, br):
    e = edge_index.shape[1]
    npad = EP - e
    row = jnp.concatenate([edge_index[0], jnp.zeros((npad,), jnp.int32)])
    col = jnp.concatenate([edge_index[1], jnp.full((npad,), N, jnp.int32)])
    ea_t4 = jnp.pad(edge_attr.T, ((0, 0), (0, npad))).reshape(EC, NW, NCH, C)
    row3 = row.reshape(NW, NCH, C)
    col3 = col.reshape(NW, NCH, C)
    W2p = (W2.reshape(H, IN, OUT).transpose(0, 2, 1)
           .reshape(H, OUT * IN).astype(jnp.bfloat16))
    B2r = b2.reshape(IN, OUT)
    b1_2d = b1.reshape(1, H)
    br_2d = br.reshape(1, OUT)

    gather = _gather_sc()
    msgs = []
    for sl in range(NSL):
        row_s = lax.slice_in_dim(row3, sl * SCH, (sl + 1) * SCH, axis=1)
        xr_s = gather(x, row_s).reshape(ESL, IN)
        ea_ts = lax.slice_in_dim(ea_t4, sl * SCH, (sl + 1) * SCH,
                                 axis=2).reshape(EC, ESL)
        m_s = _messages_tc(ea_ts, xr_s, W1, b1_2d, W2p, B2r)
        msgs.append(m_s.reshape(NW, SCH, C, MSG_W))

    zero = jnp.zeros((SLAB, MSG_W), jnp.float32)
    acc = _scatter_sc()(*msgs, col3, zero)
    return _finalize_tc(acc, x, Wr, br_2d)

# --- scband reference (transcript-rebuilt; emitter-appended) ---
"""Pipeline reference for scband-nnconv-64707977282180 (READ-ONLY COPY).

The authoritative reference and input builder live on the scoring server;
editing this copy changes nothing except your own understanding.
"""

import jax, jax.numpy as jnp
import numpy as np

N = 10000
E = 80000
IN = 128
OUT = 16
EC = 16
H = 128


def setup_inputs(seed: int = 0) -> dict:
    key = jax.random.key(seed)
    ks = jax.random.split(key, 10)
    x = jax.random.normal(ks[0], (N, IN), dtype=jnp.float32)
    edge_index = jax.random.randint(ks[1], (2, E), 0, N, dtype=jnp.int32)
    edge_attr = jax.random.normal(ks[2], (E, EC), dtype=jnp.float32)
    # edge network: Linear(EC -> H), ReLU, Linear(H -> IN*OUT)
    W1 = jax.random.normal(ks[3], (EC, H), dtype=jnp.float32) * (1.0 / np.sqrt(EC))
    b1 = jnp.zeros((H,), dtype=jnp.float32)
    W2 = jax.random.normal(ks[4], (H, IN * OUT), dtype=jnp.float32) * (1.0 / np.sqrt(H))
    b2 = jnp.zeros((IN * OUT,), dtype=jnp.float32)
    # root linear: Linear(IN -> OUT)
    Wr = jax.random.normal(ks[5], (IN, OUT), dtype=jnp.float32) * (1.0 / np.sqrt(IN))
    br = jnp.zeros((OUT,), dtype=jnp.float32)
    return {"x": x, "edge_index": edge_index, "edge_attr": edge_attr,
            "W1": W1, "b1": b1, "W2": W2, "b2": b2, "Wr": Wr, "br": br}


def reference(x, edge_index, edge_attr, W1, b1, W2, b2, Wr, br):
    row = edge_index[0]
    col = edge_index[1]
    # edge network produces a per-edge kernel of shape [E, IN, OUT]
    h = jnp.maximum(edge_attr @ W1 + b1, 0.0)
    kernels = (h @ W2 + b2).reshape(-1, IN, OUT)
    # messages: bmm(x[row].unsqueeze(1), kernels).squeeze(1)
    messages = jnp.einsum('ei,eio->eo', x[row], kernels)
    # scatter-add into destination nodes
    out = jnp.zeros((x.shape[0], OUT), dtype=x.dtype).at[col].add(messages)
    # mean aggregation
    deg = jnp.zeros((x.shape[0],), dtype=x.dtype).at[col].add(jnp.ones((col.shape[0],), dtype=x.dtype))
    out = out / jnp.maximum(deg, 1.0)[:, None]
    return out + x @ Wr + br

if __name__ == "__main__":
    import jax
    _d = setup_inputs()
    print(jax.jit(kernel)(*tuple(_d.values())))

</pallas_src>

<mosaic_0001>
#map = affine_map<(d0, d1) -> (0, 0)>
#map1 = affine_map<(d0, d1) -> (0, 0, 0)>
#map2 = affine_map<(d0, d1) -> (0, 0, 0, 0)>
module attributes {stable_mosaic.version = 14 : i64} {
  func.func @gather(%arg0: i32, %arg1: i32, %arg2: memref<10000x128xf32, #tpu.memory_space<hbm>>, %arg3: memref<32x5x128xi32, #tpu.memory_space<hbm>>, %arg4: memref<32x5x128x128xf32, #tpu.memory_space<hbm>>, %arg5: memref<5x128xi32, #tpu.memory_space<vmem>>, %arg6: memref<128x128xf32, #tpu.memory_space<vmem>>, %arg7: memref<128x128xf32, #tpu.memory_space<vmem>>, %arg8: memref<128x128xf32, #tpu.memory_space<vmem>>, %arg9: memref<128x128xf32, #tpu.memory_space<vmem>>, %arg10: memref<128x128xf32, #tpu.memory_space<vmem>>, %arg11: memref<!tpu.dma_semaphore, #tpu.memory_space<semaphore_mem>>, %arg12: memref<!tpu.dma_semaphore, #tpu.memory_space<semaphore_mem>>, %arg13: memref<!tpu.dma_semaphore, #tpu.memory_space<semaphore_mem>>, %arg14: memref<!tpu.dma_semaphore, #tpu.memory_space<semaphore_mem>>, %arg15: memref<!tpu.dma_semaphore, #tpu.memory_space<semaphore_mem>>, %arg16: memref<!tpu.dma_semaphore, #tpu.memory_space<semaphore_mem>>, %arg17: memref<!tpu.dma_semaphore, #tpu.memory_space<semaphore_mem>>, %arg18: memref<!tpu.dma_semaphore, #tpu.memory_space<semaphore_mem>>, %arg19: memref<!tpu.dma_semaphore, #tpu.memory_space<semaphore_mem>>, %arg20: memref<!tpu.dma_semaphore, #tpu.memory_space<semaphore_mem>>) attributes {dimension_semantics = [#tpu.dimension_semantics<core_parallel>, #tpu.dimension_semantics<subcore_parallel>], iteration_bounds = array<i64: 2, 16>, scalar_prefetch = 0 : i64, scratch_operands = 16 : i64, tpu.core_type = #tpu.core_type<sc_vector_subcore>, window_params = [{transform_indices = #map}, {transform_indices = #map1}, {transform_indices = #map2}]} {
    %mul3A = arith.constant 2 : i32
    %mul3A_0 = arith.muli %arg1, %mul3A : i32
    %add3A = arith.addi %mul3A_0, %arg0 : i32
    "tpu.region"() ({
      %run_scoped3A = tpu.sem_alloc : memref<!tpu.dma_semaphore, #tpu.memory_space<semaphore_mem>>
      %dma_start3A_159 = arith.constant 0 : i32
      %dma_start3A_160 = arith.constant 0 : i32
      %dma_start3A_161 = tpu.memref_slice %arg3[%add3A, %dma_start3A_159, %dma_start3A_160] : memref<32x5x128xi32, #tpu.memory_space<hbm>> -> memref<1x5x128xi32, #tpu.memory_space<hbm>>
      %dma_start3A_162 = tpu.memref_squeeze %dma_start3A_161 : memref<1x5x128xi32, #tpu.memory_space<hbm>> -> memref<5x128xi32, #tpu.memory_space<hbm>>
      %dma_start3A_163 = arith.constant 0 : i32
      %dma_start3A_164 = arith.constant 0 : i32
      %dma_start3A_165 = tpu.memref_slice %arg3[%add3A, %dma_start3A_163, %dma_start3A_164] : memref<32x5x128xi32, #tpu.memory_space<hbm>> -> memref<1x5x128xi32, #tpu.memory_space<hbm>>
      %dma_start3A_166 = tpu.memref_squeeze %dma_start3A_165 : memref<1x5x128xi32, #tpu.memory_space<hbm>> -> memref<5x128xi32, #tpu.memory_space<hbm>>
      tpu.enqueue_dma source(%dma_start3A_166 : memref<5x128xi32, #tpu.memory_space<hbm>>) target(%arg5 : memref<5x128xi32, #tpu.memory_space<vmem>>) target_semaphore(%run_scoped3A : memref<!tpu.dma_semaphore, #tpu.memory_space<semaphore_mem>>)
      %dma_wait3A_167 = arith.constant 0 : i32
      %dma_wait3A_168 = arith.constant 0 : i32
      %dma_wait3A_169 = tpu.memref_slice %arg3[%add3A, %dma_wait3A_167, %dma_wait3A_168] : memref<32x5x128xi32, #tpu.memory_space<hbm>> -> memref<1x5x128xi32, #tpu.memory_space<hbm>>
      %dma_wait3A_170 = tpu.memref_squeeze %dma_wait3A_169 : memref<1x5x128xi32, #tpu.memory_space<hbm>> -> memref<5x128xi32, #tpu.memory_space<hbm>>
      %dma_wait3A_171 = arith.constant 0 : i32
      %dma_wait3A_172 = arith.constant 0 : i32
      %dma_wait3A_173 = tpu.memref_slice %arg3[%add3A, %dma_wait3A_171, %dma_wait3A_172] : memref<32x5x128xi32, #tpu.memory_space<hbm>> -> memref<1x5x128xi32, #tpu.memory_space<hbm>>
      %dma_wait3A_174 = tpu.memref_squeeze %dma_wait3A_173 : memref<1x5x128xi32, #tpu.memory_space<hbm>> -> memref<5x128xi32, #tpu.memory_space<hbm>>
      tpu.wait_dma2 semaphore(%run_scoped3A : memref<!tpu.dma_semaphore, #tpu.memory_space<semaphore_mem>>) src(%dma_wait3A_174 : memref<5x128xi32, #tpu.memory_space<hbm>>) dst(%arg5 : memref<5x128xi32, #tpu.memory_space<vmem>>)
      tpu.yield
    }) : () -> ()
    %dma_start3A = arith.constant 0 : i32
    %dma_start3A_1 = arith.constant 0 : i32
    %dma_start3A_2 = tpu.memref_slice %arg5[%dma_start3A, %dma_start3A_1] : memref<5x128xi32, #tpu.memory_space<vmem>> -> memref<1x128xi32, #tpu.memory_space<vmem>>
    %dma_start3A_3 = tpu.memref_squeeze %dma_start3A_2 : memref<1x128xi32, #tpu.memory_space<vmem>> -> memref<128xi32, #tpu.memory_space<vmem>>
    %dma_start3A_4 = arith.constant 0 : i32
    %dma_start3A_5 = arith.constant 0 : i32
    %dma_start3A_6 = tpu.memref_slice %arg2[%dma_start3A_4, %dma_start3A_5] : memref<10000x128xf32, #tpu.memory_space<hbm>> -> memref<10000x128xf32, #tpu.memory_space<hbm>>
    tpu.enqueue_indirect_dma source(%dma_start3A_6 : memref<10000x128xf32, #tpu.memory_space<hbm>>) target(%arg6 : memref<128x128xf32, #tpu.memory_space<vmem>>) offsets(%dma_start3A_3 : memref<128xi32, #tpu.memory_space<vmem>>) semaphore(%arg11 : memref<!tpu.dma_semaphore, #tpu.memory_space<semaphore_mem>>)
    %dma_start3A_7 = arith.constant 1 : i32
    %dma_start3A_8 = arith.constant 0 : i32
    %dma_start3A_9 = tpu.memref_slice %arg5[%dma_start3A_7, %dma_start3A_8] : memref<5x128xi32, #tpu.memory_space<vmem>> -> memref<1x128xi32, #tpu.memory_space<vmem>>
    %dma_start3A_10 = tpu.memref_squeeze %dma_start3A_9 : memref<1x128xi32, #tpu.memory_space<vmem>> -> memref<128xi32, #tpu.memory_space<vmem>>
    %dma_start3A_11 = arith.constant 0 : i32
    %dma_start3A_12 = arith.constant 0 : i32
    %dma_start3A_13 = tpu.memref_slice %arg2[%dma_start3A_11, %dma_start3A_12] : memref<10000x128xf32, #tpu.memory_space<hbm>> -> memref<10000x128xf32, #tpu.memory_space<hbm>>
    tpu.enqueue_indirect_dma source(%dma_start3A_13 : memref<10000x128xf32, #tpu.memory_space<hbm>>) target(%arg7 : memref<128x128xf32, #tpu.memory_space<vmem>>) offsets(%dma_start3A_10 : memref<128xi32, #tpu.memory_space<vmem>>) semaphore(%arg12 : memref<!tpu.dma_semaphore, #tpu.memory_space<semaphore_mem>>)
    %dma_start3A_14 = arith.constant 2 : i32
    %dma_start3A_15 = arith.constant 0 : i32
    %dma_start3A_16 = tpu.memref_slice %arg5[%dma_start3A_14, %dma_start3A_15] : memref<5x128xi32, #tpu.memory_space<vmem>> -> memref<1x128xi32, #tpu.memory_space<vmem>>
    %dma_start3A_17 = tpu.memref_squeeze %dma_start3A_16 : memref<1x128xi32, #tpu.memory_space<vmem>> -> memref<128xi32, #tpu.memory_space<vmem>>
    %dma_start3A_18 = arith.constant 0 : i32
    %dma_start3A_19 = arith.constant 0 : i32
    %dma_start3A_20 = tpu.memref_slice %arg2[%dma_start3A_18, %dma_start3A_19] : memref<10000x128xf32, #tpu.memory_space<hbm>> -> memref<10000x128xf32, #tpu.memory_space<hbm>>
    tpu.enqueue_indirect_dma source(%dma_start3A_20 : memref<10000x128xf32, #tpu.memory_space<hbm>>) target(%arg8 : memref<128x128xf32, #tpu.memory_space<vmem>>) offsets(%dma_start3A_17 : memref<128xi32, #tpu.memory_space<vmem>>) semaphore(%arg13 : memref<!tpu.dma_semaphore, #tpu.memory_space<semaphore_mem>>)
    %dma_start3A_21 = arith.constant 3 : i32
    %dma_start3A_22 = arith.constant 0 : i32
    %dma_start3A_23 = tpu.memref_slice %arg5[%dma_start3A_21, %dma_start3A_22] : memref<5x128xi32, #tpu.memory_space<vmem>> -> memref<1x128xi32, #tpu.memory_space<vmem>>
    %dma_start3A_24 = tpu.memref_squeeze %dma_start3A_23 : memref<1x128xi32, #tpu.memory_space<vmem>> -> memref<128xi32, #tpu.memory_space<vmem>>
    %dma_start3A_25 = arith.constant 0 : i32
    %dma_start3A_26 = arith.constant 0 : i32
    %dma_start3A_27 = tpu.memref_slice %arg2[%dma_start3A_25, %dma_start3A_26] : memref<10000x128xf32, #tpu.memory_space<hbm>> -> memref<10000x128xf32, #tpu.memory_space<hbm>>
    tpu.enqueue_indirect_dma source(%dma_start3A_27 : memref<10000x128xf32, #tpu.memory_space<hbm>>) target(%arg9 : memref<128x128xf32, #tpu.memory_space<vmem>>) offsets(%dma_start3A_24 : memref<128xi32, #tpu.memory_space<vmem>>) semaphore(%arg14 : memref<!tpu.dma_semaphore, #tpu.memory_space<semaphore_mem>>)
    %dma_start3A_28 = arith.constant 4 : i32
    %dma_start3A_29 = arith.constant 0 : i32
    %dma_start3A_30 = tpu.memref_slice %arg5[%dma_start3A_28, %dma_start3A_29] : memref<5x128xi32, #tpu.memory_space<vmem>> -> memref<1x128xi32, #tpu.memory_space<vmem>>
    %dma_start3A_31 = tpu.memref_squeeze %dma_start3A_30 : memref<1x128xi32, #tpu.memory_space<vmem>> -> memref<128xi32, #tpu.memory_space<vmem>>
    %dma_start3A_32 = arith.constant 0 : i32
    %dma_start3A_33 = arith.constant 0 : i32
    %dma_start3A_34 = tpu.memref_slice %arg2[%dma_start3A_32, %dma_start3A_33] : memref<10000x128xf32, #tpu.memory_space<hbm>> -> memref<10000x128xf32, #tpu.memory_space<hbm>>
    tpu.enqueue_indirect_dma source(%dma_start3A_34 : memref<10000x128xf32, #tpu.memory_space<hbm>>) target(%arg10 : memref<128x128xf32, #tpu.memory_space<vmem>>) offsets(%dma_start3A_31 : memref<128xi32, #tpu.memory_space<vmem>>) semaphore(%arg15 : memref<!tpu.dma_semaphore, #tpu.memory_space<semaphore_mem>>)
    %dma_wait3A = arith.constant 0 : i32
    %dma_wait3A_35 = arith.constant 0 : i32
    %dma_wait3A_36 = tpu.memref_slice %arg5[%dma_wait3A, %dma_wait3A_35] : memref<5x128xi32, #tpu.memory_space<vmem>> -> memref<1x128xi32, #tpu.memory_space<vmem>>
    %dma_wait3A_37 = tpu.memref_squeeze %dma_wait3A_36 : memref<1x128xi32, #tpu.memory_space<vmem>> -> memref<128xi32, #tpu.memory_space<vmem>>
    %dma_wait3A_38 = arith.constant 0 : i32
    %dma_wait3A_39 = arith.constant 0 : i32
    %dma_wait3A_40 = tpu.memref_slice %arg2[%dma_wait3A_38, %dma_wait3A_39] : memref<10000x128xf32, #tpu.memory_space<hbm>> -> memref<10000x128xf32, #tpu.memory_space<hbm>>
    tpu.wait_indirect_dma semaphore(%arg11 : memref<!tpu.dma_semaphore, #tpu.memory_space<semaphore_mem>>) src(%dma_wait3A_40 : memref<10000x128xf32, #tpu.memory_space<hbm>>) dst(%arg6 : memref<128x128xf32, #tpu.memory_space<vmem>>)
    %dma_start3A_41 = arith.constant 0 : i32
    %dma_start3A_42 = arith.constant 0 : i32
    %dma_start3A_43 = arith.constant 0 : i32
    %dma_start3A_44 = tpu.memref_slice %arg4[%add3A, %dma_start3A_41, %dma_start3A_42, %dma_start3A_43] : memref<32x5x128x128xf32, #tpu.memory_space<hbm>> -> memref<1x1x128x128xf32, #tpu.memory_space<hbm>>
    %dma_start3A_45 = tpu.memref_squeeze %dma_start3A_44 : memref<1x1x128x128xf32, #tpu.memory_space<hbm>> -> memref<128x128xf32, #tpu.memory_space<hbm>>
    %dma_start3A_46 = arith.constant 0 : i32
    %dma_start3A_47 = arith.constant 0 : i32
    %dma_start3A_48 = tpu.memref_slice %arg4[%add3A, %dma_start3A_41, %dma_start3A_46, %dma_start3A_47] : memref<32x5x128x128xf32, #tpu.memory_space<hbm>> -> memref<1x1x128x128xf32, #tpu.memory_space<hbm>>
    %dma_start3A_49 = tpu.memref_squeeze %dma_start3A_48 : memref<1x1x128x128xf32, #tpu.memory_space<hbm>> -> memref<128x128xf32, #tpu.memory_space<hbm>>
    tpu.enqueue_dma source(%arg6 : memref<128x128xf32, #tpu.memory_space<vmem>>) target(%dma_start3A_49 : memref<128x128xf32, #tpu.memory_space<hbm>>) target_semaphore(%arg16 : memref<!tpu.dma_semaphore, #tpu.memory_space<semaphore_mem>>)
    %dma_wait3A_50 = arith.constant 1 : i32
    %dma_wait3A_51 = arith.constant 0 : i32
    %dma_wait3A_52 = tpu.memref_slice %arg5[%dma_wait3A_50, %dma_wait3A_51] : memref<5x128xi32, #tpu.memory_space<vmem>> -> memref<1x128xi32, #tpu.memory_space<vmem>>
    %dma_wait3A_53 = tpu.memref_squeeze %dma_wait3A_52 : memref<1x128xi32, #tpu.memory_space<vmem>> -> memref<128xi32, #tpu.memory_space<vmem>>
    %dma_wait3A_54 = arith.constant 0 : i32
    %dma_wait3A_55 = arith.constant 0 : i32
    %dma_wait3A_56 = tpu.memref_slice %arg2[%dma_wait3A_54, %dma_wait3A_55] : memref<10000x128xf32, #tpu.memory_space<hbm>> -> memref<10000x128xf32, #tpu.memory_space<hbm>>
    tpu.wait_indirect_dma semaphore(%arg12 : memref<!tpu.dma_semaphore, #tpu.memory_space<semaphore_mem>>) src(%dma_wait3A_56 : memref<10000x128xf32, #tpu.memory_space<hbm>>) dst(%arg7 : memref<128x128xf32, #tpu.memory_space<vmem>>)
    %dma_start3A_57 = arith.constant 1 : i32
    %dma_start3A_58 = arith.constant 0 : i32
    %dma_start3A_59 = arith.constant 0 : i32
    %dma_start3A_60 = tpu.memref_slice %arg4[%add3A, %dma_start3A_57, %dma_start3A_58, %dma_start3A_59] : memref<32x5x128x128xf32, #tpu.memory_space<hbm>> -> memref<1x1x128x128xf32, #tpu.memory_space<hbm>>
    %dma_start3A_61 = tpu.memref_squeeze %dma_start3A_60 : memref<1x1x128x128xf32, #tpu.memory_space<hbm>> -> memref<128x128xf32, #tpu.memory_space<hbm>>
    %dma_start3A_62 = arith.constant 0 : i32
    %dma_start3A_63 = arith.constant 0 : i32
    %dma_start3A_64 = tpu.memref_slice %arg4[%add3A, %dma_start3A_57, %dma_start3A_62, %dma_start3A_63] : memref<32x5x128x128xf32, #tpu.memory_space<hbm>> -> memref<1x1x128x128xf32, #tpu.memory_space<hbm>>
    %dma_start3A_65 = tpu.memref_squeeze %dma_start3A_64 : memref<1x1x128x128xf32, #tpu.memory_space<hbm>> -> memref<128x128xf32, #tpu.memory_space<hbm>>
    tpu.enqueue_dma source(%arg7 : memref<128x128xf32, #tpu.memory_space<vmem>>) target(%dma_start3A_65 : memref<128x128xf32, #tpu.memory_space<hbm>>) target_semaphore(%arg17 : memref<!tpu.dma_semaphore, #tpu.memory_space<semaphore_mem>>)
    %dma_wait3A_66 = arith.constant 2 : i32
    %dma_wait3A_67 = arith.constant 0 : i32
    %dma_wait3A_68 = tpu.memref_slice %arg5[%dma_wait3A_66, %dma_wait3A_67] : memref<5x128xi32, #tpu.memory_space<vmem>> -> memref<1x128xi32, #tpu.memory_space<vmem>>
    %dma_wait3A_69 = tpu.memref_squeeze %dma_wait3A_68 : memref<1x128xi32, #tpu.memory_space<vmem>> -> memref<128xi32, #tpu.memory_space<vmem>>
    %dma_wait3A_70 = arith.constant 0 : i32
    %dma_wait3A_71 = arith.constant 0 : i32
    %dma_wait3A_72 = tpu.memref_slice %arg2[%dma_wait3A_70, %dma_wait3A_71] : memref<10000x128xf32, #tpu.memory_space<hbm>> -> memref<10000x128xf32, #tpu.memory_space<hbm>>
    tpu.wait_indirect_dma semaphore(%arg13 : memref<!tpu.dma_semaphore, #tpu.memory_space<semaphore_mem>>) src(%dma_wait3A_72 : memref<10000x128xf32, #tpu.memory_space<hbm>>) dst(%arg8 : memref<128x128xf32, #tpu.memory_space<vmem>>)
    %dma_start3A_73 = arith.constant 2 : i32
    %dma_start3A_74 = arith.constant 0 : i32
    %dma_start3A_75 = arith.constant 0 : i32
    %dma_start3A_76 = tpu.memref_slice %arg4[%add3A, %dma_start3A_73, %dma_start3A_74, %dma_start3A_75] : memref<32x5x128x128xf32, #tpu.memory_space<hbm>> -> memref<1x1x128x128xf32, #tpu.memory_space<hbm>>
    %dma_start3A_77 = tpu.memref_squeeze %dma_start3A_76 : memref<1x1x128x128xf32, #tpu.memory_space<hbm>> -> memref<128x128xf32, #tpu.memory_space<hbm>>
    %dma_start3A_78 = arith.constant 0 : i32
    %dma_start3A_79 = arith.constant 0 : i32
    %dma_start3A_80 = tpu.memref_slice %arg4[%add3A, %dma_start3A_73, %dma_start3A_78, %dma_start3A_79] : memref<32x5x128x128xf32, #tpu.memory_space<hbm>> -> memref<1x1x128x128xf32, #tpu.memory_space<hbm>>
    %dma_start3A_81 = tpu.memref_squeeze %dma_start3A_80 : memref<1x1x128x128xf32, #tpu.memory_space<hbm>> -> memref<128x128xf32, #tpu.memory_space<hbm>>
    tpu.enqueue_dma source(%arg8 : memref<128x128xf32, #tpu.memory_space<vmem>>) target(%dma_start3A_81 : memref<128x128xf32, #tpu.memory_space<hbm>>) target_semaphore(%arg18 : memref<!tpu.dma_semaphore, #tpu.memory_space<semaphore_mem>>)
    %dma_wait3A_82 = arith.constant 3 : i32
    %dma_wait3A_83 = arith.constant 0 : i32
    %dma_wait3A_84 = tpu.memref_slice %arg5[%dma_wait3A_82, %dma_wait3A_83] : memref<5x128xi32, #tpu.memory_space<vmem>> -> memref<1x128xi32, #tpu.memory_space<vmem>>
    %dma_wait3A_85 = tpu.memref_squeeze %dma_wait3A_84 : memref<1x128xi32, #tpu.memory_space<vmem>> -> memref<128xi32, #tpu.memory_space<vmem>>
    %dma_wait3A_86 = arith.constant 0 : i32
    %dma_wait3A_87 = arith.constant 0 : i32
    %dma_wait3A_88 = tpu.memref_slice %arg2[%dma_wait3A_86, %dma_wait3A_87] : memref<10000x128xf32, #tpu.memory_space<hbm>> -> memref<10000x128xf32, #tpu.memory_space<hbm>>
    tpu.wait_indirect_dma semaphore(%arg14 : memref<!tpu.dma_semaphore, #tpu.memory_space<semaphore_mem>>) src(%dma_wait3A_88 : memref<10000x128xf32, #tpu.memory_space<hbm>>) dst(%arg9 : memref<128x128xf32, #tpu.memory_space<vmem>>)
    %dma_start3A_89 = arith.constant 3 : i32
    %dma_start3A_90 = arith.constant 0 : i32
    %dma_start3A_91 = arith.constant 0 : i32
    %dma_start3A_92 = tpu.memref_slice %arg4[%add3A, %dma_start3A_89, %dma_start3A_90, %dma_start3A_91] : memref<32x5x128x128xf32, #tpu.memory_space<hbm>> -> memref<1x1x128x128xf32, #tpu.memory_space<hbm>>
    %dma_start3A_93 = tpu.memref_squeeze %dma_start3A_92 : memref<1x1x128x128xf32, #tpu.memory_space<hbm>> -> memref<128x128xf32, #tpu.memory_space<hbm>>
    %dma_start3A_94 = arith.constant 0 : i32
    %dma_start3A_95 = arith.constant 0 : i32
    %dma_start3A_96 = tpu.memref_slice %arg4[%add3A, %dma_start3A_89, %dma_start3A_94, %dma_start3A_95] : memref<32x5x128x128xf32, #tpu.memory_space<hbm>> -> memref<1x1x128x128xf32, #tpu.memory_space<hbm>>
    %dma_start3A_97 = tpu.memref_squeeze %dma_start3A_96 : memref<1x1x128x128xf32, #tpu.memory_space<hbm>> -> memref<128x128xf32, #tpu.memory_space<hbm>>
    tpu.enqueue_dma source(%arg9 : memref<128x128xf32, #tpu.memory_space<vmem>>) target(%dma_start3A_97 : memref<128x128xf32, #tpu.memory_space<hbm>>) target_semaphore(%arg19 : memref<!tpu.dma_semaphore, #tpu.memory_space<semaphore_mem>>)
    %dma_wait3A_98 = arith.constant 4 : i32
    %dma_wait3A_99 = arith.constant 0 : i32
    %dma_wait3A_100 = tpu.memref_slice %arg5[%dma_wait3A_98, %dma_wait3A_99] : memref<5x128xi32, #tpu.memory_space<vmem>> -> memref<1x128xi32, #tpu.memory_space<vmem>>
    %dma_wait3A_101 = tpu.memref_squeeze %dma_wait3A_100 : memref<1x128xi32, #tpu.memory_space<vmem>> -> memref<128xi32, #tpu.memory_space<vmem>>
    %dma_wait3A_102 = arith.constant 0 : i32
    %dma_wait3A_103 = arith.constant 0 : i32
    %dma_wait3A_104 = tpu.memref_slice %arg2[%dma_wait3A_102, %dma_wait3A_103] : memref<10000x128xf32, #tpu.memory_space<hbm>> -> memref<10000x128xf32, #tpu.memory_space<hbm>>
    tpu.wait_indirect_dma semaphore(%arg15 : memref<!tpu.dma_semaphore, #tpu.memory_space<semaphore_mem>>) src(%dma_wait3A_104 : memref<10000x128xf32, #tpu.memory_space<hbm>>) dst(%arg10 : memref<128x128xf32, #tpu.memory_space<vmem>>)
    %dma_start3A_105 = arith.constant 4 : i32
    %dma_start3A_106 = arith.constant 0 : i32
    %dma_start3A_107 = arith.constant 0 : i32
    %dma_start3A_108 = tpu.memref_slice %arg4[%add3A, %dma_start3A_105, %dma_start3A_106, %dma_start3A_107] : memref<32x5x128x128xf32, #tpu.memory_space<hbm>> -> memref<1x1x128x128xf32, #tpu.memory_space<hbm>>
    %dma_start3A_109 = tpu.memref_squeeze %dma_start3A_108 : memref<1x1x128x128xf32, #tpu.memory_space<hbm>> -> memref<128x128xf32, #tpu.memory_space<hbm>>
    %dma_start3A_110 = arith.constant 0 : i32
    %dma_start3A_111 = arith.constant 0 : i32
    %dma_start3A_112 = tpu.memref_slice %arg4[%add3A, %dma_start3A_105, %dma_start3A_110, %dma_start3A_111] : memref<32x5x128x128xf32, #tpu.memory_space<hbm>> -> memref<1x1x128x128xf32, #tpu.memory_space<hbm>>
    %dma_start3A_113 = tpu.memref_squeeze %dma_start3A_112 : memref<1x1x128x128xf32, #tpu.memory_space<hbm>> -> memref<128x128xf32, #tpu.memory_space<hbm>>
    tpu.enqueue_dma source(%arg10 : memref<128x128xf32, #tpu.memory_space<vmem>>) target(%dma_start3A_113 : memref<128x128xf32, #tpu.memory_space<hbm>>) target_semaphore(%arg20 : memref<!tpu.dma_semaphore, #tpu.memory_space<semaphore_mem>>)
    %dma_wait3A_114 = arith.constant 0 : i32
    %dma_wait3A_115 = arith.constant 0 : i32
    %dma_wait3A_116 = arith.constant 0 : i32
    %dma_wait3A_117 = tpu.memref_slice %arg4[%add3A, %dma_wait3A_114, %dma_wait3A_115, %dma_wait3A_116] : memref<32x5x128x128xf32, #tpu.memory_space<hbm>> -> memref<1x1x128x128xf32, #tpu.memory_space<hbm>>
    %dma_wait3A_118 = tpu.memref_squeeze %dma_wait3A_117 : memref<1x1x128x128xf32, #tpu.memory_space<hbm>> -> memref<128x128xf32, #tpu.memory_space<hbm>>
    %dma_wait3A_119 = arith.constant 0 : i32
    %dma_wait3A_120 = arith.constant 0 : i32
    %dma_wait3A_121 = tpu.memref_slice %arg4[%add3A, %dma_wait3A_114, %dma_wait3A_119, %dma_wait3A_120] : memref<32x5x128x128xf32, #tpu.memory_space<hbm>> -> memref<1x1x128x128xf32, #tpu.memory_space<hbm>>
    %dma_wait3A_122 = tpu.memref_squeeze %dma_wait3A_121 : memref<1x1x128x128xf32, #tpu.memory_space<hbm>> -> memref<128x128xf32, #tpu.memory_space<hbm>>
    tpu.wait_dma2 semaphore(%arg16 : memref<!tpu.dma_semaphore, #tpu.memory_space<semaphore_mem>>) src(%arg6 : memref<128x128xf32, #tpu.memory_space<vmem>>) dst(%dma_wait3A_122 : memref<128x128xf32, #tpu.memory_space<hbm>>)
    %dma_wait3A_123 = arith.constant 1 : i32
    %dma_wait3A_124 = arith.constant 0 : i32
    %dma_wait3A_125 = arith.constant 0 : i32
    %dma_wait3A_126 = tpu.memref_slice %arg4[%add3A, %dma_wait3A_123, %dma_wait3A_124, %dma_wait3A_125] : memref<32x5x128x128xf32, #tpu.memory_space<hbm>> -> memref<1x1x128x128xf32, #tpu.memory_space<hbm>>
    %dma_wait3A_127 = tpu.memref_squeeze %dma_wait3A_126 : memref<1x1x128x128xf32, #tpu.memory_space<hbm>> -> memref<128x128xf32, #tpu.memory_space<hbm>>
    %dma_wait3A_128 = arith.constant 0 : i32
    %dma_wait3A_129 = arith.constant 0 : i32
    %dma_wait3A_130 = tpu.memref_slice %arg4[%add3A, %dma_wait3A_123, %dma_wait3A_128, %dma_wait3A_129] : memref<32x5x128x128xf32, #tpu.memory_space<hbm>> -> memref<1x1x128x128xf32, #tpu.memory_space<hbm>>
    %dma_wait3A_131 = tpu.memref_squeeze %dma_wait3A_130 : memref<1x1x128x128xf32, #tpu.memory_space<hbm>> -> memref<128x128xf32, #tpu.memory_space<hbm>>
    tpu.wait_dma2 semaphore(%arg17 : memref<!tpu.dma_semaphore, #tpu.memory_space<semaphore_mem>>) src(%arg7 : memref<128x128xf32, #tpu.memory_space<vmem>>) dst(%dma_wait3A_131 : memref<128x128xf32, #tpu.memory_space<hbm>>)
    %dma_wait3A_132 = arith.constant 2 : i32
    %dma_wait3A_133 = arith.constant 0 : i32
    %dma_wait3A_134 = arith.constant 0 : i32
    %dma_wait3A_135 = tpu.memref_slice %arg4[%add3A, %dma_wait3A_132, %dma_wait3A_133, %dma_wait3A_134] : memref<32x5x128x128xf32, #tpu.memory_space<hbm>> -> memref<1x1x128x128xf32, #tpu.memory_space<hbm>>
    %dma_wait3A_136 = tpu.memref_squeeze %dma_wait3A_135 : memref<1x1x128x128xf32, #tpu.memory_space<hbm>> -> memref<128x128xf32, #tpu.memory_space<hbm>>
    %dma_wait3A_137 = arith.constant 0 : i32
    %dma_wait3A_138 = arith.constant 0 : i32
    %dma_wait3A_139 = tpu.memref_slice %arg4[%add3A, %dma_wait3A_132, %dma_wait3A_137, %dma_wait3A_138] : memref<32x5x128x128xf32, #tpu.memory_space<hbm>> -> memref<1x1x128x128xf32, #tpu.memory_space<hbm>>
    %dma_wait3A_140 = tpu.memref_squeeze %dma_wait3A_139 : memref<1x1x128x128xf32, #tpu.memory_space<hbm>> -> memref<128x128xf32, #tpu.memory_space<hbm>>
    tpu.wait_dma2 semaphore(%arg18 : memref<!tpu.dma_semaphore, #tpu.memory_space<semaphore_mem>>) src(%arg8 : memref<128x128xf32, #tpu.memory_space<vmem>>) dst(%dma_wait3A_140 : memref<128x128xf32, #tpu.memory_space<hbm>>)
    %dma_wait3A_141 = arith.constant 3 : i32
    %dma_wait3A_142 = arith.constant 0 : i32
    %dma_wait3A_143 = arith.constant 0 : i32
    %dma_wait3A_144 = tpu.memref_slice %arg4[%add3A, %dma_wait3A_141, %dma_wait3A_142, %dma_wait3A_143] : memref<32x5x128x128xf32, #tpu.memory_space<hbm>> -> memref<1x1x128x128xf32, #tpu.memory_space<hbm>>
    %dma_wait3A_145 = tpu.memref_squeeze %dma_wait3A_144 : memref<1x1x128x128xf32, #tpu.memory_space<hbm>> -> memref<128x128xf32, #tpu.memory_space<hbm>>
    %dma_wait3A_146 = arith.constant 0 : i32
    %dma_wait3A_147 = arith.constant 0 : i32
    %dma_wait3A_148 = tpu.memref_slice %arg4[%add3A, %dma_wait3A_141, %dma_wait3A_146, %dma_wait3A_147] : memref<32x5x128x128xf32, #tpu.memory_space<hbm>> -> memref<1x1x128x128xf32, #tpu.memory_space<hbm>>
    %dma_wait3A_149 = tpu.memref_squeeze %dma_wait3A_148 : memref<1x1x128x128xf32, #tpu.memory_space<hbm>> -> memref<128x128xf32, #tpu.memory_space<hbm>>
    tpu.wait_dma2 semaphore(%arg19 : memref<!tpu.dma_semaphore, #tpu.memory_space<semaphore_mem>>) src(%arg9 : memref<128x128xf32, #tpu.memory_space<vmem>>) dst(%dma_wait3A_149 : memref<128x128xf32, #tpu.memory_space<hbm>>)
    %dma_wait3A_150 = arith.constant 4 : i32
    %dma_wait3A_151 = arith.constant 0 : i32
    %dma_wait3A_152 = arith.constant 0 : i32
    %dma_wait3A_153 = tpu.memref_slice %arg4[%add3A, %dma_wait3A_150, %dma_wait3A_151, %dma_wait3A_152] : memref<32x5x128x128xf32, #tpu.memory_space<hbm>> -> memref<1x1x128x128xf32, #tpu.memory_space<hbm>>
    %dma_wait3A_154 = tpu.memref_squeeze %dma_wait3A_153 : memref<1x1x128x128xf32, #tpu.memory_space<hbm>> -> memref<128x128xf32, #tpu.memory_space<hbm>>
    %dma_wait3A_155 = arith.constant 0 : i32
    %dma_wait3A_156 = arith.constant 0 : i32
    %dma_wait3A_157 = tpu.memref_slice %arg4[%add3A, %dma_wait3A_150, %dma_wait3A_155, %dma_wait3A_156] : memref<32x5x128x128xf32, #tpu.memory_space<hbm>> -> memref<1x1x128x128xf32, #tpu.memory_space<hbm>>
    %dma_wait3A_158 = tpu.memref_squeeze %dma_wait3A_157 : memref<1x1x128x128xf32, #tpu.memory_space<hbm>> -> memref<128x128xf32, #tpu.memory_space<hbm>>
    tpu.wait_dma2 semaphore(%arg20 : memref<!tpu.dma_semaphore, #tpu.memory_space<semaphore_mem>>) src(%arg10 : memref<128x128xf32, #tpu.memory_space<vmem>>) dst(%dma_wait3A_158 : memref<128x128xf32, #tpu.memory_space<hbm>>)
    return
  }
}

#map = affine_map<(d0, d1) -> (0, 0)>
#map1 = affine_map<(d0, d1) -> (0, 0, 0)>
#map2 = affine_map<(d0, d1) -> (0, 0, 0, 0)>
module attributes {stable_mosaic.version = 14 : i64} {
  func.func @gather(%arg0: i32, %arg1: i32, %arg2: memref<10000x128xf32, #tpu.memory_space<hbm>>, %arg3: memref<32x5x128xi32, #tpu.memory_space<hbm>>, %arg4: memref<32x5x128x128xf32, #tpu.memory_space<hbm>>, %arg5: memref<5x128xi32, #tpu.memory_space<vmem>>, %arg6: memref<128x128xf32, #tpu.memory_space<vmem>>, %arg7: memref<128x128xf32, #tpu.memory_space<vmem>>, %arg8: memref<128x128xf32, #tpu.memory_space<vmem>>, %arg9: memref<128x128xf32, #tpu.memory_space<vmem>>, %arg10: memref<128x128xf32, #tpu.memory_space<vmem>>, %arg11: memref<!tpu.dma_semaphore, #tpu.memory_space<semaphore_mem>>, %arg12: memref<!tpu.dma_semaphore, #tpu.memory_space<semaphore_mem>>, %arg13: memref<!tpu.dma_semaphore, #tpu.memory_space<semaphore_mem>>, %arg14: memref<!tpu.dma_semaphore, #tpu.memory_space<semaphore_mem>>, %arg15: memref<!tpu.dma_semaphore, #tpu.memory_space<semaphore_mem>>, %arg16: memref<!tpu.dma_semaphore, #tpu.memory_space<semaphore_mem>>, %arg17: memref<!tpu.dma_semaphore, #tpu.memory_space<semaphore_mem>>, %arg18: memref<!tpu.dma_semaphore, #tpu.memory_space<semaphore_mem>>, %arg19: memref<!tpu.dma_semaphore, #tpu.memory_space<semaphore_mem>>, %arg20: memref<!tpu.dma_semaphore, #tpu.memory_space<semaphore_mem>>) attributes {dimension_semantics = [#tpu.dimension_semantics<core_parallel>, #tpu.dimension_semantics<subcore_parallel>], iteration_bounds = array<i64: 2, 16>, scalar_prefetch = 0 : i64, scratch_operands = 16 : i64, tpu.core_type = #tpu.core_type<sc_vector_subcore>, window_params = [{transform_indices = #map}, {transform_indices = #map1}, {transform_indices = #map2}]} {
    %mul3A = arith.constant 2 : i32
    %mul3A_0 = arith.muli %arg1, %mul3A : i32
    %add3A = arith.addi %mul3A_0, %arg0 : i32
    "tpu.region"() ({
      %run_scoped3A = tpu.sem_alloc : memref<!tpu.dma_semaphore, #tpu.memory_space<semaphore_mem>>
      %dma_start3A_159 = arith.constant 0 : i32
      %dma_start3A_160 = arith.constant 0 : i32
      %dma_start3A_161 = tpu.memref_slice %arg3[%add3A, %dma_start3A_159, %dma_start3A_160] : memref<32x5x128xi32, #tpu.memory_space<hbm>> -> memref<1x5x128xi32, #tpu.memory_space<hbm>>
      %dma_start3A_162 = tpu.memref_squeeze %dma_start3A_161 : memref<1x5x128xi32, #tpu.memory_space<hbm>> -> memref<5x128xi32, #tpu.memory_space<hbm>>
      %dma_start3A_163 = arith.constant 0 : i32
      %dma_start3A_164 = arith.constant 0 : i32
      %dma_start3A_165 = tpu.memref_slice %arg3[%add3A, %dma_start3A_163, %dma_start3A_164] : memref<32x5x128xi32, #tpu.memory_space<hbm>> -> memref<1x5x128xi32, #tpu.memory_space<hbm>>
      %dma_start3A_166 = tpu.memref_squeeze %dma_start3A_165 : memref<1x5x128xi32, #tpu.memory_space<hbm>> -> memref<5x128xi32, #tpu.memory_space<hbm>>
      tpu.enqueue_dma source(%dma_start3A_166 : memref<5x128xi32, #tpu.memory_space<hbm>>) target(%arg5 : memref<5x128xi32, #tpu.memory_space<vmem>>) target_semaphore(%run_scoped3A : memref<!tpu.dma_semaphore, #tpu.memory_space<semaphore_mem>>)
      %dma_wait3A_167 = arith.constant 0 : i32
      %dma_wait3A_168 = arith.constant 0 : i32
      %dma_wait3A_169 = tpu.memref_slice %arg3[%add3A, %dma_wait3A_167, %dma_wait3A_168] : memref<32x5x128xi32, #tpu.memory_space<hbm>> -> memref<1x5x128xi32, #tpu.memory_space<hbm>>
      %dma_wait3A_170 = tpu.memref_squeeze %dma_wait3A_169 : memref<1x5x128xi32, #tpu.memory_space<hbm>> -> memref<5x128xi32, #tpu.memory_space<hbm>>
      %dma_wait3A_171 = arith.constant 0 : i32
      %dma_wait3A_172 = arith.constant 0 : i32
      %dma_wait3A_173 = tpu.memref_slice %arg3[%add3A, %dma_wait3A_171, %dma_wait3A_172] : memref<32x5x128xi32, #tpu.memory_space<hbm>> -> memref<1x5x128xi32, #tpu.memory_space<hbm>>
      %dma_wait3A_174 = tpu.memref_squeeze %dma_wait3A_173 : memref<1x5x128xi32, #tpu.memory_space<hbm>> -> memref<5x128xi32, #tpu.memory_space<hbm>>
      tpu.wait_dma2 semaphore(%run_scoped3A : memref<!tpu.dma_semaphore, #tpu.memory_space<semaphore_mem>>) src(%dma_wait3A_174 : memref<5x128xi32, #tpu.memory_space<hbm>>) dst(%arg5 : memref<5x128xi32, #tpu.memory_space<vmem>>)
      tpu.yield
    }) : () -> ()
    %dma_start3A = arith.constant 0 : i32
    %dma_start3A_1 = arith.constant 0 : i32
    %dma_start3A_2 = tpu.memref_slice %arg5[%dma_start3A, %dma_start3A_1] : memref<5x128xi32, #tpu.memory_space<vmem>> -> memref<1x128xi32, #tpu.memory_space<vmem>>
    %dma_start3A_3 = tpu.memref_squeeze %dma_start3A_2 : memref<1x128xi32, #tpu.memory_space<vmem>> -> memref<128xi32, #tpu.memory_space<vmem>>
    %dma_start3A_4 = arith.constant 0 : i32
    %dma_start3A_5 = arith.constant 0 : i32
    %dma_start3A_6 = tpu.memref_slice %arg2[%dma_start3A_4, %dma_start3A_5] : memref<10000x128xf32, #tpu.memory_space<hbm>> -> memref<10000x128xf32, #tpu.memory_space<hbm>>
    tpu.enqueue_indirect_dma source(%dma_start3A_6 : memref<10000x128xf32, #tpu.memory_space<hbm>>) target(%arg6 : memref<128x128xf32, #tpu.memory_space<vmem>>) offsets(%dma_start3A_3 : memref<128xi32, #tpu.memory_space<vmem>>) semaphore(%arg11 : memref<!tpu.dma_semaphore, #tpu.memory_space<semaphore_mem>>)
    %dma_start3A_7 = arith.constant 1 : i32
    %dma_start3A_8 = arith.constant 0 : i32
    %dma_start3A_9 = tpu.memref_slice %arg5[%dma_start3A_7, %dma_start3A_8] : memref<5x128xi32, #tpu.memory_space<vmem>> -> memref<1x128xi32, #tpu.memory_space<vmem>>
    %dma_start3A_10 = tpu.memref_squeeze %dma_start3A_9 : memref<1x128xi32, #tpu.memory_space<vmem>> -> memref<128xi32, #tpu.memory_space<vmem>>
    %dma_start3A_11 = arith.constant 0 : i32
    %dma_start3A_12 = arith.constant 0 : i32
    %dma_start3A_13 = tpu.memref_slice %arg2[%dma_start3A_11, %dma_start3A_12] : memref<10000x128xf32, #tpu.memory_space<hbm>> -> memref<10000x128xf32, #tpu.memory_space<hbm>>
    tpu.enqueue_indirect_dma source(%dma_start3A_13 : memref<10000x128xf32, #tpu.memory_space<hbm>>) target(%arg7 : memref<128x128xf32, #tpu.memory_space<vmem>>) offsets(%dma_start3A_10 : memref<128xi32, #tpu.memory_space<vmem>>) semaphore(%arg12 : memref<!tpu.dma_semaphore, #tpu.memory_space<semaphore_mem>>)
    %dma_start3A_14 = arith.constant 2 : i32
    %dma_start3A_15 = arith.constant 0 : i32
    %dma_start3A_16 = tpu.memref_slice %arg5[%dma_start3A_14, %dma_start3A_15] : memref<5x128xi32, #tpu.memory_space<vmem>> -> memref<1x128xi32, #tpu.memory_space<vmem>>
    %dma_start3A_17 = tpu.memref_squeeze %dma_start3A_16 : memref<1x128xi32, #tpu.memory_space<vmem>> -> memref<128xi32, #tpu.memory_space<vmem>>
    %dma_start3A_18 = arith.constant 0 : i32
    %dma_start3A_19 = arith.constant 0 : i32
    %dma_start3A_20 = tpu.memref_slice %arg2[%dma_start3A_18, %dma_start3A_19] : memref<10000x128xf32, #tpu.memory_space<hbm>> -> memref<10000x128xf32, #tpu.memory_space<hbm>>
    tpu.enqueue_indirect_dma source(%dma_start3A_20 : memref<10000x128xf32, #tpu.memory_space<hbm>>) target(%arg8 : memref<128x128xf32, #tpu.memory_space<vmem>>) offsets(%dma_start3A_17 : memref<128xi32, #tpu.memory_space<vmem>>) semaphore(%arg13 : memref<!tpu.dma_semaphore, #tpu.memory_space<semaphore_mem>>)
    %dma_start3A_21 = arith.constant 3 : i32
    %dma_start3A_22 = arith.constant 0 : i32
    %dma_start3A_23 = tpu.memref_slice %arg5[%dma_start3A_21, %dma_start3A_22] : memref<5x128xi32, #tpu.memory_space<vmem>> -> memref<1x128xi32, #tpu.memory_space<vmem>>
    %dma_start3A_24 = tpu.memref_squeeze %dma_start3A_23 : memref<1x128xi32, #tpu.memory_space<vmem>> -> memref<128xi32, #tpu.memory_space<vmem>>
    %dma_start3A_25 = arith.constant 0 : i32
    %dma_start3A_26 = arith.constant 0 : i32
    %dma_start3A_27 = tpu.memref_slice %arg2[%dma_start3A_25, %dma_start3A_26] : memref<10000x128xf32, #tpu.memory_space<hbm>> -> memref<10000x128xf32, #tpu.memory_space<hbm>>
    tpu.enqueue_indirect_dma source(%dma_start3A_27 : memref<10000x128xf32, #tpu.memory_space<hbm>>) target(%arg9 : memref<128x128xf32, #tpu.memory_space<vmem>>) offsets(%dma_start3A_24 : memref<128xi32, #tpu.memory_space<vmem>>) semaphore(%arg14 : memref<!tpu.dma_semaphore, #tpu.memory_space<semaphore_mem>>)
    %dma_start3A_28 = arith.constant 4 : i32
    %dma_start3A_29 = arith.constant 0 : i32
    %dma_start3A_30 = tpu.memref_slice %arg5[%dma_start3A_28, %dma_start3A_29] : memref<5x128xi32, #tpu.memory_space<vmem>> -> memref<1x128xi32, #tpu.memory_space<vmem>>
    %dma_start3A_31 = tpu.memref_squeeze %dma_start3A_30 : memref<1x128xi32, #tpu.memory_space<vmem>> -> memref<128xi32, #tpu.memory_space<vmem>>
    %dma_start3A_32 = arith.constant 0 : i32
    %dma_start3A_33 = arith.constant 0 : i32
    %dma_start3A_34 = tpu.memref_slice %arg2[%dma_start3A_32, %dma_start3A_33] : memref<10000x128xf32, #tpu.memory_space<hbm>> -> memref<10000x128xf32, #tpu.memory_space<hbm>>
    tpu.enqueue_indirect_dma source(%dma_start3A_34 : memref<10000x128xf32, #tpu.memory_space<hbm>>) target(%arg10 : memref<128x128xf32, #tpu.memory_space<vmem>>) offsets(%dma_start3A_31 : memref<128xi32, #tpu.memory_space<vmem>>) semaphore(%arg15 : memref<!tpu.dma_semaphore, #tpu.memory_space<semaphore_mem>>)
    %dma_wait3A = arith.constant 0 : i32
    %dma_wait3A_35 = arith.constant 0 : i32
    %dma_wait3A_36 = tpu.memref_slice %arg5[%dma_wait3A, %dma_wait3A_35] : memref<5x128xi32, #tpu.memory_space<vmem>> -> memref<1x128xi32, #tpu.memory_space<vmem>>
    %dma_wait3A_37 = tpu.memref_squeeze %dma_wait3A_36 : memref<1x128xi32, #tpu.memory_space<vmem>> -> memref<128xi32, #tpu.memory_space<vmem>>
    %dma_wait3A_38 = arith.constant 0 : i32
    %dma_wait3A_39 = arith.constant 0 : i32
    %dma_wait3A_40 = tpu.memref_slice %arg2[%dma_wait3A_38, %dma_wait3A_39] : memref<10000x128xf32, #tpu.memory_space<hbm>> -> memref<10000x128xf32, #tpu.memory_space<hbm>>
    tpu.wait_indirect_dma semaphore(%arg11 : memref<!tpu.dma_semaphore, #tpu.memory_space<semaphore_mem>>) src(%dma_wait3A_40 : memref<10000x128xf32, #tpu.memory_space<hbm>>) dst(%arg6 : memref<128x128xf32, #tpu.memory_space<vmem>>)
    %dma_start3A_41 = arith.constant 0 : i32
    %dma_start3A_42 = arith.constant 0 : i32
    %dma_start3A_43 = arith.constant 0 : i32
    %dma_start3A_44 = tpu.memref_slice %arg4[%add3A, %dma_start3A_41, %dma_start3A_42, %dma_start3A_43] : memref<32x5x128x128xf32, #tpu.memory_space<hbm>> -> memref<1x1x128x128xf32, #tpu.memory_space<hbm>>
    %dma_start3A_45 = tpu.memref_squeeze %dma_start3A_44 : memref<1x1x128x128xf32, #tpu.memory_space<hbm>> -> memref<128x128xf32, #tpu.memory_space<hbm>>
    %dma_start3A_46 = arith.constant 0 : i32
    %dma_start3A_47 = arith.constant 0 : i32
    %dma_start3A_48 = tpu.memref_slice %arg4[%add3A, %dma_start3A_41, %dma_start3A_46, %dma_start3A_47] : memref<32x5x128x128xf32, #tpu.memory_space<hbm>> -> memref<1x1x128x128xf32, #tpu.memory_space<hbm>>
    %dma_start3A_49 = tpu.memref_squeeze %dma_start3A_48 : memref<1x1x128x128xf32, #tpu.memory_space<hbm>> -> memref<128x128xf32, #tpu.memory_space<hbm>>
    tpu.enqueue_dma source(%arg6 : memref<128x128xf32, #tpu.memory_space<vmem>>) target(%dma_start3A_49 : memref<128x128xf32, #tpu.memory_space<hbm>>) target_semaphore(%arg16 : memref<!tpu.dma_semaphore, #tpu.memory_space<semaphore_mem>>)
    %dma_wait3A_50 = arith.constant 1 : i32
    %dma_wait3A_51 = arith.constant 0 : i32
    %dma_wait3A_52 = tpu.memref_slice %arg5[%dma_wait3A_50, %dma_wait3A_51] : memref<5x128xi32, #tpu.memory_space<vmem>> -> memref<1x128xi32, #tpu.memory_space<vmem>>
    %dma_wait3A_53 = tpu.memref_squeeze %dma_wait3A_52 : memref<1x128xi32, #tpu.memory_space<vmem>> -> memref<128xi32, #tpu.memory_space<vmem>>
    %dma_wait3A_54 = arith.constant 0 : i32
    %dma_wait3A_55 = arith.constant 0 : i32
    %dma_wait3A_56 = tpu.memref_slice %arg2[%dma_wait3A_54, %dma_wait3A_55] : memref<10000x128xf32, #tpu.memory_space<hbm>> -> memref<10000x128xf32, #tpu.memory_space<hbm>>
    tpu.wait_indirect_dma semaphore(%arg12 : memref<!tpu.dma_semaphore, #tpu.memory_space<semaphore_mem>>) src(%dma_wait3A_56 : memref<10000x128xf32, #tpu.memory_space<hbm>>) dst(%arg7 : memref<128x128xf32, #tpu.memory_space<vmem>>)
    %dma_start3A_57 = arith.constant 1 : i32
    %dma_start3A_58 = arith.constant 0 : i32
    %dma_start3A_59 = arith.constant 0 : i32
    %dma_start3A_60 = tpu.memref_slice %arg4[%add3A, %dma_start3A_57, %dma_start3A_58, %dma_start3A_59] : memref<32x5x128x128xf32, #tpu.memory_space<hbm>> -> memref<1x1x128x128xf32, #tpu.memory_space<hbm>>
    %dma_start3A_61 = tpu.memref_squeeze %dma_start3A_60 : memref<1x1x128x128xf32, #tpu.memory_space<hbm>> -> memref<128x128xf32, #tpu.memory_space<hbm>>
    %dma_start3A_62 = arith.constant 0 : i32
    %dma_start3A_63 = arith.constant 0 : i32
    %dma_start3A_64 = tpu.memref_slice %arg4[%add3A, %dma_start3A_57, %dma_start3A_62, %dma_start3A_63] : memref<32x5x128x128xf32, #tpu.memory_space<hbm>> -> memref<1x1x128x128xf32, #tpu.memory_space<hbm>>
    %dma_start3A_65 = tpu.memref_squeeze %dma_start3A_64 : memref<1x1x128x128xf32, #tpu.memory_space<hbm>> -> memref<128x128xf32, #tpu.memory_space<hbm>>
    tpu.enqueue_dma source(%arg7 : memref<128x128xf32, #tpu.memory_space<vmem>>) target(%dma_start3A_65 : memref<128x128xf32, #tpu.memory_space<hbm>>) target_semaphore(%arg17 : memref<!tpu.dma_semaphore, #tpu.memory_space<semaphore_mem>>)
    %dma_wait3A_66 = arith.constant 2 : i32
    %dma_wait3A_67 = arith.constant 0 : i32
    %dma_wait3A_68 = tpu.memref_slice %arg5[%dma_wait3A_66, %dma_wait3A_67] : memref<5x128xi32, #tpu.memory_space<vmem>> -> memref<1x128xi32, #tpu.memory_space<vmem>>
    %dma_wait3A_69 = tpu.memref_squeeze %dma_wait3A_68 : memref<1x128xi32, #tpu.memory_space<vmem>> -> memref<128xi32, #tpu.memory_space<vmem>>
    %dma_wait3A_70 = arith.constant 0 : i32
    %dma_wait3A_71 = arith.constant 0 : i32
    %dma_wait3A_72 = tpu.memref_slice %arg2[%dma_wait3A_70, %dma_wait3A_71] : memref<10000x128xf32, #tpu.memory_space<hbm>> -> memref<10000x128xf32, #tpu.memory_space<hbm>>
    tpu.wait_indirect_dma semaphore(%arg13 : memref<!tpu.dma_semaphore, #tpu.memory_space<semaphore_mem>>) src(%dma_wait3A_72 : memref<10000x128xf32, #tpu.memory_space<hbm>>) dst(%arg8 : memref<128x128xf32, #tpu.memory_space<vmem>>)
    %dma_start3A_73 = arith.constant 2 : i32
    %dma_start3A_74 = arith.constant 0 : i32
    %dma_start3A_75 = arith.constant 0 : i32
    %dma_start3A_76 = tpu.memref_slice %arg4[%add3A, %dma_start3A_73, %dma_start3A_74, %dma_start3A_75] : memref<32x5x128x128xf32, #tpu.memory_space<hbm>> -> memref<1x1x128x128xf32, #tpu.memory_space<hbm>>
    %dma_start3A_77 = tpu.memref_squeeze %dma_start3A_76 : memref<1x1x128x128xf32, #tpu.memory_space<hbm>> -> memref<128x128xf32, #tpu.memory_space<hbm>>
    %dma_start3A_78 = arith.constant 0 : i32
    %dma_start3A_79 = arith.constant 0 : i32
    %dma_start3A_80 = tpu.memref_slice %arg4[%add3A, %dma_start3A_73, %dma_start3A_78, %dma_start3A_79] : memref<32x5x128x128xf32, #tpu.memory_space<hbm>> -> memref<1x1x128x128xf32, #tpu.memory_space<hbm>>
    %dma_start3A_81 = tpu.memref_squeeze %dma_start3A_80 : memref<1x1x128x128xf32, #tpu.memory_space<hbm>> -> memref<128x128xf32, #tpu.memory_space<hbm>>
    tpu.enqueue_dma source(%arg8 : memref<128x128xf32, #tpu.memory_space<vmem>>) target(%dma_start3A_81 : memref<128x128xf32, #tpu.memory_space<hbm>>) target_semaphore(%arg18 : memref<!tpu.dma_semaphore, #tpu.memory_space<semaphore_mem>>)
    %dma_wait3A_82 = arith.constant 3 : i32
    %dma_wait3A_83 = arith.constant 0 : i32
    %dma_wait3A_84 = tpu.memref_slice %arg5[%dma_wait3A_82, %dma_wait3A_83] : memref<5x128xi32, #tpu.memory_space<vmem>> -> memref<1x128xi32, #tpu.memory_space<vmem>>
    %dma_wait3A_85 = tpu.memref_squeeze %dma_wait3A_84 : memref<1x128xi32, #tpu.memory_space<vmem>> -> memref<128xi32, #tpu.memory_space<vmem>>
    %dma_wait3A_86 = arith.constant 0 : i32
    %dma_wait3A_87 = arith.constant 0 : i32
    %dma_wait3A_88 = tpu.memref_slice %arg2[%dma_wait3A_86, %dma_wait3A_87] : memref<10000x128xf32, #tpu.memory_space<hbm>> -> memref<10000x128xf32, #tpu.memory_space<hbm>>
    tpu.wait_indirect_dma semaphore(%arg14 : memref<!tpu.dma_semaphore, #tpu.memory_space<semaphore_mem>>) src(%dma_wait3A_88 : memref<10000x128xf32, #tpu.memory_space<hbm>>) dst(%arg9 : memref<128x128xf32, #tpu.memory_space<vmem>>)
    %dma_start3A_89 = arith.constant 3 : i32
    %dma_start3A_90 = arith.constant 0 : i32
    %dma_start3A_91 = arith.constant 0 : i32
    %dma_start3A_92 = tpu.memref_slice %arg4[%add3A, %dma_start3A_89, %dma_start3A_90, %dma_start3A_91] : memref<32x5x128x128xf32, #tpu.memory_space<hbm>> -> memref<1x1x128x128xf32, #tpu.memory_space<hbm>>
    %dma_start3A_93 = tpu.memref_squeeze %dma_start3A_92 : memref<1x1x128x128xf32, #tpu.memory_space<hbm>> -> memref<128x128xf32, #tpu.memory_space<hbm>>
    %dma_start3A_94 = arith.constant 0 : i32
    %dma_start3A_95 = arith.constant 0 : i32
    %dma_start3A_96 = tpu.memref_slice %arg4[%add3A, %dma_start3A_89, %dma_start3A_94, %dma_start3A_95] : memref<32x5x128x128xf32, #tpu.memory_space<hbm>> -> memref<1x1x128x128xf32, #tpu.memory_space<hbm>>
    %dma_start3A_97 = tpu.memref_squeeze %dma_start3A_96 : memref<1x1x128x128xf32, #tpu.memory_space<hbm>> -> memref<128x128xf32, #tpu.memory_space<hbm>>
    tpu.enqueue_dma source(%arg9 : memref<128x128xf32, #tpu.memory_space<vmem>>) target(%dma_start3A_97 : memref<128x128xf32, #tpu.memory_space<hbm>>) target_semaphore(%arg19 : memref<!tpu.dma_semaphore, #tpu.memory_space<semaphore_mem>>)
    %dma_wait3A_98 = arith.constant 4 : i32
    %dma_wait3A_99 = arith.constant 0 : i32
    %dma_wait3A_100 = tpu.memref_slice %arg5[%dma_wait3A_98, %dma_wait3A_99] : memref<5x128xi32, #tpu.memory_space<vmem>> -> memref<1x128xi32, #tpu.memory_space<vmem>>
    %dma_wait3A_101 = tpu.memref_squeeze %dma_wait3A_100 : memref<1x128xi32, #tpu.memory_space<vmem>> -> memref<128xi32, #tpu.memory_space<vmem>>
    %dma_wait3A_102 = arith.constant 0 : i32
    %dma_wait3A_103 = arith.constant 0 : i32
    %dma_wait3A_104 = tpu.memref_slice %arg2[%dma_wait3A_102, %dma_wait3A_103] : memref<10000x128xf32, #tpu.memory_space<hbm>> -> memref<10000x128xf32, #tpu.memory_space<hbm>>
    tpu.wait_indirect_dma semaphore(%arg15 : memref<!tpu.dma_semaphore, #tpu.memory_space<semaphore_mem>>) src(%dma_wait3A_104 : memref<10000x128xf32, #tpu.memory_space<hbm>>) dst(%arg10 : memref<128x128xf32, #tpu.memory_space<vmem>>)
    %dma_start3A_105 = arith.constant 4 : i32
    %dma_start3A_106 = arith.constant 0 : i32
    %dma_start3A_107 = arith.constant 0 : i32
    %dma_start3A_108 = tpu.memref_slice %arg4[%add3A, %dma_start3A_105, %dma_start3A_106, %dma_start3A_107] : memref<32x5x128x128xf32, #tpu.memory_space<hbm>> -> memref<1x1x128x128xf32, #tpu.memory_space<hbm>>
    %dma_start3A_109 = tpu.memref_squeeze %dma_start3A_108 : memref<1x1x128x128xf32, #tpu.memory_space<hbm>> -> memref<128x128xf32, #tpu.memory_space<hbm>>
    %dma_start3A_110 = arith.constant 0 : i32
    %dma_start3A_111 = arith.constant 0 : i32
    %dma_start3A_112 = tpu.memref_slice %arg4[%add3A, %dma_start3A_105, %dma_start3A_110, %dma_start3A_111] : memref<32x5x128x128xf32, #tpu.memory_space<hbm>> -> memref<1x1x128x128xf32, #tpu.memory_space<hbm>>
    %dma_start3A_113 = tpu.memref_squeeze %dma_start3A_112 : memref<1x1x128x128xf32, #tpu.memory_space<hbm>> -> memref<128x128xf32, #tpu.memory_space<hbm>>
    tpu.enqueue_dma source(%arg10 : memref<128x128xf32, #tpu.memory_space<vmem>>) target(%dma_start3A_113 : memref<128x128xf32, #tpu.memory_space<hbm>>) target_semaphore(%arg20 : memref<!tpu.dma_semaphore, #tpu.memory_space<semaphore_mem>>)
    %dma_wait3A_114 = arith.constant 0 : i32
    %dma_wait3A_115 = arith.constant 0 : i32
    %dma_wait3A_116 = arith.constant 0 : i32
    %dma_wait3A_117 = tpu.memref_slice %arg4[%add3A, %dma_wait3A_114, %dma_wait3A_115, %dma_wait3A_116] : memref<32x5x128x128xf32, #tpu.memory_space<hbm>> -> memref<1x1x128x128xf32, #tpu.memory_space<hbm>>
    %dma_wait3A_118 = tpu.memref_squeeze %dma_wait3A_117 : memref<1x1x128x128xf32, #tpu.memory_space<hbm>> -> memref<128x128xf32, #tpu.memory_space<hbm>>
    %dma_wait3A_119 = arith.constant 0 : i32
    %dma_wait3A_120 = arith.constant 0 : i32
    %dma_wait3A_121 = tpu.memref_slice %arg4[%add3A, %dma_wait3A_114, %dma_wait3A_119, %dma_wait3A_120] : memref<32x5x128x128xf32, #tpu.memory_space<hbm>> -> memref<1x1x128x128xf32, #tpu.memory_space<hbm>>
    %dma_wait3A_122 = tpu.memref_squeeze %dma_wait3A_121 : memref<1x1x128x128xf32, #tpu.memory_space<hbm>> -> memref<128x128xf32, #tpu.memory_space<hbm>>
    tpu.wait_dma2 semaphore(%arg16 : memref<!tpu.dma_semaphore, #tpu.memory_space<semaphore_mem>>) src(%arg6 : memref<128x128xf32, #tpu.memory_space<vmem>>) dst(%dma_wait3A_122 : memref<128x128xf32, #tpu.memory_space<hbm>>)
    %dma_wait3A_123 = arith.constant 1 : i32
    %dma_wait3A_124 = arith.constant 0 : i32
    %dma_wait3A_125 = arith.constant 0 : i32
    %dma_wait3A_126 = tpu.memref_slice %arg4[%add3A, %dma_wait3A_123, %dma_wait3A_124, %dma_wait3A_125] : memref<32x5x128x128xf32, #tpu.memory_space<hbm>> -> memref<1x1x128x128xf32, #tpu.memory_space<hbm>>
    %dma_wait3A_127 = tpu.memref_squeeze %dma_wait3A_126 : memref<1x1x128x128xf32, #tpu.memory_space<hbm>> -> memref<128x128xf32, #tpu.memory_space<hbm>>
    %dma_wait3A_128 = arith.constant 0 : i32
    %dma_wait3A_129 = arith.constant 0 : i32
    %dma_wait3A_130 = tpu.memref_slice %arg4[%add3A, %dma_wait3A_123, %dma_wait3A_128, %dma_wait3A_129] : memref<32x5x128x128xf32, #tpu.memory_space<hbm>> -> memref<1x1x128x128xf32, #tpu.memory_space<hbm>>
    %dma_wait3A_131 = tpu.memref_squeeze %dma_wait3A_130 : memref<1x1x128x128xf32, #tpu.memory_space<hbm>> -> memref<128x128xf32, #tpu.memory_space<hbm>>
    tpu.wait_dma2 semaphore(%arg17 : memref<!tpu.dma_semaphore, #tpu.memory_space<semaphore_mem>>) src(%arg7 : memref<128x128xf32, #tpu.memory_space<vmem>>) dst(%dma_wait3A_131 : memref<128x128xf32, #tpu.memory_space<hbm>>)
    %dma_wait3A_132 = arith.constant 2 : i32
    %dma_wait3A_133 = arith.constant 0 : i32
    %dma_wait3A_134 = arith.constant 0 : i32
    %dma_wait3A_135 = tpu.memref_slice %arg4[%add3A, %dma_wait3A_132, %dma_wait3A_133, %dma_wait3A_134] : memref<32x5x128x128xf32, #tpu.memory_space<hbm>> -> memref<1x1x128x128xf32, #tpu.memory_space<hbm>>
    %dma_wait3A_136 = tpu.memref_squeeze %dma_wait3A_135 : memref<1x1x128x128xf32, #tpu.memory_space<hbm>> -> memref<128x128xf32, #tpu.memory_space<hbm>>
    %dma_wait3A_137 = arith.constant 0 : i32
    %dma_wait3A_138 = arith.constant 0 : i32
    %dma_wait3A_139 = tpu.memref_slice %arg4[%add3A, %dma_wait3A_132, %dma_wait3A_137, %dma_wait3A_138] : memref<32x5x128x128xf32, #tpu.memory_space<hbm>> -> memref<1x1x128x128xf32, #tpu.memory_space<hbm>>
    %dma_wait3A_140 = tpu.memref_squeeze %dma_wait3A_139 : memref<1x1x128x128xf32, #tpu.memory_space<hbm>> -> memref<128x128xf32, #tpu.memory_space<hbm>>
    tpu.wait_dma2 semaphore(%arg18 : memref<!tpu.dma_semaphore, #tpu.memory_space<semaphore_mem>>) src(%arg8 : memref<128x128xf32, #tpu.memory_space<vmem>>) dst(%dma_wait3A_140 : memref<128x128xf32, #tpu.memory_space<hbm>>)
    %dma_wait3A_141 = arith.constant 3 : i32
    %dma_wait3A_142 = arith.constant 0 : i32
    %dma_wait3A_143 = arith.constant 0 : i32
    %dma_wait3A_144 = tpu.memref_slice %arg4[%add3A, %dma_wait3A_141, %dma_wait3A_142, %dma_wait3A_143] : memref<32x5x128x128xf32, #tpu.memory_space<hbm>> -> memref<1x1x128x128xf32, #tpu.memory_space<hbm>>
    %dma_wait3A_145 = tpu.memref_squeeze %dma_wait3A_144 : memref<1x1x128x128xf32, #tpu.memory_space<hbm>> -> memref<128x128xf32, #tpu.memory_space<hbm>>
    %dma_wait3A_146 = arith.constant 0 : i32
    %dma_wait3A_147 = arith.constant 0 : i32
    %dma_wait3A_148 = tpu.memref_slice %arg4[%add3A, %dma_wait3A_141, %dma_wait3A_146, %dma_wait3A_147] : memref<32x5x128x128xf32, #tpu.memory_space<hbm>> -> memref<1x1x128x128xf32, #tpu.memory_space<hbm>>
    %dma_wait3A_149 = tpu.memref_squeeze %dma_wait3A_148 : memref<1x1x128x128xf32, #tpu.memory_space<hbm>> -> memref<128x128xf32, #tpu.memory_space<hbm>>
    tpu.wait_dma2 semaphore(%arg19 : memref<!tpu.dma_semaphore, #tpu.memory_space<semaphore_mem>>) src(%arg9 : memref<128x128xf32, #tpu.memory_space<vmem>>) dst(%dma_wait3A_149 : memref<128x128xf32, #tpu.memory_space<hbm>>)
    %dma_wait3A_150 = arith.constant 4 : i32
    %dma_wait3A_151 = arith.constant 0 : i32
    %dma_wait3A_152 = arith.constant 0 : i32
    %dma_wait3A_153 = tpu.memref_slice %arg4[%add3A, %dma_wait3A_150, %dma_wait3A_151, %dma_wait3A_152] : memref<32x5x128x128xf32, #tpu.memory_space<hbm>> -> memref<1x1x128x128xf32, #tpu.memory_space<hbm>>
    %dma_wait3A_154 = tpu.memref_squeeze %dma_wait3A_153 : memref<1x1x128x128xf32, #tpu.memory_space<hbm>> -> memref<128x128xf32, #tpu.memory_space<hbm>>
    %dma_wait3A_155 = arith.constant 0 : i32
    %dma_wait3A_156 = arith.constant 0 : i32
    %dma_wait3A_157 = tpu.memref_slice %arg4[%add3A, %dma_wait3A_150, %dma_wait3A_155, %dma_wait3A_156] : memref<32x5x128x128xf32, #tpu.memory_space<hbm>> -> memref<1x1x128x128xf32, #tpu.memory_space<hbm>>
    %dma_wait3A_158 = tpu.memref_squeeze %dma_wait3A_157 : memref<1x1x128x128xf32, #tpu.memory_space<hbm>> -> memref<128x128xf32, #tpu.memory_space<hbm>>
    tpu.wait_dma2 semaphore(%arg20 : memref<!tpu.dma_semaphore, #tpu.memory_space<semaphore_mem>>) src(%arg10 : memref<128x128xf32, #tpu.memory_space<vmem>>) dst(%dma_wait3A_158 : memref<128x128xf32, #tpu.memory_space<hbm>>)
    return
  }
}

#map = affine_map<(d0, d1) -> (0, 0)>
#map1 = affine_map<(d0, d1) -> (0, 0, 0)>
#map2 = affine_map<(d0, d1) -> (0, 0, 0, 0)>
module attributes {stable_mosaic.version = 14 : i64} {
  func.func @gather(%arg0: i32, %arg1: i32, %arg2: memref<10000x128xf32, #tpu.memory_space<hbm>>, %arg3: memref<32x5x128xi32, #tpu.memory_space<hbm>>, %arg4: memref<32x5x128x128xf32, #tpu.memory_space<hbm>>, %arg5: memref<5x128xi32, #tpu.memory_space<vmem>>, %arg6: memref<128x128xf32, #tpu.memory_space<vmem>>, %arg7: memref<128x128xf32, #tpu.memory_space<vmem>>, %arg8: memref<128x128xf32, #tpu.memory_space<vmem>>, %arg9: memref<128x128xf32, #tpu.memory_space<vmem>>, %arg10: memref<128x128xf32, #tpu.memory_space<vmem>>, %arg11: memref<!tpu.dma_semaphore, #tpu.memory_space<semaphore_mem>>, %arg12: memref<!tpu.dma_semaphore, #tpu.memory_space<semaphore_mem>>, %arg13: memref<!tpu.dma_semaphore, #tpu.memory_space<semaphore_mem>>, %arg14: memref<!tpu.dma_semaphore, #tpu.memory_space<semaphore_mem>>, %arg15: memref<!tpu.dma_semaphore, #tpu.memory_space<semaphore_mem>>, %arg16: memref<!tpu.dma_semaphore, #tpu.memory_space<semaphore_mem>>, %arg17: memref<!tpu.dma_semaphore, #tpu.memory_space<semaphore_mem>>, %arg18: memref<!tpu.dma_semaphore, #tpu.memory_space<semaphore_mem>>, %arg19: memref<!tpu.dma_semaphore, #tpu.memory_space<semaphore_mem>>, %arg20: memref<!tpu.dma_semaphore, #tpu.memory_space<semaphore_mem>>) attributes {dimension_semantics = [#tpu.dimension_semantics<core_parallel>, #tpu.dimension_semantics<subcore_parallel>], iteration_bounds = array<i64: 2, 16>, scalar_prefetch = 0 : i64, scratch_operands = 16 : i64, tpu.core_type = #tpu.core_type<sc_vector_subcore>, window_params = [{transform_indices = #map}, {transform_indices = #map1}, {transform_indices = #map2}]} {
    %mul3A = arith.constant 2 : i32
    %mul3A_0 = arith.muli %arg1, %mul3A : i32
    %add3A = arith.addi %mul3A_0, %arg0 : i32
    "tpu.region"() ({
      %run_scoped3A = tpu.sem_alloc : memref<!tpu.dma_semaphore, #tpu.memory_space<semaphore_mem>>
      %dma_start3A_159 = arith.constant 0 : i32
      %dma_start3A_160 = arith.constant 0 : i32
      %dma_start3A_161 = tpu.memref_slice %arg3[%add3A, %dma_start3A_159, %dma_start3A_160] : memref<32x5x128xi32, #tpu.memory_space<hbm>> -> memref<1x5x128xi32, #tpu.memory_space<hbm>>
      %dma_start3A_162 = tpu.memref_squeeze %dma_start3A_161 : memref<1x5x128xi32, #tpu.memory_space<hbm>> -> memref<5x128xi32, #tpu.memory_space<hbm>>
      %dma_start3A_163 = arith.constant 0 : i32
      %dma_start3A_164 = arith.constant 0 : i32
      %dma_start3A_165 = tpu.memref_slice %arg3[%add3A, %dma_start3A_163, %dma_start3A_164] : memref<32x5x128xi32, #tpu.memory_space<hbm>> -> memref<1x5x128xi32, #tpu.memory_space<hbm>>
      %dma_start3A_166 = tpu.memref_squeeze %dma_start3A_165 : memref<1x5x128xi32, #tpu.memory_space<hbm>> -> memref<5x128xi32, #tpu.memory_space<hbm>>
      tpu.enqueue_dma source(%dma_start3A_166 : memref<5x128xi32, #tpu.memory_space<hbm>>) target(%arg5 : memref<5x128xi32, #tpu.memory_space<vmem>>) target_semaphore(%run_scoped3A : memref<!tpu.dma_semaphore, #tpu.memory_space<semaphore_mem>>)
      %dma_wait3A_167 = arith.constant 0 : i32
      %dma_wait3A_168 = arith.constant 0 : i32
      %dma_wait3A_169 = tpu.memref_slice %arg3[%add3A, %dma_wait3A_167, %dma_wait3A_168] : memref<32x5x128xi32, #tpu.memory_space<hbm>> -> memref<1x5x128xi32, #tpu.memory_space<hbm>>
      %dma_wait3A_170 = tpu.memref_squeeze %dma_wait3A_169 : memref<1x5x128xi32, #tpu.memory_space<hbm>> -> memref<5x128xi32, #tpu.memory_space<hbm>>
      %dma_wait3A_171 = arith.constant 0 : i32
      %dma_wait3A_172 = arith.constant 0 : i32
      %dma_wait3A_173 = tpu.memref_slice %arg3[%add3A, %dma_wait3A_171, %dma_wait3A_172] : memref<32x5x128xi32, #tpu.memory_space<hbm>> -> memref<1x5x128xi32, #tpu.memory_space<hbm>>
      %dma_wait3A_174 = tpu.memref_squeeze %dma_wait3A_173 : memref<1x5x128xi32, #tpu.memory_space<hbm>> -> memref<5x128xi32, #tpu.memory_space<hbm>>
      tpu.wait_dma2 semaphore(%run_scoped3A : memref<!tpu.dma_semaphore, #tpu.memory_space<semaphore_mem>>) src(%dma_wait3A_174 : memref<5x128xi32, #tpu.memory_space<hbm>>) dst(%arg5 : memref<5x128xi32, #tpu.memory_space<vmem>>)
      tpu.yield
    }) : () -> ()
    %dma_start3A = arith.constant 0 : i32
    %dma_start3A_1 = arith.constant 0 : i32
    %dma_start3A_2 = tpu.memref_slice %arg5[%dma_start3A, %dma_start3A_1] : memref<5x128xi32, #tpu.memory_space<vmem>> -> memref<1x128xi32, #tpu.memory_space<vmem>>
    %dma_start3A_3 = tpu.memref_squeeze %dma_start3A_2 : memref<1x128xi32, #tpu.memory_space<vmem>> -> memref<128xi32, #tpu.memory_space<vmem>>
    %dma_start3A_4 = arith.constant 0 : i32
    %dma_start3A_5 = arith.constant 0 : i32
    %dma_start3A_6 = tpu.memref_slice %arg2[%dma_start3A_4, %dma_start3A_5] : memref<10000x128xf32, #tpu.memory_space<hbm>> -> memref<10000x128xf32, #tpu.memory_space<hbm>>
    tpu.enqueue_indirect_dma source(%dma_start3A_6 : memref<10000x128xf32, #tpu.memory_space<hbm>>) target(%arg6 : memref<128x128xf32, #tpu.memory_space<vmem>>) offsets(%dma_start3A_3 : memref<128xi32, #tpu.memory_space<vmem>>) semaphore(%arg11 : memref<!tpu.dma_semaphore, #tpu.memory_space<semaphore_mem>>)
    %dma_start3A_7 = arith.constant 1 : i32
    %dma_start3A_8 = arith.constant 0 : i32
    %dma_start3A_9 = tpu.memref_slice %arg5[%dma_start3A_7, %dma_start3A_8] : memref<5x128xi32, #tpu.memory_space<vmem>> -> memref<1x128xi32, #tpu.memory_space<vmem>>
    %dma_start3A_10 = tpu.memref_squeeze %dma_start3A_9 : memref<1x128xi32, #tpu.memory_space<vmem>> -> memref<128xi32, #tpu.memory_space<vmem>>
    %dma_start3A_11 = arith.constant 0 : i32
    %dma_start3A_12 = arith.constant 0 : i32
    %dma_start3A_13 = tpu.memref_slice %arg2[%dma_start3A_11, %dma_start3A_12] : memref<10000x128xf32, #tpu.memory_space<hbm>> -> memref<10000x128xf32, #tpu.memory_space<hbm>>
    tpu.enqueue_indirect_dma source(%dma_start3A_13 : memref<10000x128xf32, #tpu.memory_space<hbm>>) target(%arg7 : memref<128x128xf32, #tpu.memory_space<vmem>>) offsets(%dma_start3A_10 : memref<128xi32, #tpu.memory_space<vmem>>) semaphore(%arg12 : memref<!tpu.dma_semaphore, #tpu.memory_space<semaphore_mem>>)
    %dma_start3A_14 = arith.constant 2 : i32
    %dma_start3A_15 = arith.constant 0 : i32
    %dma_start3A_16 = tpu.memref_slice %arg5[%dma_start3A_14, %dma_start3A_15] : memref<5x128xi32, #tpu.memory_space<vmem>> -> memref<1x128xi32, #tpu.memory_space<vmem>>
    %dma_start3A_17 = tpu.memref_squeeze %dma_start3A_16 : memref<1x128xi32, #tpu.memory_space<vmem>> -> memref<128xi32, #tpu.memory_space<vmem>>
    %dma_start3A_18 = arith.constant 0 : i32
    %dma_start3A_19 = arith.constant 0 : i32
    %dma_start3A_20 = tpu.memref_slice %arg2[%dma_start3A_18, %dma_start3A_19] : memref<10000x128xf32, #tpu.memory_space<hbm>> -> memref<10000x128xf32, #tpu.memory_space<hbm>>
    tpu.enqueue_indirect_dma source(%dma_start3A_20 : memref<10000x128xf32, #tpu.memory_space<hbm>>) target(%arg8 : memref<128x128xf32, #tpu.memory_space<vmem>>) offsets(%dma_start3A_17 : memref<128xi32, #tpu.memory_space<vmem>>) semaphore(%arg13 : memref<!tpu.dma_semaphore, #tpu.memory_space<semaphore_mem>>)
    %dma_start3A_21 = arith.constant 3 : i32
    %dma_start3A_22 = arith.constant 0 : i32
    %dma_start3A_23 = tpu.memref_slice %arg5[%dma_start3A_21, %dma_start3A_22] : memref<5x128xi32, #tpu.memory_space<vmem>> -> memref<1x128xi32, #tpu.memory_space<vmem>>
    %dma_start3A_24 = tpu.memref_squeeze %dma_start3A_23 : memref<1x128xi32, #tpu.memory_space<vmem>> -> memref<128xi32, #tpu.memory_space<vmem>>
    %dma_start3A_25 = arith.constant 0 : i32
    %dma_start3A_26 = arith.constant 0 : i32
    %dma_start3A_27 = tpu.memref_slice %arg2[%dma_start3A_25, %dma_start3A_26] : memref<10000x128xf32, #tpu.memory_space<hbm>> -> memref<10000x128xf32, #tpu.memory_space<hbm>>
    tpu.enqueue_indirect_dma source(%dma_start3A_27 : memref<10000x128xf32, #tpu.memory_space<hbm>>) target(%arg9 : memref<128x128xf32, #tpu.memory_space<vmem>>) offsets(%dma_start3A_24 : memref<128xi32, #tpu.memory_space<vmem>>) semaphore(%arg14 : memref<!tpu.dma_semaphore, #tpu.memory_space<semaphore_mem>>)
    %dma_start3A_28 = arith.constant 4 : i32
    %dma_start3A_29 = arith.constant 0 : i32
    %dma_start3A_30 = tpu.memref_slice %arg5[%dma_start3A_28, %dma_start3A_29] : memref<5x128xi32, #tpu.memory_space<vmem>> -> memref<1x128xi32, #tpu.memory_space<vmem>>
    %dma_start3A_31 = tpu.memref_squeeze %dma_start3A_30 : memref<1x128xi32, #tpu.memory_space<vmem>> -> memref<128xi32, #tpu.memory_space<vmem>>
    %dma_start3A_32 = arith.constant 0 : i32
    %dma_start3A_33 = arith.constant 0 : i32
    %dma_start3A_34 = tpu.memref_slice %arg2[%dma_start3A_32, %dma_start3A_33] : memref<10000x128xf32, #tpu.memory_space<hbm>> -> memref<10000x128xf32, #tpu.memory_space<hbm>>
    tpu.enqueue_indirect_dma source(%dma_start3A_34 : memref<10000x128xf32, #tpu.memory_space<hbm>>) target(%arg10 : memref<128x128xf32, #tpu.memory_space<vmem>>) offsets(%dma_start3A_31 : memref<128xi32, #tpu.memory_space<vmem>>) semaphore(%arg15 : memref<!tpu.dma_semaphore, #tpu.memory_space<semaphore_mem>>)
    %dma_wait3A = arith.constant 0 : i32
    %dma_wait3A_35 = arith.constant 0 : i32
    %dma_wait3A_36 = tpu.memref_slice %arg5[%dma_wait3A, %dma_wait3A_35] : memref<5x128xi32, #tpu.memory_space<vmem>> -> memref<1x128xi32, #tpu.memory_space<vmem>>
    %dma_wait3A_37 = tpu.memref_squeeze %dma_wait3A_36 : memref<1x128xi32, #tpu.memory_space<vmem>> -> memref<128xi32, #tpu.memory_space<vmem>>
    %dma_wait3A_38 = arith.constant 0 : i32
    %dma_wait3A_39 = arith.constant 0 : i32
    %dma_wait3A_40 = tpu.memref_slice %arg2[%dma_wait3A_38, %dma_wait3A_39] : memref<10000x128xf32, #tpu.memory_space<hbm>> -> memref<10000x128xf32, #tpu.memory_space<hbm>>
    tpu.wait_indirect_dma semaphore(%arg11 : memref<!tpu.dma_semaphore, #tpu.memory_space<semaphore_mem>>) src(%dma_wait3A_40 : memref<10000x128xf32, #tpu.memory_space<hbm>>) dst(%arg6 : memref<128x128xf32, #tpu.memory_space<vmem>>)
    %dma_start3A_41 = arith.constant 0 : i32
    %dma_start3A_42 = arith.constant 0 : i32
    %dma_start3A_43 = arith.constant 0 : i32
    %dma_start3A_44 = tpu.memref_slice %arg4[%add3A, %dma_start3A_41, %dma_start3A_42, %dma_start3A_43] : memref<32x5x128x128xf32, #tpu.memory_space<hbm>> -> memref<1x1x128x128xf32, #tpu.memory_space<hbm>>
    %dma_start3A_45 = tpu.memref_squeeze %dma_start3A_44 : memref<1x1x128x128xf32, #tpu.memory_space<hbm>> -> memref<128x128xf32, #tpu.memory_space<hbm>>
    %dma_start3A_46 = arith.constant 0 : i32
    %dma_start3A_47 = arith.constant 0 : i32
    %dma_start3A_48 = tpu.memref_slice %arg4[%add3A, %dma_start3A_41, %dma_start3A_46, %dma_start3A_47] : memref<32x5x128x128xf32, #tpu.memory_space<hbm>> -> memref<1x1x128x128xf32, #tpu.memory_space<hbm>>
    %dma_start3A_49 = tpu.memref_squeeze %dma_start3A_48 : memref<1x1x128x128xf32, #tpu.memory_space<hbm>> -> memref<128x128xf32, #tpu.memory_space<hbm>>
    tpu.enqueue_dma source(%arg6 : memref<128x128xf32, #tpu.memory_space<vmem>>) target(%dma_start3A_49 : memref<128x128xf32, #tpu.memory_space<hbm>>) target_semaphore(%arg16 : memref<!tpu.dma_semaphore, #tpu.memory_space<semaphore_mem>>)
    %dma_wait3A_50 = arith.constant 1 : i32
    %dma_wait3A_51 = arith.constant 0 : i32
    %dma_wait3A_52 = tpu.memref_slice %arg5[%dma_wait3A_50, %dma_wait3A_51] : memref<5x128xi32, #tpu.memory_space<vmem>> -> memref<1x128xi32, #tpu.memory_space<vmem>>
    %dma_wait3A_53 = tpu.memref_squeeze %dma_wait3A_52 : memref<1x128xi32, #tpu.memory_space<vmem>> -> memref<128xi32, #tpu.memory_space<vmem>>
    %dma_wait3A_54 = arith.constant 0 : i32
    %dma_wait3A_55 = arith.constant 0 : i32
    %dma_wait3A_56 = tpu.memref_slice %arg2[%dma_wait3A_54, %dma_wait3A_55] : memref<10000x128xf32, #tpu.memory_space<hbm>> -> memref<10000x128xf32, #tpu.memory_space<hbm>>
    tpu.wait_indirect_dma semaphore(%arg12 : memref<!tpu.dma_semaphore, #tpu.memory_space<semaphore_mem>>) src(%dma_wait3A_56 : memref<10000x128xf32, #tpu.memory_space<hbm>>) dst(%arg7 : memref<128x128xf32, #tpu.memory_space<vmem>>)
    %dma_start3A_57 = arith.constant 1 : i32
    %dma_start3A_58 = arith.constant 0 : i32
    %dma_start3A_59 = arith.constant 0 : i32
    %dma_start3A_60 = tpu.memref_slice %arg4[%add3A, %dma_start3A_57, %dma_start3A_58, %dma_start3A_59] : memref<32x5x128x128xf32, #tpu.memory_space<hbm>> -> memref<1x1x128x128xf32, #tpu.memory_space<hbm>>
    %dma_start3A_61 = tpu.memref_squeeze %dma_start3A_60 : memref<1x1x128x128xf32, #tpu.memory_space<hbm>> -> memref<128x128xf32, #tpu.memory_space<hbm>>
    %dma_start3A_62 = arith.constant 0 : i32
    %dma_start3A_63 = arith.constant 0 : i32
    %dma_start3A_64 = tpu.memref_slice %arg4[%add3A, %dma_start3A_57, %dma_start3A_62, %dma_start3A_63] : memref<32x5x128x128xf32, #tpu.memory_space<hbm>> -> memref<1x1x128x128xf32, #tpu.memory_space<hbm>>
    %dma_start3A_65 = tpu.memref_squeeze %dma_start3A_64 : memref<1x1x128x128xf32, #tpu.memory_space<hbm>> -> memref<128x128xf32, #tpu.memory_space<hbm>>
    tpu.enqueue_dma source(%arg7 : memref<128x128xf32, #tpu.memory_space<vmem>>) target(%dma_start3A_65 : memref<128x128xf32, #tpu.memory_space<hbm>>) target_semaphore(%arg17 : memref<!tpu.dma_semaphore, #tpu.memory_space<semaphore_mem>>)
    %dma_wait3A_66 = arith.constant 2 : i32
    %dma_wait3A_67 = arith.constant 0 : i32
    %dma_wait3A_68 = tpu.memref_slice %arg5[%dma_wait3A_66, %dma_wait3A_67] : memref<5x128xi32, #tpu.memory_space<vmem>> -> memref<1x128xi32, #tpu.memory_space<vmem>>
    %dma_wait3A_69 = tpu.memref_squeeze %dma_wait3A_68 : memref<1x128xi32, #tpu.memory_space<vmem>> -> memref<128xi32, #tpu.memory_space<vmem>>
    %dma_wait3A_70 = arith.constant 0 : i32
    %dma_wait3A_71 = arith.constant 0 : i32
    %dma_wait3A_72 = tpu.memref_slice %arg2[%dma_wait3A_70, %dma_wait3A_71] : memref<10000x128xf32, #tpu.memory_space<hbm>> -> memref<10000x128xf32, #tpu.memory_space<hbm>>
    tpu.wait_indirect_dma semaphore(%arg13 : memref<!tpu.dma_semaphore, #tpu.memory_space<semaphore_mem>>) src(%dma_wait3A_72 : memref<10000x128xf32, #tpu.memory_space<hbm>>) dst(%arg8 : memref<128x128xf32, #tpu.memory_space<vmem>>)
    %dma_start3A_73 = arith.constant 2 : i32
    %dma_start3A_74 = arith.constant 0 : i32
    %dma_start3A_75 = arith.constant 0 : i32
    %dma_start3A_76 = tpu.memref_slice %arg4[%add3A, %dma_start3A_73, %dma_start3A_74, %dma_start3A_75] : memref<32x5x128x128xf32, #tpu.memory_space<hbm>> -> memref<1x1x128x128xf32, #tpu.memory_space<hbm>>
    %dma_start3A_77 = tpu.memref_squeeze %dma_start3A_76 : memref<1x1x128x128xf32, #tpu.memory_space<hbm>> -> memref<128x128xf32, #tpu.memory_space<hbm>>
    %dma_start3A_78 = arith.constant 0 : i32
    %dma_start3A_79 = arith.constant 0 : i32
    %dma_start3A_80 = tpu.memref_slice %arg4[%add3A, %dma_start3A_73, %dma_start3A_78, %dma_start3A_79] : memref<32x5x128x128xf32, #tpu.memory_space<hbm>> -> memref<1x1x128x128xf32, #tpu.memory_space<hbm>>
    %dma_start3A_81 = tpu.memref_squeeze %dma_start3A_80 : memref<1x1x128x128xf32, #tpu.memory_space<hbm>> -> memref<128x128xf32, #tpu.memory_space<hbm>>
    tpu.enqueue_dma source(%arg8 : memref<128x128xf32, #tpu.memory_space<vmem>>) target(%dma_start3A_81 : memref<128x128xf32, #tpu.memory_space<hbm>>) target_semaphore(%arg18 : memref<!tpu.dma_semaphore, #tpu.memory_space<semaphore_mem>>)
    %dma_wait3A_82 = arith.constant 3 : i32
    %dma_wait3A_83 = arith.constant 0 : i32
    %dma_wait3A_84 = tpu.memref_slice %arg5[%dma_wait3A_82, %dma_wait3A_83] : memref<5x128xi32, #tpu.memory_space<vmem>> -> memref<1x128xi32, #tpu.memory_space<vmem>>
    %dma_wait3A_85 = tpu.memref_squeeze %dma_wait3A_84 : memref<1x128xi32, #tpu.memory_space<vmem>> -> memref<128xi32, #tpu.memory_space<vmem>>
    %dma_wait3A_86 = arith.constant 0 : i32
    %dma_wait3A_87 = arith.constant 0 : i32
    %dma_wait3A_88 = tpu.memref_slice %arg2[%dma_wait3A_86, %dma_wait3A_87] : memref<10000x128xf32, #tpu.memory_space<hbm>> -> memref<10000x128xf32, #tpu.memory_space<hbm>>
    tpu.wait_indirect_dma semaphore(%arg14 : memref<!tpu.dma_semaphore, #tpu.memory_space<semaphore_mem>>) src(%dma_wait3A_88 : memref<10000x128xf32, #tpu.memory_space<hbm>>) dst(%arg9 : memref<128x128xf32, #tpu.memory_space<vmem>>)
    %dma_start3A_89 = arith.constant 3 : i32
    %dma_start3A_90 = arith.constant 0 : i32
    %dma_start3A_91 = arith.constant 0 : i32
    %dma_start3A_92 = tpu.memref_slice %arg4[%add3A, %dma_start3A_89, %dma_start3A_90, %dma_start3A_91] : memref<32x5x128x128xf32, #tpu.memory_space<hbm>> -> memref<1x1x128x128xf32, #tpu.memory_space<hbm>>
    %dma_start3A_93 = tpu.memref_squeeze %dma_start3A_92 : memref<1x1x128x128xf32, #tpu.memory_space<hbm>> -> memref<128x128xf32, #tpu.memory_space<hbm>>
    %dma_start3A_94 = arith.constant 0 : i32
    %dma_start3A_95 = arith.constant 0 : i32
    %dma_start3A_96 = tpu.memref_slice %arg4[%add3A, %dma_start3A_89, %dma_start3A_94, %dma_start3A_95] : memref<32x5x128x128xf32, #tpu.memory_space<hbm>> -> memref<1x1x128x128xf32, #tpu.memory_space<hbm>>
    %dma_start3A_97 = tpu.memref_squeeze %dma_start3A_96 : memref<1x1x128x128xf32, #tpu.memory_space<hbm>> -> memref<128x128xf32, #tpu.memory_space<hbm>>
    tpu.enqueue_dma source(%arg9 : memref<128x128xf32, #tpu.memory_space<vmem>>) target(%dma_start3A_97 : memref<128x128xf32, #tpu.memory_space<hbm>>) target_semaphore(%arg19 : memref<!tpu.dma_semaphore, #tpu.memory_space<semaphore_mem>>)
    %dma_wait3A_98 = arith.constant 4 : i32
    %dma_wait3A_99 = arith.constant 0 : i32
    %dma_wait3A_100 = tpu.memref_slice %arg5[%dma_wait3A_98, %dma_wait3A_99] : memref<5x128xi32, #tpu.memory_space<vmem>> -> memref<1x128xi32, #tpu.memory_space<vmem>>
    %dma_wait3A_101 = tpu.memref_squeeze %dma_wait3A_100 : memref<1x128xi32, #tpu.memory_space<vmem>> -> memref<128xi32, #tpu.memory_space<vmem>>
    %dma_wait3A_102 = arith.constant 0 : i32
    %dma_wait3A_103 = arith.constant 0 : i32
    %dma_wait3A_104 = tpu.memref_slice %arg2[%dma_wait3A_102, %dma_wait3A_103] : memref<10000x128xf32, #tpu.memory_space<hbm>> -> memref<10000x128xf32, #tpu.memory_space<hbm>>
    tpu.wait_indirect_dma semaphore(%arg15 : memref<!tpu.dma_semaphore, #tpu.memory_space<semaphore_mem>>) src(%dma_wait3A_104 : memref<10000x128xf32, #tpu.memory_space<hbm>>) dst(%arg10 : memref<128x128xf32, #tpu.memory_space<vmem>>)
    %dma_start3A_105 = arith.constant 4 : i32
    %dma_start3A_106 = arith.constant 0 : i32
    %dma_start3A_107 = arith.constant 0 : i32
    %dma_start3A_108 = tpu.memref_slice %arg4[%add3A, %dma_start3A_105, %dma_start3A_106, %dma_start3A_107] : memref<32x5x128x128xf32, #tpu.memory_space<hbm>> -> memref<1x1x128x128xf32, #tpu.memory_space<hbm>>
    %dma_start3A_109 = tpu.memref_squeeze %dma_start3A_108 : memref<1x1x128x128xf32, #tpu.memory_space<hbm>> -> memref<128x128xf32, #tpu.memory_space<hbm>>
    %dma_start3A_110 = arith.constant 0 : i32
    %dma_start3A_111 = arith.constant 0 : i32
    %dma_start3A_112 = tpu.memref_slice %arg4[%add3A, %dma_start3A_105, %dma_start3A_110, %dma_start3A_111] : memref<32x5x128x128xf32, #tpu.memory_space<hbm>> -> memref<1x1x128x128xf32, #tpu.memory_space<hbm>>
    %dma_start3A_113 = tpu.memref_squeeze %dma_start3A_112 : memref<1x1x128x128xf32, #tpu.memory_space<hbm>> -> memref<128x128xf32, #tpu.memory_space<hbm>>
    tpu.enqueue_dma source(%arg10 : memref<128x128xf32, #tpu.memory_space<vmem>>) target(%dma_start3A_113 : memref<128x128xf32, #tpu.memory_space<hbm>>) target_semaphore(%arg20 : memref<!tpu.dma_semaphore, #tpu.memory_space<semaphore_mem>>)
    %dma_wait3A_114 = arith.constant 0 : i32
    %dma_wait3A_115 = arith.constant 0 : i32
    %dma_wait3A_116 = arith.constant 0 : i32
    %dma_wait3A_117 = tpu.memref_slice %arg4[%add3A, %dma_wait3A_114, %dma_wait3A_115, %dma_wait3A_116] : memref<32x5x128x128xf32, #tpu.memory_space<hbm>> -> memref<1x1x128x128xf32, #tpu.memory_space<hbm>>
    %dma_wait3A_118 = tpu.memref_squeeze %dma_wait3A_117 : memref<1x1x128x128xf32, #tpu.memory_space<hbm>> -> memref<128x128xf32, #tpu.memory_space<hbm>>
    %dma_wait3A_119 = arith.constant 0 : i32
    %dma_wait3A_120 = arith.constant 0 : i32
    %dma_wait3A_121 = tpu.memref_slice %arg4[%add3A, %dma_wait3A_114, %dma_wait3A_119, %dma_wait3A_120] : memref<32x5x128x128xf32, #tpu.memory_space<hbm>> -> memref<1x1x128x128xf32, #tpu.memory_space<hbm>>
    %dma_wait3A_122 = tpu.memref_squeeze %dma_wait3A_121 : memref<1x1x128x128xf32, #tpu.memory_space<hbm>> -> memref<128x128xf32, #tpu.memory_space<hbm>>
    tpu.wait_dma2 semaphore(%arg16 : memref<!tpu.dma_semaphore, #tpu.memory_space<semaphore_mem>>) src(%arg6 : memref<128x128xf32, #tpu.memory_space<vmem>>) dst(%dma_wait3A_122 : memref<128x128xf32, #tpu.memory_space<hbm>>)
    %dma_wait3A_123 = arith.constant 1 : i32
    %dma_wait3A_124 = arith.constant 0 : i32
    %dma_wait3A_125 = arith.constant 0 : i32
    %dma_wait3A_126 = tpu.memref_slice %arg4[%add3A, %dma_wait3A_123, %dma_wait3A_124, %dma_wait3A_125] : memref<32x5x128x128xf32, #tpu.memory_space<hbm>> -> memref<1x1x128x128xf32, #tpu.memory_space<hbm>>
    %dma_wait3A_127 = tpu.memref_squeeze %dma_wait3A_126 : memref<1x1x128x128xf32, #tpu.memory_space<hbm>> -> memref<128x128xf32, #tpu.memory_space<hbm>>
    %dma_wait3A_128 = arith.constant 0 : i32
    %dma_wait3A_129 = arith.constant 0 : i32
    %dma_wait3A_130 = tpu.memref_slice %arg4[%add3A, %dma_wait3A_123, %dma_wait3A_128, %dma_wait3A_129] : memref<32x5x128x128xf32, #tpu.memory_space<hbm>> -> memref<1x1x128x128xf32, #tpu.memory_space<hbm>>
    %dma_wait3A_131 = tpu.memref_squeeze %dma_wait3A_130 : memref<1x1x128x128xf32, #tpu.memory_space<hbm>> -> memref<128x128xf32, #tpu.memory_space<hbm>>
    tpu.wait_dma2 semaphore(%arg17 : memref<!tpu.dma_semaphore, #tpu.memory_space<semaphore_mem>>) src(%arg7 : memref<128x128xf32, #tpu.memory_space<vmem>>) dst(%dma_wait3A_131 : memref<128x128xf32, #tpu.memory_space<hbm>>)
    %dma_wait3A_132 = arith.constant 2 : i32
    %dma_wait3A_133 = arith.constant 0 : i32
    %dma_wait3A_134 = arith.constant 0 : i32
    %dma_wait3A_135 = tpu.memref_slice %arg4[%add3A, %dma_wait3A_132, %dma_wait3A_133, %dma_wait3A_134] : memref<32x5x128x128xf32, #tpu.memory_space<hbm>> -> memref<1x1x128x128xf32, #tpu.memory_space<hbm>>
    %dma_wait3A_136 = tpu.memref_squeeze %dma_wait3A_135 : memref<1x1x128x128xf32, #tpu.memory_space<hbm>> -> memref<128x128xf32, #tpu.memory_space<hbm>>
    %dma_wait3A_137 = arith.constant 0 : i32
    %dma_wait3A_138 = arith.constant 0 : i32
    %dma_wait3A_139 = tpu.memref_slice %arg4[%add3A, %dma_wait3A_132, %dma_wait3A_137, %dma_wait3A_138] : memref<32x5x128x128xf32, #tpu.memory_space<hbm>> -> memref<1x1x128x128xf32, #tpu.memory_space<hbm>>
    %dma_wait3A_140 = tpu.memref_squeeze %dma_wait3A_139 : memref<1x1x128x128xf32, #tpu.memory_space<hbm>> -> memref<128x128xf32, #tpu.memory_space<hbm>>
    tpu.wait_dma2 semaphore(%arg18 : memref<!tpu.dma_semaphore, #tpu.memory_space<semaphore_mem>>) src(%arg8 : memref<128x128xf32, #tpu.memory_space<vmem>>) dst(%dma_wait3A_140 : memref<128x128xf32, #tpu.memory_space<hbm>>)
    %dma_wait3A_141 = arith.constant 3 : i32
    %dma_wait3A_142 = arith.constant 0 : i32
    %dma_wait3A_143 = arith.constant 0 : i32
    %dma_wait3A_144 = tpu.memref_slice %arg4[%add3A, %dma_wait3A_141, %dma_wait3A_142, %dma_wait3A_143] : memref<32x5x128x128xf32, #tpu.memory_space<hbm>> -> memref<1x1x128x128xf32, #tpu.memory_space<hbm>>
    %dma_wait3A_145 = tpu.memref_squeeze %dma_wait3A_144 : memref<1x1x128x128xf32, #tpu.memory_space<hbm>> -> memref<128x128xf32, #tpu.memory_space<hbm>>
    %dma_wait3A_146 = arith.constant 0 : i32
    %dma_wait3A_147 = arith.constant 0 : i32
    %dma_wait3A_148 = tpu.memref_slice %arg4[%add3A, %dma_wait3A_141, %dma_wait3A_146, %dma_wait3A_147] : memref<32x5x128x128xf32, #tpu.memory_space<hbm>> -> memref<1x1x128x128xf32, #tpu.memory_space<hbm>>
    %dma_wait3A_149 = tpu.memref_squeeze %dma_wait3A_148 : memref<1x1x128x128xf32, #tpu.memory_space<hbm>> -> memref<128x128xf32, #tpu.memory_space<hbm>>
    tpu.wait_dma2 semaphore(%arg19 : memref<!tpu.dma_semaphore, #tpu.memory_space<semaphore_mem>>) src(%arg9 : memref<128x128xf32, #tpu.memory_space<vmem>>) dst(%dma_wait3A_149 : memref<128x128xf32, #tpu.memory_space<hbm>>)
    %dma_wait3A_150 = arith.constant 4 : i32
    %dma_wait3A_151 = arith.constant 0 : i32
    %dma_wait3A_152 = arith.constant 0 : i32
    %dma_wait3A_153 = tpu.memref_slice %arg4[%add3A, %dma_wait3A_150, %dma_wait3A_151, %dma_wait3A_152] : memref<32x5x128x128xf32, #tpu.memory_space<hbm>> -> memref<1x1x128x128xf32, #tpu.memory_space<hbm>>
    %dma_wait3A_154 = tpu.memref_squeeze %dma_wait3A_153 : memref<1x1x128x128xf32, #tpu.memory_space<hbm>> -> memref<128x128xf32, #tpu.memory_space<hbm>>
    %dma_wait3A_155 = arith.constant 0 : i32
    %dma_wait3A_156 = arith.constant 0 : i32
    %dma_wait3A_157 = tpu.memref_slice %arg4[%add3A, %dma_wait3A_150, %dma_wait3A_155, %dma_wait3A_156] : memref<32x5x128x128xf32, #tpu.memory_space<hbm>> -> memref<1x1x128x128xf32, #tpu.memory_space<hbm>>
    %dma_wait3A_158 = tpu.memref_squeeze %dma_wait3A_157 : memref<1x1x128x128xf32, #tpu.memory_space<hbm>> -> memref<128x128xf32, #tpu.memory_space<hbm>>
    tpu.wait_dma2 semaphore(%arg20 : memref<!tpu.dma_semaphore, #tpu.memory_space<semaphore_mem>>) src(%arg10 : memref<128x128xf32, #tpu.memory_space<vmem>>) dst(%dma_wait3A_158 : memref<128x128xf32, #tpu.memory_space<hbm>>)
    return
  }
}

#map = affine_map<(d0, d1) -> (0, 0)>
#map1 = affine_map<(d0, d1) -> (0, 0, 0)>
#map2 = affine_map<(d0, d1) -> (0, 0, 0, 0)>
module attributes {stable_mosaic.version = 14 : i64} {
  func.func @gather(%arg0: i32, %arg1: i32, %arg2: memref<10000x128xf32, #tpu.memory_space<hbm>>, %arg3: memref<32x5x128xi32, #tpu.memory_space<hbm>>, %arg4: memref<32x5x128x128xf32, #tpu.memory_space<hbm>>, %arg5: memref<5x128xi32, #tpu.memory_space<vmem>>, %arg6: memref<128x128xf32, #tpu.memory_space<vmem>>, %arg7: memref<128x128xf32, #tpu.memory_space<vmem>>, %arg8: memref<128x128xf32, #tpu.memory_space<vmem>>, %arg9: memref<128x128xf32, #tpu.memory_space<vmem>>, %arg10: memref<128x128xf32, #tpu.memory_space<vmem>>, %arg11: memref<!tpu.dma_semaphore, #tpu.memory_space<semaphore_mem>>, %arg12: memref<!tpu.dma_semaphore, #tpu.memory_space<semaphore_mem>>, %arg13: memref<!tpu.dma_semaphore, #tpu.memory_space<semaphore_mem>>, %arg14: memref<!tpu.dma_semaphore, #tpu.memory_space<semaphore_mem>>, %arg15: memref<!tpu.dma_semaphore, #tpu.memory_space<semaphore_mem>>, %arg16: memref<!tpu.dma_semaphore, #tpu.memory_space<semaphore_mem>>, %arg17: memref<!tpu.dma_semaphore, #tpu.memory_space<semaphore_mem>>, %arg18: memref<!tpu.dma_semaphore, #tpu.memory_space<semaphore_mem>>, %arg19: memref<!tpu.dma_semaphore, #tpu.memory_space<semaphore_mem>>, %arg20: memref<!tpu.dma_semaphore, #tpu.memory_space<semaphore_mem>>) attributes {dimension_semantics = [#tpu.dimension_semantics<core_parallel>, #tpu.dimension_semantics<subcore_parallel>], iteration_bounds = array<i64: 2, 16>, scalar_prefetch = 0 : i64, scratch_operands = 16 : i64, tpu.core_type = #tpu.core_type<sc_vector_subcore>, window_params = [{transform_indices = #map}, {transform_indices = #map1}, {transform_indices = #map2}]} {
    %mul3A = arith.constant 2 : i32
    %mul3A_0 = arith.muli %arg1, %mul3A : i32
    %add3A = arith.addi %mul3A_0, %arg0 : i32
    "tpu.region"() ({
      %run_scoped3A = tpu.sem_alloc : memref<!tpu.dma_semaphore, #tpu.memory_space<semaphore_mem>>
      %dma_start3A_159 = arith.constant 0 : i32
      %dma_start3A_160 = arith.constant 0 : i32
      %dma_start3A_161 = tpu.memref_slice %arg3[%add3A, %dma_start3A_159, %dma_start3A_160] : memref<32x5x128xi32, #tpu.memory_space<hbm>> -> memref<1x5x128xi32, #tpu.memory_space<hbm>>
      %dma_start3A_162 = tpu.memref_squeeze %dma_start3A_161 : memref<1x5x128xi32, #tpu.memory_space<hbm>> -> memref<5x128xi32, #tpu.memory_space<hbm>>
      %dma_start3A_163 = arith.constant 0 : i32
      %dma_start3A_164 = arith.constant 0 : i32
      %dma_start3A_165 = tpu.memref_slice %arg3[%add3A, %dma_start3A_163, %dma_start3A_164] : memref<32x5x128xi32, #tpu.memory_space<hbm>> -> memref<1x5x128xi32, #tpu.memory_space<hbm>>
      %dma_start3A_166 = tpu.memref_squeeze %dma_start3A_165 : memref<1x5x128xi32, #tpu.memory_space<hbm>> -> memref<5x128xi32, #tpu.memory_space<hbm>>
      tpu.enqueue_dma source(%dma_start3A_166 : memref<5x128xi32, #tpu.memory_space<hbm>>) target(%arg5 : memref<5x128xi32, #tpu.memory_space<vmem>>) target_semaphore(%run_scoped3A : memref<!tpu.dma_semaphore, #tpu.memory_space<semaphore_mem>>)
      %dma_wait3A_167 = arith.constant 0 : i32
      %dma_wait3A_168 = arith.constant 0 : i32
      %dma_wait3A_169 = tpu.memref_slice %arg3[%add3A, %dma_wait3A_167, %dma_wait3A_168] : memref<32x5x128xi32, #tpu.memory_space<hbm>> -> memref<1x5x128xi32, #tpu.memory_space<hbm>>
      %dma_wait3A_170 = tpu.memref_squeeze %dma_wait3A_169 : memref<1x5x128xi32, #tpu.memory_space<hbm>> -> memref<5x128xi32, #tpu.memory_space<hbm>>
      %dma_wait3A_171 = arith.constant 0 : i32
      %dma_wait3A_172 = arith.constant 0 : i32
      %dma_wait3A_173 = tpu.memref_slice %arg3[%add3A, %dma_wait3A_171, %dma_wait3A_172] : memref<32x5x128xi32, #tpu.memory_space<hbm>> -> memref<1x5x128xi32, #tpu.memory_space<hbm>>
      %dma_wait3A_174 = tpu.memref_squeeze %dma_wait3A_173 : memref<1x5x128xi32, #tpu.memory_space<hbm>> -> memref<5x128xi32, #tpu.memory_space<hbm>>
      tpu.wait_dma2 semaphore(%run_scoped3A : memref<!tpu.dma_semaphore, #tpu.memory_space<semaphore_mem>>) src(%dma_wait3A_174 : memref<5x128xi32, #tpu.memory_space<hbm>>) dst(%arg5 : memref<5x128xi32, #tpu.memory_space<vmem>>)
      tpu.yield
    }) : () -> ()
    %dma_start3A = arith.constant 0 : i32
    %dma_start3A_1 = arith.constant 0 : i32
    %dma_start3A_2 = tpu.memref_slice %arg5[%dma_start3A, %dma_start3A_1] : memref<5x128xi32, #tpu.memory_space<vmem>> -> memref<1x128xi32, #tpu.memory_space<vmem>>
    %dma_start3A_3 = tpu.memref_squeeze %dma_start3A_2 : memref<1x128xi32, #tpu.memory_space<vmem>> -> memref<128xi32, #tpu.memory_space<vmem>>
    %dma_start3A_4 = arith.constant 0 : i32
    %dma_start3A_5 = arith.constant 0 : i32
    %dma_start3A_6 = tpu.memref_slice %arg2[%dma_start3A_4, %dma_start3A_5] : memref<10000x128xf32, #tpu.memory_space<hbm>> -> memref<10000x128xf32, #tpu.memory_space<hbm>>
    tpu.enqueue_indirect_dma source(%dma_start3A_6 : memref<10000x128xf32, #tpu.memory_space<hbm>>) target(%arg6 : memref<128x128xf32, #tpu.memory_space<vmem>>) offsets(%dma_start3A_3 : memref<128xi32, #tpu.memory_space<vmem>>) semaphore(%arg11 : memref<!tpu.dma_semaphore, #tpu.memory_space<semaphore_mem>>)
    %dma_start3A_7 = arith.constant 1 : i32
    %dma_start3A_8 = arith.constant 0 : i32
    %dma_start3A_9 = tpu.memref_slice %arg5[%dma_start3A_7, %dma_start3A_8] : memref<5x128xi32, #tpu.memory_space<vmem>> -> memref<1x128xi32, #tpu.memory_space<vmem>>
    %dma_start3A_10 = tpu.memref_squeeze %dma_start3A_9 : memref<1x128xi32, #tpu.memory_space<vmem>> -> memref<128xi32, #tpu.memory_space<vmem>>
    %dma_start3A_11 = arith.constant 0 : i32
    %dma_start3A_12 = arith.constant 0 : i32
    %dma_start3A_13 = tpu.memref_slice %arg2[%dma_start3A_11, %dma_start3A_12] : memref<10000x128xf32, #tpu.memory_space<hbm>> -> memref<10000x128xf32, #tpu.memory_space<hbm>>
    tpu.enqueue_indirect_dma source(%dma_start3A_13 : memref<10000x128xf32, #tpu.memory_space<hbm>>) target(%arg7 : memref<128x128xf32, #tpu.memory_space<vmem>>) offsets(%dma_start3A_10 : memref<128xi32, #tpu.memory_space<vmem>>) semaphore(%arg12 : memref<!tpu.dma_semaphore, #tpu.memory_space<semaphore_mem>>)
    %dma_start3A_14 = arith.constant 2 : i32
    %dma_start3A_15 = arith.constant 0 : i32
    %dma_start3A_16 = tpu.memref_slice %arg5[%dma_start3A_14, %dma_start3A_15] : memref<5x128xi32, #tpu.memory_space<vmem>> -> memref<1x128xi32, #tpu.memory_space<vmem>>
    %dma_start3A_17 = tpu.memref_squeeze %dma_start3A_16 : memref<1x128xi32, #tpu.memory_space<vmem>> -> memref<128xi32, #tpu.memory_space<vmem>>
    %dma_start3A_18 = arith.constant 0 : i32
    %dma_start3A_19 = arith.constant 0 : i32
    %dma_start3A_20 = tpu.memref_slice %arg2[%dma_start3A_18, %dma_start3A_19] : memref<10000x128xf32, #tpu.memory_space<hbm>> -> memref<10000x128xf32, #tpu.memory_space<hbm>>
    tpu.enqueue_indirect_dma source(%dma_start3A_20 : memref<10000x128xf32, #tpu.memory_space<hbm>>) target(%arg8 : memref<128x128xf32, #tpu.memory_space<vmem>>) offsets(%dma_start3A_17 : memref<128xi32, #tpu.memory_space<vmem>>) semaphore(%arg13 : memref<!tpu.dma_semaphore, #tpu.memory_space<semaphore_mem>>)
    %dma_start3A_21 = arith.constant 3 : i32
    %dma_start3A_22 = arith.constant 0 : i32
    %dma_start3A_23 = tpu.memref_slice %arg5[%dma_start3A_21, %dma_start3A_22] : memref<5x128xi32, #tpu.memory_space<vmem>> -> memref<1x128xi32, #tpu.memory_space<vmem>>
    %dma_start3A_24 = tpu.memref_squeeze %dma_start3A_23 : memref<1x128xi32, #tpu.memory_space<vmem>> -> memref<128xi32, #tpu.memory_space<vmem>>
    %dma_start3A_25 = arith.constant 0 : i32
    %dma_start3A_26 = arith.constant 0 : i32
    %dma_start3A_27 = tpu.memref_slice %arg2[%dma_start3A_25, %dma_start3A_26] : memref<10000x128xf32, #tpu.memory_space<hbm>> -> memref<10000x128xf32, #tpu.memory_space<hbm>>
    tpu.enqueue_indirect_dma source(%dma_start3A_27 : memref<10000x128xf32, #tpu.memory_space<hbm>>) target(%arg9 : memref<128x128xf32, #tpu.memory_space<vmem>>) offsets(%dma_start3A_24 : memref<128xi32, #tpu.memory_space<vmem>>) semaphore(%arg14 : memref<!tpu.dma_semaphore, #tpu.memory_space<semaphore_mem>>)
    %dma_start3A_28 = arith.constant 4 : i32
    %dma_start3A_29 = arith.constant 0 : i32
    %dma_start3A_30 = tpu.memref_slice %arg5[%dma_start3A_28, %dma_start3A_29] : memref<5x128xi32, #tpu.memory_space<vmem>> -> memref<1x128xi32, #tpu.memory_space<vmem>>
    %dma_start3A_31 = tpu.memref_squeeze %dma_start3A_30 : memref<1x128xi32, #tpu.memory_space<vmem>> -> memref<128xi32, #tpu.memory_space<vmem>>
    %dma_start3A_32 = arith.constant 0 : i32
    %dma_start3A_33 = arith.constant 0 : i32
    %dma_start3A_34 = tpu.memref_slice %arg2[%dma_start3A_32, %dma_start3A_33] : memref<10000x128xf32, #tpu.memory_space<hbm>> -> memref<10000x128xf32, #tpu.memory_space<hbm>>
    tpu.enqueue_indirect_dma source(%dma_start3A_34 : memref<10000x128xf32, #tpu.memory_space<hbm>>) target(%arg10 : memref<128x128xf32, #tpu.memory_space<vmem>>) offsets(%dma_start3A_31 : memref<128xi32, #tpu.memory_space<vmem>>) semaphore(%arg15 : memref<!tpu.dma_semaphore, #tpu.memory_space<semaphore_mem>>)
    %dma_wait3A = arith.constant 0 : i32
    %dma_wait3A_35 = arith.constant 0 : i32
    %dma_wait3A_36 = tpu.memref_slice %arg5[%dma_wait3A, %dma_wait3A_35] : memref<5x128xi32, #tpu.memory_space<vmem>> -> memref<1x128xi32, #tpu.memory_space<vmem>>
    %dma_wait3A_37 = tpu.memref_squeeze %dma_wait3A_36 : memref<1x128xi32, #tpu.memory_space<vmem>> -> memref<128xi32, #tpu.memory_space<vmem>>
    %dma_wait3A_38 = arith.constant 0 : i32
    %dma_wait3A_39 = arith.constant 0 : i32
    %dma_wait3A_40 = tpu.memref_slice %arg2[%dma_wait3A_38, %dma_wait3A_39] : memref<10000x128xf32, #tpu.memory_space<hbm>> -> memref<10000x128xf32, #tpu.memory_space<hbm>>
    tpu.wait_indirect_dma semaphore(%arg11 : memref<!tpu.dma_semaphore, #tpu.memory_space<semaphore_mem>>) src(%dma_wait3A_40 : memref<10000x128xf32, #tpu.memory_space<hbm>>) dst(%arg6 : memref<128x128xf32, #tpu.memory_space<vmem>>)
    %dma_start3A_41 = arith.constant 0 : i32
    %dma_start3A_42 = arith.constant 0 : i32
    %dma_start3A_43 = arith.constant 0 : i32
    %dma_start3A_44 = tpu.memref_slice %arg4[%add3A, %dma_start3A_41, %dma_start3A_42, %dma_start3A_43] : memref<32x5x128x128xf32, #tpu.memory_space<hbm>> -> memref<1x1x128x128xf32, #tpu.memory_space<hbm>>
    %dma_start3A_45 = tpu.memref_squeeze %dma_start3A_44 : memref<1x1x128x128xf32, #tpu.memory_space<hbm>> -> memref<128x128xf32, #tpu.memory_space<hbm>>
    %dma_start3A_46 = arith.constant 0 : i32
    %dma_start3A_47 = arith.constant 0 : i32
    %dma_start3A_48 = tpu.memref_slice %arg4[%add3A, %dma_start3A_41, %dma_start3A_46, %dma_start3A_47] : memref<32x5x128x128xf32, #tpu.memory_space<hbm>> -> memref<1x1x128x128xf32, #tpu.memory_space<hbm>>
    %dma_start3A_49 = tpu.memref_squeeze %dma_start3A_48 : memref<1x1x128x128xf32, #tpu.memory_space<hbm>> -> memref<128x128xf32, #tpu.memory_space<hbm>>
    tpu.enqueue_dma source(%arg6 : memref<128x128xf32, #tpu.memory_space<vmem>>) target(%dma_start3A_49 : memref<128x128xf32, #tpu.memory_space<hbm>>) target_semaphore(%arg16 : memref<!tpu.dma_semaphore, #tpu.memory_space<semaphore_mem>>)
    %dma_wait3A_50 = arith.constant 1 : i32
    %dma_wait3A_51 = arith.constant 0 : i32
    %dma_wait3A_52 = tpu.memref_slice %arg5[%dma_wait3A_50, %dma_wait3A_51] : memref<5x128xi32, #tpu.memory_space<vmem>> -> memref<1x128xi32, #tpu.memory_space<vmem>>
    %dma_wait3A_53 = tpu.memref_squeeze %dma_wait3A_52 : memref<1x128xi32, #tpu.memory_space<vmem>> -> memref<128xi32, #tpu.memory_space<vmem>>
    %dma_wait3A_54 = arith.constant 0 : i32
    %dma_wait3A_55 = arith.constant 0 : i32
    %dma_wait3A_56 = tpu.memref_slice %arg2[%dma_wait3A_54, %dma_wait3A_55] : memref<10000x128xf32, #tpu.memory_space<hbm>> -> memref<10000x128xf32, #tpu.memory_space<hbm>>
    tpu.wait_indirect_dma semaphore(%arg12 : memref<!tpu.dma_semaphore, #tpu.memory_space<semaphore_mem>>) src(%dma_wait3A_56 : memref<10000x128xf32, #tpu.memory_space<hbm>>) dst(%arg7 : memref<128x128xf32, #tpu.memory_space<vmem>>)
    %dma_start3A_57 = arith.constant 1 : i32
    %dma_start3A_58 = arith.constant 0 : i32
    %dma_start3A_59 = arith.constant 0 : i32
    %dma_start3A_60 = tpu.memref_slice %arg4[%add3A, %dma_start3A_57, %dma_start3A_58, %dma_start3A_59] : memref<32x5x128x128xf32, #tpu.memory_space<hbm>> -> memref<1x1x128x128xf32, #tpu.memory_space<hbm>>
    %dma_start3A_61 = tpu.memref_squeeze %dma_start3A_60 : memref<1x1x128x128xf32, #tpu.memory_space<hbm>> -> memref<128x128xf32, #tpu.memory_space<hbm>>
    %dma_start3A_62 = arith.constant 0 : i32
    %dma_start3A_63 = arith.constant 0 : i32
    %dma_start3A_64 = tpu.memref_slice %arg4[%add3A, %dma_start3A_57, %dma_start3A_62, %dma_start3A_63] : memref<32x5x128x128xf32, #tpu.memory_space<hbm>> -> memref<1x1x128x128xf32, #tpu.memory_space<hbm>>
    %dma_start3A_65 = tpu.memref_squeeze %dma_start3A_64 : memref<1x1x128x128xf32, #tpu.memory_space<hbm>> -> memref<128x128xf32, #tpu.memory_space<hbm>>
    tpu.enqueue_dma source(%arg7 : memref<128x128xf32, #tpu.memory_space<vmem>>) target(%dma_start3A_65 : memref<128x128xf32, #tpu.memory_space<hbm>>) target_semaphore(%arg17 : memref<!tpu.dma_semaphore, #tpu.memory_space<semaphore_mem>>)
    %dma_wait3A_66 = arith.constant 2 : i32
    %dma_wait3A_67 = arith.constant 0 : i32
    %dma_wait3A_68 = tpu.memref_slice %arg5[%dma_wait3A_66, %dma_wait3A_67] : memref<5x128xi32, #tpu.memory_space<vmem>> -> memref<1x128xi32, #tpu.memory_space<vmem>>
    %dma_wait3A_69 = tpu.memref_squeeze %dma_wait3A_68 : memref<1x128xi32, #tpu.memory_space<vmem>> -> memref<128xi32, #tpu.memory_space<vmem>>
    %dma_wait3A_70 = arith.constant 0 : i32
    %dma_wait3A_71 = arith.constant 0 : i32
    %dma_wait3A_72 = tpu.memref_slice %arg2[%dma_wait3A_70, %dma_wait3A_71] : memref<10000x128xf32, #tpu.memory_space<hbm>> -> memref<10000x128xf32, #tpu.memory_space<hbm>>
    tpu.wait_indirect_dma semaphore(%arg13 : memref<!tpu.dma_semaphore, #tpu.memory_space<semaphore_mem>>) src(%dma_wait3A_72 : memref<10000x128xf32, #tpu.memory_space<hbm>>) dst(%arg8 : memref<128x128xf32, #tpu.memory_space<vmem>>)
    %dma_start3A_73 = arith.constant 2 : i32
    %dma_start3A_74 = arith.constant 0 : i32
    %dma_start3A_75 = arith.constant 0 : i32
    %dma_start3A_76 = tpu.memref_slice %arg4[%add3A, %dma_start3A_73, %dma_start3A_74, %dma_start3A_75] : memref<32x5x128x128xf32, #tpu.memory_space<hbm>> -> memref<1x1x128x128xf32, #tpu.memory_space<hbm>>
    %dma_start3A_77 = tpu.memref_squeeze %dma_start3A_76 : memref<1x1x128x128xf32, #tpu.memory_space<hbm>> -> memref<128x128xf32, #tpu.memory_space<hbm>>
    %dma_start3A_78 = arith.constant 0 : i32
    %dma_start3A_79 = arith.constant 0 : i32
    %dma_start3A_80 = tpu.memref_slice %arg4[%add3A, %dma_start3A_73, %dma_start3A_78, %dma_start3A_79] : memref<32x5x128x128xf32, #tpu.memory_space<hbm>> -> memref<1x1x128x128xf32, #tpu.memory_space<hbm>>
    %dma_start3A_81 = tpu.memref_squeeze %dma_start3A_80 : memref<1x1x128x128xf32, #tpu.memory_space<hbm>> -> memref<128x128xf32, #tpu.memory_space<hbm>>
    tpu.enqueue_dma source(%arg8 : memref<128x128xf32, #tpu.memory_space<vmem>>) target(%dma_start3A_81 : memref<128x128xf32, #tpu.memory_space<hbm>>) target_semaphore(%arg18 : memref<!tpu.dma_semaphore, #tpu.memory_space<semaphore_mem>>)
    %dma_wait3A_82 = arith.constant 3 : i32
    %dma_wait3A_83 = arith.constant 0 : i32
    %dma_wait3A_84 = tpu.memref_slice %arg5[%dma_wait3A_82, %dma_wait3A_83] : memref<5x128xi32, #tpu.memory_space<vmem>> -> memref<1x128xi32, #tpu.memory_space<vmem>>
    %dma_wait3A_85 = tpu.memref_squeeze %dma_wait3A_84 : memref<1x128xi32, #tpu.memory_space<vmem>> -> memref<128xi32, #tpu.memory_space<vmem>>
    %dma_wait3A_86 = arith.constant 0 : i32
    %dma_wait3A_87 = arith.constant 0 : i32
    %dma_wait3A_88 = tpu.memref_slice %arg2[%dma_wait3A_86, %dma_wait3A_87] : memref<10000x128xf32, #tpu.memory_space<hbm>> -> memref<10000x128xf32, #tpu.memory_space<hbm>>
    tpu.wait_indirect_dma semaphore(%arg14 : memref<!tpu.dma_semaphore, #tpu.memory_space<semaphore_mem>>) src(%dma_wait3A_88 : memref<10000x128xf32, #tpu.memory_space<hbm>>) dst(%arg9 : memref<128x128xf32, #tpu.memory_space<vmem>>)
    %dma_start3A_89 = arith.constant 3 : i32
    %dma_start3A_90 = arith.constant 0 : i32
    %dma_start3A_91 = arith.constant 0 : i32
    %dma_start3A_92 = tpu.memref_slice %arg4[%add3A, %dma_start3A_89, %dma_start3A_90, %dma_start3A_91] : memref<32x5x128x128xf32, #tpu.memory_space<hbm>> -> memref<1x1x128x128xf32, #tpu.memory_space<hbm>>
    %dma_start3A_93 = tpu.memref_squeeze %dma_start3A_92 : memref<1x1x128x128xf32, #tpu.memory_space<hbm>> -> memref<128x128xf32, #tpu.memory_space<hbm>>
    %dma_start3A_94 = arith.constant 0 : i32
    %dma_start3A_95 = arith.constant 0 : i32
    %dma_start3A_96 = tpu.memref_slice %arg4[%add3A, %dma_start3A_89, %dma_start3A_94, %dma_start3A_95] : memref<32x5x128x128xf32, #tpu.memory_space<hbm>> -> memref<1x1x128x128xf32, #tpu.memory_space<hbm>>
    %dma_start3A_97 = tpu.memref_squeeze %dma_start3A_96 : memref<1x1x128x128xf32, #tpu.memory_space<hbm>> -> memref<128x128xf32, #tpu.memory_space<hbm>>
    tpu.enqueue_dma source(%arg9 : memref<128x128xf32, #tpu.memory_space<vmem>>) target(%dma_start3A_97 : memref<128x128xf32, #tpu.memory_space<hbm>>) target_semaphore(%arg19 : memref<!tpu.dma_semaphore, #tpu.memory_space<semaphore_mem>>)
    %dma_wait3A_98 = arith.constant 4 : i32
    %dma_wait3A_99 = arith.constant 0 : i32
    %dma_wait3A_100 = tpu.memref_slice %arg5[%dma_wait3A_98, %dma_wait3A_99] : memref<5x128xi32, #tpu.memory_space<vmem>> -> memref<1x128xi32, #tpu.memory_space<vmem>>
    %dma_wait3A_101 = tpu.memref_squeeze %dma_wait3A_100 : memref<1x128xi32, #tpu.memory_space<vmem>> -> memref<128xi32, #tpu.memory_space<vmem>>
    %dma_wait3A_102 = arith.constant 0 : i32
    %dma_wait3A_103 = arith.constant 0 : i32
    %dma_wait3A_104 = tpu.memref_slice %arg2[%dma_wait3A_102, %dma_wait3A_103] : memref<10000x128xf32, #tpu.memory_space<hbm>> -> memref<10000x128xf32, #tpu.memory_space<hbm>>
    tpu.wait_indirect_dma semaphore(%arg15 : memref<!tpu.dma_semaphore, #tpu.memory_space<semaphore_mem>>) src(%dma_wait3A_104 : memref<10000x128xf32, #tpu.memory_space<hbm>>) dst(%arg10 : memref<128x128xf32, #tpu.memory_space<vmem>>)
    %dma_start3A_105 = arith.constant 4 : i32
    %dma_start3A_106 = arith.constant 0 : i32
    %dma_start3A_107 = arith.constant 0 : i32
    %dma_start3A_108 = tpu.memref_slice %arg4[%add3A, %dma_start3A_105, %dma_start3A_106, %dma_start3A_107] : memref<32x5x128x128xf32, #tpu.memory_space<hbm>> -> memref<1x1x128x128xf32, #tpu.memory_space<hbm>>
    %dma_start3A_109 = tpu.memref_squeeze %dma_start3A_108 : memref<1x1x128x128xf32, #tpu.memory_space<hbm>> -> memref<128x128xf32, #tpu.memory_space<hbm>>
    %dma_start3A_110 = arith.constant 0 : i32
    %dma_start3A_111 = arith.constant 0 : i32
    %dma_start3A_112 = tpu.memref_slice %arg4[%add3A, %dma_start3A_105, %dma_start3A_110, %dma_start3A_111] : memref<32x5x128x128xf32, #tpu.memory_space<hbm>> -> memref<1x1x128x128xf32, #tpu.memory_space<hbm>>
    %dma_start3A_113 = tpu.memref_squeeze %dma_start3A_112 : memref<1x1x128x128xf32, #tpu.memory_space<hbm>> -> memref<128x128xf32, #tpu.memory_space<hbm>>
    tpu.enqueue_dma source(%arg10 : memref<128x128xf32, #tpu.memory_space<vmem>>) target(%dma_start3A_113 : memref<128x128xf32, #tpu.memory_space<hbm>>) target_semaphore(%arg20 : memref<!tpu.dma_semaphore, #tpu.memory_space<semaphore_mem>>)
    %dma_wait3A_114 = arith.constant 0 : i32
    %dma_wait3A_115 = arith.constant 0 : i32
    %dma_wait3A_116 = arith.constant 0 : i32
    %dma_wait3A_117 = tpu.memref_slice %arg4[%add3A, %dma_wait3A_114, %dma_wait3A_115, %dma_wait3A_116] : memref<32x5x128x128xf32, #tpu.memory_space<hbm>> -> memref<1x1x128x128xf32, #tpu.memory_space<hbm>>
    %dma_wait3A_118 = tpu.memref_squeeze %dma_wait3A_117 : memref<1x1x128x128xf32, #tpu.memory_space<hbm>> -> memref<128x128xf32, #tpu.memory_space<hbm>>
    %dma_wait3A_119 = arith.constant 0 : i32
    %dma_wait3A_120 = arith.constant 0 : i32
    %dma_wait3A_121 = tpu.memref_slice %arg4[%add3A, %dma_wait3A_114, %dma_wait3A_119, %dma_wait3A_120] : memref<32x5x128x128xf32, #tpu.memory_space<hbm>> -> memref<1x1x128x128xf32, #tpu.memory_space<hbm>>
    %dma_wait3A_122 = tpu.memref_squeeze %dma_wait3A_121 : memref<1x1x128x128xf32, #tpu.memory_space<hbm>> -> memref<128x128xf32, #tpu.memory_space<hbm>>
    tpu.wait_dma2 semaphore(%arg16 : memref<!tpu.dma_semaphore, #tpu.memory_space<semaphore_mem>>) src(%arg6 : memref<128x128xf32, #tpu.memory_space<vmem>>) dst(%dma_wait3A_122 : memref<128x128xf32, #tpu.memory_space<hbm>>)
    %dma_wait3A_123 = arith.constant 1 : i32
    %dma_wait3A_124 = arith.constant 0 : i32
    %dma_wait3A_125 = arith.constant 0 : i32
    %dma_wait3A_126 = tpu.memref_slice %arg4[%add3A, %dma_wait3A_123, %dma_wait3A_124, %dma_wait3A_125] : memref<32x5x128x128xf32, #tpu.memory_space<hbm>> -> memref<1x1x128x128xf32, #tpu.memory_space<hbm>>
    %dma_wait3A_127 = tpu.memref_squeeze %dma_wait3A_126 : memref<1x1x128x128xf32, #tpu.memory_space<hbm>> -> memref<128x128xf32, #tpu.memory_space<hbm>>
    %dma_wait3A_128 = arith.constant 0 : i32
    %dma_wait3A_129 = arith.constant 0 : i32
    %dma_wait3A_130 = tpu.memref_slice %arg4[%add3A, %dma_wait3A_123, %dma_wait3A_128, %dma_wait3A_129] : memref<32x5x128x128xf32, #tpu.memory_space<hbm>> -> memref<1x1x128x128xf32, #tpu.memory_space<hbm>>
    %dma_wait3A_131 = tpu.memref_squeeze %dma_wait3A_130 : memref<1x1x128x128xf32, #tpu.memory_space<hbm>> -> memref<128x128xf32, #tpu.memory_space<hbm>>
    tpu.wait_dma2 semaphore(%arg17 : memref<!tpu.dma_semaphore, #tpu.memory_space<semaphore_mem>>) src(%arg7 : memref<128x128xf32, #tpu.memory_space<vmem>>) dst(%dma_wait3A_131 : memref<128x128xf32, #tpu.memory_space<hbm>>)
    %dma_wait3A_132 = arith.constant 2 : i32
    %dma_wait3A_133 = arith.constant 0 : i32
    %dma_wait3A_134 = arith.constant 0 : i32
    %dma_wait3A_135 = tpu.memref_slice %arg4[%add3A, %dma_wait3A_132, %dma_wait3A_133, %dma_wait3A_134] : memref<32x5x128x128xf32, #tpu.memory_space<hbm>> -> memref<1x1x128x128xf32, #tpu.memory_space<hbm>>
    %dma_wait3A_136 = tpu.memref_squeeze %dma_wait3A_135 : memref<1x1x128x128xf32, #tpu.memory_space<hbm>> -> memref<128x128xf32, #tpu.memory_space<hbm>>
    %dma_wait3A_137 = arith.constant 0 : i32
    %dma_wait3A_138 = arith.constant 0 : i32
    %dma_wait3A_139 = tpu.memref_slice %arg4[%add3A, %dma_wait3A_132, %dma_wait3A_137, %dma_wait3A_138] : memref<32x5x128x128xf32, #tpu.memory_space<hbm>> -> memref<1x1x128x128xf32, #tpu.memory_space<hbm>>
    %dma_wait3A_140 = tpu.memref_squeeze %dma_wait3A_139 : memref<1x1x128x128xf32, #tpu.memory_space<hbm>> -> memref<128x128xf32, #tpu.memory_space<hbm>>
    tpu.wait_dma2 semaphore(%arg18 : memref<!tpu.dma_semaphore, #tpu.memory_space<semaphore_mem>>) src(%arg8 : memref<128x128xf32, #tpu.memory_space<vmem>>) dst(%dma_wait3A_140 : memref<128x128xf32, #tpu.memory_space<hbm>>)
    %dma_wait3A_141 = arith.constant 3 : i32
    %dma_wait3A_142 = arith.constant 0 : i32
    %dma_wait3A_143 = arith.constant 0 : i32
    %dma_wait3A_144 = tpu.memref_slice %arg4[%add3A, %dma_wait3A_141, %dma_wait3A_142, %dma_wait3A_143] : memref<32x5x128x128xf32, #tpu.memory_space<hbm>> -> memref<1x1x128x128xf32, #tpu.memory_space<hbm>>
    %dma_wait3A_145 = tpu.memref_squeeze %dma_wait3A_144 : memref<1x1x128x128xf32, #tpu.memory_space<hbm>> -> memref<128x128xf32, #tpu.memory_space<hbm>>
    %dma_wait3A_146 = arith.constant 0 : i32
    %dma_wait3A_147 = arith.constant 0 : i32
    %dma_wait3A_148 = tpu.memref_slice %arg4[%add3A, %dma_wait3A_141, %dma_wait3A_146, %dma_wait3A_147] : memref<32x5x128x128xf32, #tpu.memory_space<hbm>> -> memref<1x1x128x128xf32, #tpu.memory_space<hbm>>
    %dma_wait3A_149 = tpu.memref_squeeze %dma_wait3A_148 : memref<1x1x128x128xf32, #tpu.memory_space<hbm>> -> memref<128x128xf32, #tpu.memory_space<hbm>>
    tpu.wait_dma2 semaphore(%arg19 : memref<!tpu.dma_semaphore, #tpu.memory_space<semaphore_mem>>) src(%arg9 : memref<128x128xf32, #tpu.memory_space<vmem>>) dst(%dma_wait3A_149 : memref<128x128xf32, #tpu.memory_space<hbm>>)
    %dma_wait3A_150 = arith.constant 4 : i32
    %dma_wait3A_151 = arith.constant 0 : i32
    %dma_wait3A_152 = arith.constant 0 : i32
    %dma_wait3A_153 = tpu.memref_slice %arg4[%add3A, %dma_wait3A_150, %dma_wait3A_151, %dma_wait3A_152] : memref<32x5x128x128xf32, #tpu.memory_space<hbm>> -> memref<1x1x128x128xf32, #tpu.memory_space<hbm>>
    %dma_wait3A_154 = tpu.memref_squeeze %dma_wait3A_153 : memref<1x1x128x128xf32, #tpu.memory_space<hbm>> -> memref<128x128xf32, #tpu.memory_space<hbm>>
    %dma_wait3A_155 = arith.constant 0 : i32
    %dma_wait3A_156 = arith.constant 0 : i32
    %dma_wait3A_157 = tpu.memref_slice %arg4[%add3A, %dma_wait3A_150, %dma_wait3A_155, %dma_wait3A_156] : memref<32x5x128x128xf32, #tpu.memory_space<hbm>> -> memref<1x1x128x128xf32, #tpu.memory_space<hbm>>
    %dma_wait3A_158 = tpu.memref_squeeze %dma_wait3A_157 : memref<1x1x128x128xf32, #tpu.memory_space<hbm>> -> memref<128x128xf32, #tpu.memory_space<hbm>>
    tpu.wait_dma2 semaphore(%arg20 : memref<!tpu.dma_semaphore, #tpu.memory_space<semaphore_mem>>) src(%arg10 : memref<128x128xf32, #tpu.memory_space<vmem>>) dst(%dma_wait3A_158 : memref<128x128xf32, #tpu.memory_space<hbm>>)
    return
  }
}

#map = affine_map<(d0, d1) -> (0, 0, 0, 0)>
#map1 = affine_map<(d0, d1) -> (0, 0, 0)>
#map2 = affine_map<(d0, d1) -> (0, 0)>
module attributes {stable_mosaic.version = 14 : i64} {
  func.func @scatter(%arg0: i32, %arg1: i32, %arg2: memref<32x5x128x128xf32, #tpu.memory_space<hbm>>, %arg3: memref<32x5x128x128xf32, #tpu.memory_space<hbm>>, %arg4: memref<32x5x128x128xf32, #tpu.memory_space<hbm>>, %arg5: memref<32x5x128x128xf32, #tpu.memory_space<hbm>>, %arg6: memref<32x20x128xi32, #tpu.memory_space<hbm>>, %arg7: memref<640x128xf32, #tpu.memory_space<hbm>>, %arg8: memref<2x10240x128xf32, #tpu.memory_space<hbm>>, %arg9: memref<20x128xi32, #tpu.memory_space<vmem>>, %arg10: memref<128x128xf32, #tpu.memory_space<vmem>>, %arg11: memref<128x128xf32, #tpu.memory_space<vmem>>, %arg12: memref<10240x128xf32, #tpu.memory_space<vmem_shared>>, %arg13: memref<!tpu.dma_semaphore, #tpu.memory_space<semaphore_mem>>, %arg14: memref<!tpu.dma_semaphore, #tpu.memory_space<semaphore_mem>>, %arg15: memref<!tpu.dma_semaphore, #tpu.memory_space<semaphore_mem>>, %arg16: memref<!tpu.dma_semaphore, #tpu.memory_space<semaphore_mem>>) attributes {dimension_semantics = [#tpu.dimension_semantics<core_parallel>, #tpu.dimension_semantics<subcore_parallel>], iteration_bounds = array<i64: 2, 16>, scalar_prefetch = 0 : i64, scratch_operands = 8 : i64, tpu.core_type = #tpu.core_type<sc_vector_subcore>, window_params = [{transform_indices = #map}, {transform_indices = #map}, {transform_indices = #map}, {transform_indices = #map}, {transform_indices = #map1}, {transform_indices = #map2}, {transform_indices = #map1}]} {
    %mul3A = arith.constant 2 : i32
    %mul3A_0 = arith.muli %arg1, %mul3A : i32
    %add3A = arith.addi %mul3A_0, %arg0 : i32
    %mul3A_1 = arith.constant 640 : i32
    %mul3A_2 = arith.muli %arg1, %mul3A_1 : i32
    %dma_start3A = arith.constant 0 : i32
    %dma_start3A_3 = arith.constant 0 : i32
    %dma_start3A_4 = arith.constant 0 : i32
    %dma_start3A_5 = tpu.memref_slice %arg2[%add3A, %dma_start3A, %dma_start3A_3, %dma_start3A_4] : memref<32x5x128x128xf32, #tpu.memory_space<hbm>> -> memref<1x1x128x128xf32, #tpu.memory_space<hbm>>
    %dma_start3A_6 = tpu.memref_squeeze %dma_start3A_5 : memref<1x1x128x128xf32, #tpu.memory_space<hbm>> -> memref<128x128xf32, #tpu.memory_space<hbm>>
    %dma_start3A_7 = arith.constant 0 : i32
    %dma_start3A_8 = arith.constant 0 : i32
    %dma_start3A_9 = tpu.memref_slice %arg2[%add3A, %dma_start3A, %dma_start3A_7, %dma_start3A_8] : memref<32x5x128x128xf32, #tpu.memory_space<hbm>> -> memref<1x1x128x128xf32, #tpu.memory_space<hbm>>
    %dma_start3A_10 = tpu.memref_squeeze %dma_start3A_9 : memref<1x1x128x128xf32, #tpu.memory_space<hbm>> -> memref<128x128xf32, #tpu.memory_space<hbm>>
    tpu.enqueue_dma source(%dma_start3A_10 : memref<128x128xf32, #tpu.memory_space<hbm>>) target(%arg10 : memref<128x128xf32, #tpu.memory_space<vmem>>) target_semaphore(%arg13 : memref<!tpu.dma_semaphore, #tpu.memory_space<semaphore_mem>>)
    %dma_start3A_11 = arith.constant 1 : i32
    %dma_start3A_12 = arith.constant 0 : i32
    %dma_start3A_13 = arith.constant 0 : i32
    %dma_start3A_14 = tpu.memref_slice %arg2[%add3A, %dma_start3A_11, %dma_start3A_12, %dma_start3A_13] : memref<32x5x128x128xf32, #tpu.memory_space<hbm>> -> memref<1x1x128x128xf32, #tpu.memory_space<hbm>>
    %dma_start3A_15 = tpu.memref_squeeze %dma_start3A_14 : memref<1x1x128x128xf32, #tpu.memory_space<hbm>> -> memref<128x128xf32, #tpu.memory_space<hbm>>
    %dma_start3A_16 = arith.constant 0 : i32
    %dma_start3A_17 = arith.constant 0 : i32
    %dma_start3A_18 = tpu.memref_slice %arg2[%add3A, %dma_start3A_11, %dma_start3A_16, %dma_start3A_17] : memref<32x5x128x128xf32, #tpu.memory_space<hbm>> -> memref<1x1x128x128xf32, #tpu.memory_space<hbm>>
    %dma_start3A_19 = tpu.memref_squeeze %dma_start3A_18 : memref<1x1x128x128xf32, #tpu.memory_space<hbm>> -> memref<128x128xf32, #tpu.memory_space<hbm>>
    tpu.enqueue_dma source(%dma_start3A_19 : memref<128x128xf32, #tpu.memory_space<hbm>>) target(%arg11 : memref<128x128xf32, #tpu.memory_space<vmem>>) target_semaphore(%arg14 : memref<!tpu.dma_semaphore, #tpu.memory_space<semaphore_mem>>)
    "tpu.region"() ({
      %run_scoped3A = tpu.sem_alloc : memref<!tpu.dma_semaphore, #tpu.memory_space<semaphore_mem>>
      %dma_start3A_642 = arith.constant 0 : i32
      %dma_start3A_643 = arith.constant 0 : i32
      %dma_start3A_644 = tpu.memref_slice %arg6[%add3A, %dma_start3A_642, %dma_start3A_643] : memref<32x20x128xi32, #tpu.memory_space<hbm>> -> memref<1x20x128xi32, #tpu.memory_space<hbm>>
      %dma_start3A_645 = tpu.memref_squeeze %dma_start3A_644 : memref<1x20x128xi32, #tpu.memory_space<hbm>> -> memref<20x128xi32, #tpu.memory_space<hbm>>
      %dma_start3A_646 = arith.constant 0 : i32
      %dma_start3A_647 = arith.constant 0 : i32
      %dma_start3A_648 = tpu.memref_slice %arg6[%add3A, %dma_start3A_646, %dma_start3A_647] : memref<32x20x128xi32, #tpu.memory_space<hbm>> -> memref<1x20x128xi32, #tpu.memory_space<hbm>>
      %dma_start3A_649 = tpu.memref_squeeze %dma_start3A_648 : memref<1x20x128xi32, #tpu.memory_space<hbm>> -> memref<20x128xi32, #tpu.memory_space<hbm>>
      tpu.enqueue_dma source(%dma_start3A_649 : memref<20x128xi32, #tpu.memory_space<hbm>>) target(%arg9 : memref<20x128xi32, #tpu.memory_space<vmem>>) target_semaphore(%run_scoped3A : memref<!tpu.dma_semaphore, #tpu.memory_space<semaphore_mem>>)
      %dma_wait3A_650 = arith.constant 0 : i32
      %dma_wait3A_651 = arith.constant 0 : i32
      %dma_wait3A_652 = tpu.memref_slice %arg6[%add3A, %dma_wait3A_650, %dma_wait3A_651] : memref<32x20x128xi32, #tpu.memory_space<hbm>> -> memref<1x20x128xi32, #tpu.memory_space<hbm>>
      %dma_wait3A_653 = tpu.memref_squeeze %dma_wait3A_652 : memref<1x20x128xi32, #tpu.memory_space<hbm>> -> memref<20x128xi32, #tpu.memory_space<hbm>>
      %dma_wait3A_654 = arith.constant 0 : i32
      %dma_wait3A_655 = arith.constant 0 : i32
      %dma_wait3A_656 = tpu.memref_slice %arg6[%add3A, %dma_wait3A_654, %dma_wait3A_655] : memref<32x20x128xi32, #tpu.memory_space<hbm>> -> memref<1x20x128xi32, #tpu.memory_space<hbm>>
      %dma_wait3A_657 = tpu.memref_squeeze %dma_wait3A_656 : memref<1x20x128xi32, #tpu.memory_space<hbm>> -> memref<20x128xi32, #tpu.memory_space<hbm>>
      tpu.wait_dma2 semaphore(%run_scoped3A : memref<!tpu.dma_semaphore, #tpu.memory_space<semaphore_mem>>) src(%dma_wait3A_657 : memref<20x128xi32, #tpu.memory_space<hbm>>) dst(%arg9 : memref<20x128xi32, #tpu.memory_space<vmem>>)
      tpu.yield
    }) : () -> ()
    "tpu.region"() ({
      %run_scoped3A = tpu.sem_alloc : memref<!tpu.dma_semaphore, #tpu.memory_space<semaphore_mem>>
      %dma_start3A_642 = arith.constant 0 : i32
      %dma_start3A_643 = tpu.memref_slice %arg12[%mul3A_2, %dma_start3A_642] : memref<10240x128xf32, #tpu.memory_space<vmem_shared>> -> memref<640x128xf32, #tpu.memory_space<vmem_shared>>
      tpu.enqueue_dma source(%arg7 : memref<640x128xf32, #tpu.memory_space<hbm>>) target(%dma_start3A_643 : memref<640x128xf32, #tpu.memory_space<vmem_shared>>) target_semaphore(%run_scoped3A : memref<!tpu.dma_semaphore, #tpu.memory_space<semaphore_mem>>)
      %dma_wait3A_644 = arith.constant 0 : i32
      %dma_wait3A_645 = tpu.memref_slice %arg12[%mul3A_2, %dma_wait3A_644] : memref<10240x128xf32, #tpu.memory_space<vmem_shared>> -> memref<640x128xf32, #tpu.memory_space<vmem_shared>>
      tpu.wait_dma2 semaphore(%run_scoped3A : memref<!tpu.dma_semaphore, #tpu.memory_space<semaphore_mem>>) src(%arg7 : memref<640x128xf32, #tpu.memory_space<hbm>>) dst(%dma_wait3A_645 : memref<640x128xf32, #tpu.memory_space<vmem_shared>>)
      tpu.yield
    }) : () -> ()
    %barrier3A = arith.constant 0 : index
    tpu.barrier barrier_id(%barrier3A)
    %dma_wait3A = arith.constant 0 : i32
    %dma_wait3A_20 = arith.constant 0 : i32
    %dma_wait3A_21 = arith.constant 0 : i32
    %dma_wait3A_22 = tpu.memref_slice %arg2[%add3A, %dma_wait3A, %dma_wait3A_20, %dma_wait3A_21] : memref<32x5x128x128xf32, #tpu.memory_space<hbm>> -> memref<1x1x128x128xf32, #tpu.memory_space<hbm>>
    %dma_wait3A_23 = tpu.memref_squeeze %dma_wait3A_22 : memref<1x1x128x128xf32, #tpu.memory_space<hbm>> -> memref<128x128xf32, #tpu.memory_space<hbm>>
    %dma_wait3A_24 = arith.constant 0 : i32
    %dma_wait3A_25 = arith.constant 0 : i32
    %dma_wait3A_26 = tpu.memref_slice %arg2[%add3A, %dma_wait3A, %dma_wait3A_24, %dma_wait3A_25] : memref<32x5x128x128xf32, #tpu.memory_space<hbm>> -> memref<1x1x128x128xf32, #tpu.memory_space<hbm>>
    %dma_wait3A_27 = tpu.memref_squeeze %dma_wait3A_26 : memref<1x1x128x128xf32, #tpu.memory_space<hbm>> -> memref<128x128xf32, #tpu.memory_space<hbm>>
    tpu.wait_dma2 semaphore(%arg13 : memref<!tpu.dma_semaphore, #tpu.memory_space<semaphore_mem>>) src(%dma_wait3A_27 : memref<128x128xf32, #tpu.memory_space<hbm>>) dst(%arg10 : memref<128x128xf32, #tpu.memory_space<vmem>>)
    %dma_start3A_28 = arith.constant 0 : i32
    %dma_start3A_29 = arith.constant 0 : i32
    %dma_start3A_30 = tpu.memref_slice %arg9[%dma_start3A_28, %dma_start3A_29] : memref<20x128xi32, #tpu.memory_space<vmem>> -> memref<1x128xi32, #tpu.memory_space<vmem>>
    %dma_start3A_31 = tpu.memref_squeeze %dma_start3A_30 : memref<1x128xi32, #tpu.memory_space<vmem>> -> memref<128xi32, #tpu.memory_space<vmem>>
    %dma_start3A_32 = arith.constant 0 : i32
    %dma_start3A_33 = arith.constant 0 : i32
    %dma_start3A_34 = tpu.memref_slice %arg12[%dma_start3A_32, %dma_start3A_33] : memref<10240x128xf32, #tpu.memory_space<vmem_shared>> -> memref<10240x128xf32, #tpu.memory_space<vmem_shared>>
    tpu.enqueue_indirect_dma source(%arg10 : memref<128x128xf32, #tpu.memory_space<vmem>>) target(%dma_start3A_34 : memref<10240x128xf32, #tpu.memory_space<vmem_shared>>) offsets(%dma_start3A_31 : memref<128xi32, #tpu.memory_space<vmem>>) semaphore(%arg15 : memref<!tpu.dma_semaphore, #tpu.memory_space<semaphore_mem>>) {add = true}
    %dma_wait3A_35 = arith.constant 0 : i32
    %dma_wait3A_36 = arith.constant 0 : i32
    %dma_wait3A_37 = tpu.memref_slice %arg9[%dma_wait3A_35, %dma_wait3A_36] : memref<20x128xi32, #tpu.memory_space<vmem>> -> memref<1x128xi32, #tpu.memory_space<vmem>>
    %dma_wait3A_38 = tpu.memref_squeeze %dma_wait3A_37 : memref<1x128xi32, #tpu.memory_space<vmem>> -> memref<128xi32, #tpu.memory_space<vmem>>
    %dma_wait3A_39 = arith.constant 0 : i32
    %dma_wait3A_40 = arith.constant 0 : i32
    %dma_wait3A_41 = tpu.memref_slice %arg12[%dma_wait3A_39, %dma_wait3A_40] : memref<10240x128xf32, #tpu.memory_space<vmem_shared>> -> memref<10240x128xf32, #tpu.memory_space<vmem_shared>>
    tpu.wait_indirect_dma semaphore(%arg15 : memref<!tpu.dma_semaphore, #tpu.memory_space<semaphore_mem>>) src(%arg10 : memref<128x128xf32, #tpu.memory_space<vmem>>) dst(%dma_wait3A_41 : memref<10240x128xf32, #tpu.memory_space<vmem_shared>>)
    %dma_start3A_42 = arith.constant 2 : i32
    %dma_start3A_43 = arith.constant 0 : i32
    %dma_start3A_44 = arith.constant 0 : i32
    %dma_start3A_45 = tpu.memref_slice %arg2[%add3A, %dma_start3A_42, %dma_start3A_43, %dma_start3A_44] : memref<32x5x128x128xf32, #tpu.memory_space<hbm>> -> memref<1x1x128x128xf32, #tpu.memory_space<hbm>>
    %dma_start3A_46 = tpu.memref_squeeze %dma_start3A_45 : memref<1x1x128x128xf32, #tpu.memory_space<hbm>> -> memref<128x128xf32, #tpu.memory_space<hbm>>
    %dma_start3A_47 = arith.constant 0 : i32
    %dma_start3A_48 = arith.constant 0 : i32
    %dma_start3A_49 = tpu.memref_slice %arg2[%add3A, %dma_start3A_42, %dma_start3A_47, %dma_start3A_48] : memref<32x5x128x128xf32, #tpu.memory_space<hbm>> -> memref<1x1x128x128xf32, #tpu.memory_space<hbm>>
    %dma_start3A_50 = tpu.memref_squeeze %dma_start3A_49 : memref<1x1x128x128xf32, #tpu.memory_space<hbm>> -> memref<128x128xf32, #tpu.memory_space<hbm>>
    tpu.enqueue_dma source(%dma_start3A_50 : memref<128x128xf32, #tpu.memory_space<hbm>>) target(%arg10 : memref<128x128xf32, #tpu.memory_space<vmem>>) target_semaphore(%arg13 : memref<!tpu.dma_semaphore, #tpu.memory_space<semaphore_mem>>)
    %dma_wait3A_51 = arith.constant 1 : i32
    %dma_wait3A_52 = arith.constant 0 : i32
    %dma_wait3A_53 = arith.constant 0 : i32
    %dma_wait3A_54 = tpu.memref_slice %arg2[%add3A, %dma_wait3A_51, %dma_wait3A_52, %dma_wait3A_53] : memref<32x5x128x128xf32, #tpu.memory_space<hbm>> -> memref<1x1x128x128xf32, #tpu.memory_space<hbm>>
    %dma_wait3A_55 = tpu.memref_squeeze %dma_wait3A_54 : memref<1x1x128x128xf32, #tpu.memory_space<hbm>> -> memref<128x128xf32, #tpu.memory_space<hbm>>
    %dma_wait3A_56 = arith.constant 0 : i32
    %dma_wait3A_57 = arith.constant 0 : i32
    %dma_wait3A_58 = tpu.memref_slice %arg2[%add3A, %dma_wait3A_51, %dma_wait3A_56, %dma_wait3A_57] : memref<32x5x128x128xf32, #tpu.memory_space<hbm>> -> memref<1x1x128x128xf32, #tpu.memory_space<hbm>>
    %dma_wait3A_59 = tpu.memref_squeeze %dma_wait3A_58 : memref<1x1x128x128xf32, #tpu.memory_space<hbm>> -> memref<128x128xf32, #tpu.memory_space<hbm>>
    tpu.wait_dma2 semaphore(%arg14 : memref<!tpu.dma_semaphore, #tpu.memory_space<semaphore_mem>>) src(%dma_wait3A_59 : memref<128x128xf32, #tpu.memory_space<hbm>>) dst(%arg11 : memref<128x128xf32, #tpu.memory_space<vmem>>)
    %dma_start3A_60 = arith.constant 1 : i32
    %dma_start3A_61 = arith.constant 0 : i32
    %dma_start3A_62 = tpu.memref_slice %arg9[%dma_start3A_60, %dma_start3A_61] : memref<20x128xi32, #tpu.memory_space<vmem>> -> memref<1x128xi32, #tpu.memory_space<vmem>>
    %dma_start3A_63 = tpu.memref_squeeze %dma_start3A_62 : memref<1x128xi32, #tpu.memory_space<vmem>> -> memref<128xi32, #tpu.memory_space<vmem>>
    %dma_start3A_64 = arith.constant 0 : i32
    %dma_start3A_65 = arith.constant 0 : i32
    %dma_start3A_66 = tpu.memref_slice %arg12[%dma_start3A_64, %dma_start3A_65] : memref<10240x128xf32, #tpu.memory_space<vmem_shared>> -> memref<10240x128xf32, #tpu.memory_space<vmem_shared>>
    tpu.enqueue_indirect_dma source(%arg11 : memref<128x128xf32, #tpu.memory_space<vmem>>) target(%dma_start3A_66 : memref<10240x128xf32, #tpu.memory_space<vmem_shared>>) offsets(%dma_start3A_63 : memref<128xi32, #tpu.memory_space<vmem>>) semaphore(%arg16 : memref<!tpu.dma_semaphore, #tpu.memory_space<semaphore_mem>>) {add = true}
    %dma_wait3A_67 = arith.constant 1 : i32
    %dma_wait3A_68 = arith.constant 0 : i32
    %dma_wait3A_69 = tpu.memref_slice %arg9[%dma_wait3A_67, %dma_wait3A_68] : memref<20x128xi32, #tpu.memory_space<vmem>> -> memref<1x128xi32, #tpu.memory_space<vmem>>
    %dma_wait3A_70 = tpu.memref_squeeze %dma_wait3A_69 : memref<1x128xi32, #tpu.memory_space<vmem>> -> memref<128xi32, #tpu.memory_space<vmem>>
    %dma_wait3A_71 = arith.constant 0 : i32
    %dma_wait3A_72 = arith.constant 0 : i32
    %dma_wait3A_73 = tpu.memref_slice %arg12[%dma_wait3A_71, %dma_wait3A_72] : memref<10240x128xf32, #tpu.memory_space<vmem_shared>> -> memref<10240x128xf32, #tpu.memory_space<vmem_shared>>
    tpu.wait_indirect_dma semaphore(%arg16 : memref<!tpu.dma_semaphore, #tpu.memory_space<semaphore_mem>>) src(%arg11 : memref<128x128xf32, #tpu.memory_space<vmem>>) dst(%dma_wait3A_73 : memref<10240x128xf32, #tpu.memory_space<vmem_shared>>)
    %dma_start3A_74 = arith.constant 3 : i32
    %dma_start3A_75 = arith.constant 0 : i32
    %dma_start3A_76 = arith.constant 0 : i32
    %dma_start3A_77 = tpu.memref_slice %arg2[%add3A, %dma_start3A_74, %dma_start3A_75, %dma_start3A_76] : memref<32x5x128x128xf32, #tpu.memory_space<hbm>> -> memref<1x1x128x128xf32, #tpu.memory_space<hbm>>
    %dma_start3A_78 = tpu.memref_squeeze %dma_start3A_77 : memref<1x1x128x128xf32, #tpu.memory_space<hbm>> -> memref<128x128xf32, #tpu.memory_space<hbm>>
    %dma_start3A_79 = arith.constant 0 : i32
    %dma_start3A_80 = arith.constant 0 : i32
    %dma_start3A_81 = tpu.memref_slice %arg2[%add3A, %dma_start3A_74, %dma_start3A_79, %dma_start3A_80] : memref<32x5x128x128xf32, #tpu.memory_space<hbm>> -> memref<1x1x128x128xf32, #tpu.memory_space<hbm>>
    %dma_start3A_82 = tpu.memref_squeeze %dma_start3A_81 : memref<1x1x128x128xf32, #tpu.memory_space<hbm>> -> memref<128x128xf32, #tpu.memory_space<hbm>>
    tpu.enqueue_dma source(%dma_start3A_82 : memref<128x128xf32, #tpu.memory_space<hbm>>) target(%arg11 : memref<128x128xf32, #tpu.memory_space<vmem>>) target_semaphore(%arg14 : memref<!tpu.dma_semaphore, #tpu.memory_space<semaphore_mem>>)
    %dma_wait3A_83 = arith.constant 2 : i32
    %dma_wait3A_84 = arith.constant 0 : i32
    %dma_wait3A_85 = arith.constant 0 : i32
    %dma_wait3A_86 = tpu.memref_slice %arg2[%add3A, %dma_wait3A_83, %dma_wait3A_84, %dma_wait3A_85] : memref<32x5x128x128xf32, #tpu.memory_space<hbm>> -> memref<1x1x128x128xf32, #tpu.memory_space<hbm>>
    %dma_wait3A_87 = tpu.memref_squeeze %dma_wait3A_86 : memref<1x1x128x128xf32, #tpu.memory_space<hbm>> -> memref<128x128xf32, #tpu.memory_space<hbm>>
    %dma_wait3A_88 = arith.constant 0 : i32
    %dma_wait3A_89 = arith.constant 0 : i32
    %dma_wait3A_90 = tpu.memref_slice %arg2[%add3A, %dma_wait3A_83, %dma_wait3A_88, %dma_wait3A_89] : memref<32x5x128x128xf32, #tpu.memory_space<hbm>> -> memref<1x1x128x128xf32, #tpu.memory_space<hbm>>
    %dma_wait3A_91 = tpu.memref_squeeze %dma_wait3A_90 : memref<1x1x128x128xf32, #tpu.memory_space<hbm>> -> memref<128x128xf32, #tpu.memory_space<hbm>>
    tpu.wait_dma2 semaphore(%arg13 : memref<!tpu.dma_semaphore, #tpu.memory_space<semaphore_mem>>) src(%dma_wait3A_91 : memref<128x128xf32, #tpu.memory_space<hbm>>) dst(%arg10 : memref<128x128xf32, #tpu.memory_space<vmem>>)
    %dma_start3A_92 = arith.constant 2 : i32
    %dma_start3A_93 = arith.constant 0 : i32
    %dma_start3A_94 = tpu.memref_slice %arg9[%dma_start3A_92, %dma_start3A_93] : memref<20x128xi32, #tpu.memory_space<vmem>> -> memref<1x128xi32, #tpu.memory_space<vmem>>
    %dma_start3A_95 = tpu.memref_squeeze %dma_start3A_94 : memref<1x128xi32, #tpu.memory_space<vmem>> -> memref<128xi32, #tpu.memory_space<vmem>>
    %dma_start3A_96 = arith.constant 0 : i32
    %dma_start3A_97 = arith.constant 0 : i32
    %dma_start3A_98 = tpu.memref_slice %arg12[%dma_start3A_96, %dma_start3A_97] : memref<10240x128xf32, #tpu.memory_space<vmem_shared>> -> memref<10240x128xf32, #tpu.memory_space<vmem_shared>>
    tpu.enqueue_indirect_dma source(%arg10 : memref<128x128xf32, #tpu.memory_space<vmem>>) target(%dma_start3A_98 : memref<10240x128xf32, #tpu.memory_space<vmem_shared>>) offsets(%dma_start3A_95 : memref<128xi32, #tpu.memory_space<vmem>>) semaphore(%arg15 : memref<!tpu.dma_semaphore, #tpu.memory_space<semaphore_mem>>) {add = true}
    %dma_wait3A_99 = arith.constant 2 : i32
    %dma_wait3A_100 = arith.constant 0 : i32
    %dma_wait3A_101 = tpu.memref_slice %arg9[%dma_wait3A_99, %dma_wait3A_100] : memref<20x128xi32, #tpu.memory_space<vmem>> -> memref<1x128xi32, #tpu.memory_space<vmem>>
    %dma_wait3A_102 = tpu.memref_squeeze %dma_wait3A_101 : memref<1x128xi32, #tpu.memory_space<vmem>> -> memref<128xi32, #tpu.memory_space<vmem>>
    %dma_wait3A_103 = arith.constant 0 : i32
    %dma_wait3A_104 = arith.constant 0 : i32
    %dma_wait3A_105 = tpu.memref_slice %arg12[%dma_wait3A_103, %dma_wait3A_104] : memref<10240x128xf32, #tpu.memory_space<vmem_shared>> -> memref<10240x128xf32, #tpu.memory_space<vmem_shared>>
    tpu.wait_indirect_dma semaphore(%arg15 : memref<!tpu.dma_semaphore, #tpu.memory_space<semaphore_mem>>) src(%arg10 : memref<128x128xf32, #tpu.memory_space<vmem>>) dst(%dma_wait3A_105 : memref<10240x128xf32, #tpu.memory_space<vmem_shared>>)
    %dma_start3A_106 = arith.constant 4 : i32
    %dma_start3A_107 = arith.constant 0 : i32
    %dma_start3A_108 = arith.constant 0 : i32
    %dma_start3A_109 = tpu.memref_slice %arg2[%add3A, %dma_start3A_106, %dma_start3A_107, %dma_start3A_108] : memref<32x5x128x128xf32, #tpu.memory_space<hbm>> -> memref<1x1x128x128xf32, #tpu.memory_space<hbm>>
    %dma_start3A_110 = tpu.memref_squeeze %dma_start3A_109 : memref<1x1x128x128xf32, #tpu.memory_space<hbm>> -> memref<128x128xf32, #tpu.memory_space<hbm>>
    %dma_start3A_111 = arith.constant 0 : i32
    %dma_start3A_112 = arith.constant 0 : i32
    %dma_start3A_113 = tpu.memref_slice %arg2[%add3A, %dma_start3A_106, %dma_start3A_111, %dma_start3A_112] : memref<32x5x128x128xf32, #tpu.memory_space<hbm>> -> memref<1x1x128x128xf32, #tpu.memory_space<hbm>>
    %dma_start3A_114 = tpu.memref_squeeze %dma_start3A_113 : memref<1x1x128x128xf32, #tpu.memory_space<hbm>> -> memref<128x128xf32, #tpu.memory_space<hbm>>
    tpu.enqueue_dma source(%dma_start3A_114 : memref<128x128xf32, #tpu.memory_space<hbm>>) target(%arg10 : memref<128x128xf32, #tpu.memory_space<vmem>>) target_semaphore(%arg13 : memref<!tpu.dma_semaphore, #tpu.memory_space<semaphore_mem>>)
    %dma_wait3A_115 = arith.constant 3 : i32
    %dma_wait3A_116 = arith.constant 0 : i32
    %dma_wait3A_117 = arith.constant 0 : i32
    %dma_wait3A_118 = tpu.memref_slice %arg2[%add3A, %dma_wait3A_115, %dma_wait3A_116, %dma_wait3A_117] : memref<32x5x128x128xf32, #tpu.memory_space<hbm>> -> memref<1x1x128x128xf32, #tpu.memory_space<hbm>>
    %dma_wait3A_119 = tpu.memref_squeeze %dma_wait3A_118 : memref<1x1x128x128xf32, #tpu.memory_space<hbm>> -> memref<128x128xf32, #tpu.memory_space<hbm>>
    %dma_wait3A_120 = arith.constant 0 : i32
    %dma_wait3A_121 = arith.constant 0 : i32
    %dma_wait3A_122 = tpu.memref_slice %arg2[%add3A, %dma_wait3A_115, %dma_wait3A_120, %dma_wait3A_121] : memref<32x5x128x128xf32, #tpu.memory_space<hbm>> -> memref<1x1x128x128xf32, #tpu.memory_space<hbm>>
    %dma_wait3A_123 = tpu.memref_squeeze %dma_wait3A_122 : memref<1x1x128x128xf32, #tpu.memory_space<hbm>> -> memref<128x128xf32, #tpu.memory_space<hbm>>
    tpu.wait_dma2 semaphore(%arg14 : memref<!tpu.dma_semaphore, #tpu.memory_space<semaphore_mem>>) src(%dma_wait3A_123 : memref<128x128xf32, #tpu.memory_space<hbm>>) dst(%arg11 : memref<128x128xf32, #tpu.memory_space<vmem>>)
    %dma_start3A_124 = arith.constant 3 : i32
    %dma_start3A_125 = arith.constant 0 : i32
    %dma_start3A_126 = tpu.memref_slice %arg9[%dma_start3A_124, %dma_start3A_125] : memref<20x128xi32, #tpu.memory_space<vmem>> -> memref<1x128xi32, #tpu.memory_space<vmem>>
    %dma_start3A_127 = tpu.memref_squeeze %dma_start3A_126 : memref<1x128xi32, #tpu.memory_space<vmem>> -> memref<128xi32, #tpu.memory_space<vmem>>
    %dma_start3A_128 = arith.constant 0 : i32
    %dma_start3A_129 = arith.constant 0 : i32
    %dma_start3A_130 = tpu.memref_slice %arg12[%dma_start3A_128, %dma_start3A_129] : memref<10240x128xf32, #tpu.memory_space<vmem_shared>> -> memref<10240x128xf32, #tpu.memory_space<vmem_shared>>
    tpu.enqueue_indirect_dma source(%arg11 : memref<128x128xf32, #tpu.memory_space<vmem>>) target(%dma_start3A_130 : memref<10240x128xf32, #tpu.memory_space<vmem_shared>>) offsets(%dma_start3A_127 : memref<128xi32, #tpu.memory_space<vmem>>) semaphore(%arg16 : memref<!tpu.dma_semaphore, #tpu.memory_space<semaphore_mem>>) {add = true}
    %dma_wait3A_131 = arith.constant 3 : i32
    %dma_wait3A_132 = arith.constant 0 : i32
    %dma_wait3A_133 = tpu.memref_slice %arg9[%dma_wait3A_131, %dma_wait3A_132] : memref<20x128xi32, #tpu.memory_space<vmem>> -> memref<1x128xi32, #tpu.memory_space<vmem>>
    %dma_wait3A_134 = tpu.memref_squeeze %dma_wait3A_133 : memref<1x128xi32, #tpu.memory_space<vmem>> -> memref<128xi32, #tpu.memory_space<vmem>>
    %dma_wait3A_135 = arith.constant 0 : i32
    %dma_wait3A_136 = arith.constant 0 : i32
    %dma_wait3A_137 = tpu.memref_slice %arg12[%dma_wait3A_135, %dma_wait3A_136] : memref<10240x128xf32, #tpu.memory_space<vmem_shared>> -> memref<10240x128xf32, #tpu.memory_space<vmem_shared>>
    tpu.wait_indirect_dma semaphore(%arg16 : memref<!tpu.dma_semaphore, #tpu.memory_space<semaphore_mem>>) src(%arg11 : memref<128x128xf32, #tpu.memory_space<vmem>>) dst(%dma_wait3A_137 : memref<10240x128xf32, #tpu.memory_space<vmem_shared>>)
    %dma_start3A_138 = arith.constant 0 : i32
    %dma_start3A_139 = arith.constant 0 : i32
    %dma_start3A_140 = arith.constant 0 : i32
    %dma_start3A_141 = tpu.memref_slice %arg3[%add3A, %dma_start3A_138, %dma_start3A_139, %dma_start3A_140] : memref<32x5x128x128xf32, #tpu.memory_space<hbm>> -> memref<1x1x128x128xf32, #tpu.memory_space<hbm>>
    %dma_start3A_142 = tpu.memref_squeeze %dma_start3A_141 : memref<1x1x128x128xf32, #tpu.memory_space<hbm>> -> memref<128x128xf32, #tpu.memory_space<hbm>>
    %dma_start3A_143 = arith.constant 0 : i32
    %dma_start3A_144 = arith.constant 0 : i32
    %dma_start3A_145 = tpu.memref_slice %arg3[%add3A, %dma_start3A_138, %dma_start3A_143, %dma_start3A_144] : memref<32x5x128x128xf32, #tpu.memory_space<hbm>> -> memref<1x1x128x128xf32, #tpu.memory_space<hbm>>
    %dma_start3A_146 = tpu.memref_squeeze %dma_start3A_145 : memref<1x1x128x128xf32, #tpu.memory_space<hbm>> -> memref<128x128xf32, #tpu.memory_space<hbm>>
    tpu.enqueue_dma source(%dma_start3A_146 : memref<128x128xf32, #tpu.memory_space<hbm>>) target(%arg11 : memref<128x128xf32, #tpu.memory_space<vmem>>) target_semaphore(%arg14 : memref<!tpu.dma_semaphore, #tpu.memory_space<semaphore_mem>>)
    %dma_wait3A_147 = arith.constant 4 : i32
    %dma_wait3A_148 = arith.constant 0 : i32
    %dma_wait3A_149 = arith.constant 0 : i32
    %dma_wait3A_150 = tpu.memref_slice %arg2[%add3A, %dma_wait3A_147, %dma_wait3A_148, %dma_wait3A_149] : memref<32x5x128x128xf32, #tpu.memory_space<hbm>> -> memref<1x1x128x128xf32, #tpu.memory_space<hbm>>
    %dma_wait3A_151 = tpu.memref_squeeze %dma_wait3A_150 : memref<1x1x128x128xf32, #tpu.memory_space<hbm>> -> memref<128x128xf32, #tpu.memory_space<hbm>>
    %dma_wait3A_152 = arith.constant 0 : i32
    %dma_wait3A_153 = arith.constant 0 : i32
    %dma_wait3A_154 = tpu.memref_slice %arg2[%add3A, %dma_wait3A_147, %dma_wait3A_152, %dma_wait3A_153] : memref<32x5x128x128xf32, #tpu.memory_space<hbm>> -> memref<1x1x128x128xf32, #tpu.memory_space<hbm>>
    %dma_wait3A_155 = tpu.memref_squeeze %dma_wait3A_154 : memref<1x1x128x128xf32, #tpu.memory_space<hbm>> -> memref<128x128xf32, #tpu.memory_space<hbm>>
    tpu.wait_dma2 semaphore(%arg13 : memref<!tpu.dma_semaphore, #tpu.memory_space<semaphore_mem>>) src(%dma_wait3A_155 : memref<128x128xf32, #tpu.memory_space<hbm>>) dst(%arg10 : memref<128x128xf32, #tpu.memory_space<vmem>>)
    %dma_start3A_156 = arith.constant 4 : i32
    %dma_start3A_157 = arith.constant 0 : i32
    %dma_start3A_158 = tpu.memref_slice %arg9[%dma_start3A_156, %dma_start3A_157] : memref<20x128xi32, #tpu.memory_space<vmem>> -> memref<1x128xi32, #tpu.memory_space<vmem>>
    %dma_start3A_159 = tpu.memref_squeeze %dma_start3A_158 : memref<1x128xi32, #tpu.memory_space<vmem>> -> memref<128xi32, #tpu.memory_space<vmem>>
    %dma_start3A_160 = arith.constant 0 : i32
    %dma_start3A_161 = arith.constant 0 : i32
    %dma_start3A_162 = tpu.memref_slice %arg12[%dma_start3A_160, %dma_start3A_161] : memref<10240x128xf32, #tpu.memory_space<vmem_shared>> -> memref<10240x128xf32, #tpu.memory_space<vmem_shared>>
    tpu.enqueue_indirect_dma source(%arg10 : memref<128x128xf32, #tpu.memory_space<vmem>>) target(%dma_start3A_162 : memref<10240x128xf32, #tpu.memory_space<vmem_shared>>) offsets(%dma_start3A_159 : memref<128xi32, #tpu.memory_space<vmem>>) semaphore(%arg15 : memref<!tpu.dma_semaphore, #tpu.memory_space<semaphore_mem>>) {add = true}
    %dma_wait3A_163 = arith.constant 4 : i32
    %dma_wait3A_164 = arith.constant 0 : i32
    %dma_wait3A_165 = tpu.memref_slice %arg9[%dma_wait3A_163, %dma_wait3A_164] : memref<20x128xi32, #tpu.memory_space<vmem>> -> memref<1x128xi32, #tpu.memory_space<vmem>>
    %dma_wait3A_166 = tpu.memref_squeeze %dma_wait3A_165 : memref<1x128xi32, #tpu.memory_space<vmem>> -> memref<128xi32, #tpu.memory_space<vmem>>
    %dma_wait3A_167 = arith.constant 0 : i32
    %dma_wait3A_168 = arith.constant 0 : i32
    %dma_wait3A_169 = tpu.memref_slice %arg12[%dma_wait3A_167, %dma_wait3A_168] : memref<10240x128xf32, #tpu.memory_space<vmem_shared>> -> memref<10240x128xf32, #tpu.memory_space<vmem_shared>>
    tpu.wait_indirect_dma semaphore(%arg15 : memref<!tpu.dma_semaphore, #tpu.memory_space<semaphore_mem>>) src(%arg10 : memref<128x128xf32, #tpu.memory_space<vmem>>) dst(%dma_wait3A_169 : memref<10240x128xf32, #tpu.memory_space<vmem_shared>>)
    %dma_start3A_170 = arith.constant 1 : i32
    %dma_start3A_171 = arith.constant 0 : i32
    %dma_start3A_172 = arith.constant 0 : i32
    %dma_start3A_173 = tpu.memref_slice %arg3[%add3A, %dma_start3A_170, %dma_start3A_171, %dma_start3A_172] : memref<32x5x128x128xf32, #tpu.memory_space<hbm>> -> memref<1x1x128x128xf32, #tpu.memory_space<hbm>>
    %dma_start3A_174 = tpu.memref_squeeze %dma_start3A_173 : memref<1x1x128x128xf32, #tpu.memory_space<hbm>> -> memref<128x128xf32, #tpu.memory_space<hbm>>
    %dma_start3A_175 = arith.constant 0 : i32
    %dma_start3A_176 = arith.constant 0 : i32
    %dma_start3A_177 = tpu.memref_slice %arg3[%add3A, %dma_start3A_170, %dma_start3A_175, %dma_start3A_176] : memref<32x5x128x128xf32, #tpu.memory_space<hbm>> -> memref<1x1x128x128xf32, #tpu.memory_space<hbm>>
    %dma_start3A_178 = tpu.memref_squeeze %dma_start3A_177 : memref<1x1x128x128xf32, #tpu.memory_space<hbm>> -> memref<128x128xf32, #tpu.memory_space<hbm>>
    tpu.enqueue_dma source(%dma_start3A_178 : memref<128x128xf32, #tpu.memory_space<hbm>>) target(%arg10 : memref<128x128xf32, #tpu.memory_space<vmem>>) target_semaphore(%arg13 : memref<!tpu.dma_semaphore, #tpu.memory_space<semaphore_mem>>)
    %dma_wait3A_179 = arith.constant 0 : i32
    %dma_wait3A_180 = arith.constant 0 : i32
    %dma_wait3A_181 = arith.constant 0 : i32
    %dma_wait3A_182 = tpu.memref_slice %arg3[%add3A, %dma_wait3A_179, %dma_wait3A_180, %dma_wait3A_181] : memref<32x5x128x128xf32, #tpu.memory_space<hbm>> -> memref<1x1x128x128xf32, #tpu.memory_space<hbm>>
    %dma_wait3A_183 = tpu.memref_squeeze %dma_wait3A_182 : memref<1x1x128x128xf32, #tpu.memory_space<hbm>> -> memref<128x128xf32, #tpu.memory_space<hbm>>
    %dma_wait3A_184 = arith.constant 0 : i32
    %dma_wait3A_185 = arith.constant 0 : i32
    %dma_wait3A_186 = tpu.memref_slice %arg3[%add3A, %dma_wait3A_179, %dma_wait3A_184, %dma_wait3A_185] : memref<32x5x128x128xf32, #tpu.memory_space<hbm>> -> memref<1x1x128x128xf32, #tpu.memory_space<hbm>>
    %dma_wait3A_187 = tpu.memref_squeeze %dma_wait3A_186 : memref<1x1x128x128xf32, #tpu.memory_space<hbm>> -> memref<128x128xf32, #tpu.memory_space<hbm>>
    tpu.wait_dma2 semaphore(%arg14 : memref<!tpu.dma_semaphore, #tpu.memory_space<semaphore_mem>>) src(%dma_wait3A_187 : memref<128x128xf32, #tpu.memory_space<hbm>>) dst(%arg11 : memref<128x128xf32, #tpu.memory_space<vmem>>)
    %dma_start3A_188 = arith.constant 5 : i32
    %dma_start3A_189 = arith.constant 0 : i32
    %dma_start3A_190 = tpu.memref_slice %arg9[%dma_start3A_188, %dma_start3A_189] : memref<20x128xi32, #tpu.memory_space<vmem>> -> memref<1x128xi32, #tpu.memory_space<vmem>>
    %dma_start3A_191 = tpu.memref_squeeze %dma_start3A_190 : memref<1x128xi32, #tpu.memory_space<vmem>> -> memref<128xi32, #tpu.memory_space<vmem>>
    %dma_start3A_192 = arith.constant 0 : i32
    %dma_start3A_193 = arith.constant 0 : i32
    %dma_start3A_194 = tpu.memref_slice %arg12[%dma_start3A_192, %dma_start3A_193] : memref<10240x128xf32, #tpu.memory_space<vmem_shared>> -> memref<10240x128xf32, #tpu.memory_space<vmem_shared>>
    tpu.enqueue_indirect_dma source(%arg11 : memref<128x128xf32, #tpu.memory_space<vmem>>) target(%dma_start3A_194 : memref<10240x128xf32, #tpu.memory_space<vmem_shared>>) offsets(%dma_start3A_191 : memref<128xi32, #tpu.memory_space<vmem>>) semaphore(%arg16 : memref<!tpu.dma_semaphore, #tpu.memory_space<semaphore_mem>>) {add = true}
    %dma_wait3A_195 = arith.constant 5 : i32
    %dma_wait3A_196 = arith.constant 0 : i32
    %dma_wait3A_197 = tpu.memref_slice %arg9[%dma_wait3A_195, %dma_wait3A_196] : memref<20x128xi32, #tpu.memory_space<vmem>> -> memref<1x128xi32, #tpu.memory_space<vmem>>
    %dma_wait3A_198 = tpu.memref_squeeze %dma_wait3A_197 : memref<1x128xi32, #tpu.memory_space<vmem>> -> memref<128xi32, #tpu.memory_space<vmem>>
    %dma_wait3A_199 = arith.constant 0 : i32
    %dma_wait3A_200 = arith.constant 0 : i32
    %dma_wait3A_201 = tpu.memref_slice %arg12[%dma_wait3A_199, %dma_wait3A_200] : memref<10240x128xf32, #tpu.memory_space<vmem_shared>> -> memref<10240x128xf32, #tpu.memory_space<vmem_shared>>
    tpu.wait_indirect_dma semaphore(%arg16 : memref<!tpu.dma_semaphore, #tpu.memory_space<semaphore_mem>>) src(%arg11 : memref<128x128xf32, #tpu.memory_space<vmem>>) dst(%dma_wait3A_201 : memref<10240x128xf32, #tpu.memory_space<vmem_shared>>)
    %dma_start3A_202 = arith.constant 2 : i32
    %dma_start3A_203 = arith.constant 0 : i32
    %dma_start3A_204 = arith.constant 0 : i32
    %dma_start3A_205 = tpu.memref_slice %arg3[%add3A, %dma_start3A_202, %dma_start3A_203, %dma_start3A_204] : memref<32x5x128x128xf32, #tpu.memory_space<hbm>> -> memref<1x1x128x128xf32, #tpu.memory_space<hbm>>
    %dma_start3A_206 = tpu.memref_squeeze %dma_start3A_205 : memref<1x1x128x128xf32, #tpu.memory_space<hbm>> -> memref<128x128xf32, #tpu.memory_space<hbm>>
    %dma_start3A_207 = arith.constant 0 : i32
    %dma_start3A_208 = arith.constant 0 : i32
    %dma_start3A_209 = tpu.memref_slice %arg3[%add3A, %dma_start3A_202, %dma_start3A_207, %dma_start3A_208] : memref<32x5x128x128xf32, #tpu.memory_space<hbm>> -> memref<1x1x128x128xf32, #tpu.memory_space<hbm>>
    %dma_start3A_210 = tpu.memref_squeeze %dma_start3A_209 : memref<1x1x128x128xf32, #tpu.memory_space<hbm>> -> memref<128x128xf32, #tpu.memory_space<hbm>>
    tpu.enqueue_dma source(%dma_start3A_210 : memref<128x128xf32, #tpu.memory_space<hbm>>) target(%arg11 : memref<128x128xf32, #tpu.memory_space<vmem>>) target_semaphore(%arg14 : memref<!tpu.dma_semaphore, #tpu.memory_space<semaphore_mem>>)
    %dma_wait3A_211 = arith.constant 1 : i32
    %dma_wait3A_212 = arith.constant 0 : i32
    %dma_wait3A_213 = arith.constant 0 : i32
    %dma_wait3A_214 = tpu.memref_slice %arg3[%add3A, %dma_wait3A_211, %dma_wait3A_212, %dma_wait3A_213] : memref<32x5x128x128xf32, #tpu.memory_space<hbm>> -> memref<1x1x128x128xf32, #tpu.memory_space<hbm>>
    %dma_wait3A_215 = tpu.memref_squeeze %dma_wait3A_214 : memref<1x1x128x128xf32, #tpu.memory_space<hbm>> -> memref<128x128xf32, #tpu.memory_space<hbm>>
    %dma_wait3A_216 = arith.constant 0 : i32
    %dma_wait3A_217 = arith.constant 0 : i32
    %dma_wait3A_218 = tpu.memref_slice %arg3[%add3A, %dma_wait3A_211, %dma_wait3A_216, %dma_wait3A_217] : memref<32x5x128x128xf32, #tpu.memory_space<hbm>> -> memref<1x1x128x128xf32, #tpu.memory_space<hbm>>
    %dma_wait3A_219 = tpu.memref_squeeze %dma_wait3A_218 : memref<1x1x128x128xf32, #tpu.memory_space<hbm>> -> memref<128x128xf32, #tpu.memory_space<hbm>>
    tpu.wait_dma2 semaphore(%arg13 : memref<!tpu.dma_semaphore, #tpu.memory_space<semaphore_mem>>) src(%dma_wait3A_219 : memref<128x128xf32, #tpu.memory_space<hbm>>) dst(%arg10 : memref<128x128xf32, #tpu.memory_space<vmem>>)
    %dma_start3A_220 = arith.constant 6 : i32
    %dma_start3A_221 = arith.constant 0 : i32
    %dma_start3A_222 = tpu.memref_slice %arg9[%dma_start3A_220, %dma_start3A_221] : memref<20x128xi32, #tpu.memory_space<vmem>> -> memref<1x128xi32, #tpu.memory_space<vmem>>
    %dma_start3A_223 = tpu.memref_squeeze %dma_start3A_222 : memref<1x128xi32, #tpu.memory_space<vmem>> -> memref<128xi32, #tpu.memory_space<vmem>>
    %dma_start3A_224 = arith.constant 0 : i32
    %dma_start3A_225 = arith.constant 0 : i32
    %dma_start3A_226 = tpu.memref_slice %arg12[%dma_start3A_224, %dma_start3A_225] : memref<10240x128xf32, #tpu.memory_space<vmem_shared>> -> memref<10240x128xf32, #tpu.memory_space<vmem_shared>>
    tpu.enqueue_indirect_dma source(%arg10 : memref<128x128xf32, #tpu.memory_space<vmem>>) target(%dma_start3A_226 : memref<10240x128xf32, #tpu.memory_space<vmem_shared>>) offsets(%dma_start3A_223 : memref<128xi32, #tpu.memory_space<vmem>>) semaphore(%arg15 : memref<!tpu.dma_semaphore, #tpu.memory_space<semaphore_mem>>) {add = true}
    %dma_wait3A_227 = arith.constant 6 : i32
    %dma_wait3A_228 = arith.constant 0 : i32
    %dma_wait3A_229 = tpu.memref_slice %arg9[%dma_wait3A_227, %dma_wait3A_228] : memref<20x128xi32, #tpu.memory_space<vmem>> -> memref<1x128xi32, #tpu.memory_space<vmem>>
    %dma_wait3A_230 = tpu.memref_squeeze %dma_wait3A_229 : memref<1x128xi32, #tpu.memory_space<vmem>> -> memref<128xi32, #tpu.memory_space<vmem>>
    %dma_wait3A_231 = arith.constant 0 : i32
    %dma_wait3A_232 = arith.constant 0 : i32
    %dma_wait3A_233 = tpu.memref_slice %arg12[%dma_wait3A_231, %dma_wait3A_232] : memref<10240x128xf32, #tpu.memory_space<vmem_shared>> -> memref<10240x128xf32, #tpu.memory_space<vmem_shared>>
    tpu.wait_indirect_dma semaphore(%arg15 : memref<!tpu.dma_semaphore, #tpu.memory_space<semaphore_mem>>) src(%arg10 : memref<128x128xf32, #tpu.memory_space<vmem>>) dst(%dma_wait3A_233 : memref<10240x128xf32, #tpu.memory_space<vmem_shared>>)
    %dma_start3A_234 = arith.constant 3 : i32
    %dma_start3A_235 = arith.constant 0 : i32
    %dma_start3A_236 = arith.constant 0 : i32
    %dma_start3A_237 = tpu.memref_slice %arg3[%add3A, %dma_start3A_234, %dma_start3A_235, %dma_start3A_236] : memref<32x5x128x128xf32, #tpu.memory_space<hbm>> -> memref<1x1x128x128xf32, #tpu.memory_space<hbm>>
    %dma_start3A_238 = tpu.memref_squeeze %dma_start3A_237 : memref<1x1x128x128xf32, #tpu.memory_space<hbm>> -> memref<128x128xf32, #tpu.memory_space<hbm>>
    %dma_start3A_239 = arith.constant 0 : i32
    %dma_start3A_240 = arith.constant 0 : i32
    %dma_start3A_241 = tpu.memref_slice %arg3[%add3A, %dma_start3A_234, %dma_start3A_239, %dma_start3A_240] : memref<32x5x128x128xf32, #tpu.memory_space<hbm>> -> memref<1x1x128x128xf32, #tpu.memory_space<hbm>>
    %dma_start3A_242 = tpu.memref_squeeze %dma_start3A_241 : memref<1x1x128x128xf32, #tpu.memory_space<hbm>> -> memref<128x128xf32, #tpu.memory_space<hbm>>
    tpu.enqueue_dma source(%dma_start3A_242 : memref<128x128xf32, #tpu.memory_space<hbm>>) target(%arg10 : memref<128x128xf32, #tpu.memory_space<vmem>>) target_semaphore(%arg13 : memref<!tpu.dma_semaphore, #tpu.memory_space<semaphore_mem>>)
    %dma_wait3A_243 = arith.constant 2 : i32
    %dma_wait3A_244 = arith.constant 0 : i32
    %dma_wait3A_245 = arith.constant 0 : i32
    %dma_wait3A_246 = tpu.memref_slice %arg3[%add3A, %dma_wait3A_243, %dma_wait3A_244, %dma_wait3A_245] : memref<32x5x128x128xf32, #tpu.memory_space<hbm>> -> memref<1x1x128x128xf32, #tpu.memory_space<hbm>>
    %dma_wait3A_247 = tpu.memref_squeeze %dma_wait3A_246 : memref<1x1x128x128xf32, #tpu.memory_space<hbm>> -> memref<128x128xf32, #tpu.memory_space<hbm>>
    %dma_wait3A_248 = arith.constant 0 : i32
    %dma_wait3A_249 = arith.constant 0 : i32
    %dma_wait3A_250 = tpu.memref_slice %arg3[%add3A, %dma_wait3A_243, %dma_wait3A_248, %dma_wait3A_249] : memref<32x5x128x128xf32, #tpu.memory_space<hbm>> -> memref<1x1x128x128xf32, #tpu.memory_space<hbm>>
    %dma_wait3A_251 = tpu.memref_squeeze %dma_wait3A_250 : memref<1x1x128x128xf32, #tpu.memory_space<hbm>> -> memref<128x128xf32, #tpu.memory_space<hbm>>
    tpu.wait_dma2 semaphore(%arg14 : memref<!tpu.dma_semaphore, #tpu.memory_space<semaphore_mem>>) src(%dma_wait3A_251 : memref<128x128xf32, #tpu.memory_space<hbm>>) dst(%arg11 : memref<128x128xf32, #tpu.memory_space<vmem>>)
    %dma_start3A_252 = arith.constant 7 : i32
    %dma_start3A_253 = arith.constant 0 : i32
    %dma_start3A_254 = tpu.memref_slice %arg9[%dma_start3A_252, %dma_start3A_253] : memref<20x128xi32, #tpu.memory_space<vmem>> -> memref<1x128xi32, #tpu.memory_space<vmem>>
    %dma_start3A_255 = tpu.memref_squeeze %dma_start3A_254 : memref<1x128xi32, #tpu.memory_space<vmem>> -> memref<128xi32, #tpu.memory_space<vmem>>
    %dma_start3A_256 = arith.constant 0 : i32
    %dma_start3A_257 = arith.constant 0 : i32
    %dma_start3A_258 = tpu.memref_slice %arg12[%dma_start3A_256, %dma_start3A_257] : memref<10240x128xf32, #tpu.memory_space<vmem_shared>> -> memref<10240x128xf32, #tpu.memory_space<vmem_shared>>
    tpu.enqueue_indirect_dma source(%arg11 : memref<128x128xf32, #tpu.memory_space<vmem>>) target(%dma_start3A_258 : memref<10240x128xf32, #tpu.memory_space<vmem_shared>>) offsets(%dma_start3A_255 : memref<128xi32, #tpu.memory_space<vmem>>) semaphore(%arg16 : memref<!tpu.dma_semaphore, #tpu.memory_space<semaphore_mem>>) {add = true}
    %dma_wait3A_259 = arith.constant 7 : i32
    %dma_wait3A_260 = arith.constant 0 : i32
    %dma_wait3A_261 = tpu.memref_slice %arg9[%dma_wait3A_259, %dma_wait3A_260] : memref<20x128xi32, #tpu.memory_space<vmem>> -> memref<1x128xi32, #tpu.memory_space<vmem>>
    %dma_wait3A_262 = tpu.memref_squeeze %dma_wait3A_261 : memref<1x128xi32, #tpu.memory_space<vmem>> -> memref<128xi32, #tpu.memory_space<vmem>>
    %dma_wait3A_263 = arith.constant 0 : i32
    %dma_wait3A_264 = arith.constant 0 : i32
    %dma_wait3A_265 = tpu.memref_slice %arg12[%dma_wait3A_263, %dma_wait3A_264] : memref<10240x128xf32, #tpu.memory_space<vmem_shared>> -> memref<10240x128xf32, #tpu.memory_space<vmem_shared>>
    tpu.wait_indirect_dma semaphore(%arg16 : memref<!tpu.dma_semaphore, #tpu.memory_space<semaphore_mem>>) src(%arg11 : memref<128x128xf32, #tpu.memory_space<vmem>>) dst(%dma_wait3A_265 : memref<10240x128xf32, #tpu.memory_space<vmem_shared>>)
    %dma_start3A_266 = arith.constant 4 : i32
    %dma_start3A_267 = arith.constant 0 : i32
    %dma_start3A_268 = arith.constant 0 : i32
    %dma_start3A_269 = tpu.memref_slice %arg3[%add3A, %dma_start3A_266, %dma_start3A_267, %dma_start3A_268] : memref<32x5x128x128xf32, #tpu.memory_space<hbm>> -> memref<1x1x128x128xf32, #tpu.memory_space<hbm>>
    %dma_start3A_270 = tpu.memref_squeeze %dma_start3A_269 : memref<1x1x128x128xf32, #tpu.memory_space<hbm>> -> memref<128x128xf32, #tpu.memory_space<hbm>>
    %dma_start3A_271 = arith.constant 0 : i32
    %dma_start3A_272 = arith.constant 0 : i32
    %dma_start3A_273 = tpu.memref_slice %arg3[%add3A, %dma_start3A_266, %dma_start3A_271, %dma_start3A_272] : memref<32x5x128x128xf32, #tpu.memory_space<hbm>> -> memref<1x1x128x128xf32, #tpu.memory_space<hbm>>
    %dma_start3A_274 = tpu.memref_squeeze %dma_start3A_273 : memref<1x1x128x128xf32, #tpu.memory_space<hbm>> -> memref<128x128xf32, #tpu.memory_space<hbm>>
    tpu.enqueue_dma source(%dma_start3A_274 : memref<128x128xf32, #tpu.memory_space<hbm>>) target(%arg11 : memref<128x128xf32, #tpu.memory_space<vmem>>) target_semaphore(%arg14 : memref<!tpu.dma_semaphore, #tpu.memory_space<semaphore_mem>>)
    %dma_wait3A_275 = arith.constant 3 : i32
    %dma_wait3A_276 = arith.constant 0 : i32
    %dma_wait3A_277 = arith.constant 0 : i32
    %dma_wait3A_278 = tpu.memref_slice %arg3[%add3A, %dma_wait3A_275, %dma_wait3A_276, %dma_wait3A_277] : memref<32x5x128x128xf32, #tpu.memory_space<hbm>> -> memref<1x1x128x128xf32, #tpu.memory_space<hbm>>
    %dma_wait3A_279 = tpu.memref_squeeze %dma_wait3A_278 : memref<1x1x128x128xf32, #tpu.memory_space<hbm>> -> memref<128x128xf32, #tpu.memory_space<hbm>>
    %dma_wait3A_280 = arith.constant 0 : i32
    %dma_wait3A_281 = arith.constant 0 : i32
    %dma_wait3A_282 = tpu.memref_slice %arg3[%add3A, %dma_wait3A_275, %dma_wait3A_280, %dma_wait3A_281] : memref<32x5x128x128xf32, #tpu.memory_space<hbm>> -> memref<1x1x128x128xf32, #tpu.memory_space<hbm>>
    %dma_wait3A_283 = tpu.memref_squeeze %dma_wait3A_282 : memref<1x1x128x128xf32, #tpu.memory_space<hbm>> -> memref<128x128xf32, #tpu.memory_space<hbm>>
    tpu.wait_dma2 semaphore(%arg13 : memref<!tpu.dma_semaphore, #tpu.memory_space<semaphore_mem>>) src(%dma_wait3A_283 : memref<128x128xf32, #tpu.memory_space<hbm>>) dst(%arg10 : memref<128x128xf32, #tpu.memory_space<vmem>>)
    %dma_start3A_284 = arith.constant 8 : i32
    %dma_start3A_285 = arith.constant 0 : i32
    %dma_start3A_286 = tpu.memref_slice %arg9[%dma_start3A_284, %dma_start3A_285] : memref<20x128xi32, #tpu.memory_space<vmem>> -> memref<1x128xi32, #tpu.memory_space<vmem>>
    %dma_start3A_287 = tpu.memref_squeeze %dma_start3A_286 : memref<1x128xi32, #tpu.memory_space<vmem>> -> memref<128xi32, #tpu.memory_space<vmem>>
    %dma_start3A_288 = arith.constant 0 : i32
    %dma_start3A_289 = arith.constant 0 : i32
    %dma_start3A_290 = tpu.memref_slice %arg12[%dma_start3A_288, %dma_start3A_289] : memref<10240x128xf32, #tpu.memory_space<vmem_shared>> -> memref<10240x128xf32, #tpu.memory_space<vmem_shared>>
    tpu.enqueue_indirect_dma source(%arg10 : memref<128x128xf32, #tpu.memory_space<vmem>>) target(%dma_start3A_290 : memref<10240x128xf32, #tpu.memory_space<vmem_shared>>) offsets(%dma_start3A_287 : memref<128xi32, #tpu.memory_space<vmem>>) semaphore(%arg15 : memref<!tpu.dma_semaphore, #tpu.memory_space<semaphore_mem>>) {add = true}
    %dma_wait3A_291 = arith.constant 8 : i32
    %dma_wait3A_292 = arith.constant 0 : i32
    %dma_wait3A_293 = tpu.memref_slice %arg9[%dma_wait3A_291, %dma_wait3A_292] : memref<20x128xi32, #tpu.memory_space<vmem>> -> memref<1x128xi32, #tpu.memory_space<vmem>>
    %dma_wait3A_294 = tpu.memref_squeeze %dma_wait3A_293 : memref<1x128xi32, #tpu.memory_space<vmem>> -> memref<128xi32, #tpu.memory_space<vmem>>
    %dma_wait3A_295 = arith.constant 0 : i32
    %dma_wait3A_296 = arith.constant 0 : i32
    %dma_wait3A_297 = tpu.memref_slice %arg12[%dma_wait3A_295, %dma_wait3A_296] : memref<10240x128xf32, #tpu.memory_space<vmem_shared>> -> memref<10240x128xf32, #tpu.memory_space<vmem_shared>>
    tpu.wait_indirect_dma semaphore(%arg15 : memref<!tpu.dma_semaphore, #tpu.memory_space<semaphore_mem>>) src(%arg10 : memref<128x128xf32, #tpu.memory_space<vmem>>) dst(%dma_wait3A_297 : memref<10240x128xf32, #tpu.memory_space<vmem_shared>>)
    %dma_start3A_298 = arith.constant 0 : i32
    %dma_start3A_299 = arith.constant 0 : i32
    %dma_start3A_300 = arith.constant 0 : i32
    %dma_start3A_301 = tpu.memref_slice %arg4[%add3A, %dma_start3A_298, %dma_start3A_299, %dma_start3A_300] : memref<32x5x128x128xf32, #tpu.memory_space<hbm>> -> memref<1x1x128x128xf32, #tpu.memory_space<hbm>>
    %dma_start3A_302 = tpu.memref_squeeze %dma_start3A_301 : memref<1x1x128x128xf32, #tpu.memory_space<hbm>> -> memref<128x128xf32, #tpu.memory_space<hbm>>
    %dma_start3A_303 = arith.constant 0 : i32
    %dma_start3A_304 = arith.constant 0 : i32
    %dma_start3A_305 = tpu.memref_slice %arg4[%add3A, %dma_start3A_298, %dma_start3A_303, %dma_start3A_304] : memref<32x5x128x128xf32, #tpu.memory_space<hbm>> -> memref<1x1x128x128xf32, #tpu.memory_space<hbm>>
    %dma_start3A_306 = tpu.memref_squeeze %dma_start3A_305 : memref<1x1x128x128xf32, #tpu.memory_space<hbm>> -> memref<128x128xf32, #tpu.memory_space<hbm>>
    tpu.enqueue_dma source(%dma_start3A_306 : memref<128x128xf32, #tpu.memory_space<hbm>>) target(%arg10 : memref<128x128xf32, #tpu.memory_space<vmem>>) target_semaphore(%arg13 : memref<!tpu.dma_semaphore, #tpu.memory_space<semaphore_mem>>)
    %dma_wait3A_307 = arith.constant 4 : i32
    %dma_wait3A_308 = arith.constant 0 : i32
    %dma_wait3A_309 = arith.constant 0 : i32
    %dma_wait3A_310 = tpu.memref_slice %arg3[%add3A, %dma_wait3A_307, %dma_wait3A_308, %dma_wait3A_309] : memref<32x5x128x128xf32, #tpu.memory_space<hbm>> -> memref<1x1x128x128xf32, #tpu.memory_space<hbm>>
    %dma_wait3A_311 = tpu.memref_squeeze %dma_wait3A_310 : memref<1x1x128x128xf32, #tpu.memory_space<hbm>> -> memref<128x128xf32, #tpu.memory_space<hbm>>
    %dma_wait3A_312 = arith.constant 0 : i32
    %dma_wait3A_313 = arith.constant 0 : i32
    %dma_wait3A_314 = tpu.memref_slice %arg3[%add3A, %dma_wait3A_307, %dma_wait3A_312, %dma_wait3A_313] : memref<32x5x128x128xf32, #tpu.memory_space<hbm>> -> memref<1x1x128x128xf32, #tpu.memory_space<hbm>>
    %dma_wait3A_315 = tpu.memref_squeeze %dma_wait3A_314 : memref<1x1x128x128xf32, #tpu.memory_space<hbm>> -> memref<128x128xf32, #tpu.memory_space<hbm>>
    tpu.wait_dma2 semaphore(%arg14 : memref<!tpu.dma_semaphore, #tpu.memory_space<semaphore_mem>>) src(%dma_wait3A_315 : memref<128x128xf32, #tpu.memory_space<hbm>>) dst(%arg11 : memref<128x128xf32, #tpu.memory_space<vmem>>)
    %dma_start3A_316 = arith.constant 9 : i32
    %dma_start3A_317 = arith.constant 0 : i32
    %dma_start3A_318 = tpu.memref_slice %arg9[%dma_start3A_316, %dma_start3A_317] : memref<20x128xi32, #tpu.memory_space<vmem>> -> memref<1x128xi32, #tpu.memory_space<vmem>>
    %dma_start3A_319 = tpu.memref_squeeze %dma_start3A_318 : memref<1x128xi32, #tpu.memory_space<vmem>> -> memref<128xi32, #tpu.memory_space<vmem>>
    %dma_start3A_320 = arith.constant 0 : i32
    %dma_start3A_321 = arith.constant 0 : i32
    %dma_start3A_322 = tpu.memref_slice %arg12[%dma_start3A_320, %dma_start3A_321] : memref<10240x128xf32, #tpu.memory_space<vmem_shared>> -> memref<10240x128xf32, #tpu.memory_space<vmem_shared>>
    tpu.enqueue_indirect_dma source(%arg11 : memref<128x128xf32, #tpu.memory_space<vmem>>) target(%dma_start3A_322 : memref<10240x128xf32, #tpu.memory_space<vmem_shared>>) offsets(%dma_start3A_319 : memref<128xi32, #tpu.memory_space<vmem>>) semaphore(%arg16 : memref<!tpu.dma_semaphore, #tpu.memory_space<semaphore_mem>>) {add = true}
    %dma_wait3A_323 = arith.constant 9 : i32
    %dma_wait3A_324 = arith.constant 0 : i32
    %dma_wait3A_325 = tpu.memref_slice %arg9[%dma_wait3A_323, %dma_wait3A_324] : memref<20x128xi32, #tpu.memory_space<vmem>> -> memref<1x128xi32, #tpu.memory_space<vmem>>
    %dma_wait3A_326 = tpu.memref_squeeze %dma_wait3A_325 : memref<1x128xi32, #tpu.memory_space<vmem>> -> memref<128xi32, #tpu.memory_space<vmem>>
    %dma_wait3A_327 = arith.constant 0 : i32
    %dma_wait3A_328 = arith.constant 0 : i32
    %dma_wait3A_329 = tpu.memref_slice %arg12[%dma_wait3A_327, %dma_wait3A_328] : memref<10240x128xf32, #tpu.memory_space<vmem_shared>> -> memref<10240x128xf32, #tpu.memory_space<vmem_shared>>
    tpu.wait_indirect_dma semaphore(%arg16 : memref<!tpu.dma_semaphore, #tpu.memory_space<semaphore_mem>>) src(%arg11 : memref<128x128xf32, #tpu.memory_space<vmem>>) dst(%dma_wait3A_329 : memref<10240x128xf32, #tpu.memory_space<vmem_shared>>)
    %dma_start3A_330 = arith.constant 1 : i32
    %dma_start3A_331 = arith.constant 0 : i32
    %dma_start3A_332 = arith.constant 0 : i32
    %dma_start3A_333 = tpu.memref_slice %arg4[%add3A, %dma_start3A_330, %dma_start3A_331, %dma_start3A_332] : memref<32x5x128x128xf32, #tpu.memory_space<hbm>> -> memref<1x1x128x128xf32, #tpu.memory_space<hbm>>
    %dma_start3A_334 = tpu.memref_squeeze %dma_start3A_333 : memref<1x1x128x128xf32, #tpu.memory_space<hbm>> -> memref<128x128xf32, #tpu.memory_space<hbm>>
    %dma_start3A_335 = arith.constant 0 : i32
    %dma_start3A_336 = arith.constant 0 : i32
    %dma_start3A_337 = tpu.memref_slice %arg4[%add3A, %dma_start3A_330, %dma_start3A_335, %dma_start3A_336] : memref<32x5x128x128xf32, #tpu.memory_space<hbm>> -> memref<1x1x128x128xf32, #tpu.memory_space<hbm>>
    %dma_start3A_338 = tpu.memref_squeeze %dma_start3A_337 : memref<1x1x128x128xf32, #tpu.memory_space<hbm>> -> memref<128x128xf32, #tpu.memory_space<hbm>>
    tpu.enqueue_dma source(%dma_start3A_338 : memref<128x128xf32, #tpu.memory_space<hbm>>) target(%arg11 : memref<128x128xf32, #tpu.memory_space<vmem>>) target_semaphore(%arg14 : memref<!tpu.dma_semaphore, #tpu.memory_space<semaphore_mem>>)
    %dma_wait3A_339 = arith.constant 0 : i32
    %dma_wait3A_340 = arith.constant 0 : i32
    %dma_wait3A_341 = arith.constant 0 : i32
    %dma_wait3A_342 = tpu.memref_slice %arg4[%add3A, %dma_wait3A_339, %dma_wait3A_340, %dma_wait3A_341] : memref<32x5x128x128xf32, #tpu.memory_space<hbm>> -> memref<1x1x128x128xf32, #tpu.memory_space<hbm>>
    %dma_wait3A_343 = tpu.memref_squeeze %dma_wait3A_342 : memref<1x1x128x128xf32, #tpu.memory_space<hbm>> -> memref<128x128xf32, #tpu.memory_space<hbm>>
    %dma_wait3A_344 = arith.constant 0 : i32
    %dma_wait3A_345 = arith.constant 0 : i32
    %dma_wait3A_346 = tpu.memref_slice %arg4[%add3A, %dma_wait3A_339, %dma_wait3A_344, %dma_wait3A_345] : memref<32x5x128x128xf32, #tpu.memory_space<hbm>> -> memref<1x1x128x128xf32, #tpu.memory_space<hbm>>
    %dma_wait3A_347 = tpu.memref_squeeze %dma_wait3A_346 : memref<1x1x128x128xf32, #tpu.memory_space<hbm>> -> memref<128x128xf32, #tpu.memory_space<hbm>>
    tpu.wait_dma2 semaphore(%arg13 : memref<!tpu.dma_semaphore, #tpu.memory_space<semaphore_mem>>) src(%dma_wait3A_347 : memref<128x128xf32, #tpu.memory_space<hbm>>) dst(%arg10 : memref<128x128xf32, #tpu.memory_space<vmem>>)
    %dma_start3A_348 = arith.constant 10 : i32
    %dma_start3A_349 = arith.constant 0 : i32
    %dma_start3A_350 = tpu.memref_slice %arg9[%dma_start3A_348, %dma_start3A_349] : memref<20x128xi32, #tpu.memory_space<vmem>> -> memref<1x128xi32, #tpu.memory_space<vmem>>
    %dma_start3A_351 = tpu.memref_squeeze %dma_start3A_350 : memref<1x128xi32, #tpu.memory_space<vmem>> -> memref<128xi32, #tpu.memory_space<vmem>>
    %dma_start3A_352 = arith.constant 0 : i32
    %dma_start3A_353 = arith.constant 0 : i32
    %dma_start3A_354 = tpu.memref_slice %arg12[%dma_start3A_352, %dma_start3A_353] : memref<10240x128xf32, #tpu.memory_space<vmem_shared>> -> memref<10240x128xf32, #tpu.memory_space<vmem_shared>>
    tpu.enqueue_indirect_dma source(%arg10 : memref<128x128xf32, #tpu.memory_space<vmem>>) target(%dma_start3A_354 : memref<10240x128xf32, #tpu.memory_space<vmem_shared>>) offsets(%dma_start3A_351 : memref<128xi32, #tpu.memory_space<vmem>>) semaphore(%arg15 : memref<!tpu.dma_semaphore, #tpu.memory_space<semaphore_mem>>) {add = true}
    %dma_wait3A_355 = arith.constant 10 : i32
    %dma_wait3A_356 = arith.constant 0 : i32
    %dma_wait3A_357 = tpu.memref_slice %arg9[%dma_wait3A_355, %dma_wait3A_356] : memref<20x128xi32, #tpu.memory_space<vmem>> -> memref<1x128xi32, #tpu.memory_space<vmem>>
    %dma_wait3A_358 = tpu.memref_squeeze %dma_wait3A_357 : memref<1x128xi32, #tpu.memory_space<vmem>> -> memref<128xi32, #tpu.memory_space<vmem>>
    %dma_wait3A_359 = arith.constant 0 : i32
    %dma_wait3A_360 = arith.constant 0 : i32
    %dma_wait3A_361 = tpu.memref_slice %arg12[%dma_wait3A_359, %dma_wait3A_360] : memref<10240x128xf32, #tpu.memory_space<vmem_shared>> -> memref<10240x128xf32, #tpu.memory_space<vmem_shared>>
    tpu.wait_indirect_dma semaphore(%arg15 : memref<!tpu.dma_semaphore, #tpu.memory_space<semaphore_mem>>) src(%arg10 : memref<128x128xf32, #tpu.memory_space<vmem>>) dst(%dma_wait3A_361 : memref<10240x128xf32, #tpu.memory_space<vmem_shared>>)
    %dma_start3A_362 = arith.constant 2 : i32
    %dma_start3A_363 = arith.constant 0 : i32
    %dma_start3A_364 = arith.constant 0 : i32
    %dma_start3A_365 = tpu.memref_slice %arg4[%add3A, %dma_start3A_362, %dma_start3A_363, %dma_start3A_364] : memref<32x5x128x128xf32, #tpu.memory_space<hbm>> -> memref<1x1x128x128xf32, #tpu.memory_space<hbm>>
    %dma_start3A_366 = tpu.memref_squeeze %dma_start3A_365 : memref<1x1x128x128xf32, #tpu.memory_space<hbm>> -> memref<128x128xf32, #tpu.memory_space<hbm>>
    %dma_start3A_367 = arith.constant 0 : i32
    %dma_start3A_368 = arith.constant 0 : i32
    %dma_start3A_369 = tpu.memref_slice %arg4[%add3A, %dma_start3A_362, %dma_start3A_367, %dma_start3A_368] : memref<32x5x128x128xf32, #tpu.memory_space<hbm>> -> memref<1x1x128x128xf32, #tpu.memory_space<hbm>>
    %dma_start3A_370 = tpu.memref_squeeze %dma_start3A_369 : memref<1x1x128x128xf32, #tpu.memory_space<hbm>> -> memref<128x128xf32, #tpu.memory_space<hbm>>
    tpu.enqueue_dma source(%dma_start3A_370 : memref<128x128xf32, #tpu.memory_space<hbm>>) target(%arg10 : memref<128x128xf32, #tpu.memory_space<vmem>>) target_semaphore(%arg13 : memref<!tpu.dma_semaphore, #tpu.memory_space<semaphore_mem>>)
    %dma_wait3A_371 = arith.constant 1 : i32
    %dma_wait3A_372 = arith.constant 0 : i32
    %dma_wait3A_373 = arith.constant 0 : i32
    %dma_wait3A_374 = tpu.memref_slice %arg4[%add3A, %dma_wait3A_371, %dma_wait3A_372, %dma_wait3A_373] : memref<32x5x128x128xf32, #tpu.memory_space<hbm>> -> memref<1x1x128x128xf32, #tpu.memory_space<hbm>>
    %dma_wait3A_375 = tpu.memref_squeeze %dma_wait3A_374 : memref<1x1x128x128xf32, #tpu.memory_space<hbm>> -> memref<128x128xf32, #tpu.memory_space<hbm>>
    %dma_wait3A_376 = arith.constant 0 : i32
    %dma_wait3A_377 = arith.constant 0 : i32
    %dma_wait3A_378 = tpu.memref_slice %arg4[%add3A, %dma_wait3A_371, %dma_wait3A_376, %dma_wait3A_377] : memref<32x5x128x128xf32, #tpu.memory_space<hbm>> -> memref<1x1x128x128xf32, #tpu.memory_space<hbm>>
    %dma_wait3A_379 = tpu.memref_squeeze %dma_wait3A_378 : memref<1x1x128x128xf32, #tpu.memory_space<hbm>> -> memref<128x128xf32, #tpu.memory_space<hbm>>
    tpu.wait_dma2 semaphore(%arg14 : memref<!tpu.dma_semaphore, #tpu.memory_space<semaphore_mem>>) src(%dma_wait3A_379 : memref<128x128xf32, #tpu.memory_space<hbm>>) dst(%arg11 : memref<128x128xf32, #tpu.memory_space<vmem>>)
    %dma_start3A_380 = arith.constant 11 : i32
    %dma_start3A_381 = arith.constant 0 : i32
    %dma_start3A_382 = tpu.memref_slice %arg9[%dma_start3A_380, %dma_start3A_381] : memref<20x128xi32, #tpu.memory_space<vmem>> -> memref<1x128xi32, #tpu.memory_space<vmem>>
    %dma_start3A_383 = tpu.memref_squeeze %dma_start3A_382 : memref<1x128xi32, #tpu.memory_space<vmem>> -> memref<128xi32, #tpu.memory_space<vmem>>
    %dma_start3A_384 = arith.constant 0 : i32
    %dma_start3A_385 = arith.constant 0 : i32
    %dma_start3A_386 = tpu.memref_slice %arg12[%dma_start3A_384, %dma_start3A_385] : memref<10240x128xf32, #tpu.memory_space<vmem_shared>> -> memref<10240x128xf32, #tpu.memory_space<vmem_shared>>
    tpu.enqueue_indirect_dma source(%arg11 : memref<128x128xf32, #tpu.memory_space<vmem>>) target(%dma_start3A_386 : memref<10240x128xf32, #tpu.memory_space<vmem_shared>>) offsets(%dma_start3A_383 : memref<128xi32, #tpu.memory_space<vmem>>) semaphore(%arg16 : memref<!tpu.dma_semaphore, #tpu.memory_space<semaphore_mem>>) {add = true}
    %dma_wait3A_387 = arith.constant 11 : i32
    %dma_wait3A_388 = arith.constant 0 : i32
    %dma_wait3A_389 = tpu.memref_slice %arg9[%dma_wait3A_387, %dma_wait3A_388] : memref<20x128xi32, #tpu.memory_space<vmem>> -> memref<1x128xi32, #tpu.memory_space<vmem>>
    %dma_wait3A_390 = tpu.memref_squeeze %dma_wait3A_389 : memref<1x128xi32, #tpu.memory_space<vmem>> -> memref<128xi32, #tpu.memory_space<vmem>>
    %dma_wait3A_391 = arith.constant 0 : i32
    %dma_wait3A_392 = arith.constant 0 : i32
    %dma_wait3A_393 = tpu.memref_slice %arg12[%dma_wait3A_391, %dma_wait3A_392] : memref<10240x128xf32, #tpu.memory_space<vmem_shared>> -> memref<10240x128xf32, #tpu.memory_space<vmem_shared>>
    tpu.wait_indirect_dma semaphore(%arg16 : memref<!tpu.dma_semaphore, #tpu.memory_space<semaphore_mem>>) src(%arg11 : memref<128x128xf32, #tpu.memory_space<vmem>>) dst(%dma_wait3A_393 : memref<10240x128xf32, #tpu.memory_space<vmem_shared>>)
    %dma_start3A_394 = arith.constant 3 : i32
    %dma_start3A_395 = arith.constant 0 : i32
    %dma_start3A_396 = arith.constant 0 : i32
    %dma_start3A_397 = tpu.memref_slice %arg4[%add3A, %dma_start3A_394, %dma_start3A_395, %dma_start3A_396] : memref<32x5x128x128xf32, #tpu.memory_space<hbm>> -> memref<1x1x128x128xf32, #tpu.memory_space<hbm>>
    %dma_start3A_398 = tpu.memref_squeeze %dma_start3A_397 : memref<1x1x128x128xf32, #tpu.memory_space<hbm>> -> memref<128x128xf32, #tpu.memory_space<hbm>>
    %dma_start3A_399 = arith.constant 0 : i32
    %dma_start3A_400 = arith.constant 0 : i32
    %dma_start3A_401 = tpu.memref_slice %arg4[%add3A, %dma_start3A_394, %dma_start3A_399, %dma_start3A_400] : memref<32x5x128x128xf32, #tpu.memory_space<hbm>> -> memref<1x1x128x128xf32, #tpu.memory_space<hbm>>
    %dma_start3A_402 = tpu.memref_squeeze %dma_start3A_401 : memref<1x1x128x128xf32, #tpu.memory_space<hbm>> -> memref<128x128xf32, #tpu.memory_space<hbm>>
    tpu.enqueue_dma source(%dma_start3A_402 : memref<128x128xf32, #tpu.memory_space<hbm>>) target(%arg11 : memref<128x128xf32, #tpu.memory_space<vmem>>) target_semaphore(%arg14 : memref<!tpu.dma_semaphore, #tpu.memory_space<semaphore_mem>>)
    %dma_wait3A_403 = arith.constant 2 : i32
    %dma_wait3A_404 = arith.constant 0 : i32
    %dma_wait3A_405 = arith.constant 0 : i32
    %dma_wait3A_406 = tpu.memref_slice %arg4[%add3A, %dma_wait3A_403, %dma_wait3A_404, %dma_wait3A_405] : memref<32x5x128x128xf32, #tpu.memory_space<hbm>> -> memref<1x1x128x128xf32, #tpu.memory_space<hbm>>
    %dma_wait3A_407 = tpu.memref_squeeze %dma_wait3A_406 : memref<1x1x128x128xf32, #tpu.memory_space<hbm>> -> memref<128x128xf32, #tpu.memory_space<hbm>>
    %dma_wait3A_408 = arith.constant 0 : i32
    %dma_wait3A_409 = arith.constant 0 : i32
    %dma_wait3A_410 = tpu.memref_slice %arg4[%add3A, %dma_wait3A_403, %dma_wait3A_408, %dma_wait3A_409] : memref<32x5x128x128xf32, #tpu.memory_space<hbm>> -> memref<1x1x128x128xf32, #tpu.memory_space<hbm>>
    %dma_wait3A_411 = tpu.memref_squeeze %dma_wait3A_410 : memref<1x1x128x128xf32, #tpu.memory_space<hbm>> -> memref<128x128xf32, #tpu.memory_space<hbm>>
    tpu.wait_dma2 semaphore(%arg13 : memref<!tpu.dma_semaphore, #tpu.memory_space<semaphore_mem>>) src(%dma_wait3A_411 : memref<128x128xf32, #tpu.memory_space<hbm>>) dst(%arg10 : memref<128x128xf32, #tpu.memory_space<vmem>>)
    %dma_start3A_412 = arith.constant 12 : i32
    %dma_start3A_413 = arith.constant 0 : i32
    %dma_start3A_414 = tpu.memref_slice %arg9[%dma_start3A_412, %dma_start3A_413] : memref<20x128xi32, #tpu.memory_space<vmem>> -> memref<1x128xi32, #tpu.memory_space<vmem>>
    %dma_start3A_415 = tpu.memref_squeeze %dma_start3A_414 : memref<1x128xi32, #tpu.memory_space<vmem>> -> memref<128xi32, #tpu.memory_space<vmem>>
    %dma_start3A_416 = arith.constant 0 : i32
    %dma_start3A_417 = arith.constant 0 : i32
    %dma_start3A_418 = tpu.memref_slice %arg12[%dma_start3A_416, %dma_start3A_417] : memref<10240x128xf32, #tpu.memory_space<vmem_shared>> -> memref<10240x128xf32, #tpu.memory_space<vmem_shared>>
    tpu.enqueue_indirect_dma source(%arg10 : memref<128x128xf32, #tpu.memory_space<vmem>>) target(%dma_start3A_418 : memref<10240x128xf32, #tpu.memory_space<vmem_shared>>) offsets(%dma_start3A_415 : memref<128xi32, #tpu.memory_space<vmem>>) semaphore(%arg15 : memref<!tpu.dma_semaphore, #tpu.memory_space<semaphore_mem>>) {add = true}
    %dma_wait3A_419 = arith.constant 12 : i32
    %dma_wait3A_420 = arith.constant 0 : i32
    %dma_wait3A_421 = tpu.memref_slice %arg9[%dma_wait3A_419, %dma_wait3A_420] : memref<20x128xi32, #tpu.memory_space<vmem>> -> memref<1x128xi32, #tpu.memory_space<vmem>>
    %dma_wait3A_422 = tpu.memref_squeeze %dma_wait3A_421 : memref<1x128xi32, #tpu.memory_space<vmem>> -> memref<128xi32, #tpu.memory_space<vmem>>
    %dma_wait3A_423 = arith.constant 0 : i32
    %dma_wait3A_424 = arith.constant 0 : i32
    %dma_wait3A_425 = tpu.memref_slice %arg12[%dma_wait3A_423, %dma_wait3A_424] : memref<10240x128xf32, #tpu.memory_space<vmem_shared>> -> memref<10240x128xf32, #tpu.memory_space<vmem_shared>>
    tpu.wait_indirect_dma semaphore(%arg15 : memref<!tpu.dma_semaphore, #tpu.memory_space<semaphore_mem>>) src(%arg10 : memref<128x128xf32, #tpu.memory_space<vmem>>) dst(%dma_wait3A_425 : memref<10240x128xf32, #tpu.memory_space<vmem_shared>>)
    %dma_start3A_426 = arith.constant 4 : i32
    %dma_start3A_427 = arith.constant 0 : i32
    %dma_start3A_428 = arith.constant 0 : i32
    %dma_start3A_429 = tpu.memref_slice %arg4[%add3A, %dma_start3A_426, %dma_start3A_427, %dma_start3A_428] : memref<32x5x128x128xf32, #tpu.memory_space<hbm>> -> memref<1x1x128x128xf32, #tpu.memory_space<hbm>>
    %dma_start3A_430 = tpu.memref_squeeze %dma_start3A_429 : memref<1x1x128x128xf32, #tpu.memory_space<hbm>> -> memref<128x128xf32, #tpu.memory_space<hbm>>
    %dma_start3A_431 = arith.constant 0 : i32
    %dma_start3A_432 = arith.constant 0 : i32
    %dma_start3A_433 = tpu.memref_slice %arg4[%add3A, %dma_start3A_426, %dma_start3A_431, %dma_start3A_432] : memref<32x5x128x128xf32, #tpu.memory_space<hbm>> -> memref<1x1x128x128xf32, #tpu.memory_space<hbm>>
    %dma_start3A_434 = tpu.memref_squeeze %dma_start3A_433 : memref<1x1x128x128xf32, #tpu.memory_space<hbm>> -> memref<128x128xf32, #tpu.memory_space<hbm>>
    tpu.enqueue_dma source(%dma_start3A_434 : memref<128x128xf32, #tpu.memory_space<hbm>>) target(%arg10 : memref<128x128xf32, #tpu.memory_space<vmem>>) target_semaphore(%arg13 : memref<!tpu.dma_semaphore, #tpu.memory_space<semaphore_mem>>)
    %dma_wait3A_435 = arith.constant 3 : i32
    %dma_wait3A_436 = arith.constant 0 : i32
    %dma_wait3A_437 = arith.constant 0 : i32
    %dma_wait3A_438 = tpu.memref_slice %arg4[%add3A, %dma_wait3A_435, %dma_wait3A_436, %dma_wait3A_437] : memref<32x5x128x128xf32, #tpu.memory_space<hbm>> -> memref<1x1x128x128xf32, #tpu.memory_space<hbm>>
    %dma_wait3A_439 = tpu.memref_squeeze %dma_wait3A_438 : memref<1x1x128x128xf32, #tpu.memory_space<hbm>> -> memref<128x128xf32, #tpu.memory_space<hbm>>
    %dma_wait3A_440 = arith.constant 0 : i32
    %dma_wait3A_441 = arith.constant 0 : i32
    %dma_wait3A_442 = tpu.memref_slice %arg4[%add3A, %dma_wait3A_435, %dma_wait3A_440, %dma_wait3A_441] : memref<32x5x128x128xf32, #tpu.memory_space<hbm>> -> memref<1x1x128x128xf32, #tpu.memory_space<hbm>>
    %dma_wait3A_443 = tpu.memref_squeeze %dma_wait3A_442 : memref<1x1x128x128xf32, #tpu.memory_space<hbm>> -> memref<128x128xf32, #tpu.memory_space<hbm>>
    tpu.wait_dma2 semaphore(%arg14 : memref<!tpu.dma_semaphore, #tpu.memory_space<semaphore_mem>>) src(%dma_wait3A_443 : memref<128x128xf32, #tpu.memory_space<hbm>>) dst(%arg11 : memref<128x128xf32, #tpu.memory_space<vmem>>)
    %dma_start3A_444 = arith.constant 13 : i32
    %dma_start3A_445 = arith.constant 0 : i32
    %dma_start3A_446 = tpu.memref_slice %arg9[%dma_start3A_444, %dma_start3A_445] : memref<20x128xi32, #tpu.memory_space<vmem>> -> memref<1x128xi32, #tpu.memory_space<vmem>>
    %dma_start3A_447 = tpu.memref_squeeze %dma_start3A_446 : memref<1x128xi32, #tpu.memory_space<vmem>> -> memref<128xi32, #tpu.memory_space<vmem>>
    %dma_start3A_448 = arith.constant 0 : i32
    %dma_start3A_449 = arith.constant 0 : i32
    %dma_start3A_450 = tpu.memref_slice %arg12[%dma_start3A_448, %dma_start3A_449] : memref<10240x128xf32, #tpu.memory_space<vmem_shared>> -> memref<10240x128xf32, #tpu.memory_space<vmem_shared>>
    tpu.enqueue_indirect_dma source(%arg11 : memref<128x128xf32, #tpu.memory_space<vmem>>) target(%dma_start3A_450 : memref<10240x128xf32, #tpu.memory_space<vmem_shared>>) offsets(%dma_start3A_447 : memref<128xi32, #tpu.memory_space<vmem>>) semaphore(%arg16 : memref<!tpu.dma_semaphore, #tpu.memory_space<semaphore_mem>>) {add = true}
    %dma_wait3A_451 = arith.constant 13 : i32
    %dma_wait3A_452 = arith.constant 0 : i32
    %dma_wait3A_453 = tpu.memref_slice %arg9[%dma_wait3A_451, %dma_wait3A_452] : memref<20x128xi32, #tpu.memory_space<vmem>> -> memref<1x128xi32, #tpu.memory_space<vmem>>
    %dma_wait3A_454 = tpu.memref_squeeze %dma_wait3A_453 : memref<1x128xi32, #tpu.memory_space<vmem>> -> memref<128xi32, #tpu.memory_space<vmem>>
    %dma_wait3A_455 = arith.constant 0 : i32
    %dma_wait3A_456 = arith.constant 0 : i32
    %dma_wait3A_457 = tpu.memref_slice %arg12[%dma_wait3A_455, %dma_wait3A_456] : memref<10240x128xf32, #tpu.memory_space<vmem_shared>> -> memref<10240x128xf32, #tpu.memory_space<vmem_shared>>
    tpu.wait_indirect_dma semaphore(%arg16 : memref<!tpu.dma_semaphore, #tpu.memory_space<semaphore_mem>>) src(%arg11 : memref<128x128xf32, #tpu.memory_space<vmem>>) dst(%dma_wait3A_457 : memref<10240x128xf32, #tpu.memory_space<vmem_shared>>)
    %dma_start3A_458 = arith.constant 0 : i32
    %dma_start3A_459 = arith.constant 0 : i32
    %dma_start3A_460 = arith.constant 0 : i32
    %dma_start3A_461 = tpu.memref_slice %arg5[%add3A, %dma_start3A_458, %dma_start3A_459, %dma_start3A_460] : memref<32x5x128x128xf32, #tpu.memory_space<hbm>> -> memref<1x1x128x128xf32, #tpu.memory_space<hbm>>
    %dma_start3A_462 = tpu.memref_squeeze %dma_start3A_461 : memref<1x1x128x128xf32, #tpu.memory_space<hbm>> -> memref<128x128xf32, #tpu.memory_space<hbm>>
    %dma_start3A_463 = arith.constant 0 : i32
    %dma_start3A_464 = arith.constant 0 : i32
    %dma_start3A_465 = tpu.memref_slice %arg5[%add3A, %dma_start3A_458, %dma_start3A_463, %dma_start3A_464] : memref<32x5x128x128xf32, #tpu.memory_space<hbm>> -> memref<1x1x128x128xf32, #tpu.memory_space<hbm>>
    %dma_start3A_466 = tpu.memref_squeeze %dma_start3A_465 : memref<1x1x128x128xf32, #tpu.memory_space<hbm>> -> memref<128x128xf32, #tpu.memory_space<hbm>>
    tpu.enqueue_dma source(%dma_start3A_466 : memref<128x128xf32, #tpu.memory_space<hbm>>) target(%arg11 : memref<128x128xf32, #tpu.memory_space<vmem>>) target_semaphore(%arg14 : memref<!tpu.dma_semaphore, #tpu.memory_space<semaphore_mem>>)
    %dma_wait3A_467 = arith.constant 4 : i32
    %dma_wait3A_468 = arith.constant 0 : i32
    %dma_wait3A_469 = arith.constant 0 : i32
    %dma_wait3A_470 = tpu.memref_slice %arg4[%add3A, %dma_wait3A_467, %dma_wait3A_468, %dma_wait3A_469] : memref<32x5x128x128xf32, #tpu.memory_space<hbm>> -> memref<1x1x128x128xf32, #tpu.memory_space<hbm>>
    %dma_wait3A_471 = tpu.memref_squeeze %dma_wait3A_470 : memref<1x1x128x128xf32, #tpu.memory_space<hbm>> -> memref<128x128xf32, #tpu.memory_space<hbm>>
    %dma_wait3A_472 = arith.constant 0 : i32
    %dma_wait3A_473 = arith.constant 0 : i32
    %dma_wait3A_474 = tpu.memref_slice %arg4[%add3A, %dma_wait3A_467, %dma_wait3A_472, %dma_wait3A_473] : memref<32x5x128x128xf32, #tpu.memory_space<hbm>> -> memref<1x1x128x128xf32, #tpu.memory_space<hbm>>
    %dma_wait3A_475 = tpu.memref_squeeze %dma_wait3A_474 : memref<1x1x128x128xf32, #tpu.memory_space<hbm>> -> memref<128x128xf32, #tpu.memory_space<hbm>>
    tpu.wait_dma2 semaphore(%arg13 : memref<!tpu.dma_semaphore, #tpu.memory_space<semaphore_mem>>) src(%dma_wait3A_475 : memref<128x128xf32, #tpu.memory_space<hbm>>) dst(%arg10 : memref<128x128xf32, #tpu.memory_space<vmem>>)
    %dma_start3A_476 = arith.constant 14 : i32
    %dma_start3A_477 = arith.constant 0 : i32
    %dma_start3A_478 = tpu.memref_slice %arg9[%dma_start3A_476, %dma_start3A_477] : memref<20x128xi32, #tpu.memory_space<vmem>> -> memref<1x128xi32, #tpu.memory_space<vmem>>
    %dma_start3A_479 = tpu.memref_squeeze %dma_start3A_478 : memref<1x128xi32, #tpu.memory_space<vmem>> -> memref<128xi32, #tpu.memory_space<vmem>>
    %dma_start3A_480 = arith.constant 0 : i32
    %dma_start3A_481 = arith.constant 0 : i32
    %dma_start3A_482 = tpu.memref_slice %arg12[%dma_start3A_480, %dma_start3A_481] : memref<10240x128xf32, #tpu.memory_space<vmem_shared>> -> memref<10240x128xf32, #tpu.memory_space<vmem_shared>>
    tpu.enqueue_indirect_dma source(%arg10 : memref<128x128xf32, #tpu.memory_space<vmem>>) target(%dma_start3A_482 : memref<10240x128xf32, #tpu.memory_space<vmem_shared>>) offsets(%dma_start3A_479 : memref<128xi32, #tpu.memory_space<vmem>>) semaphore(%arg15 : memref<!tpu.dma_semaphore, #tpu.memory_space<semaphore_mem>>) {add = true}
    %dma_wait3A_483 = arith.constant 14 : i32
    %dma_wait3A_484 = arith.constant 0 : i32
    %dma_wait3A_485 = tpu.memref_slice %arg9[%dma_wait3A_483, %dma_wait3A_484] : memref<20x128xi32, #tpu.memory_space<vmem>> -> memref<1x128xi32, #tpu.memory_space<vmem>>
    %dma_wait3A_486 = tpu.memref_squeeze %dma_wait3A_485 : memref<1x128xi32, #tpu.memory_space<vmem>> -> memref<128xi32, #tpu.memory_space<vmem>>
    %dma_wait3A_487 = arith.constant 0 : i32
    %dma_wait3A_488 = arith.constant 0 : i32
    %dma_wait3A_489 = tpu.memref_slice %arg12[%dma_wait3A_487, %dma_wait3A_488] : memref<10240x128xf32, #tpu.memory_space<vmem_shared>> -> memref<10240x128xf32, #tpu.memory_space<vmem_shared>>
    tpu.wait_indirect_dma semaphore(%arg15 : memref<!tpu.dma_semaphore, #tpu.memory_space<semaphore_mem>>) src(%arg10 : memref<128x128xf32, #tpu.memory_space<vmem>>) dst(%dma_wait3A_489 : memref<10240x128xf32, #tpu.memory_space<vmem_shared>>)
    %dma_start3A_490 = arith.constant 1 : i32
    %dma_start3A_491 = arith.constant 0 : i32
    %dma_start3A_492 = arith.constant 0 : i32
    %dma_start3A_493 = tpu.memref_slice %arg5[%add3A, %dma_start3A_490, %dma_start3A_491, %dma_start3A_492] : memref<32x5x128x128xf32, #tpu.memory_space<hbm>> -> memref<1x1x128x128xf32, #tpu.memory_space<hbm>>
    %dma_start3A_494 = tpu.memref_squeeze %dma_start3A_493 : memref<1x1x128x128xf32, #tpu.memory_space<hbm>> -> memref<128x128xf32, #tpu.memory_space<hbm>>
    %dma_start3A_495 = arith.constant 0 : i32
    %dma_start3A_496 = arith.constant 0 : i32
    %dma_start3A_497 = tpu.memref_slice %arg5[%add3A, %dma_start3A_490, %dma_start3A_495, %dma_start3A_496] : memref<32x5x128x128xf32, #tpu.memory_space<hbm>> -> memref<1x1x128x128xf32, #tpu.memory_space<hbm>>
    %dma_start3A_498 = tpu.memref_squeeze %dma_start3A_497 : memref<1x1x128x128xf32, #tpu.memory_space<hbm>> -> memref<128x128xf32, #tpu.memory_space<hbm>>
    tpu.enqueue_dma source(%dma_start3A_498 : memref<128x128xf32, #tpu.memory_space<hbm>>) target(%arg10 : memref<128x128xf32, #tpu.memory_space<vmem>>) target_semaphore(%arg13 : memref<!tpu.dma_semaphore, #tpu.memory_space<semaphore_mem>>)
    %dma_wait3A_499 = arith.constant 0 : i32
    %dma_wait3A_500 = arith.constant 0 : i32
    %dma_wait3A_501 = arith.constant 0 : i32
    %dma_wait3A_502 = tpu.memref_slice %arg5[%add3A, %dma_wait3A_499, %dma_wait3A_500, %dma_wait3A_501] : memref<32x5x128x128xf32, #tpu.memory_space<hbm>> -> memref<1x1x128x128xf32, #tpu.memory_space<hbm>>
    %dma_wait3A_503 = tpu.memref_squeeze %dma_wait3A_502 : memref<1x1x128x128xf32, #tpu.memory_space<hbm>> -> memref<128x128xf32, #tpu.memory_space<hbm>>
    %dma_wait3A_504 = arith.constant 0 : i32
    %dma_wait3A_505 = arith.constant 0 : i32
    %dma_wait3A_506 = tpu.memref_slice %arg5[%add3A, %dma_wait3A_499, %dma_wait3A_504, %dma_wait3A_505] : memref<32x5x128x128xf32, #tpu.memory_space<hbm>> -> memref<1x1x128x128xf32, #tpu.memory_space<hbm>>
    %dma_wait3A_507 = tpu.memref_squeeze %dma_wait3A_506 : memref<1x1x128x128xf32, #tpu.memory_space<hbm>> -> memref<128x128xf32, #tpu.memory_space<hbm>>
    tpu.wait_dma2 semaphore(%arg14 : memref<!tpu.dma_semaphore, #tpu.memory_space<semaphore_mem>>) src(%dma_wait3A_507 : memref<128x128xf32, #tpu.memory_space<hbm>>) dst(%arg11 : memref<128x128xf32, #tpu.memory_space<vmem>>)
    %dma_start3A_508 = arith.constant 15 : i32
    %dma_start3A_509 = arith.constant 0 : i32
    %dma_start3A_510 = tpu.memref_slice %arg9[%dma_start3A_508, %dma_start3A_509] : memref<20x128xi32, #tpu.memory_space<vmem>> -> memref<1x128xi32, #tpu.memory_space<vmem>>
    %dma_start3A_511 = tpu.memref_squeeze %dma_start3A_510 : memref<1x128xi32, #tpu.memory_space<vmem>> -> memref<128xi32, #tpu.memory_space<vmem>>
    %dma_start3A_512 = arith.constant 0 : i32
    %dma_start3A_513 = arith.constant 0 : i32
    %dma_start3A_514 = tpu.memref_slice %arg12[%dma_start3A_512, %dma_start3A_513] : memref<10240x128xf32, #tpu.memory_space<vmem_shared>> -> memref<10240x128xf32, #tpu.memory_space<vmem_shared>>
    tpu.enqueue_indirect_dma source(%arg11 : memref<128x128xf32, #tpu.memory_space<vmem>>) target(%dma_start3A_514 : memref<10240x128xf32, #tpu.memory_space<vmem_shared>>) offsets(%dma_start3A_511 : memref<128xi32, #tpu.memory_space<vmem>>) semaphore(%arg16 : memref<!tpu.dma_semaphore, #tpu.memory_space<semaphore_mem>>) {add = true}
    %dma_wait3A_515 = arith.constant 15 : i32
    %dma_wait3A_516 = arith.constant 0 : i32
    %dma_wait3A_517 = tpu.memref_slice %arg9[%dma_wait3A_515, %dma_wait3A_516] : memref<20x128xi32, #tpu.memory_space<vmem>> -> memref<1x128xi32, #tpu.memory_space<vmem>>
    %dma_wait3A_518 = tpu.memref_squeeze %dma_wait3A_517 : memref<1x128xi32, #tpu.memory_space<vmem>> -> memref<128xi32, #tpu.memory_space<vmem>>
    %dma_wait3A_519 = arith.constant 0 : i32
    %dma_wait3A_520 = arith.constant 0 : i32
    %dma_wait3A_521 = tpu.memref_slice %arg12[%dma_wait3A_519, %dma_wait3A_520] : memref<10240x128xf32, #tpu.memory_space<vmem_shared>> -> memref<10240x128xf32, #tpu.memory_space<vmem_shared>>
    tpu.wait_indirect_dma semaphore(%arg16 : memref<!tpu.dma_semaphore, #tpu.memory_space<semaphore_mem>>) src(%arg11 : memref<128x128xf32, #tpu.memory_space<vmem>>) dst(%dma_wait3A_521 : memref<10240x128xf32, #tpu.memory_space<vmem_shared>>)
    %dma_start3A_522 = arith.constant 2 : i32
    %dma_start3A_523 = arith.constant 0 : i32
    %dma_start3A_524 = arith.constant 0 : i32
    %dma_start3A_525 = tpu.memref_slice %arg5[%add3A, %dma_start3A_522, %dma_start3A_523, %dma_start3A_524] : memref<32x5x128x128xf32, #tpu.memory_space<hbm>> -> memref<1x1x128x128xf32, #tpu.memory_space<hbm>>
    %dma_start3A_526 = tpu.memref_squeeze %dma_start3A_525 : memref<1x1x128x128xf32, #tpu.memory_space<hbm>> -> memref<128x128xf32, #tpu.memory_space<hbm>>
    %dma_start3A_527 = arith.constant 0 : i32
    %dma_start3A_528 = arith.constant 0 : i32
    %dma_start3A_529 = tpu.memref_slice %arg5[%add3A, %dma_start3A_522, %dma_start3A_527, %dma_start3A_528] : memref<32x5x128x128xf32, #tpu.memory_space<hbm>> -> memref<1x1x128x128xf32, #tpu.memory_space<hbm>>
    %dma_start3A_530 = tpu.memref_squeeze %dma_start3A_529 : memref<1x1x128x128xf32, #tpu.memory_space<hbm>> -> memref<128x128xf32, #tpu.memory_space<hbm>>
    tpu.enqueue_dma source(%dma_start3A_530 : memref<128x128xf32, #tpu.memory_space<hbm>>) target(%arg11 : memref<128x128xf32, #tpu.memory_space<vmem>>) target_semaphore(%arg14 : memref<!tpu.dma_semaphore, #tpu.memory_space<semaphore_mem>>)
    %dma_wait3A_531 = arith.constant 1 : i32
    %dma_wait3A_532 = arith.constant 0 : i32
    %dma_wait3A_533 = arith.constant 0 : i32
    %dma_wait3A_534 = tpu.memref_slice %arg5[%add3A, %dma_wait3A_531, %dma_wait3A_532, %dma_wait3A_533] : memref<32x5x128x128xf32, #tpu.memory_space<hbm>> -> memref<1x1x128x128xf32, #tpu.memory_space<hbm>>
    %dma_wait3A_535 = tpu.memref_squeeze %dma_wait3A_534 : memref<1x1x128x128xf32, #tpu.memory_space<hbm>> -> memref<128x128xf32, #tpu.memory_space<hbm>>
    %dma_wait3A_536 = arith.constant 0 : i32
    %dma_wait3A_537 = arith.constant 0 : i32
    %dma_wait3A_538 = tpu.memref_slice %arg5[%add3A, %dma_wait3A_531, %dma_wait3A_536, %dma_wait3A_537] : memref<32x5x128x128xf32, #tpu.memory_space<hbm>> -> memref<1x1x128x128xf32, #tpu.memory_space<hbm>>
    %dma_wait3A_539 = tpu.memref_squeeze %dma_wait3A_538 : memref<1x1x128x128xf32, #tpu.memory_space<hbm>> -> memref<128x128xf32, #tpu.memory_space<hbm>>
    tpu.wait_dma2 semaphore(%arg13 : memref<!tpu.dma_semaphore, #tpu.memory_space<semaphore_mem>>) src(%dma_wait3A_539 : memref<128x128xf32, #tpu.memory_space<hbm>>) dst(%arg10 : memref<128x128xf32, #tpu.memory_space<vmem>>)
    %dma_start3A_540 = arith.constant 16 : i32
    %dma_start3A_541 = arith.constant 0 : i32
    %dma_start3A_542 = tpu.memref_slice %arg9[%dma_start3A_540, %dma_start3A_541] : memref<20x128xi32, #tpu.memory_space<vmem>> -> memref<1x128xi32, #tpu.memory_space<vmem>>
    %dma_start3A_543 = tpu.memref_squeeze %dma_start3A_542 : memref<1x128xi32, #tpu.memory_space<vmem>> -> memref<128xi32, #tpu.memory_space<vmem>>
    %dma_start3A_544 = arith.constant 0 : i32
    %dma_start3A_545 = arith.constant 0 : i32
    %dma_start3A_546 = tpu.memref_slice %arg12[%dma_start3A_544, %dma_start3A_545] : memref<10240x128xf32, #tpu.memory_space<vmem_shared>> -> memref<10240x128xf32, #tpu.memory_space<vmem_shared>>
    tpu.enqueue_indirect_dma source(%arg10 : memref<128x128xf32, #tpu.memory_space<vmem>>) target(%dma_start3A_546 : memref<10240x128xf32, #tpu.memory_space<vmem_shared>>) offsets(%dma_start3A_543 : memref<128xi32, #tpu.memory_space<vmem>>) semaphore(%arg15 : memref<!tpu.dma_semaphore, #tpu.memory_space<semaphore_mem>>) {add = true}
    %dma_wait3A_547 = arith.constant 16 : i32
    %dma_wait3A_548 = arith.constant 0 : i32
    %dma_wait3A_549 = tpu.memref_slice %arg9[%dma_wait3A_547, %dma_wait3A_548] : memref<20x128xi32, #tpu.memory_space<vmem>> -> memref<1x128xi32, #tpu.memory_space<vmem>>
    %dma_wait3A_550 = tpu.memref_squeeze %dma_wait3A_549 : memref<1x128xi32, #tpu.memory_space<vmem>> -> memref<128xi32, #tpu.memory_space<vmem>>
    %dma_wait3A_551 = arith.constant 0 : i32
    %dma_wait3A_552 = arith.constant 0 : i32
    %dma_wait3A_553 = tpu.memref_slice %arg12[%dma_wait3A_551, %dma_wait3A_552] : memref<10240x128xf32, #tpu.memory_space<vmem_shared>> -> memref<10240x128xf32, #tpu.memory_space<vmem_shared>>
    tpu.wait_indirect_dma semaphore(%arg15 : memref<!tpu.dma_semaphore, #tpu.memory_space<semaphore_mem>>) src(%arg10 : memref<128x128xf32, #tpu.memory_space<vmem>>) dst(%dma_wait3A_553 : memref<10240x128xf32, #tpu.memory_space<vmem_shared>>)
    %dma_start3A_554 = arith.constant 3 : i32
    %dma_start3A_555 = arith.constant 0 : i32
    %dma_start3A_556 = arith.constant 0 : i32
    %dma_start3A_557 = tpu.memref_slice %arg5[%add3A, %dma_start3A_554, %dma_start3A_555, %dma_start3A_556] : memref<32x5x128x128xf32, #tpu.memory_space<hbm>> -> memref<1x1x128x128xf32, #tpu.memory_space<hbm>>
    %dma_start3A_558 = tpu.memref_squeeze %dma_start3A_557 : memref<1x1x128x128xf32, #tpu.memory_space<hbm>> -> memref<128x128xf32, #tpu.memory_space<hbm>>
    %dma_start3A_559 = arith.constant 0 : i32
    %dma_start3A_560 = arith.constant 0 : i32
    %dma_start3A_561 = tpu.memref_slice %arg5[%add3A, %dma_start3A_554, %dma_start3A_559, %dma_start3A_560] : memref<32x5x128x128xf32, #tpu.memory_space<hbm>> -> memref<1x1x128x128xf32, #tpu.memory_space<hbm>>
    %dma_start3A_562 = tpu.memref_squeeze %dma_start3A_561 : memref<1x1x128x128xf32, #tpu.memory_space<hbm>> -> memref<128x128xf32, #tpu.memory_space<hbm>>
    tpu.enqueue_dma source(%dma_start3A_562 : memref<128x128xf32, #tpu.memory_space<hbm>>) target(%arg10 : memref<128x128xf32, #tpu.memory_space<vmem>>) target_semaphore(%arg13 : memref<!tpu.dma_semaphore, #tpu.memory_space<semaphore_mem>>)
    %dma_wait3A_563 = arith.constant 2 : i32
    %dma_wait3A_564 = arith.constant 0 : i32
    %dma_wait3A_565 = arith.constant 0 : i32
    %dma_wait3A_566 = tpu.memref_slice %arg5[%add3A, %dma_wait3A_563, %dma_wait3A_564, %dma_wait3A_565] : memref<32x5x128x128xf32, #tpu.memory_space<hbm>> -> memref<1x1x128x128xf32, #tpu.memory_space<hbm>>
    %dma_wait3A_567 = tpu.memref_squeeze %dma_wait3A_566 : memref<1x1x128x128xf32, #tpu.memory_space<hbm>> -> memref<128x128xf32, #tpu.memory_space<hbm>>
    %dma_wait3A_568 = arith.constant 0 : i32
    %dma_wait3A_569 = arith.constant 0 : i32
    %dma_wait3A_570 = tpu.memref_slice %arg5[%add3A, %dma_wait3A_563, %dma_wait3A_568, %dma_wait3A_569] : memref<32x5x128x128xf32, #tpu.memory_space<hbm>> -> memref<1x1x128x128xf32, #tpu.memory_space<hbm>>
    %dma_wait3A_571 = tpu.memref_squeeze %dma_wait3A_570 : memref<1x1x128x128xf32, #tpu.memory_space<hbm>> -> memref<128x128xf32, #tpu.memory_space<hbm>>
    tpu.wait_dma2 semaphore(%arg14 : memref<!tpu.dma_semaphore, #tpu.memory_space<semaphore_mem>>) src(%dma_wait3A_571 : memref<128x128xf32, #tpu.memory_space<hbm>>) dst(%arg11 : memref<128x128xf32, #tpu.memory_space<vmem>>)
    %dma_start3A_572 = arith.constant 17 : i32
    %dma_start3A_573 = arith.constant 0 : i32
    %dma_start3A_574 = tpu.memref_slice %arg9[%dma_start3A_572, %dma_start3A_573] : memref<20x128xi32, #tpu.memory_space<vmem>> -> memref<1x128xi32, #tpu.memory_space<vmem>>
    %dma_start3A_575 = tpu.memref_squeeze %dma_start3A_574 : memref<1x128xi32, #tpu.memory_space<vmem>> -> memref<128xi32, #tpu.memory_space<vmem>>
    %dma_start3A_576 = arith.constant 0 : i32
    %dma_start3A_577 = arith.constant 0 : i32
    %dma_start3A_578 = tpu.memref_slice %arg12[%dma_start3A_576, %dma_start3A_577] : memref<10240x128xf32, #tpu.memory_space<vmem_shared>> -> memref<10240x128xf32, #tpu.memory_space<vmem_shared>>
    tpu.enqueue_indirect_dma source(%arg11 : memref<128x128xf32, #tpu.memory_space<vmem>>) target(%dma_start3A_578 : memref<10240x128xf32, #tpu.memory_space<vmem_shared>>) offsets(%dma_start3A_575 : memref<128xi32, #tpu.memory_space<vmem>>) semaphore(%arg16 : memref<!tpu.dma_semaphore, #tpu.memory_space<semaphore_mem>>) {add = true}
    %dma_wait3A_579 = arith.constant 17 : i32
    %dma_wait3A_580 = arith.constant 0 : i32
    %dma_wait3A_581 = tpu.memref_slice %arg9[%dma_wait3A_579, %dma_wait3A_580] : memref<20x128xi32, #tpu.memory_space<vmem>> -> memref<1x128xi32, #tpu.memory_space<vmem>>
    %dma_wait3A_582 = tpu.memref_squeeze %dma_wait3A_581 : memref<1x128xi32, #tpu.memory_space<vmem>> -> memref<128xi32, #tpu.memory_space<vmem>>
    %dma_wait3A_583 = arith.constant 0 : i32
    %dma_wait3A_584 = arith.constant 0 : i32
    %dma_wait3A_585 = tpu.memref_slice %arg12[%dma_wait3A_583, %dma_wait3A_584] : memref<10240x128xf32, #tpu.memory_space<vmem_shared>> -> memref<10240x128xf32, #tpu.memory_space<vmem_shared>>
    tpu.wait_indirect_dma semaphore(%arg16 : memref<!tpu.dma_semaphore, #tpu.memory_space<semaphore_mem>>) src(%arg11 : memref<128x128xf32, #tpu.memory_space<vmem>>) dst(%dma_wait3A_585 : memref<10240x128xf32, #tpu.memory_space<vmem_shared>>)
    %dma_start3A_586 = arith.constant 4 : i32
    %dma_start3A_587 = arith.constant 0 : i32
    %dma_start3A_588 = arith.constant 0 : i32
    %dma_start3A_589 = tpu.memref_slice %arg5[%add3A, %dma_start3A_586, %dma_start3A_587, %dma_start3A_588] : memref<32x5x128x128xf32, #tpu.memory_space<hbm>> -> memref<1x1x128x128xf32, #tpu.memory_space<hbm>>
    %dma_start3A_590 = tpu.memref_squeeze %dma_start3A_589 : memref<1x1x128x128xf32, #tpu.memory_space<hbm>> -> memref<128x128xf32, #tpu.memory_space<hbm>>
    %dma_start3A_591 = arith.constant 0 : i32
    %dma_start3A_592 = arith.constant 0 : i32
    %dma_start3A_593 = tpu.memref_slice %arg5[%add3A, %dma_start3A_586, %dma_start3A_591, %dma_start3A_592] : memref<32x5x128x128xf32, #tpu.memory_space<hbm>> -> memref<1x1x128x128xf32, #tpu.memory_space<hbm>>
    %dma_start3A_594 = tpu.memref_squeeze %dma_start3A_593 : memref<1x1x128x128xf32, #tpu.memory_space<hbm>> -> memref<128x128xf32, #tpu.memory_space<hbm>>
    tpu.enqueue_dma source(%dma_start3A_594 : memref<128x128xf32, #tpu.memory_space<hbm>>) target(%arg11 : memref<128x128xf32, #tpu.memory_space<vmem>>) target_semaphore(%arg14 : memref<!tpu.dma_semaphore, #tpu.memory_space<semaphore_mem>>)
    %dma_wait3A_595 = arith.constant 3 : i32
    %dma_wait3A_596 = arith.constant 0 : i32
    %dma_wait3A_597 = arith.constant 0 : i32
    %dma_wait3A_598 = tpu.memref_slice %arg5[%add3A, %dma_wait3A_595, %dma_wait3A_596, %dma_wait3A_597] : memref<32x5x128x128xf32, #tpu.memory_space<hbm>> -> memref<1x1x128x128xf32, #tpu.memory_space<hbm>>
    %dma_wait3A_599 = tpu.memref_squeeze %dma_wait3A_598 : memref<1x1x128x128xf32, #tpu.memory_space<hbm>> -> memref<128x128xf32, #tpu.memory_space<hbm>>
    %dma_wait3A_600 = arith.constant 0 : i32
    %dma_wait3A_601 = arith.constant 0 : i32
    %dma_wait3A_602 = tpu.memref_slice %arg5[%add3A, %dma_wait3A_595, %dma_wait3A_600, %dma_wait3A_601] : memref<32x5x128x128xf32, #tpu.memory_space<hbm>> -> memref<1x1x128x128xf32, #tpu.memory_space<hbm>>
    %dma_wait3A_603 = tpu.memref_squeeze %dma_wait3A_602 : memref<1x1x128x128xf32, #tpu.memory_space<hbm>> -> memref<128x128xf32, #tpu.memory_space<hbm>>
    tpu.wait_dma2 semaphore(%arg13 : memref<!tpu.dma_semaphore, #tpu.memory_space<semaphore_mem>>) src(%dma_wait3A_603 : memref<128x128xf32, #tpu.memory_space<hbm>>) dst(%arg10 : memref<128x128xf32, #tpu.memory_space<vmem>>)
    %dma_start3A_604 = arith.constant 18 : i32
    %dma_start3A_605 = arith.constant 0 : i32
    %dma_start3A_606 = tpu.memref_slice %arg9[%dma_start3A_604, %dma_start3A_605] : memref<20x128xi32, #tpu.memory_space<vmem>> -> memref<1x128xi32, #tpu.memory_space<vmem>>
    %dma_start3A_607 = tpu.memref_squeeze %dma_start3A_606 : memref<1x128xi32, #tpu.memory_space<vmem>> -> memref<128xi32, #tpu.memory_space<vmem>>
    %dma_start3A_608 = arith.constant 0 : i32
    %dma_start3A_609 = arith.constant 0 : i32
    %dma_start3A_610 = tpu.memref_slice %arg12[%dma_start3A_608, %dma_start3A_609] : memref<10240x128xf32, #tpu.memory_space<vmem_shared>> -> memref<10240x128xf32, #tpu.memory_space<vmem_shared>>
    tpu.enqueue_indirect_dma source(%arg10 : memref<128x128xf32, #tpu.memory_space<vmem>>) target(%dma_start3A_610 : memref<10240x128xf32, #tpu.memory_space<vmem_shared>>) offsets(%dma_start3A_607 : memref<128xi32, #tpu.memory_space<vmem>>) semaphore(%arg15 : memref<!tpu.dma_semaphore, #tpu.memory_space<semaphore_mem>>) {add = true}
    %dma_wait3A_611 = arith.constant 4 : i32
    %dma_wait3A_612 = arith.constant 0 : i32
    %dma_wait3A_613 = arith.constant 0 : i32
    %dma_wait3A_614 = tpu.memref_slice %arg5[%add3A, %dma_wait3A_611, %dma_wait3A_612, %dma_wait3A_613] : memref<32x5x128x128xf32, #tpu.memory_space<hbm>> -> memref<1x1x128x128xf32, #tpu.memory_space<hbm>>
    %dma_wait3A_615 = tpu.memref_squeeze %dma_wait3A_614 : memref<1x1x128x128xf32, #tpu.memory_space<hbm>> -> memref<128x128xf32, #tpu.memory_space<hbm>>
    %dma_wait3A_616 = arith.constant 0 : i32
    %dma_wait3A_617 = arith.constant 0 : i32
    %dma_wait3A_618 = tpu.memref_slice %arg5[%add3A, %dma_wait3A_611, %dma_wait3A_616, %dma_wait3A_617] : memref<32x5x128x128xf32, #tpu.memory_space<hbm>> -> memref<1x1x128x128xf32, #tpu.memory_space<hbm>>
    %dma_wait3A_619 = tpu.memref_squeeze %dma_wait3A_618 : memref<1x1x128x128xf32, #tpu.memory_space<hbm>> -> memref<128x128xf32, #tpu.memory_space<hbm>>
    tpu.wait_dma2 semaphore(%arg14 : memref<!tpu.dma_semaphore, #tpu.memory_space<semaphore_mem>>) src(%dma_wait3A_619 : memref<128x128xf32, #tpu.memory_space<hbm>>) dst(%arg11 : memref<128x128xf32, #tpu.memory_space<vmem>>)
    %dma_start3A_620 = arith.constant 19 : i32
    %dma_start3A_621 = arith.constant 0 : i32
    %dma_start3A_622 = tpu.memref_slice %arg9[%dma_start3A_620, %dma_start3A_621] : memref<20x128xi32, #tpu.memory_space<vmem>> -> memref<1x128xi32, #tpu.memory_space<vmem>>
    %dma_start3A_623 = tpu.memref_squeeze %dma_start3A_622 : memref<1x128xi32, #tpu.memory_space<vmem>> -> memref<128xi32, #tpu.memory_space<vmem>>
    %dma_start3A_624 = arith.constant 0 : i32
    %dma_start3A_625 = arith.constant 0 : i32
    %dma_start3A_626 = tpu.memref_slice %arg12[%dma_start3A_624, %dma_start3A_625] : memref<10240x128xf32, #tpu.memory_space<vmem_shared>> -> memref<10240x128xf32, #tpu.memory_space<vmem_shared>>
    tpu.enqueue_indirect_dma source(%arg11 : memref<128x128xf32, #tpu.memory_space<vmem>>) target(%dma_start3A_626 : memref<10240x128xf32, #tpu.memory_space<vmem_shared>>) offsets(%dma_start3A_623 : memref<128xi32, #tpu.memory_space<vmem>>) semaphore(%arg16 : memref<!tpu.dma_semaphore, #tpu.memory_space<semaphore_mem>>) {add = true}
    %dma_wait3A_627 = arith.constant 18 : i32
    %dma_wait3A_628 = arith.constant 0 : i32
    %dma_wait3A_629 = tpu.memref_slice %arg9[%dma_wait3A_627, %dma_wait3A_628] : memref<20x128xi32, #tpu.memory_space<vmem>> -> memref<1x128xi32, #tpu.memory_space<vmem>>
    %dma_wait3A_630 = tpu.memref_squeeze %dma_wait3A_629 : memref<1x128xi32, #tpu.memory_space<vmem>> -> memref<128xi32, #tpu.memory_space<vmem>>
    %dma_wait3A_631 = arith.constant 0 : i32
    %dma_wait3A_632 = arith.constant 0 : i32
    %dma_wait3A_633 = tpu.memref_slice %arg12[%dma_wait3A_631, %dma_wait3A_632] : memref<10240x128xf32, #tpu.memory_space<vmem_shared>> -> memref<10240x128xf32, #tpu.memory_space<vmem_shared>>
    tpu.wait_indirect_dma semaphore(%arg15 : memref<!tpu.dma_semaphore, #tpu.memory_space<semaphore_mem>>) src(%arg10 : memref<128x128xf32, #tpu.memory_space<vmem>>) dst(%dma_wait3A_633 : memref<10240x128xf32, #tpu.memory_space<vmem_shared>>)
    %dma_wait3A_634 = arith.constant 19 : i32
    %dma_wait3A_635 = arith.constant 0 : i32
    %dma_wait3A_636 = tpu.memref_slice %arg9[%dma_wait3A_634, %dma_wait3A_635] : memref<20x128xi32, #tpu.memory_space<vmem>> -> memref<1x128xi32, #tpu.memory_space<vmem>>
    %dma_wait3A_637 = tpu.memref_squeeze %dma_wait3A_636 : memref<1x128xi32, #tpu.memory_space<vmem>> -> memref<128xi32, #tpu.memory_space<vmem>>
    %dma_wait3A_638 = arith.constant 0 : i32
    %dma_wait3A_639 = arith.constant 0 : i32
    %dma_wait3A_640 = tpu.memref_slice %arg12[%dma_wait3A_638, %dma_wait3A_639] : memref<10240x128xf32, #tpu.memory_space<vmem_shared>> -> memref<10240x128xf32, #tpu.memory_space<vmem_shared>>
    tpu.wait_indirect_dma semaphore(%arg16 : memref<!tpu.dma_semaphore, #tpu.memory_space<semaphore_mem>>) src(%arg11 : memref<128x128xf32, #tpu.memory_space<vmem>>) dst(%dma_wait3A_640 : memref<10240x128xf32, #tpu.memory_space<vmem_shared>>)
    %barrier3A_641 = arith.constant 0 : index
    tpu.barrier barrier_id(%barrier3A_641)
    "tpu.region"() ({
      %run_scoped3A = tpu.sem_alloc : memref<!tpu.dma_semaphore, #tpu.memory_space<semaphore_mem>>
      %dma_start3A_642 = arith.constant 0 : i32
      %dma_start3A_643 = tpu.memref_slice %arg8[%arg0, %mul3A_2, %dma_start3A_642] : memref<2x10240x128xf32, #tpu.memory_space<hbm>> -> memref<1x640x128xf32, #tpu.memory_space<hbm>>
      %dma_start3A_644 = tpu.memref_squeeze %dma_start3A_643 : memref<1x640x128xf32, #tpu.memory_space<hbm>> -> memref<640x128xf32, #tpu.memory_space<hbm>>
      %dma_start3A_645 = arith.constant 0 : i32
      %dma_start3A_646 = tpu.memref_slice %arg12[%mul3A_2, %dma_start3A_645] : memref<10240x128xf32, #tpu.memory_space<vmem_shared>> -> memref<640x128xf32, #tpu.memory_space<vmem_shared>>
      tpu.enqueue_dma source(%dma_start3A_646 : memref<640x128xf32, #tpu.memory_space<vmem_shared>>) target(%dma_start3A_644 : memref<640x128xf32, #tpu.memory_space<hbm>>) target_semaphore(%run_scoped3A : memref<!tpu.dma_semaphore, #tpu.memory_space<semaphore_mem>>)
      %dma_wait3A_647 = arith.constant 0 : i32
      %dma_wait3A_648 = tpu.memref_slice %arg8[%arg0, %mul3A_2, %dma_wait3A_647] : memref<2x10240x128xf32, #tpu.memory_space<hbm>> -> memref<1x640x128xf32, #tpu.memory_space<hbm>>
      %dma_wait3A_649 = tpu.memref_squeeze %dma_wait3A_648 : memref<1x640x128xf32, #tpu.memory_space<hbm>> -> memref<640x128xf32, #tpu.memory_space<hbm>>
      %dma_wait3A_650 = arith.constant 0 : i32
      %dma_wait3A_651 = tpu.memref_slice %arg12[%mul3A_2, %dma_wait3A_650] : memref<10240x128xf32, #tpu.memory_space<vmem_shared>> -> memref<640x128xf32, #tpu.memory_space<vmem_shared>>
      tpu.wait_dma2 semaphore(%run_scoped3A : memref<!tpu.dma_semaphore, #tpu.memory_space<semaphore_mem>>) src(%dma_wait3A_651 : memref<640x128xf32, #tpu.memory_space<vmem_shared>>) dst(%dma_wait3A_649 : memref<640x128xf32, #tpu.memory_space<hbm>>)
      tpu.yield
    }) : () -> ()
    return
  }
}

module attributes {stable_mosaic.version = 14 : i64} {
  func.func @_messages_body(%arg0: i32, %arg1: memref<16x2560xf32, #tpu.memory_space<vmem>>, %arg2: memref<2560x128xf32, #tpu.memory_space<vmem>>, %arg3: memref<16x128xf32, #tpu.memory_space<vmem>>, %arg4: memref<1x128xf32, #tpu.memory_space<vmem>>, %arg5: memref<128x2048xbf16, #tpu.memory_space<vmem>>, %arg6: memref<128x16xf32, #tpu.memory_space<vmem>>, %arg7: memref<2560x128xf32, #tpu.memory_space<vmem>>) attributes {dimension_semantics = [#tpu.dimension_semantics<arbitrary>], iteration_bounds = array<i64: 8>, scalar_prefetch = 0 : i64, scratch_operands = 0 : i64, tpu.core_type = #tpu.core_type<tc>, window_params = [{transform_indices = @transform_0, window_bounds = array<i64: 16, 2560>}, {transform_indices = @transform_1, window_bounds = array<i64: 2560, 128>}, {pipeline_mode = #tpu.pipeline_mode<synchronous>, transform_indices = @transform_2, window_bounds = array<i64: 16, 128>}, {pipeline_mode = #tpu.pipeline_mode<synchronous>, transform_indices = @transform_3, window_bounds = array<i64: 1, 128>}, {pipeline_mode = #tpu.pipeline_mode<synchronous>, transform_indices = @transform_4, window_bounds = array<i64: 128, 2048>}, {pipeline_mode = #tpu.pipeline_mode<synchronous>, transform_indices = @transform_5, window_bounds = array<i64: 128, 16>}, {transform_indices = @transform_6, window_bounds = array<i64: 2560, 128>}]} {
    %get3A = arith.constant 0 : index
    %get3A_0 = arith.constant 0 : index
    %get3A_1 = vector.load %arg1[%get3A, %get3A_0] : memref<16x2560xf32, #tpu.memory_space<vmem>>, vector<16x2560xf32>
    %transpose3A = tpu.transpose %get3A_1, [1, 0] : vector<16x2560xf32> -> vector<2560x16xf32>
    %get3A_2 = arith.constant 0 : index
    %get3A_3 = arith.constant 0 : index
    %get3A_4 = vector.load %arg3[%get3A_2, %get3A_3] : memref<16x128xf32, #tpu.memory_space<vmem>>, vector<16x128xf32>
    %dot_general3A = arith.constant dense<0.000000e+00> : vector<2560x128xf32>
    %dot_general3A_5 = tpu.matmul %transpose3A, %get3A_4, %dot_general3A {dimension_numbers = #tpu.dot_dimension_numbers<[1], [0], [0], [1], [0, 0, 1, 1], [], []>, transpose_lhs_hint = false} : vector<2560x16xf32>, vector<16x128xf32>, vector<2560x128xf32> -> vector<2560x128xf32>
    %get3A_6 = arith.constant 0 : index
    %get3A_7 = arith.constant 0 : index
    %get3A_8 = vector.load %arg4[%get3A_6, %get3A_7] : memref<1x128xf32, #tpu.memory_space<vmem>>, vector<1x128xf32>
    %add3A = vector.broadcast %get3A_8 : vector<1x128xf32> to vector<2560x128xf32>
    %add3A_9 = arith.addf %dot_general3A_5, %add3A : vector<2560x128xf32>
    %max3A = arith.constant 0.000000e+00 : f32
    %max3A_10 = vector.broadcast %max3A : f32 to vector<2560x128xf32>
    %max3A_11 = arith.maximumf %add3A_9, %max3A_10 : vector<2560x128xf32>
    %convert_element_type3A = arith.truncf %max3A_11 : vector<2560x128xf32> to vector<2560x128xbf16>
    %get3A_12 = arith.constant 0 : index
    %get3A_13 = arith.constant 0 : index
    %get3A_14 = vector.load %arg5[%get3A_12, %get3A_13] : memref<128x2048xbf16, #tpu.memory_space<vmem>>, vector<128x2048xbf16>
    %dot_general3A_15 = arith.constant dense<0.000000e+00> : vector<2560x2048xf32>
    %dot_general3A_16 = tpu.matmul %convert_element_type3A, %get3A_14, %dot_general3A_15 {dimension_numbers = #tpu.dot_dimension_numbers<[1], [0], [0], [1], [0, 0, 1, 1], [], []>, transpose_lhs_hint = false} : vector<2560x128xbf16>, vector<128x2048xbf16>, vector<2560x2048xf32> -> vector<2560x2048xf32>
    %get3A_17 = arith.constant 0 : index
    %get3A_18 = arith.constant 0 : index
    %get3A_19 = vector.load %arg2[%get3A_17, %get3A_18] : memref<2560x128xf32, #tpu.memory_space<vmem>>, vector<2560x128xf32>
    %slice3A = vector.extract_strided_slice %dot_general3A_16 {offsets = [0, 0], sizes = [2560, 128], strides = [1, 1]} : vector<2560x2048xf32> to vector<2560x128xf32>
    %mul3A = arith.mulf %get3A_19, %slice3A : vector<2560x128xf32>
    %reduce_sum3A = arith.constant dense<0.000000e+00> : vector<2560xf32>
    %reduce_sum3A_20 = vector.multi_reduction <add>, %mul3A, %reduce_sum3A [1] : vector<2560x128xf32> to vector<2560xf32>
    %broadcast_in_dim3A = vector.shape_cast %reduce_sum3A_20 : vector<2560xf32> to vector<2560x1xf32>
    %slice3A_21 = vector.extract_strided_slice %dot_general3A_16 {offsets = [0, 128], sizes = [2560, 128], strides = [1, 1]} : vector<2560x2048xf32> to vector<2560x128xf32>
    %mul3A_22 = arith.mulf %get3A_19, %slice3A_21 : vector<2560x128xf32>
    %reduce_sum3A_23 = arith.constant dense<0.000000e+00> : vector<2560xf32>
    %reduce_sum3A_24 = vector.multi_reduction <add>, %mul3A_22, %reduce_sum3A_23 [1] : vector<2560x128xf32> to vector<2560xf32>
    %broadcast_in_dim3A_25 = vector.shape_cast %reduce_sum3A_24 : vector<2560xf32> to vector<2560x1xf32>
    %slice3A_26 = vector.extract_strided_slice %dot_general3A_16 {offsets = [0, 256], sizes = [2560, 128], strides = [1, 1]} : vector<2560x2048xf32> to vector<2560x128xf32>
    %mul3A_27 = arith.mulf %get3A_19, %slice3A_26 : vector<2560x128xf32>
    %reduce_sum3A_28 = arith.constant dense<0.000000e+00> : vector<2560xf32>
    %reduce_sum3A_29 = vector.multi_reduction <add>, %mul3A_27, %reduce_sum3A_28 [1] : vector<2560x128xf32> to vector<2560xf32>
    %broadcast_in_dim3A_30 = vector.shape_cast %reduce_sum3A_29 : vector<2560xf32> to vector<2560x1xf32>
    %slice3A_31 = vector.extract_strided_slice %dot_general3A_16 {offsets = [0, 384], sizes = [2560, 128], strides = [1, 1]} : vector<2560x2048xf32> to vector<2560x128xf32>
    %mul3A_32 = arith.mulf %get3A_19, %slice3A_31 : vector<2560x128xf32>
    %reduce_sum3A_33 = arith.constant dense<0.000000e+00> : vector<2560xf32>
    %reduce_sum3A_34 = vector.multi_reduction <add>, %mul3A_32, %reduce_sum3A_33 [1] : vector<2560x128xf32> to vector<2560xf32>
    %broadcast_in_dim3A_35 = vector.shape_cast %reduce_sum3A_34 : vector<2560xf32> to vector<2560x1xf32>
    %slice3A_36 = vector.extract_strided_slice %dot_general3A_16 {offsets = [0, 512], sizes = [2560, 128], strides = [1, 1]} : vector<2560x2048xf32> to vector<2560x128xf32>
    %mul3A_37 = arith.mulf %get3A_19, %slice3A_36 : vector<2560x128xf32>
    %reduce_sum3A_38 = arith.constant dense<0.000000e+00> : vector<2560xf32>
    %reduce_sum3A_39 = vector.multi_reduction <add>, %mul3A_37, %reduce_sum3A_38 [1] : vector<2560x128xf32> to vector<2560xf32>
    %broadcast_in_dim3A_40 = vector.shape_cast %reduce_sum3A_39 : vector<2560xf32> to vector<2560x1xf32>
    %slice3A_41 = vector.extract_strided_slice %dot_general3A_16 {offsets = [0, 640], sizes = [2560, 128], strides = [1, 1]} : vector<2560x2048xf32> to vector<2560x128xf32>
    %mul3A_42 = arith.mulf %get3A_19, %slice3A_41 : vector<2560x128xf32>
    %reduce_sum3A_43 = arith.constant dense<0.000000e+00> : vector<2560xf32>
    %reduce_sum3A_44 = vector.multi_reduction <add>, %mul3A_42, %reduce_sum3A_43 [1] : vector<2560x128xf32> to vector<2560xf32>
    %broadcast_in_dim3A_45 = vector.shape_cast %reduce_sum3A_44 : vector<2560xf32> to vector<2560x1xf32>
    %slice3A_46 = vector.extract_strided_slice %dot_general3A_16 {offsets = [0, 768], sizes = [2560, 128], strides = [1, 1]} : vector<2560x2048xf32> to vector<2560x128xf32>
    %mul3A_47 = arith.mulf %get3A_19, %slice3A_46 : vector<2560x128xf32>
    %reduce_sum3A_48 = arith.constant dense<0.000000e+00> : vector<2560xf32>
    %reduce_sum3A_49 = vector.multi_reduction <add>, %mul3A_47, %reduce_sum3A_48 [1] : vector<2560x128xf32> to vector<2560xf32>
    %broadcast_in_dim3A_50 = vector.shape_cast %reduce_sum3A_49 : vector<2560xf32> to vector<2560x1xf32>
    %slice3A_51 = vector.extract_strided_slice %dot_general3A_16 {offsets = [0, 896], sizes = [2560, 128], strides = [1, 1]} : vector<2560x2048xf32> to vector<2560x128xf32>
    %mul3A_52 = arith.mulf %get3A_19, %slice3A_51 : vector<2560x128xf32>
    %reduce_sum3A_53 = arith.constant dense<0.000000e+00> : vector<2560xf32>
    %reduce_sum3A_54 = vector.multi_reduction <add>, %mul3A_52, %reduce_sum3A_53 [1] : vector<2560x128xf32> to vector<2560xf32>
    %broadcast_in_dim3A_55 = vector.shape_cast %reduce_sum3A_54 : vector<2560xf32> to vector<2560x1xf32>
    %slice3A_56 = vector.extract_strided_slice %dot_general3A_16 {offsets = [0, 1024], sizes = [2560, 128], strides = [1, 1]} : vector<2560x2048xf32> to vector<2560x128xf32>
    %mul3A_57 = arith.mulf %get3A_19, %slice3A_56 : vector<2560x128xf32>
    %reduce_sum3A_58 = arith.constant dense<0.000000e+00> : vector<2560xf32>
    %reduce_sum3A_59 = vector.multi_reduction <add>, %mul3A_57, %reduce_sum3A_58 [1] : vector<2560x128xf32> to vector<2560xf32>
    %broadcast_in_dim3A_60 = vector.shape_cast %reduce_sum3A_59 : vector<2560xf32> to vector<2560x1xf32>
    %slice3A_61 = vector.extract_strided_slice %dot_general3A_16 {offsets = [0, 1152], sizes = [2560, 128], strides = [1, 1]} : vector<2560x2048xf32> to vector<2560x128xf32>
    %mul3A_62 = arith.mulf %get3A_19, %slice3A_61 : vector<2560x128xf32>
    %reduce_sum3A_63 = arith.constant dense<0.000000e+00> : vector<2560xf32>
    %reduce_sum3A_64 = vector.multi_reduction <add>, %mul3A_62, %reduce_sum3A_63 [1] : vector<2560x128xf32> to vector<2560xf32>
    %broadcast_in_dim3A_65 = vector.shape_cast %reduce_sum3A_64 : vector<2560xf32> to vector<2560x1xf32>
    %slice3A_66 = vector.extract_strided_slice %dot_general3A_16 {offsets = [0, 1280], sizes = [2560, 128], strides = [1, 1]} : vector<2560x2048xf32> to vector<2560x128xf32>
    %mul3A_67 = arith.mulf %get3A_19, %slice3A_66 : vector<2560x128xf32>
    %reduce_sum3A_68 = arith.constant dense<0.000000e+00> : vector<2560xf32>
    %reduce_sum3A_69 = vector.multi_reduction <add>, %mul3A_67, %reduce_sum3A_68 [1] : vector<2560x128xf32> to vector<2560xf32>
    %broadcast_in_dim3A_70 = vector.shape_cast %reduce_sum3A_69 : vector<2560xf32> to vector<2560x1xf32>
    %slice3A_71 = vector.extract_strided_slice %dot_general3A_16 {offsets = [0, 1408], sizes = [2560, 128], strides = [1, 1]} : vector<2560x2048xf32> to vector<2560x128xf32>
    %mul3A_72 = arith.mulf %get3A_19, %slice3A_71 : vector<2560x128xf32>
    %reduce_sum3A_73 = arith.constant dense<0.000000e+00> : vector<2560xf32>
    %reduce_sum3A_74 = vector.multi_reduction <add>, %mul3A_72, %reduce_sum3A_73 [1] : vector<2560x128xf32> to vector<2560xf32>
    %broadcast_in_dim3A_75 = vector.shape_cast %reduce_sum3A_74 : vector<2560xf32> to vector<2560x1xf32>
    %slice3A_76 = vector.extract_strided_slice %dot_general3A_16 {offsets = [0, 1536], sizes = [2560, 128], strides = [1, 1]} : vector<2560x2048xf32> to vector<2560x128xf32>
    %mul3A_77 = arith.mulf %get3A_19, %slice3A_76 : vector<2560x128xf32>
    %reduce_sum3A_78 = arith.constant dense<0.000000e+00> : vector<2560xf32>
    %reduce_sum3A_79 = vector.multi_reduction <add>, %mul3A_77, %reduce_sum3A_78 [1] : vector<2560x128xf32> to vector<2560xf32>
    %broadcast_in_dim3A_80 = vector.shape_cast %reduce_sum3A_79 : vector<2560xf32> to vector<2560x1xf32>
    %slice3A_81 = vector.extract_strided_slice %dot_general3A_16 {offsets = [0, 1664], sizes = [2560, 128], strides = [1, 1]} : vector<2560x2048xf32> to vector<2560x128xf32>
    %mul3A_82 = arith.mulf %get3A_19, %slice3A_81 : vector<2560x128xf32>
    %reduce_sum3A_83 = arith.constant dense<0.000000e+00> : vector<2560xf32>
    %reduce_sum3A_84 = vector.multi_reduction <add>, %mul3A_82, %reduce_sum3A_83 [1] : vector<2560x128xf32> to vector<2560xf32>
    %broadcast_in_dim3A_85 = vector.shape_cast %reduce_sum3A_84 : vector<2560xf32> to vector<2560x1xf32>
    %slice3A_86 = vector.extract_strided_slice %dot_general3A_16 {offsets = [0, 1792], sizes = [2560, 128], strides = [1, 1]} : vector<2560x2048xf32> to vector<2560x128xf32>
    %mul3A_87 = arith.mulf %get3A_19, %slice3A_86 : vector<2560x128xf32>
    %reduce_sum3A_88 = arith.constant dense<0.000000e+00> : vector<2560xf32>
    %reduce_sum3A_89 = vector.multi_reduction <add>, %mul3A_87, %reduce_sum3A_88 [1] : vector<2560x128xf32> to vector<2560xf32>
    %broadcast_in_dim3A_90 = vector.shape_cast %reduce_sum3A_89 : vector<2560xf32> to vector<2560x1xf32>
    %slice3A_91 = vector.extract_strided_slice %dot_general3A_16 {offsets = [0, 1920], sizes = [2560, 128], strides = [1, 1]} : vector<2560x2048xf32> to vector<2560x128xf32>
    %mul3A_92 = arith.mulf %get3A_19, %slice3A_91 : vector<2560x128xf32>
    %reduce_sum3A_93 = arith.constant dense<0.000000e+00> : vector<2560xf32>
    %reduce_sum3A_94 = vector.multi_reduction <add>, %mul3A_92, %reduce_sum3A_93 [1] : vector<2560x128xf32> to vector<2560xf32>
    %broadcast_in_dim3A_95 = vector.shape_cast %reduce_sum3A_94 : vector<2560xf32> to vector<2560x1xf32>
    %concatenate3A = tpu.concatenate %broadcast_in_dim3A, %broadcast_in_dim3A_25, %broadcast_in_dim3A_30, %broadcast_in_dim3A_35, %broadcast_in_dim3A_40, %broadcast_in_dim3A_45, %broadcast_in_dim3A_50, %broadcast_in_dim3A_55, %broadcast_in_dim3A_60, %broadcast_in_dim3A_65, %broadcast_in_dim3A_70, %broadcast_in_dim3A_75, %broadcast_in_dim3A_80, %broadcast_in_dim3A_85, %broadcast_in_dim3A_90, %broadcast_in_dim3A_95 in 1 : vector<2560x1xf32>, vector<2560x1xf32>, vector<2560x1xf32>, vector<2560x1xf32>, vector<2560x1xf32>, vector<2560x1xf32>, vector<2560x1xf32>, vector<2560x1xf32>, vector<2560x1xf32>, vector<2560x1xf32>, vector<2560x1xf32>, vector<2560x1xf32>, vector<2560x1xf32>, vector<2560x1xf32>, vector<2560x1xf32>, vector<2560x1xf32> -> vector<2560x16xf32>
    %get3A_96 = arith.constant 0 : index
    %get3A_97 = arith.constant 0 : index
    %get3A_98 = vector.load %arg6[%get3A_96, %get3A_97] : memref<128x16xf32, #tpu.memory_space<vmem>>, vector<128x16xf32>
    %dot_general3A_99 = arith.constant dense<0.000000e+00> : vector<2560x16xf32>
    %dot_general3A_100 = tpu.matmul %get3A_19, %get3A_98, %dot_general3A_99 {dimension_numbers = #tpu.dot_dimension_numbers<[1], [0], [0], [1], [0, 0, 1, 1], [], []>, transpose_lhs_hint = false} : vector<2560x128xf32>, vector<128x16xf32>, vector<2560x16xf32> -> vector<2560x16xf32>
    %add3A_101 = arith.addf %concatenate3A, %dot_general3A_100 : vector<2560x16xf32>
    %broadcast_in_dim3A_102 = arith.constant 1.000000e+00 : f32
    %broadcast_in_dim3A_103 = vector.broadcast %broadcast_in_dim3A_102 : f32 to vector<2560x1xf32>
    %broadcast_in_dim3A_104 = arith.constant 0.000000e+00 : f32
    %broadcast_in_dim3A_105 = vector.broadcast %broadcast_in_dim3A_104 : f32 to vector<2560x111xf32>
    %concatenate3A_106 = tpu.concatenate %broadcast_in_dim3A_103, %broadcast_in_dim3A_105 in 1 : vector<2560x1xf32>, vector<2560x111xf32> -> vector<2560x112xf32>
    %concatenate3A_107 = tpu.concatenate %add3A_101, %concatenate3A_106 in 1 : vector<2560x16xf32>, vector<2560x112xf32> -> vector<2560x128xf32>
    %swap3A = arith.constant 0 : index
    %swap3A_108 = arith.constant 0 : index
    %swap3A_109 = vector.load %arg7[%swap3A, %swap3A_108] : memref<2560x128xf32, #tpu.memory_space<vmem>>, vector<2560x128xf32>
    tpu.vector_store %arg7[%swap3A, %swap3A_108], %concatenate3A_107 {strides = array<i32>} : memref<2560x128xf32, #tpu.memory_space<vmem>>, vector<2560x128xf32>,
    return
  }
  func.func @transform_0(%arg0: i32) -> (i32, i32) {
    %c0_i32 = arith.constant 0 : i32
    %c0_i32_0 = arith.constant 0 : i32
    return %c0_i32, %arg0 : i32, i32
  }
  func.func @transform_1(%arg0: i32) -> (i32, i32) {
    %c0_i32 = arith.constant 0 : i32
    %c0_i32_0 = arith.constant 0 : i32
    return %arg0, %c0_i32 : i32, i32
  }
  func.func @transform_2(%arg0: i32) -> (i32, i32) {
    %c0_i32 = arith.constant 0 : i32
    %c0_i32_0 = arith.constant 0 : i32
    %c0_i32_1 = arith.constant 0 : i32
    return %c0_i32, %c0_i32_0 : i32, i32
  }
  func.func @transform_3(%arg0: i32) -> (i32, i32) {
    %c0_i32 = arith.constant 0 : i32
    %c0_i32_0 = arith.constant 0 : i32
    %c0_i32_1 = arith.constant 0 : i32
    return %c0_i32, %c0_i32_0 : i32, i32
  }
  func.func @transform_4(%arg0: i32) -> (i32, i32) {
    %c0_i32 = arith.constant 0 : i32
    %c0_i32_0 = arith.constant 0 : i32
    %c0_i32_1 = arith.constant 0 : i32
    return %c0_i32, %c0_i32_0 : i32, i32
  }
  func.func @transform_5(%arg0: i32) -> (i32, i32) {
    %c0_i32 = arith.constant 0 : i32
    %c0_i32_0 = arith.constant 0 : i32
    %c0_i32_1 = arith.constant 0 : i32
    return %c0_i32, %c0_i32_0 : i32, i32
  }
  func.func @transform_6(%arg0: i32) -> (i32, i32) {
    %c0_i32 = arith.constant 0 : i32
    %c0_i32_0 = arith.constant 0 : i32
    return %arg0, %c0_i32 : i32, i32
  }
}

module attributes {stable_mosaic.version = 14 : i64} {
  func.func @_finalize_body(%arg0: i32, %arg1: memref<2x1000x128xf32, #tpu.memory_space<vmem>>, %arg2: memref<1000x128xf32, #tpu.memory_space<vmem>>, %arg3: memref<128x16xf32, #tpu.memory_space<vmem>>, %arg4: memref<1x16xf32, #tpu.memory_space<vmem>>, %arg5: memref<1000x16xf32, #tpu.memory_space<vmem>>) attributes {dimension_semantics = [#tpu.dimension_semantics<arbitrary>], iteration_bounds = array<i64: 10>, scalar_prefetch = 0 : i64, scratch_operands = 0 : i64, tpu.core_type = #tpu.core_type<tc>, window_params = [{transform_indices = @transform_0, window_bounds = array<i64: 2, 1000, 128>}, {transform_indices = @transform_1, window_bounds = array<i64: 1000, 128>}, {pipeline_mode = #tpu.pipeline_mode<synchronous>, transform_indices = @transform_2, window_bounds = array<i64: 128, 16>}, {pipeline_mode = #tpu.pipeline_mode<synchronous>, transform_indices = @transform_3, window_bounds = array<i64: 1, 16>}, {transform_indices = @transform_4, window_bounds = array<i64: 1000, 16>}]} {
    %get3A = arith.constant 0 : index
    %get3A_0 = arith.constant 0 : index
    %get3A_1 = arith.constant 0 : index
    %get3A_2 = vector.load %arg1[%get3A, %get3A_0, %get3A_1] : memref<2x1000x128xf32, #tpu.memory_space<vmem>>, vector<1x1000x128xf32>
    %get3A_3 = vector.shape_cast %get3A_2 : vector<1x1000x128xf32> to vector<1000x128xf32>
    %get3A_4 = arith.constant 1 : index
    %get3A_5 = arith.constant 0 : index
    %get3A_6 = arith.constant 0 : index
    %get3A_7 = vector.load %arg1[%get3A_4, %get3A_5, %get3A_6] : memref<2x1000x128xf32, #tpu.memory_space<vmem>>, vector<1x1000x128xf32>
    %get3A_8 = vector.shape_cast %get3A_7 : vector<1x1000x128xf32> to vector<1000x128xf32>
    %add3A = arith.addf %get3A_3, %get3A_8 : vector<1000x128xf32>
    %slice3A = vector.extract_strided_slice %add3A {offsets = [0, 0], sizes = [1000, 16], strides = [1, 1]} : vector<1000x128xf32> to vector<1000x16xf32>
    %slice3A_9 = vector.extract_strided_slice %add3A {offsets = [0, 16], sizes = [1000, 1], strides = [1, 1]} : vector<1000x128xf32> to vector<1000x1xf32>
    %get3A_10 = arith.constant 0 : index
    %get3A_11 = arith.constant 0 : index
    %get3A_12 = vector.load %arg2[%get3A_10, %get3A_11] : memref<1000x128xf32, #tpu.memory_space<vmem>>, vector<1000x128xf32>
    %get3A_13 = arith.constant 0 : index
    %get3A_14 = arith.constant 0 : index
    %get3A_15 = vector.load %arg3[%get3A_13, %get3A_14] : memref<128x16xf32, #tpu.memory_space<vmem>>, vector<128x16xf32>
    %dot_general3A = arith.constant dense<0.000000e+00> : vector<1000x16xf32>
    %dot_general3A_16 = tpu.matmul %get3A_12, %get3A_15, %dot_general3A {dimension_numbers = #tpu.dot_dimension_numbers<[1], [0], [0], [1], [0, 0, 1, 1], [], []>, transpose_lhs_hint = false} : vector<1000x128xf32>, vector<128x16xf32>, vector<1000x16xf32> -> vector<1000x16xf32>
    %get3A_17 = arith.constant 0 : index
    %get3A_18 = arith.constant 0 : index
    %get3A_19 = vector.load %arg4[%get3A_17, %get3A_18] : memref<1x16xf32, #tpu.memory_space<vmem>>, vector<1x16xf32>
    %add3A_20 = vector.broadcast %get3A_19 : vector<1x16xf32> to vector<1000x16xf32>
    %add3A_21 = arith.addf %dot_general3A_16, %add3A_20 : vector<1000x16xf32>
    %max3A = arith.constant 1.000000e+00 : f32
    %max3A_22 = vector.broadcast %max3A : f32 to vector<1000x1xf32>
    %max3A_23 = arith.maximumf %slice3A_9, %max3A_22 : vector<1000x1xf32>
    %div3A = vector.broadcast %max3A_23 : vector<1000x1xf32> to vector<1000x16xf32>
    %div3A_24 = arith.divf %slice3A, %div3A : vector<1000x16xf32>
    %add3A_25 = arith.addf %div3A_24, %add3A_21 : vector<1000x16xf32>
    %swap3A = arith.constant 0 : index
    %swap3A_26 = arith.constant 0 : index
    %swap3A_27 = vector.load %arg5[%swap3A, %swap3A_26] : memref<1000x16xf32, #tpu.memory_space<vmem>>, vector<1000x16xf32>
    tpu.vector_store %arg5[%swap3A, %swap3A_26], %add3A_25 {strides = array<i32>} : memref<1000x16xf32, #tpu.memory_space<vmem>>, vector<1000x16xf32>,
    return
  }
  func.func @transform_0(%arg0: i32) -> (i32, i32, i32) {
    %c0_i32 = arith.constant 0 : i32
    %c0_i32_0 = arith.constant 0 : i32
    %c0_i32_1 = arith.constant 0 : i32
    return %c0_i32, %arg0, %c0_i32_0 : i32, i32, i32
  }
  func.func @transform_1(%arg0: i32) -> (i32, i32) {
    %c0_i32 = arith.constant 0 : i32
    %c0_i32_0 = arith.constant 0 : i32
    return %arg0, %c0_i32 : i32, i32
  }
  func.func @transform_2(%arg0: i32) -> (i32, i32) {
    %c0_i32 = arith.constant 0 : i32
    %c0_i32_0 = arith.constant 0 : i32
    %c0_i32_1 = arith.constant 0 : i32
    return %c0_i32, %c0_i32_0 : i32, i32
  }
  func.func @transform_3(%arg0: i32) -> (i32, i32) {
    %c0_i32 = arith.constant 0 : i32
    %c0_i32_0 = arith.constant 0 : i32
    %c0_i32_1 = arith.constant 0 : i32
    return %c0_i32, %c0_i32_0 : i32, i32
  }
  func.func @transform_4(%arg0: i32) -> (i32, i32) {
    %c0_i32 = arith.constant 0 : i32
    %c0_i32_0 = arith.constant 0 : i32
    return %arg0, %c0_i32 : i32, i32
  }
}

</mosaic_0001>

<sc_bundles>
// kernel: kernel.12.cloned.1.call-start
scs
__scs_entry_jumppad:
0x0: {  	(pc) =	sbr.rel $0x88, $3  }
0x1: {  	(tag) =	ssettag $0x0;
	lr =	simm.s32 $0x1  }
0x2: {  	[smem:$0x3F98] =	sst lr;
	_ =	strace $0xD0000000  }
0x3: {  	_ = 	snop  }
0x4: {  	_ = 	snop  }
0x5: {  	_ = 	snop  }
0x6: {  	_ = 	snop  }
0x7: {  	_ = 	snop  }
__scs_overlays_trampoline_lowered:
0x8: {  	[smem:$0x3FA7] =	sst s0  }
0x9: {  	[smem:$0x3FA8] =	sst s1  }
0xa: {  	[smem:$0x3FA9] =	sst s2  }
0xb: {  	[smem:$0x3FAA] =	sst s3  }
0xc: {  	[smem:$0x3FAB] =	sst s4  }
0xd: {  	[smem:$0x3FAC] =	sst s5  }
0xe: {  	[smem:$0x3FAD] =	sst s6  }
0xf: {  	[smem:$0x3FAE] =	sst s7  }
0x10: {  	[smem:$0x3FAF] =	sst s8  }
0x11: {  	[smem:$0x3FB0] =	sst s9;
	s0 =	simm.s32 @!p0 $0x0  }
0x12: {  	s1 =	sld [smem:$0x3F96];
	s0 =	simm.s32 @p0 $0x1  }
0x13: {  	[smem:$0x3FB1] =	sst s0;
	s0 =	simm.s32 @!p1 $0x0  }
0x14: {  	s2 =	sld [smem:$0x3F95];
	s0 =	simm.s32 @p1 $0x1  }
0x15: {  	[smem:$0x3FB2] =	sst s0;
	s0 =	simm.s32 @!p2 $0x0  }
0x16: {  	s3 =	sld [smem:$0x3FDB];
	s0 =	simm.s32 @p2 $0x1  }
0x17: {  	s4 =	simm.s32 $0x1BF5;
	[smem:$0x3FB4] =	sst s0  }
0x18: {  	s0 =	sld [smem:$0x3F97];
	_ =	swait.ge [sflag:s4], $0x0  }
0x19: {  	s7 =	sld [smem:$0x3F98]  }
0x1a: {  	s8 =	sadd.s32 $0xFFFFE003, lr  }
0x1b: {  	s9 =	sadd.s32 $0xFFFFFEF7, lr;
	s5 =	simm.s32 $0xFFFFFFFF;
	p2 =	slt.u32 s8, $0xFFFFF086  }
0x1c: {  	p1 =	slt.u32 s9, $0xF7A;
	s5 =	simm.s32 @!p2 $0x0  }
0x1d: {  	s5 =	simm.s32 @p1 $0x1;
	p0 =	seq.s32 s7, s2  }
0x1e: {  	s7 =	smul.u32 @!p0 $0xF7A, s2;
	p2 =	seq.s32 @!p0 s5, $0x0  }
0x1f: {  	s9 =	smul.u32 $0xF7A, s1;
	s8 =	simm.s32 @!p0 $0x1BF5;
	p2 =	por !p2, p0  }
0x20: {  	[sflag:s8] =	ssyncset.s32 @!p0 $0xFFFFF086;
	s6 =	sadd.s32 @!p0 s3, s7;
	s7 =	simm.s32 @!p0 $0x108  }
0x21: {  	s3 =	sadd.s32 s3, s9;
	s6 =	sadd.s32 @!p0 $0x88, s6;
	s7 =	simm.s32 @p2 $0x1082  }
0x22: {  	[simem:s7], [sflag:s8] =	dma.local @!p0 [hbm:s6], $0xF7A  }
0x23: {  	s9 =	sor.u32 $0xD0000000, s2;
	s6 =	simm.s32 $0x108;
	_ =	swait.ge @!p0 [sflag:s8], $0x0  }
0x24: {  	s3 =	sadd.s32 $0x88, s3;
	s6 =	simm.s32 @!p1 $0x1082;
	[sflag:s4] =	ssyncset.s32 $0xFFFFF086  }
0x25: {  	[simem:s6], [sflag:s4] =	dma.local [hbm:s3], $0xF7A  }
0x26: {  	[smem:$0x3F98] =	sst s1;
	(tag) =	ssettag s2;
	_ =	strace s9  }
0x27: {  	s1 =	sld [smem:$0x3FA8]  }
0x28: {  	s2 =	sld [smem:$0x3FA9]  }
0x29: {  	s4 =	sld [smem:$0x3FAB]  }
0x2a: {  	p0 =	seq.s32 s5, $0x0;
	s5 =	sld [smem:$0x3FAC]  }
0x2b: {  	s6 =	sld [smem:$0x3FAD]  }
0x2c: {  	s7 =	sld [smem:$0x3FAE]  }
0x2d: {  	s3 =	simm.s32 $0x108;
	s8 =	sld [smem:$0x3FAF]  }
0x2e: {  	s3 =	simm.s32 @!p0 $0x1082;
	s9 =	sld [smem:$0x3FB0]  }
0x2f: {  	lr =	sadd.s32 s0, s3;
	s0 =	sld [smem:$0x3FA7]  }
0x30: {  	s3 =	sld [smem:$0x3FAA]  }
0x31: {  	[smem:$0x3FB3] =	sst s10  }
0x32: {  	s10 =	sld [smem:$0x3FB1];
	_ =	sdelay $0x3  }
0x33: {  	p0 =	seq.s32 s10, $0x1;
	s10 =	sld [smem:$0x3FB3];
	_ =	sdelay $0x3  }
0x34: {  	[smem:$0x3FB3] =	sst s10  }
0x35: {  	s10 =	sld [smem:$0x3FB2];
	_ =	sdelay $0x3  }
0x36: {  	p1 =	seq.s32 s10, $0x1;
	s10 =	sld [smem:$0x3FB3];
	_ =	sdelay $0x3  }
0x37: {  	[smem:$0x3FB3] =	sst s10  }
0x38: {  	s10 =	sld [smem:$0x3FB4]  }
0x39: {  	_ = 	snop;
	(pc) =	sbr.ind lr, $3  }
0x3a: {  	_ = 	snop  }
0x3b: {  	_ = 	snop  }
0x3c: {  	p2 =	seq.s32 s10, $0x1;
	s10 =	sld [smem:$0x3FB3]  }
0x3d: {  	_ =	shalt  }
0x3e: {  	_ =	shalt  }
0x3f: {  	_ =	shalt  }
0x40: {  	_ =	shalt  }
0x41: {  	_ =	shalt  }
0x42: {  	_ =	shalt  }
0x43: {  	_ =	shalt  }
0x44: {  	_ =	shalt  }
0x45: {  	_ =	shalt  }
0x46: {  	_ =	shalt  }
0x47: {  	_ =	shalt  }
0x48: {  	_ =	shalt  }
0x49: {  	_ =	shalt  }
0x4a: {  	_ =	shalt  }
0x4b: {  	_ =	shalt  }
0x4c: {  	_ =	shalt  }
0x4d: {  	_ =	shalt  }
0x4e: {  	_ =	shalt  }
0x4f: {  	_ =	shalt  }
0x50: {  	_ =	shalt  }
0x51: {  	_ =	shalt  }
0x52: {  	_ =	shalt  }
0x53: {  	_ =	shalt  }
0x54: {  	_ =	shalt  }
0x55: {  	_ =	shalt  }
0x56: {  	_ =	shalt  }
0x57: {  	_ =	shalt  }
0x58: {  	_ =	shalt  }
0x59: {  	_ =	shalt  }
0x5a: {  	_ =	shalt  }
0x5b: {  	_ =	shalt  }
0x5c: {  	_ =	shalt  }
0x5d: {  	_ =	shalt  }
0x5e: {  	_ =	shalt  }
0x5f: {  	_ =	shalt  }
0x60: {  	_ =	shalt  }
0x61: {  	_ =	shalt  }
0x62: {  	_ =	shalt  }
0x63: {  	_ =	shalt  }
0x64: {  	_ =	shalt  }
0x65: {  	_ =	shalt  }
0x66: {  	_ =	shalt  }
0x67: {  	_ =	shalt  }
0x68: {  	_ =	shalt  }
0x69: {  	_ =	shalt  }
0x6a: {  	_ =	shalt  }
0x6b: {  	_ =	shalt  }
0x6c: {  	_ =	shalt  }
0x6d: {  	_ =	shalt  }
0x6e: {  	_ =	shalt  }
0x6f: {  	_ =	shalt  }
0x70: {  	_ =	shalt  }
0x71: {  	_ =	shalt  }
0x72: {  	_ =	shalt  }
0x73: {  	_ =	shalt  }
0x74: {  	_ =	shalt  }
0x75: {  	_ =	shalt  }
0x76: {  	_ =	shalt  }
0x77: {  	_ =	shalt  }
0x78: {  	_ =	shalt  }
0x79: {  	_ =	shalt  }
0x7a: {  	_ =	shalt  }
0x7b: {  	_ =	shalt  }
0x7c: {  	_ =	shalt  }
0x7d: {  	_ =	shalt  }
0x7e: {  	_ =	shalt  }
0x7f: {  	_ =	shalt  }
0x80: {  	_ =	shalt  }
0x81: {  	_ =	shalt  }
0x82: {  	_ =	shalt  }
0x83: {  	_ =	shalt  }
0x84: {  	_ =	shalt  }
0x85: {  	_ =	shalt  }
0x86: {  	_ =	shalt  }
0x87: {  	_ =	shalt  }
.Lfunc_end0:
.L_simem_size_0:
called_computation_lowered:
.L_overlay_start_0:
0x88: {  	s2 =	sld [smem:$0x3FD9]  }
0x89: {  	s3 =	sld [smem:$0x3FFE];
	_ =	sdelay $0x1  }
0x8a: {  	s1 =	srdreg.scid  }
0x8b: {  	s0 =	sand.u32 $0x1, s1  }
0x8c: {  	s17 =	sshll.u32 s0, $0xA;
	s2 =	sadd.s32 s3, s2  }
0x8d: {  	s2 =	sadd.s32 s2, s17  }
0x8e: {  	[smem:$0x3FBF] =	sst s2  }
0x8f: {  	_ = 	snop  }
0x90: {  	s18 =	sld [smem:$0x3FC9];
	(tm) =	ssettm $0x1  }
0x91: {  	s19 =	sld [smem:$0x3FFB];
	_ =	sdelay $0x3  }
0x92: {  	_ =	strace s19  }
0x93: {  	s2 =	sld [smem:$0x3FFC];
	_ =	sdelay $0x3  }
0x94: {  	_ =	strace s2  }
0x95: {  	s2 =	sld [smem:$0x3FFD];
	_ =	sdelay $0x3  }
0x96: {  	_ =	strace s2  }
0x97: {  	_ =	strace $0x8FFFFFFF  }
0x98: {  	s20 =	sld [smem:$0x3FDB];
	_ =	sdelay $0x1  }
0x99: {  	s4 =	simm.s32 $_scs_section_size  }
0x9a: {  	s5 =	simm.s32 $_size__tile_overlayer_lowered;
	s6 =	simm.s32 $_tile_overlayer_lowered  }
0x9b: {  	s7 =	simm.s32 $0x1BFF;
	s21 =	sshll.u32 s6, $0x1;
	s4 =	sadd.s32 s4, s20  }
0x9c: {  	s22 =	simm.s32 $0x0;
	s5 =	sshll.u32 s5, $0x1;
	s6 =	sadd.s32 s21, s4  }
0x9d: {  	[timem:s22], [sflag:s7] =	dma.local [hbm:s6], s5  }
0x9e: {  	_ =	swait.ge [sflag:s7], s5  }
0x9f: {  	s5 =	ssub.s32 $0x0, s5;
	[sflag:s7] =	ssyncset.done $0x0  }
0xa0: {  	[sflag:s7] =	ssyncadd.s32 s5;
	_ =	sdelay $0x1  }
0xa1: {  	s23 =	simm.s32 $0x1B8B  }
0xa2: {  	_ =	swait.ge [sflag:s23], $0x1  }
0xa3: {  	[sflag:s23] =	ssyncset.done $0x0  }
0xa4: {  	[sflag:s23] =	ssyncadd.s32 $0xFFFFFFFF  }
0xa5: {  	s5 =	sld [smem:$0x0]  }
0xa6: {  	s6 =	sand.u32 $0xFFFFFFFE, s1  }
0xa7: {  	p0 =	sne.s32 s1, s6  }
0xa8: {  	s6 =	sshll.u32 @p0 s6, $0xE  }
0xa9: {  	s6 =	sadd.s32 @p0 $0x11B8D, s6;
	s7 =	sshll.u32 @p0 s5, $0x11  }
0xaa: {  	s6 =	sor.u32 @p0 s7, s6  }
0xab: {  	[sflag:s6] =	ssyncadd.remote.s32 @p0 $0x1;
	_ =	sdelay $0x1  }
0xac: {  	s6 =	simm.s32 @p0 $0x1B8D  }
0xad: {  	_ =	swait.eq @p0 [sflag:s6], $0x1  }
0xae: {  	[sflag:s6] =	ssyncadd.s32 @p0 $0xFFFFFFFF  }
0xaf: {  	s7 =	sshll.u32 @!p0 s1, $0xE  }
0xb0: {  	s7 =	sor.u32 @!p0 $0x4000, s7;
	s6 =	simm.s32 @!p0 $0x1B8D  }
0xb1: {  	s5 =	sshll.u32 @!p0 s5, $0x11;
	s7 =	sadd.s32 @!p0 $0x11B8D, s7;
	_ =	swait.eq @!p0 [sflag:s6], $0x1  }
0xb2: {  	s5 =	sor.u32 @!p0 s5, s7;
	[sflag:s6] =	ssyncadd.s32 @!p0 $0xFFFFFFFF  }
0xb3: {  	s25 =	simm.s32 $0x1B8E;
	s24 =	sld [smem:$0x3FFE];
	[sflag:s5] =	ssyncadd.remote.s32 @!p0 $0x1  }
0xb4: {  	s26 =	simm.s32 $execute0_lowered;
	[smem:$0x3FD2] =	sst s25  }
0xb5: {  	s6 =	sshll.u32 s26, $0x1;
	_ =	strace $0x80000049;
	[dreg:$0x1] =	wrdreg $0xFFFFFFFF  }
0xb6: {  	s28 =	simm.s32 $_size_execute0_lowered;
	s4 =	sadd.s32 s4, s6;
	[dreg:$0x0] =	wrdreg $0x0  }
0xb7: {  	s6 =	sshll.u32 s28, $0x1;
	[dreg:$0x2] =	wrdreg s4  }
0xb8: {  	[dreg:$0x3] =	wrdreg s6  }
0xb9: {  	[dreg:$0x4] =	wrdreg $0xC0  }
0xba: {  	_ =	task [dreg:s22], $0x5FFFF  }
0xbb: {  	[dreg:$0x1] =	wrdreg $0xFFFFFFFF  }
0xbc: {  	[dreg:$0x0] =	wrdreg $0x60  }
0xbd: {  	[dreg:$0x2] =	wrdreg s18  }
0xbe: {  	[dreg:$0x3] =	wrdreg s24  }
0xbf: {  	[dreg:$0x4] =	wrdreg $0x9  }
0xc0: {  	_ =	task.clear_ibuf [dreg:s22], $0x5FFFF;
	_ =	strace $0x90000049  }
0xc1: {  	s29 =	simm.s32 $0x9;
	_ =	strace $0x8000004B  }
0xc2: {  	_ =	swait.ge [sflag:s29], $0x1  }
0xc3: {  	[sflag:s29] =	ssyncadd.s32 $0xFFFFFFFF  }
0xc4: {  	_ =	strace $0x9000004B  }
0xc5: {  	_ =	sfence  }
0xc6: {  	s30 =	sld [smem:$0x0];
	_ =	sdelay $0x2  }
0xc7: {  	s31 =	sshll.u32 s1, $0xD;
	s1 =	sshrl.u32 s1, $0x2  }
0xc8: {  	s4 =	sand.u32 $0x4000, s31;
	s1 =	sadd.s32 s1, s30  }
0xc9: {  	s0 =	sor.u32 s4, s0;
	s1 =	sshll.u32 s1, $0x11  }
0xca: {  	s0 =	sor.u32 s1, s0  }
0xcb: {  	s0 =	sadd.s32 $0x8F2B, s0  }
0xcc: {  	[sflag:s0] =	ssyncadd.remote.s32 $0x1  }
0xcd: {  	_ =	sfence.sel $0xFFFF  }
0xce: {  	[dreg:$0x0] =	wrdreg $0xFFFFFFFF;
	(pc) =	sbr.abs _section_cstart, $3  }
0xcf: {  	[dreg:$0x1] =	wrdreg $0xFFFFFFFF  }
0xd0: {  	_ =	task.clear_ibuf [dreg:s22], $0x2FFFF;
	_ =	strace $0x9FFFFFFF  }
0xd1: {  	(tm) =	ssettm $0x7FFFFFFF  }
tec
execute0_lowered:
.L_overlay_start_1:
0x0: {  	(tag) =	ssettag $0x1  }
0x1: {  	s1 =	srdreg.scid;
	s0 =	stileid.u32  }
0x2: {  	s29 =	sand.u32 $0x1, s1;
	s26 =	sshll.u32 s0, $0x1  }
0x3: {  	s2 =	rddreg [dreg:$0x0];
	s11 =	sor.u32 s29, s26  }
0x4: {  	s16 =	rddreg [dreg:$0x1];
	s3 =	simm.s32 $0x0;
	s4 =	sshll.u32 s11, $0x7  }
0x5: {  	s5 =	simm.s32 $0xB;
	[smem:$0x7FF] =	sst s3;
	s4 =	sadd.s32 s4, s16  }
0x6: {  	s1 =	rddreg [dreg:$0x2];
	_ =	strace $0x8000004A;
	s4 =	sadd.s32 $0x4E00, s4  }
0x7: {  	[tilespmem:s3], [sflag:$0xB] =	stream.linear.gather [hbm4b:s4+s3], $0x280, $0x38;
	[tilespmem:$0x14400] =	vst v63  }
0x8: {  	_ =	swait.ge [sflag:s5], $0x280  }
0x9: {  	[sflag:s5] =	ssyncset.done $0x0  }
0xa: {  	s6 =	simm.s32 $0x80;
	s7 =	simm.s32 $0x400;
	[sflag:s5] =	ssyncadd.s32 $0xFFFFFD80  }
0xb: {  	[tilespmem:s7], [sflag:$0x1] =	stream.indirect.gather [hbm4b:s2+s6], $0x80, s3, s6, $0xb8;
	[tilespmem:$0x14400] =	vst v63  }
0xc: {  	s8 =	simm.s32 $0x4400  }
0xd: {  	[tilespmem:s8], [sflag:$0x2] =	stream.indirect.gather [hbm4b:s2+s6], $0x80, s6, s6, $0xb8;
	[tilespmem:$0x14400] =	vst v63  }
0xe: {  	s9 =	simm.s32 $0x100;
	s10 =	simm.s32 $0x8400  }
0xf: {  	[tilespmem:s10], [sflag:$0x3] =	stream.indirect.gather [hbm4b:s2+s6], $0x80, s9, s6, $0xb8;
	[tilespmem:$0x14400] =	vst v63  }
0x10: {  	s12 =	simm.s32 $0xC400;
	s17 =	smul.u32 $0x14000, s11;
	s11 =	simm.s32 $0x180  }
0x11: {  	[tilespmem:s12], [sflag:$0x4] =	stream.indirect.gather [hbm4b:s2+s6], $0x80, s11, s6, $0xb8;
	[tilespmem:$0x14400] =	vst v63  }
0x12: {  	s13 =	simm.s32 $0x200;
	s14 =	simm.s32 $0x10400;
	s15 =	simm.s32 $0x1  }
0x13: {  	[tilespmem:s14], [sflag:$0x5] =	stream.indirect.gather [hbm4b:s2+s6], $0x80, s13, s6, $0xb8;
	[tilespmem:$0x14400] =	vst v63  }
0x14: {  	s17 =	sshrl.u32 s17, $0x3;
	_ =	swait.ge [sflag:s15], $0x4000  }
0x15: {  	s24 =	sadd.s32 s17, s16;
	[sflag:s15] =	ssyncset.done $0x0  }
0x16: {  	s17 =	simm.s32 $0x2;
	s16 =	sadd.s32 $0x57E00, s24;
	[sflag:s15] =	ssyncadd.s32 $0xFFFFC000  }
0x17: {  	[hbm4b:s16+s3] =	stream.linear.scatter [tilespmem:s7], [sflag:$0x6], $0x4000, $0x38;
	[tilespmem:$0x14400] =	vst v63  }
0x18: {  	_ =	swait.ge [sflag:s17], $0x4000  }
0x19: {  	[sflag:s17] =	ssyncset.done $0x0  }
0x1a: {  	s19 =	simm.s32 $0x3;
	s18 =	sadd.s32 $0x58600, s24;
	[sflag:s17] =	ssyncadd.s32 $0xFFFFC000  }
0x1b: {  	[hbm4b:s18+s3] =	stream.linear.scatter [tilespmem:s8], [sflag:$0x7], $0x4000, $0x38;
	[tilespmem:$0x14400] =	vst v63  }
0x1c: {  	_ =	swait.ge [sflag:s19], $0x4000  }
0x1d: {  	[sflag:s19] =	ssyncset.done $0x0  }
0x1e: {  	s21 =	simm.s32 $0x4;
	s20 =	sadd.s32 $0x58E00, s24;
	[sflag:s19] =	ssyncadd.s32 $0xFFFFC000  }
0x1f: {  	[hbm4b:s20+s3] =	stream.linear.scatter [tilespmem:s10], [sflag:$0x8], $0x4000, $0x38;
	[tilespmem:$0x14400] =	vst v63  }
0x20: {  	_ =	swait.ge [sflag:s21], $0x4000  }
0x21: {  	[sflag:s21] =	ssyncset.done $0x0  }
0x22: {  	s23 =	simm.s32 $0x5;
	s22 =	sadd.s32 $0x59600, s24;
	[sflag:s21] =	ssyncadd.s32 $0xFFFFC000  }
0x23: {  	[hbm4b:s22+s3] =	stream.linear.scatter [tilespmem:s12], [sflag:$0x9], $0x4000, $0x38;
	[tilespmem:$0x14400] =	vst v63  }
0x24: {  	_ =	swait.ge [sflag:s23], $0x4000  }
0x25: {  	[sflag:s23] =	ssyncset.done $0x0  }
0x26: {  	s25 =	simm.s32 $0x6;
	s24 =	sadd.s32 $0x59E00, s24;
	[sflag:s23] =	ssyncadd.s32 $0xFFFFC000  }
0x27: {  	[hbm4b:s24+s3] =	stream.linear.scatter [tilespmem:s14], [sflag:$0xA], $0x4000, $0x38;
	[tilespmem:$0x14400] =	vst v63  }
0x28: {  	_ =	swait.ge [sflag:s25], $0x4000  }
0x29: {  	[sflag:s25] =	ssyncset.done $0x0  }
0x2a: {  	s26 =	simm.s32 $0x7;
	[sflag:s25] =	ssyncadd.s32 $0xFFFFC000  }
0x2b: {  	_ =	swait.ge [sflag:s26], $0x4000  }
0x2c: {  	s30 =	ssub.s32 $0x2, s29;
	[sflag:s26] =	ssyncset.done $0x0  }
0x2d: {  	s28 =	simm.s32 $0x8;
	s31 =	sshrl.u32 s30, $0x1;
	[sflag:s26] =	ssyncadd.s32 $0xFFFFC000  }
0x2e: {  	s30 =	ssub.s32 s30, s31;
	_ =	swait.ge [sflag:s28], $0x4000  }
0x2f: {  	s31 =	smax.u32 s30, $0x1;
	[sflag:s28] =	ssyncset.done $0x0  }
0x30: {  	s29 =	simm.s32 $0x9;
	p0 =	sne.s32 s31, $0x1;
	[sflag:s28] =	ssyncadd.s32 $0xFFFFC000  }
.Ltmp0:
0x31: {  	_ =	swait.ge [sflag:s29], $0x4000;
	(pc) =	sbr.rel @!p0 .LBB2_2-.Ltmp0, $4  }
0x32: {  	[sflag:s29] =	ssyncset.done $0x0  }
0x33: {  	s30 =	simm.s32 $0xA;
	[sflag:s29] =	ssyncadd.s32 $0xFFFFC000  }
0x34: {  	_ =	swait.ge [sflag:s30], $0x4000  }
0x35: {  	s31 =	sadd.s32 $0xFFFFFFFF, s31;
	[sflag:s30] =	ssyncset.done $0x0  }
.LBB2_1:
0x36: {  	p0 =	sne.s32 s31, $0x1;
	s31 =	sadd.s32 $0xFFFFFFFF, s31;
	[sflag:s30] =	ssyncadd.s32 $0xFFFFC000  }
0x37: {  	[tilespmem:s3], [sflag:$0xB] =	stream.linear.gather [hbm4b:s4+s3], $0x280, $0x38;
	[tilespmem:$0x14400] =	vst v63  }
0x38: {  	_ =	swait.ge [sflag:s5], $0x280  }
0x39: {  	[sflag:s5] =	ssyncset.done $0x0  }
0x3a: {  	[sflag:s5] =	ssyncadd.s32 $0xFFFFFD80  }
0x3b: {  	[tilespmem:s7], [sflag:$0x1] =	stream.indirect.gather [hbm4b:s2+s6], $0x80, s3, s6, $0xb8;
	[tilespmem:$0x14400] =	vst v63  }
0x3c: {  	_ = 	snop  }
0x3d: {  	[tilespmem:s8], [sflag:$0x2] =	stream.indirect.gather [hbm4b:s2+s6], $0x80, s6, s6, $0xb8;
	[tilespmem:$0x14400] =	vst v63  }
0x3e: {  	_ = 	snop  }
0x3f: {  	[tilespmem:s10], [sflag:$0x3] =	stream.indirect.gather [hbm4b:s2+s6], $0x80, s9, s6, $0xb8;
	[tilespmem:$0x14400] =	vst v63  }
0x40: {  	_ = 	snop  }
0x41: {  	[tilespmem:s12], [sflag:$0x4] =	stream.indirect.gather [hbm4b:s2+s6], $0x80, s11, s6, $0xb8;
	[tilespmem:$0x14400] =	vst v63  }
0x42: {  	_ = 	snop  }
0x43: {  	[tilespmem:s14], [sflag:$0x5] =	stream.indirect.gather [hbm4b:s2+s6], $0x80, s13, s6, $0xb8;
	[tilespmem:$0x14400] =	vst v63  }
0x44: {  	_ =	swait.ge [sflag:s15], $0x4000  }
0x45: {  	[sflag:s15] =	ssyncset.done $0x0  }
0x46: {  	[sflag:s15] =	ssyncadd.s32 $0xFFFFC000  }
0x47: {  	[hbm4b:s16+s3] =	stream.linear.scatter [tilespmem:s7], [sflag:$0x6], $0x4000, $0x38;
	[tilespmem:$0x14400] =	vst v63  }
0x48: {  	_ =	swait.ge [sflag:s17], $0x4000  }
0x49: {  	[sflag:s17] =	ssyncset.done $0x0  }
0x4a: {  	[sflag:s17] =	ssyncadd.s32 $0xFFFFC000  }
0x4b: {  	[hbm4b:s18+s3] =	stream.linear.scatter [tilespmem:s8], [sflag:$0x7], $0x4000, $0x38;
	[tilespmem:$0x14400] =	vst v63  }
0x4c: {  	_ =	swait.ge [sflag:s19], $0x4000  }
0x4d: {  	[sflag:s19] =	ssyncset.done $0x0  }
0x4e: {  	[sflag:s19] =	ssyncadd.s32 $0xFFFFC000  }
0x4f: {  	[hbm4b:s20+s3] =	stream.linear.scatter [tilespmem:s10], [sflag:$0x8], $0x4000, $0x38;
	[tilespmem:$0x14400] =	vst v63  }
0x50: {  	_ =	swait.ge [sflag:s21], $0x4000  }
0x51: {  	[sflag:s21] =	ssyncset.done $0x0  }
0x52: {  	[sflag:s21] =	ssyncadd.s32 $0xFFFFC000  }
0x53: {  	[hbm4b:s22+s3] =	stream.linear.scatter [tilespmem:s12], [sflag:$0x9], $0x4000, $0x38;
	[tilespmem:$0x14400] =	vst v63  }
0x54: {  	_ =	swait.ge [sflag:s23], $0x4000  }
0x55: {  	[sflag:s23] =	ssyncset.done $0x0  }
0x56: {  	[sflag:s23] =	ssyncadd.s32 $0xFFFFC000  }
0x57: {  	[hbm4b:s24+s3] =	stream.linear.scatter [tilespmem:s14], [sflag:$0xA], $0x4000, $0x38;
	[tilespmem:$0x14400] =	vst v63  }
0x58: {  	_ =	swait.ge [sflag:s25], $0x4000  }
0x59: {  	[sflag:s25] =	ssyncset.done $0x0  }
0x5a: {  	[sflag:s25] =	ssyncadd.s32 $0xFFFFC000  }
0x5b: {  	_ =	swait.ge [sflag:s26], $0x4000  }
0x5c: {  	[sflag:s26] =	ssyncset.done $0x0  }
0x5d: {  	[sflag:s26] =	ssyncadd.s32 $0xFFFFC000  }
0x5e: {  	_ =	swait.ge [sflag:s28], $0x4000  }
0x5f: {  	[sflag:s28] =	ssyncset.done $0x0  }
0x60: {  	[sflag:s28] =	ssyncadd.s32 $0xFFFFC000  }
.Ltmp1:
0x61: {  	_ =	swait.ge [sflag:s29], $0x4000;
	(pc) =	sbr.rel @p0 .LBB2_1-.Ltmp1, $4  }
0x62: {  	[sflag:s29] =	ssyncset.done $0x0  }
0x63: {  	[sflag:s29] =	ssyncadd.s32 $0xFFFFC000  }
0x64: {  	_ =	swait.ge [sflag:s30], $0x4000  }
0x65: {  	[sflag:s30] =	ssyncset.done $0x0  }
.LBB2_2:
0x66: {  	[sflag:s30] =	ssyncadd.s32 $0xFFFFC000  }
0x67: {  	_ =	sfence.sel $0x180000  }
0x68: {  	[bflag:$0x0] =	sbarrier.arrive $0xFFFF  }
0x69: {  	p0 =	sne.s32 s0, $0x0;
	_ =	strace $0x9000004A  }
0x6a: {  	s0 =	sadd.s32 @!p0 $0x100000, s1;
	[bflag:$0x2] =	sbarrier.arrive $0xFFFF  }
0x6b: {  	[sflag:s0] =	ssyncadd.tile.s32 @!p0 $0x1;
	_ =	shalt  }
.Lfunc_end2:
_tile_overlayer_lowered:
.L_overlay_start_2:
0x6c: {  	(tag) =	ssettag $0x2  }
0x6d: {  	s0 =	rddreg [dreg:$0x0];
	s2 =	stileid.u32  }
0x6e: {  	s1 =	rddreg [dreg:$0x1];
	p0 =	sne.s32 s2, $0x0  }
0x6f: {  	s3 =	rddreg [dreg:$0x2];
	[bflag:$0x3] =	sbarrier.arrive $0xFFFF;
	s2 =	simm.s32 @!p0 $0x1C0B  }
0x70: {  	[timem:s3], [sflag:s2] =	dma.local @!p0 [hbm:s0], s1  }
0x71: {  	s0 =	simm.s32 @!p0 $0xB  }
0x72: {  	_ =	swait.ge @!p0 [sflag:s0], s1  }
0x73: {  	s1 =	ssub.s32 @!p0 $0x0, s1;
	[sflag:s0] =	ssyncset.done @!p0 $0x0  }
0x74: {  	[sflag:s0] =	ssyncadd.s32 @!p0 s1  }
0x75: {  	[bflag:$0x3] =	sbarrier.arrive $0xFFFF  }
0x76: {  	_ =	shalt  }

// kernel: kernel.15.cloned.1.call-start
scs
__scs_entry_jumppad:
0x0: {  	(pc) =	sbr.rel $0x88, $3  }
0x1: {  	(tag) =	ssettag $0x0;
	lr =	simm.s32 $0x1  }
0x2: {  	[smem:$0x3F98] =	sst lr;
	_ =	strace $0xD0000000  }
0x3: {  	_ = 	snop  }
0x4: {  	_ = 	snop  }
0x5: {  	_ = 	snop  }
0x6: {  	_ = 	snop  }
0x7: {  	_ = 	snop  }
__scs_overlays_trampoline_lowered:
0x8: {  	[smem:$0x3FA7] =	sst s0  }
0x9: {  	[smem:$0x3FA8] =	sst s1  }
0xa: {  	[smem:$0x3FA9] =	sst s2  }
0xb: {  	[smem:$0x3FAA] =	sst s3  }
0xc: {  	[smem:$0x3FAB] =	sst s4  }
0xd: {  	[smem:$0x3FAC] =	sst s5  }
0xe: {  	[smem:$0x3FAD] =	sst s6  }
0xf: {  	[smem:$0x3FAE] =	sst s7  }
0x10: {  	[smem:$0x3FAF] =	sst s8  }
0x11: {  	[smem:$0x3FB0] =	sst s9;
	s0 =	simm.s32 @!p0 $0x0  }
0x12: {  	s1 =	sld [smem:$0x3F96];
	s0 =	simm.s32 @p0 $0x1  }
0x13: {  	[smem:$0x3FB1] =	sst s0;
	s0 =	simm.s32 @!p1 $0x0  }
0x14: {  	s2 =	sld [smem:$0x3F95];
	s0 =	simm.s32 @p1 $0x1  }
0x15: {  	[smem:$0x3FB2] =	sst s0;
	s0 =	simm.s32 @!p2 $0x0  }
0x16: {  	s3 =	sld [smem:$0x3FDB];
	s0 =	simm.s32 @p2 $0x1  }
0x17: {  	s4 =	simm.s32 $0x1BF5;
	[smem:$0x3FB4] =	sst s0  }
0x18: {  	s0 =	sld [smem:$0x3F97];
	_ =	swait.ge [sflag:s4], $0x0  }
0x19: {  	s7 =	sld [smem:$0x3F98]  }
0x1a: {  	s8 =	sadd.s32 $0xFFFFE003, lr  }
0x1b: {  	s9 =	sadd.s32 $0xFFFFFEF7, lr;
	s5 =	simm.s32 $0xFFFFFFFF;
	p2 =	slt.u32 s8, $0xFFFFF086  }
0x1c: {  	p1 =	slt.u32 s9, $0xF7A;
	s5 =	simm.s32 @!p2 $0x0  }
0x1d: {  	s5 =	simm.s32 @p1 $0x1;
	p0 =	seq.s32 s7, s2  }
0x1e: {  	s7 =	smul.u32 @!p0 $0xF7A, s2;
	p2 =	seq.s32 @!p0 s5, $0x0  }
0x1f: {  	s9 =	smul.u32 $0xF7A, s1;
	s8 =	simm.s32 @!p0 $0x1BF5;
	p2 =	por !p2, p0  }
0x20: {  	[sflag:s8] =	ssyncset.s32 @!p0 $0xFFFFF086;
	s6 =	sadd.s32 @!p0 s3, s7;
	s7 =	simm.s32 @!p0 $0x108  }
0x21: {  	s3 =	sadd.s32 s3, s9;
	s6 =	sadd.s32 @!p0 $0x88, s6;
	s7 =	simm.s32 @p2 $0x1082  }
0x22: {  	[simem:s7], [sflag:s8] =	dma.local @!p0 [hbm:s6], $0xF7A  }
0x23: {  	s9 =	sor.u32 $0xD0000000, s2;
	s6 =	simm.s32 $0x108;
	_ =	swait.ge @!p0 [sflag:s8], $0x0  }
0x24: {  	s3 =	sadd.s32 $0x88, s3;
	s6 =	simm.s32 @!p1 $0x1082;
	[sflag:s4] =	ssyncset.s32 $0xFFFFF086  }
0x25: {  	[simem:s6], [sflag:s4] =	dma.local [hbm:s3], $0xF7A  }
0x26: {  	[smem:$0x3F98] =	sst s1;
	(tag) =	ssettag s2;
	_ =	strace s9  }
0x27: {  	s1 =	sld [smem:$0x3FA8]  }
0x28: {  	s2 =	sld [smem:$0x3FA9]  }
0x29: {  	s4 =	sld [smem:$0x3FAB]  }
0x2a: {  	p0 =	seq.s32 s5, $0x0;
	s5 =	sld [smem:$0x3FAC]  }
0x2b: {  	s6 =	sld [smem:$0x3FAD]  }
0x2c: {  	s7 =	sld [smem:$0x3FAE]  }
0x2d: {  	s3 =	simm.s32 $0x108;
	s8 =	sld [smem:$0x3FAF]  }
0x2e: {  	s3 =	simm.s32 @!p0 $0x1082;
	s9 =	sld [smem:$0x3FB0]  }
0x2f: {  	lr =	sadd.s32 s0, s3;
	s0 =	sld [smem:$0x3FA7]  }
0x30: {  	s3 =	sld [smem:$0x3FAA]  }
0x31: {  	[smem:$0x3FB3] =	sst s10  }
0x32: {  	s10 =	sld [smem:$0x3FB1];
	_ =	sdelay $0x3  }
0x33: {  	p0 =	seq.s32 s10, $0x1;
	s10 =	sld [smem:$0x3FB3];
	_ =	sdelay $0x3  }
0x34: {  	[smem:$0x3FB3] =	sst s10  }
0x35: {  	s10 =	sld [smem:$0x3FB2];
	_ =	sdelay $0x3  }
0x36: {  	p1 =	seq.s32 s10, $0x1;
	s10 =	sld [smem:$0x3FB3];
	_ =	sdelay $0x3  }
0x37: {  	[smem:$0x3FB3] =	sst s10  }
0x38: {  	s10 =	sld [smem:$0x3FB4]  }
0x39: {  	_ = 	snop;
	(pc) =	sbr.ind lr, $3  }
0x3a: {  	_ = 	snop  }
0x3b: {  	_ = 	snop  }
0x3c: {  	p2 =	seq.s32 s10, $0x1;
	s10 =	sld [smem:$0x3FB3]  }
0x3d: {  	_ =	shalt  }
0x3e: {  	_ =	shalt  }
0x3f: {  	_ =	shalt  }
0x40: {  	_ =	shalt  }
0x41: {  	_ =	shalt  }
0x42: {  	_ =	shalt  }
0x43: {  	_ =	shalt  }
0x44: {  	_ =	shalt  }
0x45: {  	_ =	shalt  }
0x46: {  	_ =	shalt  }
0x47: {  	_ =	shalt  }
0x48: {  	_ =	shalt  }
0x49: {  	_ =	shalt  }
0x4a: {  	_ =	shalt  }
0x4b: {  	_ =	shalt  }
0x4c: {  	_ =	shalt  }
0x4d: {  	_ =	shalt  }
0x4e: {  	_ =	shalt  }
0x4f: {  	_ =	shalt  }
0x50: {  	_ =	shalt  }
0x51: {  	_ =	shalt  }
0x52: {  	_ =	shalt  }
0x53: {  	_ =	shalt  }
0x54: {  	_ =	shalt  }
0x55: {  	_ =	shalt  }
0x56: {  	_ =	shalt  }
0x57: {  	_ =	shalt  }
0x58: {  	_ =	shalt  }
0x59: {  	_ =	shalt  }
0x5a: {  	_ =	shalt  }
0x5b: {  	_ =	shalt  }
0x5c: {  	_ =	shalt  }
0x5d: {  	_ =	shalt  }
0x5e: {  	_ =	shalt  }
0x5f: {  	_ =	shalt  }
0x60: {  	_ =	shalt  }
0x61: {  	_ =	shalt  }
0x62: {  	_ =	shalt  }
0x63: {  	_ =	shalt  }
0x64: {  	_ =	shalt  }
0x65: {  	_ =	shalt  }
0x66: {  	_ =	shalt  }
0x67: {  	_ =	shalt  }
0x68: {  	_ =	shalt  }
0x69: {  	_ =	shalt  }
0x6a: {  	_ =	shalt  }
0x6b: {  	_ =	shalt  }
0x6c: {  	_ =	shalt  }
0x6d: {  	_ =	shalt  }
0x6e: {  	_ =	shalt  }
0x6f: {  	_ =	shalt  }
0x70: {  	_ =	shalt  }
0x71: {  	_ =	shalt  }
0x72: {  	_ =	shalt  }
0x73: {  	_ =	shalt  }
0x74: {  	_ =	shalt  }
0x75: {  	_ =	shalt  }
0x76: {  	_ =	shalt  }
0x77: {  	_ =	shalt  }
0x78: {  	_ =	shalt  }
0x79: {  	_ =	shalt  }
0x7a: {  	_ =	shalt  }
0x7b: {  	_ =	shalt  }
0x7c: {  	_ =	shalt  }
0x7d: {  	_ =	shalt  }
0x7e: {  	_ =	shalt  }
0x7f: {  	_ =	shalt  }
0x80: {  	_ =	shalt  }
0x81: {  	_ =	shalt  }
0x82: {  	_ =	shalt  }
0x83: {  	_ =	shalt  }
0x84: {  	_ =	shalt  }
0x85: {  	_ =	shalt  }
0x86: {  	_ =	shalt  }
0x87: {  	_ =	shalt  }
.Lfunc_end0:
.L_simem_size_0:
called_computation.1_lowered:
.L_overlay_start_0:
0x88: {  	s2 =	sld [smem:$0x3FD9]  }
0x89: {  	s3 =	sld [smem:$0x3FFE];
	_ =	sdelay $0x1  }
0x8a: {  	s1 =	srdreg.scid  }
0x8b: {  	s0 =	sand.u32 $0x1, s1  }
0x8c: {  	s17 =	sshll.u32 s0, $0xA;
	s2 =	sadd.s32 s3, s2  }
0x8d: {  	s2 =	sadd.s32 s2, s17  }
0x8e: {  	[smem:$0x3FBF] =	sst s2  }
0x8f: {  	_ = 	snop  }
0x90: {  	s18 =	sld [smem:$0x3FC9];
	(tm) =	ssettm $0x1  }
0x91: {  	s19 =	sld [smem:$0x3FFB];
	_ =	sdelay $0x3  }
0x92: {  	_ =	strace s19  }
0x93: {  	s2 =	sld [smem:$0x3FFC];
	_ =	sdelay $0x3  }
0x94: {  	_ =	strace s2  }
0x95: {  	s2 =	sld [smem:$0x3FFD];
	_ =	sdelay $0x3  }
0x96: {  	_ =	strace s2  }
0x97: {  	_ =	strace $0x8FFFFFFF  }
0x98: {  	s20 =	sld [smem:$0x3FDB];
	_ =	sdelay $0x1  }
0x99: {  	s4 =	simm.s32 $_scs_section_size  }
0x9a: {  	s5 =	simm.s32 $_size__tile_overlayer_lowered;
	s6 =	simm.s32 $_tile_overlayer_lowered  }
0x9b: {  	s7 =	simm.s32 $0x1BFF;
	s21 =	sshll.u32 s6, $0x1;
	s4 =	sadd.s32 s4, s20  }
0x9c: {  	s22 =	simm.s32 $0x0;
	s5 =	sshll.u32 s5, $0x1;
	s6 =	sadd.s32 s21, s4  }
0x9d: {  	[timem:s22], [sflag:s7] =	dma.local [hbm:s6], s5  }
0x9e: {  	_ =	swait.ge [sflag:s7], s5  }
0x9f: {  	s5 =	ssub.s32 $0x0, s5;
	[sflag:s7] =	ssyncset.done $0x0  }
0xa0: {  	[sflag:s7] =	ssyncadd.s32 s5;
	_ =	sdelay $0x1  }
0xa1: {  	s23 =	simm.s32 $0x1B8B  }
0xa2: {  	_ =	swait.ge [sflag:s23], $0x1  }
0xa3: {  	[sflag:s23] =	ssyncset.done $0x0  }
0xa4: {  	[sflag:s23] =	ssyncadd.s32 $0xFFFFFFFF  }
0xa5: {  	s5 =	sld [smem:$0x0]  }
0xa6: {  	s6 =	sand.u32 $0xFFFFFFFE, s1  }
0xa7: {  	p0 =	sne.s32 s1, s6  }
0xa8: {  	s6 =	sshll.u32 @p0 s6, $0xE  }
0xa9: {  	s6 =	sadd.s32 @p0 $0x11B8D, s6;
	s7 =	sshll.u32 @p0 s5, $0x11  }
0xaa: {  	s6 =	sor.u32 @p0 s7, s6  }
0xab: {  	[sflag:s6] =	ssyncadd.remote.s32 @p0 $0x1;
	_ =	sdelay $0x1  }
0xac: {  	s6 =	simm.s32 @p0 $0x1B8D  }
0xad: {  	_ =	swait.eq @p0 [sflag:s6], $0x1  }
0xae: {  	[sflag:s6] =	ssyncadd.s32 @p0 $0xFFFFFFFF  }
0xaf: {  	s7 =	sshll.u32 @!p0 s1, $0xE  }
0xb0: {  	s7 =	sor.u32 @!p0 $0x4000, s7;
	s6 =	simm.s32 @!p0 $0x1B8D  }
0xb1: {  	s5 =	sshll.u32 @!p0 s5, $0x11;
	s7 =	sadd.s32 @!p0 $0x11B8D, s7;
	_ =	swait.eq @!p0 [sflag:s6], $0x1  }
0xb2: {  	s5 =	sor.u32 @!p0 s5, s7;
	[sflag:s6] =	ssyncadd.s32 @!p0 $0xFFFFFFFF  }
0xb3: {  	s25 =	simm.s32 $0x1B8E;
	s24 =	sld [smem:$0x3FFE];
	[sflag:s5] =	ssyncadd.remote.s32 @!p0 $0x1  }
0xb4: {  	s26 =	simm.s32 $execute0_lowered;
	[smem:$0x3FD2] =	sst s25  }
0xb5: {  	s6 =	sshll.u32 s26, $0x1;
	_ =	strace $0x8000004C;
	[dreg:$0x1] =	wrdreg $0xFFFFFFFF  }
0xb6: {  	s28 =	simm.s32 $_size_execute0_lowered;
	s4 =	sadd.s32 s4, s6;
	[dreg:$0x0] =	wrdreg $0x0  }
0xb7: {  	s6 =	sshll.u32 s28, $0x1;
	[dreg:$0x2] =	wrdreg s4  }
0xb8: {  	[dreg:$0x3] =	wrdreg s6  }
0xb9: {  	[dreg:$0x4] =	wrdreg $0xC0  }
0xba: {  	_ =	task [dreg:s22], $0x5FFFF  }
0xbb: {  	[dreg:$0x1] =	wrdreg $0xFFFFFFFF  }
0xbc: {  	[dreg:$0x0] =	wrdreg $0x60  }
0xbd: {  	[dreg:$0x2] =	wrdreg s18  }
0xbe: {  	[dreg:$0x3] =	wrdreg s24  }
0xbf: {  	[dreg:$0x4] =	wrdreg $0xA  }
0xc0: {  	_ =	task.clear_ibuf [dreg:s22], $0x5FFFF;
	_ =	strace $0x9000004C  }
0xc1: {  	s29 =	simm.s32 $0xA;
	_ =	strace $0x8000004E  }
0xc2: {  	_ =	swait.ge [sflag:s29], $0x1  }
0xc3: {  	[sflag:s29] =	ssyncadd.s32 $0xFFFFFFFF  }
0xc4: {  	_ =	strace $0x9000004E  }
0xc5: {  	_ =	sfence  }
0xc6: {  	s30 =	sld [smem:$0x0];
	_ =	sdelay $0x2  }
0xc7: {  	s31 =	sshll.u32 s1, $0xD;
	s1 =	sshrl.u32 s1, $0x2  }
0xc8: {  	s4 =	sand.u32 $0x4000, s31;
	s1 =	sadd.s32 s1, s30  }
0xc9: {  	s0 =	sor.u32 s4, s0;
	s1 =	sshll.u32 s1, $0x11  }
0xca: {  	s0 =	sor.u32 s1, s0  }
0xcb: {  	s0 =	sadd.s32 $0x8F2B, s0  }
0xcc: {  	[sflag:s0] =	ssyncadd.remote.s32 $0x1  }
0xcd: {  	_ =	sfence.sel $0xFFFF  }
0xce: {  	[dreg:$0x0] =	wrdreg $0xFFFFFFFF;
	(pc) =	sbr.abs _section_cstart, $3  }
0xcf: {  	[dreg:$0x1] =	wrdreg $0xFFFFFFFF  }
0xd0: {  	_ =	task.clear_ibuf [dreg:s22], $0x2FFFF;
	_ =	strace $0x9FFFFFFF  }
0xd1: {  	(tm) =	ssettm $0x7FFFFFFF  }
tec
execute0_lowered:
.L_overlay_start_1:
0x0: {  	(tag) =	ssettag $0x1  }
0x1: {  	s1 =	srdreg.scid;
	s0 =	stileid.u32  }
0x2: {  	s29 =	sand.u32 $0x1, s1;
	s26 =	sshll.u32 s0, $0x1  }
0x3: {  	s2 =	rddreg [dreg:$0x0];
	s11 =	sor.u32 s29, s26  }
0x4: {  	s16 =	rddreg [dreg:$0x1];
	s3 =	simm.s32 $0x0;
	s4 =	sshll.u32 s11, $0x7  }
0x5: {  	s5 =	simm.s32 $0xB;
	[smem:$0x7FF] =	sst s3;
	s4 =	sadd.s32 s4, s16  }
0x6: {  	s1 =	rddreg [dreg:$0x2];
	_ =	strace $0x8000004D;
	s4 =	sadd.s32 $0x5E00, s4  }
0x7: {  	[tilespmem:s3], [sflag:$0xB] =	stream.linear.gather [hbm4b:s4+s3], $0x280, $0x38;
	[tilespmem:$0x14400] =	vst v63  }
0x8: {  	_ =	swait.ge [sflag:s5], $0x280  }
0x9: {  	[sflag:s5] =	ssyncset.done $0x0  }
0xa: {  	s6 =	simm.s32 $0x80;
	s7 =	simm.s32 $0x400;
	[sflag:s5] =	ssyncadd.s32 $0xFFFFFD80  }
0xb: {  	[tilespmem:s7], [sflag:$0x1] =	stream.indirect.gather [hbm4b:s2+s6], $0x80, s3, s6, $0xb8;
	[tilespmem:$0x14400] =	vst v63  }
0xc: {  	s8 =	simm.s32 $0x4400  }
0xd: {  	[tilespmem:s8], [sflag:$0x2] =	stream.indirect.gather [hbm4b:s2+s6], $0x80, s6, s6, $0xb8;
	[tilespmem:$0x14400] =	vst v63  }
0xe: {  	s9 =	simm.s32 $0x100;
	s10 =	simm.s32 $0x8400  }
0xf: {  	[tilespmem:s10], [sflag:$0x3] =	stream.indirect.gather [hbm4b:s2+s6], $0x80, s9, s6, $0xb8;
	[tilespmem:$0x14400] =	vst v63  }
0x10: {  	s12 =	simm.s32 $0xC400;
	s17 =	smul.u32 $0x14000, s11;
	s11 =	simm.s32 $0x180  }
0x11: {  	[tilespmem:s12], [sflag:$0x4] =	stream.indirect.gather [hbm4b:s2+s6], $0x80, s11, s6, $0xb8;
	[tilespmem:$0x14400] =	vst v63  }
0x12: {  	s13 =	simm.s32 $0x200;
	s14 =	simm.s32 $0x10400;
	s15 =	simm.s32 $0x1  }
0x13: {  	[tilespmem:s14], [sflag:$0x5] =	stream.indirect.gather [hbm4b:s2+s6], $0x80, s13, s6, $0xb8;
	[tilespmem:$0x14400] =	vst v63  }
0x14: {  	s17 =	sshrl.u32 s17, $0x3;
	_ =	swait.ge [sflag:s15], $0x4000  }
0x15: {  	s24 =	sadd.s32 s17, s16;
	[sflag:s15] =	ssyncset.done $0x0  }
0x16: {  	s17 =	simm.s32 $0x2;
	s16 =	sadd.s32 $0xA7E00, s24;
	[sflag:s15] =	ssyncadd.s32 $0xFFFFC000  }
0x17: {  	[hbm4b:s16+s3] =	stream.linear.scatter [tilespmem:s7], [sflag:$0x6], $0x4000, $0x38;
	[tilespmem:$0x14400] =	vst v63  }
0x18: {  	_ =	swait.ge [sflag:s17], $0x4000  }
0x19: {  	[sflag:s17] =	ssyncset.done $0x0  }
0x1a: {  	s19 =	simm.s32 $0x3;
	s18 =	sadd.s32 $0xA8600, s24;
	[sflag:s17] =	ssyncadd.s32 $0xFFFFC000  }
0x1b: {  	[hbm4b:s18+s3] =	stream.linear.scatter [tilespmem:s8], [sflag:$0x7], $0x4000, $0x38;
	[tilespmem:$0x14400] =	vst v63  }
0x1c: {  	_ =	swait.ge [sflag:s19], $0x4000  }
0x1d: {  	[sflag:s19] =	ssyncset.done $0x0  }
0x1e: {  	s21 =	simm.s32 $0x4;
	s20 =	sadd.s32 $0xA8E00, s24;
	[sflag:s19] =	ssyncadd.s32 $0xFFFFC000  }
0x1f: {  	[hbm4b:s20+s3] =	stream.linear.scatter [tilespmem:s10], [sflag:$0x8], $0x4000, $0x38;
	[tilespmem:$0x14400] =	vst v63  }
0x20: {  	_ =	swait.ge [sflag:s21], $0x4000  }
0x21: {  	[sflag:s21] =	ssyncset.done $0x0  }
0x22: {  	s23 =	simm.s32 $0x5;
	s22 =	sadd.s32 $0xA9600, s24;
	[sflag:s21] =	ssyncadd.s32 $0xFFFFC000  }
0x23: {  	[hbm4b:s22+s3] =	stream.linear.scatter [tilespmem:s12], [sflag:$0x9], $0x4000, $0x38;
	[tilespmem:$0x14400] =	vst v63  }
0x24: {  	_ =	swait.ge [sflag:s23], $0x4000  }
0x25: {  	[sflag:s23] =	ssyncset.done $0x0  }
0x26: {  	s25 =	simm.s32 $0x6;
	s24 =	sadd.s32 $0xA9E00, s24;
	[sflag:s23] =	ssyncadd.s32 $0xFFFFC000  }
0x27: {  	[hbm4b:s24+s3] =	stream.linear.scatter [tilespmem:s14], [sflag:$0xA], $0x4000, $0x38;
	[tilespmem:$0x14400] =	vst v63  }
0x28: {  	_ =	swait.ge [sflag:s25], $0x4000  }
0x29: {  	[sflag:s25] =	ssyncset.done $0x0  }
0x2a: {  	s26 =	simm.s32 $0x7;
	[sflag:s25] =	ssyncadd.s32 $0xFFFFC000  }
0x2b: {  	_ =	swait.ge [sflag:s26], $0x4000  }
0x2c: {  	s30 =	ssub.s32 $0x2, s29;
	[sflag:s26] =	ssyncset.done $0x0  }
0x2d: {  	s28 =	simm.s32 $0x8;
	s31 =	sshrl.u32 s30, $0x1;
	[sflag:s26] =	ssyncadd.s32 $0xFFFFC000  }
0x2e: {  	s30 =	ssub.s32 s30, s31;
	_ =	swait.ge [sflag:s28], $0x4000  }
0x2f: {  	s31 =	smax.u32 s30, $0x1;
	[sflag:s28] =	ssyncset.done $0x0  }
0x30: {  	s29 =	simm.s32 $0x9;
	p0 =	sne.s32 s31, $0x1;
	[sflag:s28] =	ssyncadd.s32 $0xFFFFC000  }
.Ltmp0:
0x31: {  	_ =	swait.ge [sflag:s29], $0x4000;
	(pc) =	sbr.rel @!p0 .LBB2_2-.Ltmp0, $4  }
0x32: {  	[sflag:s29] =	ssyncset.done $0x0  }
0x33: {  	s30 =	simm.s32 $0xA;
	[sflag:s29] =	ssyncadd.s32 $0xFFFFC000  }
0x34: {  	_ =	swait.ge [sflag:s30], $0x4000  }
0x35: {  	s31 =	sadd.s32 $0xFFFFFFFF, s31;
	[sflag:s30] =	ssyncset.done $0x0  }
.LBB2_1:
0x36: {  	p0 =	sne.s32 s31, $0x1;
	s31 =	sadd.s32 $0xFFFFFFFF, s31;
	[sflag:s30] =	ssyncadd.s32 $0xFFFFC000  }
0x37: {  	[tilespmem:s3], [sflag:$0xB] =	stream.linear.gather [hbm4b:s4+s3], $0x280, $0x38;
	[tilespmem:$0x14400] =	vst v63  }
0x38: {  	_ =	swait.ge [sflag:s5], $0x280  }
0x39: {  	[sflag:s5] =	ssyncset.done $0x0  }
0x3a: {  	[sflag:s5] =	ssyncadd.s32 $0xFFFFFD80  }
0x3b: {  	[tilespmem:s7], [sflag:$0x1] =	stream.indirect.gather [hbm4b:s2+s6], $0x80, s3, s6, $0xb8;
	[tilespmem:$0x14400] =	vst v63  }
0x3c: {  	_ = 	snop  }
0x3d: {  	[tilespmem:s8], [sflag:$0x2] =	stream.indirect.gather [hbm4b:s2+s6], $0x80, s6, s6, $0xb8;
	[tilespmem:$0x14400] =	vst v63  }
0x3e: {  	_ = 	snop  }
0x3f: {  	[tilespmem:s10], [sflag:$0x3] =	stream.indirect.gather [hbm4b:s2+s6], $0x80, s9, s6, $0xb8;
	[tilespmem:$0x14400] =	vst v63  }
0x40: {  	_ = 	snop  }
0x41: {  	[tilespmem:s12], [sflag:$0x4] =	stream.indirect.gather [hbm4b:s2+s6], $0x80, s11, s6, $0xb8;
	[tilespmem:$0x14400] =	vst v63  }
0x42: {  	_ = 	snop  }
0x43: {  	[tilespmem:s14], [sflag:$0x5] =	stream.indirect.gather [hbm4b:s2+s6], $0x80, s13, s6, $0xb8;
	[tilespmem:$0x14400] =	vst v63  }
0x44: {  	_ =	swait.ge [sflag:s15], $0x4000  }
0x45: {  	[sflag:s15] =	ssyncset.done $0x0  }
0x46: {  	[sflag:s15] =	ssyncadd.s32 $0xFFFFC000  }
0x47: {  	[hbm4b:s16+s3] =	stream.linear.scatter [tilespmem:s7], [sflag:$0x6], $0x4000, $0x38;
	[tilespmem:$0x14400] =	vst v63  }
0x48: {  	_ =	swait.ge [sflag:s17], $0x4000  }
0x49: {  	[sflag:s17] =	ssyncset.done $0x0  }
0x4a: {  	[sflag:s17] =	ssyncadd.s32 $0xFFFFC000  }
0x4b: {  	[hbm4b:s18+s3] =	stream.linear.scatter [tilespmem:s8], [sflag:$0x7], $0x4000, $0x38;
	[tilespmem:$0x14400] =	vst v63  }
0x4c: {  	_ =	swait.ge [sflag:s19], $0x4000  }
0x4d: {  	[sflag:s19] =	ssyncset.done $0x0  }
0x4e: {  	[sflag:s19] =	ssyncadd.s32 $0xFFFFC000  }
0x4f: {  	[hbm4b:s20+s3] =	stream.linear.scatter [tilespmem:s10], [sflag:$0x8], $0x4000, $0x38;
	[tilespmem:$0x14400] =	vst v63  }
0x50: {  	_ =	swait.ge [sflag:s21], $0x4000  }
0x51: {  	[sflag:s21] =	ssyncset.done $0x0  }
0x52: {  	[sflag:s21] =	ssyncadd.s32 $0xFFFFC000  }
0x53: {  	[hbm4b:s22+s3] =	stream.linear.scatter [tilespmem:s12], [sflag:$0x9], $0x4000, $0x38;
	[tilespmem:$0x14400] =	vst v63  }
0x54: {  	_ =	swait.ge [sflag:s23], $0x4000  }
0x55: {  	[sflag:s23] =	ssyncset.done $0x0  }
0x56: {  	[sflag:s23] =	ssyncadd.s32 $0xFFFFC000  }
0x57: {  	[hbm4b:s24+s3] =	stream.linear.scatter [tilespmem:s14], [sflag:$0xA], $0x4000, $0x38;
	[tilespmem:$0x14400] =	vst v63  }
0x58: {  	_ =	swait.ge [sflag:s25], $0x4000  }
0x59: {  	[sflag:s25] =	ssyncset.done $0x0  }
0x5a: {  	[sflag:s25] =	ssyncadd.s32 $0xFFFFC000  }
0x5b: {  	_ =	swait.ge [sflag:s26], $0x4000  }
0x5c: {  	[sflag:s26] =	ssyncset.done $0x0  }
0x5d: {  	[sflag:s26] =	ssyncadd.s32 $0xFFFFC000  }
0x5e: {  	_ =	swait.ge [sflag:s28], $0x4000  }
0x5f: {  	[sflag:s28] =	ssyncset.done $0x0  }
0x60: {  	[sflag:s28] =	ssyncadd.s32 $0xFFFFC000  }
.Ltmp1:
0x61: {  	_ =	swait.ge [sflag:s29], $0x4000;
	(pc) =	sbr.rel @p0 .LBB2_1-.Ltmp1, $4  }
0x62: {  	[sflag:s29] =	ssyncset.done $0x0  }
0x63: {  	[sflag:s29] =	ssyncadd.s32 $0xFFFFC000  }
0x64: {  	_ =	swait.ge [sflag:s30], $0x4000  }
0x65: {  	[sflag:s30] =	ssyncset.done $0x0  }
.LBB2_2:
0x66: {  	[sflag:s30] =	ssyncadd.s32 $0xFFFFC000  }
0x67: {  	_ =	sfence.sel $0x180000  }
0x68: {  	[bflag:$0x0] =	sbarrier.arrive $0xFFFF  }
0x69: {  	p0 =	sne.s32 s0, $0x0;
	_ =	strace $0x9000004D  }
0x6a: {  	s0 =	sadd.s32 @!p0 $0x100000, s1;
	[bflag:$0x2] =	sbarrier.arrive $0xFFFF  }
0x6b: {  	[sflag:s0] =	ssyncadd.tile.s32 @!p0 $0x1;
	_ =	shalt  }
.Lfunc_end2:
_tile_overlayer_lowered:
.L_overlay_start_2:
0x6c: {  	(tag) =	ssettag $0x2  }
0x6d: {  	s0 =	rddreg [dreg:$0x0];
	s2 =	stileid.u32  }
0x6e: {  	s1 =	rddreg [dreg:$0x1];
	p0 =	sne.s32 s2, $0x0  }
0x6f: {  	s3 =	rddreg [dreg:$0x2];
	[bflag:$0x3] =	sbarrier.arrive $0xFFFF;
	s2 =	simm.s32 @!p0 $0x1C0B  }
0x70: {  	[timem:s3], [sflag:s2] =	dma.local @!p0 [hbm:s0], s1  }
0x71: {  	s0 =	simm.s32 @!p0 $0xB  }
0x72: {  	_ =	swait.ge @!p0 [sflag:s0], s1  }
0x73: {  	s1 =	ssub.s32 @!p0 $0x0, s1;
	[sflag:s0] =	ssyncset.done @!p0 $0x0  }
0x74: {  	[sflag:s0] =	ssyncadd.s32 @!p0 s1  }
0x75: {  	[bflag:$0x3] =	sbarrier.arrive $0xFFFF  }
0x76: {  	_ =	shalt  }

// kernel: kernel.18.cloned.1.call-start
scs
__scs_entry_jumppad:
0x0: {  	(pc) =	sbr.rel $0x88, $3  }
0x1: {  	(tag) =	ssettag $0x0;
	lr =	simm.s32 $0x1  }
0x2: {  	[smem:$0x3F98] =	sst lr;
	_ =	strace $0xD0000000  }
0x3: {  	_ = 	snop  }
0x4: {  	_ = 	snop  }
0x5: {  	_ = 	snop  }
0x6: {  	_ = 	snop  }
0x7: {  	_ = 	snop  }
__scs_overlays_trampoline_lowered:
0x8: {  	[smem:$0x3FA7] =	sst s0  }
0x9: {  	[smem:$0x3FA8] =	sst s1  }
0xa: {  	[smem:$0x3FA9] =	sst s2  }
0xb: {  	[smem:$0x3FAA] =	sst s3  }
0xc: {  	[smem:$0x3FAB] =	sst s4  }
0xd: {  	[smem:$0x3FAC] =	sst s5  }
0xe: {  	[smem:$0x3FAD] =	sst s6  }
0xf: {  	[smem:$0x3FAE] =	sst s7  }
0x10: {  	[smem:$0x3FAF] =	sst s8  }
0x11: {  	[smem:$0x3FB0] =	sst s9;
	s0 =	simm.s32 @!p0 $0x0  }
0x12: {  	s1 =	sld [smem:$0x3F96];
	s0 =	simm.s32 @p0 $0x1  }
0x13: {  	[smem:$0x3FB1] =	sst s0;
	s0 =	simm.s32 @!p1 $0x0  }
0x14: {  	s2 =	sld [smem:$0x3F95];
	s0 =	simm.s32 @p1 $0x1  }
0x15: {  	[smem:$0x3FB2] =	sst s0;
	s0 =	simm.s32 @!p2 $0x0  }
0x16: {  	s3 =	sld [smem:$0x3FDB];
	s0 =	simm.s32 @p2 $0x1  }
0x17: {  	s4 =	simm.s32 $0x1BF5;
	[smem:$0x3FB4] =	sst s0  }
0x18: {  	s0 =	sld [smem:$0x3F97];
	_ =	swait.ge [sflag:s4], $0x0  }
0x19: {  	s7 =	sld [smem:$0x3F98]  }
0x1a: {  	s8 =	sadd.s32 $0xFFFFE003, lr  }
0x1b: {  	s9 =	sadd.s32 $0xFFFFFEF7, lr;
	s5 =	simm.s32 $0xFFFFFFFF;
	p2 =	slt.u32 s8, $0xFFFFF086  }
0x1c: {  	p1 =	slt.u32 s9, $0xF7A;
	s5 =	simm.s32 @!p2 $0x0  }
0x1d: {  	s5 =	simm.s32 @p1 $0x1;
	p0 =	seq.s32 s7, s2  }
0x1e: {  	s7 =	smul.u32 @!p0 $0xF7A, s2;
	p2 =	seq.s32 @!p0 s5, $0x0  }
0x1f: {  	s9 =	smul.u32 $0xF7A, s1;
	s8 =	simm.s32 @!p0 $0x1BF5;
	p2 =	por !p2, p0  }
0x20: {  	[sflag:s8] =	ssyncset.s32 @!p0 $0xFFFFF086;
	s6 =	sadd.s32 @!p0 s3, s7;
	s7 =	simm.s32 @!p0 $0x108  }
0x21: {  	s3 =	sadd.s32 s3, s9;
	s6 =	sadd.s32 @!p0 $0x88, s6;
	s7 =	simm.s32 @p2 $0x1082  }
0x22: {  	[simem:s7], [sflag:s8] =	dma.local @!p0 [hbm:s6], $0xF7A  }
0x23: {  	s9 =	sor.u32 $0xD0000000, s2;
	s6 =	simm.s32 $0x108;
	_ =	swait.ge @!p0 [sflag:s8], $0x0  }
0x24: {  	s3 =	sadd.s32 $0x88, s3;
	s6 =	simm.s32 @!p1 $0x1082;
	[sflag:s4] =	ssyncset.s32 $0xFFFFF086  }
0x25: {  	[simem:s6], [sflag:s4] =	dma.local [hbm:s3], $0xF7A  }
0x26: {  	[smem:$0x3F98] =	sst s1;
	(tag) =	ssettag s2;
	_ =	strace s9  }
0x27: {  	s1 =	sld [smem:$0x3FA8]  }
0x28: {  	s2 =	sld [smem:$0x3FA9]  }
0x29: {  	s4 =	sld [smem:$0x3FAB]  }
0x2a: {  	p0 =	seq.s32 s5, $0x0;
	s5 =	sld [smem:$0x3FAC]  }
0x2b: {  	s6 =	sld [smem:$0x3FAD]  }
0x2c: {  	s7 =	sld [smem:$0x3FAE]  }
0x2d: {  	s3 =	simm.s32 $0x108;
	s8 =	sld [smem:$0x3FAF]  }
0x2e: {  	s3 =	simm.s32 @!p0 $0x1082;
	s9 =	sld [smem:$0x3FB0]  }
0x2f: {  	lr =	sadd.s32 s0, s3;
	s0 =	sld [smem:$0x3FA7]  }
0x30: {  	s3 =	sld [smem:$0x3FAA]  }
0x31: {  	[smem:$0x3FB3] =	sst s10  }
0x32: {  	s10 =	sld [smem:$0x3FB1];
	_ =	sdelay $0x3  }
0x33: {  	p0 =	seq.s32 s10, $0x1;
	s10 =	sld [smem:$0x3FB3];
	_ =	sdelay $0x3  }
0x34: {  	[smem:$0x3FB3] =	sst s10  }
0x35: {  	s10 =	sld [smem:$0x3FB2];
	_ =	sdelay $0x3  }
0x36: {  	p1 =	seq.s32 s10, $0x1;
	s10 =	sld [smem:$0x3FB3];
	_ =	sdelay $0x3  }
0x37: {  	[smem:$0x3FB3] =	sst s10  }
0x38: {  	s10 =	sld [smem:$0x3FB4]  }
0x39: {  	_ = 	snop;
	(pc) =	sbr.ind lr, $3  }
0x3a: {  	_ = 	snop  }
0x3b: {  	_ = 	snop  }
0x3c: {  	p2 =	seq.s32 s10, $0x1;
	s10 =	sld [smem:$0x3FB3]  }
0x3d: {  	_ =	shalt  }
0x3e: {  	_ =	shalt  }
0x3f: {  	_ =	shalt  }
0x40: {  	_ =	shalt  }
0x41: {  	_ =	shalt  }
0x42: {  	_ =	shalt  }
0x43: {  	_ =	shalt  }
0x44: {  	_ =	shalt  }
0x45: {  	_ =	shalt  }
0x46: {  	_ =	shalt  }
0x47: {  	_ =	shalt  }
0x48: {  	_ =	shalt  }
0x49: {  	_ =	shalt  }
0x4a: {  	_ =	shalt  }
0x4b: {  	_ =	shalt  }
0x4c: {  	_ =	shalt  }
0x4d: {  	_ =	shalt  }
0x4e: {  	_ =	shalt  }
0x4f: {  	_ =	shalt  }
0x50: {  	_ =	shalt  }
0x51: {  	_ =	shalt  }
0x52: {  	_ =	shalt  }
0x53: {  	_ =	shalt  }
0x54: {  	_ =	shalt  }
0x55: {  	_ =	shalt  }
0x56: {  	_ =	shalt  }
0x57: {  	_ =	shalt  }
0x58: {  	_ =	shalt  }
0x59: {  	_ =	shalt  }
0x5a: {  	_ =	shalt  }
0x5b: {  	_ =	shalt  }
0x5c: {  	_ =	shalt  }
0x5d: {  	_ =	shalt  }
0x5e: {  	_ =	shalt  }
0x5f: {  	_ =	shalt  }
0x60: {  	_ =	shalt  }
0x61: {  	_ =	shalt  }
0x62: {  	_ =	shalt  }
0x63: {  	_ =	shalt  }
0x64: {  	_ =	shalt  }
0x65: {  	_ =	shalt  }
0x66: {  	_ =	shalt  }
0x67: {  	_ =	shalt  }
0x68: {  	_ =	shalt  }
0x69: {  	_ =	shalt  }
0x6a: {  	_ =	shalt  }
0x6b: {  	_ =	shalt  }
0x6c: {  	_ =	shalt  }
0x6d: {  	_ =	shalt  }
0x6e: {  	_ =	shalt  }
0x6f: {  	_ =	shalt  }
0x70: {  	_ =	shalt  }
0x71: {  	_ =	shalt  }
0x72: {  	_ =	shalt  }
0x73: {  	_ =	shalt  }
0x74: {  	_ =	shalt  }
0x75: {  	_ =	shalt  }
0x76: {  	_ =	shalt  }
0x77: {  	_ =	shalt  }
0x78: {  	_ =	shalt  }
0x79: {  	_ =	shalt  }
0x7a: {  	_ =	shalt  }
0x7b: {  	_ =	shalt  }
0x7c: {  	_ =	shalt  }
0x7d: {  	_ =	shalt  }
0x7e: {  	_ =	shalt  }
0x7f: {  	_ =	shalt  }
0x80: {  	_ =	shalt  }
0x81: {  	_ =	shalt  }
0x82: {  	_ =	shalt  }
0x83: {  	_ =	shalt  }
0x84: {  	_ =	shalt  }
0x85: {  	_ =	shalt  }
0x86: {  	_ =	shalt  }
0x87: {  	_ =	shalt  }
.Lfunc_end0:
.L_simem_size_0:
called_computation.2_lowered:
.L_overlay_start_0:
0x88: {  	s2 =	sld [smem:$0x3FD9]  }
0x89: {  	s3 =	sld [smem:$0x3FFE];
	_ =	sdelay $0x1  }
0x8a: {  	s1 =	srdreg.scid  }
0x8b: {  	s0 =	sand.u32 $0x1, s1  }
0x8c: {  	s17 =	sshll.u32 s0, $0xA;
	s2 =	sadd.s32 s3, s2  }
0x8d: {  	s2 =	sadd.s32 s2, s17  }
0x8e: {  	[smem:$0x3FBF] =	sst s2  }
0x8f: {  	_ = 	snop  }
0x90: {  	s18 =	sld [smem:$0x3FC9];
	(tm) =	ssettm $0x1  }
0x91: {  	s19 =	sld [smem:$0x3FFB];
	_ =	sdelay $0x3  }
0x92: {  	_ =	strace s19  }
0x93: {  	s2 =	sld [smem:$0x3FFC];
	_ =	sdelay $0x3  }
0x94: {  	_ =	strace s2  }
0x95: {  	s2 =	sld [smem:$0x3FFD];
	_ =	sdelay $0x3  }
0x96: {  	_ =	strace s2  }
0x97: {  	_ =	strace $0x8FFFFFFF  }
0x98: {  	s20 =	sld [smem:$0x3FDB];
	_ =	sdelay $0x1  }
0x99: {  	s4 =	simm.s32 $_scs_section_size  }
0x9a: {  	s5 =	simm.s32 $_size__tile_overlayer_lowered;
	s6 =	simm.s32 $_tile_overlayer_lowered  }
0x9b: {  	s7 =	simm.s32 $0x1BFF;
	s21 =	sshll.u32 s6, $0x1;
	s4 =	sadd.s32 s4, s20  }
0x9c: {  	s22 =	simm.s32 $0x0;
	s5 =	sshll.u32 s5, $0x1;
	s6 =	sadd.s32 s21, s4  }
0x9d: {  	[timem:s22], [sflag:s7] =	dma.local [hbm:s6], s5  }
0x9e: {  	_ =	swait.ge [sflag:s7], s5  }
0x9f: {  	s5 =	ssub.s32 $0x0, s5;
	[sflag:s7] =	ssyncset.done $0x0  }
0xa0: {  	[sflag:s7] =	ssyncadd.s32 s5;
	_ =	sdelay $0x1  }
0xa1: {  	s23 =	simm.s32 $0x1B8B  }
0xa2: {  	_ =	swait.ge [sflag:s23], $0x1  }
0xa3: {  	[sflag:s23] =	ssyncset.done $0x0  }
0xa4: {  	[sflag:s23] =	ssyncadd.s32 $0xFFFFFFFF  }
0xa5: {  	s5 =	sld [smem:$0x0]  }
0xa6: {  	s6 =	sand.u32 $0xFFFFFFFE, s1  }
0xa7: {  	p0 =	sne.s32 s1, s6  }
0xa8: {  	s6 =	sshll.u32 @p0 s6, $0xE  }
0xa9: {  	s6 =	sadd.s32 @p0 $0x11B8D, s6;
	s7 =	sshll.u32 @p0 s5, $0x11  }
0xaa: {  	s6 =	sor.u32 @p0 s7, s6  }
0xab: {  	[sflag:s6] =	ssyncadd.remote.s32 @p0 $0x1;
	_ =	sdelay $0x1  }
0xac: {  	s6 =	simm.s32 @p0 $0x1B8D  }
0xad: {  	_ =	swait.eq @p0 [sflag:s6], $0x1  }
0xae: {  	[sflag:s6] =	ssyncadd.s32 @p0 $0xFFFFFFFF  }
0xaf: {  	s7 =	sshll.u32 @!p0 s1, $0xE  }
0xb0: {  	s7 =	sor.u32 @!p0 $0x4000, s7;
	s6 =	simm.s32 @!p0 $0x1B8D  }
0xb1: {  	s5 =	sshll.u32 @!p0 s5, $0x11;
	s7 =	sadd.s32 @!p0 $0x11B8D, s7;
	_ =	swait.eq @!p0 [sflag:s6], $0x1  }
0xb2: {  	s5 =	sor.u32 @!p0 s5, s7;
	[sflag:s6] =	ssyncadd.s32 @!p0 $0xFFFFFFFF  }
0xb3: {  	s25 =	simm.s32 $0x1B8E;
	s24 =	sld [smem:$0x3FFE];
	[sflag:s5] =	ssyncadd.remote.s32 @!p0 $0x1  }
0xb4: {  	s26 =	simm.s32 $execute0_lowered;
	[smem:$0x3FD2] =	sst s25  }
0xb5: {  	s6 =	sshll.u32 s26, $0x1;
	_ =	strace $0x8000004F;
	[dreg:$0x1] =	wrdreg $0xFFFFFFFF  }
0xb6: {  	s28 =	simm.s32 $_size_execute0_lowered;
	s4 =	sadd.s32 s4, s6;
	[dreg:$0x0] =	wrdreg $0x0  }
0xb7: {  	s6 =	sshll.u32 s28, $0x1;
	[dreg:$0x2] =	wrdreg s4  }
0xb8: {  	[dreg:$0x3] =	wrdreg s6  }
0xb9: {  	[dreg:$0x4] =	wrdreg $0xC0  }
0xba: {  	_ =	task [dreg:s22], $0x5FFFF  }
0xbb: {  	[dreg:$0x1] =	wrdreg $0xFFFFFFFF  }
0xbc: {  	[dreg:$0x0] =	wrdreg $0x60  }
0xbd: {  	[dreg:$0x2] =	wrdreg s18  }
0xbe: {  	[dreg:$0x3] =	wrdreg s24  }
0xbf: {  	[dreg:$0x4] =	wrdreg $0xB  }
0xc0: {  	_ =	task.clear_ibuf [dreg:s22], $0x5FFFF;
	_ =	strace $0x9000004F  }
0xc1: {  	s29 =	simm.s32 $0xB;
	_ =	strace $0x80000051  }
0xc2: {  	_ =	swait.ge [sflag:s29], $0x1  }
0xc3: {  	[sflag:s29] =	ssyncadd.s32 $0xFFFFFFFF  }
0xc4: {  	_ =	strace $0x90000051  }
0xc5: {  	_ =	sfence  }
0xc6: {  	s30 =	sld [smem:$0x0];
	_ =	sdelay $0x2  }
0xc7: {  	s31 =	sshll.u32 s1, $0xD;
	s1 =	sshrl.u32 s1, $0x2  }
0xc8: {  	s4 =	sand.u32 $0x4000, s31;
	s1 =	sadd.s32 s1, s30  }
0xc9: {  	s0 =	sor.u32 s4, s0;
	s1 =	sshll.u32 s1, $0x11  }
0xca: {  	s0 =	sor.u32 s1, s0  }
0xcb: {  	s0 =	sadd.s32 $0x8F2B, s0  }
0xcc: {  	[sflag:s0] =	ssyncadd.remote.s32 $0x1  }
0xcd: {  	_ =	sfence.sel $0xFFFF  }
0xce: {  	[dreg:$0x0] =	wrdreg $0xFFFFFFFF;
	(pc) =	sbr.abs _section_cstart, $3  }
0xcf: {  	[dreg:$0x1] =	wrdreg $0xFFFFFFFF  }
0xd0: {  	_ =	task.clear_ibuf [dreg:s22], $0x2FFFF;
	_ =	strace $0x9FFFFFFF  }
0xd1: {  	(tm) =	ssettm $0x7FFFFFFF  }
tec
execute0_lowered:
.L_overlay_start_1:
0x0: {  	(tag) =	ssettag $0x1  }
0x1: {  	s1 =	srdreg.scid;
	s0 =	stileid.u32  }
0x2: {  	s29 =	sand.u32 $0x1, s1;
	s26 =	sshll.u32 s0, $0x1  }
0x3: {  	s2 =	rddreg [dreg:$0x0];
	s11 =	sor.u32 s29, s26  }
0x4: {  	s16 =	rddreg [dreg:$0x1];
	s3 =	simm.s32 $0x0;
	s4 =	sshll.u32 s11, $0x7  }
0x5: {  	s5 =	simm.s32 $0xB;
	[smem:$0x7FF] =	sst s3;
	s4 =	sadd.s32 s4, s16  }
0x6: {  	s1 =	rddreg [dreg:$0x2];
	_ =	strace $0x80000050;
	s4 =	sadd.s32 $0x6E00, s4  }
0x7: {  	[tilespmem:s3], [sflag:$0xB] =	stream.linear.gather [hbm4b:s4+s3], $0x280, $0x38;
	[tilespmem:$0x14400] =	vst v63  }
0x8: {  	_ =	swait.ge [sflag:s5], $0x280  }
0x9: {  	[sflag:s5] =	ssyncset.done $0x0  }
0xa: {  	s6 =	simm.s32 $0x80;
	s7 =	simm.s32 $0x400;
	[sflag:s5] =	ssyncadd.s32 $0xFFFFFD80  }
0xb: {  	[tilespmem:s7], [sflag:$0x1] =	stream.indirect.gather [hbm4b:s2+s6], $0x80, s3, s6, $0xb8;
	[tilespmem:$0x14400] =	vst v63  }
0xc: {  	s8 =	simm.s32 $0x4400  }
0xd: {  	[tilespmem:s8], [sflag:$0x2] =	stream.indirect.gather [hbm4b:s2+s6], $0x80, s6, s6, $0xb8;
	[tilespmem:$0x14400] =	vst v63  }
0xe: {  	s9 =	simm.s32 $0x100;
	s10 =	simm.s32 $0x8400  }
0xf: {  	[tilespmem:s10], [sflag:$0x3] =	stream.indirect.gather [hbm4b:s2+s6], $0x80, s9, s6, $0xb8;
	[tilespmem:$0x14400] =	vst v63  }
0x10: {  	s12 =	simm.s32 $0xC400;
	s17 =	smul.u32 $0x14000, s11;
	s11 =	simm.s32 $0x180  }
0x11: {  	[tilespmem:s12], [sflag:$0x4] =	stream.indirect.gather [hbm4b:s2+s6], $0x80, s11, s6, $0xb8;
	[tilespmem:$0x14400] =	vst v63  }
0x12: {  	s13 =	simm.s32 $0x200;
	s14 =	simm.s32 $0x10400;
	s15 =	simm.s32 $0x1  }
0x13: {  	[tilespmem:s14], [sflag:$0x5] =	stream.indirect.gather [hbm4b:s2+s6], $0x80, s13, s6, $0xb8;
	[tilespmem:$0x14400] =	vst v63  }
0x14: {  	s17 =	sshrl.u32 s17, $0x3;
	_ =	swait.ge [sflag:s15], $0x4000  }
0x15: {  	s24 =	sadd.s32 s17, s16;
	[sflag:s15] =	ssyncset.done $0x0  }
0x16: {  	s17 =	simm.s32 $0x2;
	s16 =	sadd.s32 $0xF7E00, s24;
	[sflag:s15] =	ssyncadd.s32 $0xFFFFC000  }
0x17: {  	[hbm4b:s16+s3] =	stream.linear.scatter [tilespmem:s7], [sflag:$0x6], $0x4000, $0x38;
	[tilespmem:$0x14400] =	vst v63  }
0x18: {  	_ =	swait.ge [sflag:s17], $0x4000  }
0x19: {  	[sflag:s17] =	ssyncset.done $0x0  }
0x1a: {  	s19 =	simm.s32 $0x3;
	s18 =	sadd.s32 $0xF8600, s24;
	[sflag:s17] =	ssyncadd.s32 $0xFFFFC000  }
0x1b: {  	[hbm4b:s18+s3] =	stream.linear.scatter [tilespmem:s8], [sflag:$0x7], $0x4000, $0x38;
	[tilespmem:$0x14400] =	vst v63  }
0x1c: {  	_ =	swait.ge [sflag:s19], $0x4000  }
0x1d: {  	[sflag:s19] =	ssyncset.done $0x0  }
0x1e: {  	s21 =	simm.s32 $0x4;
	s20 =	sadd.s32 $0xF8E00, s24;
	[sflag:s19] =	ssyncadd.s32 $0xFFFFC000  }
0x1f: {  	[hbm4b:s20+s3] =	stream.linear.scatter [tilespmem:s10], [sflag:$0x8], $0x4000, $0x38;
	[tilespmem:$0x14400] =	vst v63  }
0x20: {  	_ =	swait.ge [sflag:s21], $0x4000  }
0x21: {  	[sflag:s21] =	ssyncset.done $0x0  }
0x22: {  	s23 =	simm.s32 $0x5;
	s22 =	sadd.s32 $0xF9600, s24;
	[sflag:s21] =	ssyncadd.s32 $0xFFFFC000  }
0x23: {  	[hbm4b:s22+s3] =	stream.linear.scatter [tilespmem:s12], [sflag:$0x9], $0x4000, $0x38;
	[tilespmem:$0x14400] =	vst v63  }
0x24: {  	_ =	swait.ge [sflag:s23], $0x4000  }
0x25: {  	[sflag:s23] =	ssyncset.done $0x0  }
0x26: {  	s25 =	simm.s32 $0x6;
	s24 =	sadd.s32 $0xF9E00, s24;
	[sflag:s23] =	ssyncadd.s32 $0xFFFFC000  }
0x27: {  	[hbm4b:s24+s3] =	stream.linear.scatter [tilespmem:s14], [sflag:$0xA], $0x4000, $0x38;
	[tilespmem:$0x14400] =	vst v63  }
0x28: {  	_ =	swait.ge [sflag:s25], $0x4000  }
0x29: {  	[sflag:s25] =	ssyncset.done $0x0  }
0x2a: {  	s26 =	simm.s32 $0x7;
	[sflag:s25] =	ssyncadd.s32 $0xFFFFC000  }
0x2b: {  	_ =	swait.ge [sflag:s26], $0x4000  }
0x2c: {  	s30 =	ssub.s32 $0x2, s29;
	[sflag:s26] =	ssyncset.done $0x0  }
0x2d: {  	s28 =	simm.s32 $0x8;
	s31 =	sshrl.u32 s30, $0x1;
	[sflag:s26] =	ssyncadd.s32 $0xFFFFC000  }
0x2e: {  	s30 =	ssub.s32 s30, s31;
	_ =	swait.ge [sflag:s28], $0x4000  }
0x2f: {  	s31 =	smax.u32 s30, $0x1;
	[sflag:s28] =	ssyncset.done $0x0  }
0x30: {  	s29 =	simm.s32 $0x9;
	p0 =	sne.s32 s31, $0x1;
	[sflag:s28] =	ssyncadd.s32 $0xFFFFC000  }
.Ltmp0:
0x31: {  	_ =	swait.ge [sflag:s29], $0x4000;
	(pc) =	sbr.rel @!p0 .LBB2_2-.Ltmp0, $4  }
0x32: {  	[sflag:s29] =	ssyncset.done $0x0  }
0x33: {  	s30 =	simm.s32 $0xA;
	[sflag:s29] =	ssyncadd.s32 $0xFFFFC000  }
0x34: {  	_ =	swait.ge [sflag:s30], $0x4000  }
0x35: {  	s31 =	sadd.s32 $0xFFFFFFFF, s31;
	[sflag:s30] =	ssyncset.done $0x0  }
.LBB2_1:
0x36: {  	p0 =	sne.s32 s31, $0x1;
	s31 =	sadd.s32 $0xFFFFFFFF, s31;
	[sflag:s30] =	ssyncadd.s32 $0xFFFFC000  }
0x37: {  	[tilespmem:s3], [sflag:$0xB] =	stream.linear.gather [hbm4b:s4+s3], $0x280, $0x38;
	[tilespmem:$0x14400] =	vst v63  }
0x38: {  	_ =	swait.ge [sflag:s5], $0x280  }
0x39: {  	[sflag:s5] =	ssyncset.done $0x0  }
0x3a: {  	[sflag:s5] =	ssyncadd.s32 $0xFFFFFD80  }
0x3b: {  	[tilespmem:s7], [sflag:$0x1] =	stream.indirect.gather [hbm4b:s2+s6], $0x80, s3, s6, $0xb8;
	[tilespmem:$0x14400] =	vst v63  }
0x3c: {  	_ = 	snop  }
0x3d: {  	[tilespmem:s8], [sflag:$0x2] =	stream.indirect.gather [hbm4b:s2+s6], $0x80, s6, s6, $0xb8;
	[tilespmem:$0x14400] =	vst v63  }
0x3e: {  	_ = 	snop  }
0x3f: {  	[tilespmem:s10], [sflag:$0x3] =	stream.indirect.gather [hbm4b:s2+s6], $0x80, s9, s6, $0xb8;
	[tilespmem:$0x14400] =	vst v63  }
0x40: {  	_ = 	snop  }
0x41: {  	[tilespmem:s12], [sflag:$0x4] =	stream.indirect.gather [hbm4b:s2+s6], $0x80, s11, s6, $0xb8;
	[tilespmem:$0x14400] =	vst v63  }
0x42: {  	_ = 	snop  }
0x43: {  	[tilespmem:s14], [sflag:$0x5] =	stream.indirect.gather [hbm4b:s2+s6], $0x80, s13, s6, $0xb8;
	[tilespmem:$0x14400] =	vst v63  }
0x44: {  	_ =	swait.ge [sflag:s15], $0x4000  }
0x45: {  	[sflag:s15] =	ssyncset.done $0x0  }
0x46: {  	[sflag:s15] =	ssyncadd.s32 $0xFFFFC000  }
0x47: {  	[hbm4b:s16+s3] =	stream.linear.scatter [tilespmem:s7], [sflag:$0x6], $0x4000, $0x38;
	[tilespmem:$0x14400] =	vst v63  }
0x48: {  	_ =	swait.ge [sflag:s17], $0x4000  }
0x49: {  	[sflag:s17] =	ssyncset.done $0x0  }
0x4a: {  	[sflag:s17] =	ssyncadd.s32 $0xFFFFC000  }
0x4b: {  	[hbm4b:s18+s3] =	stream.linear.scatter [tilespmem:s8], [sflag:$0x7], $0x4000, $0x38;
	[tilespmem:$0x14400] =	vst v63  }
0x4c: {  	_ =	swait.ge [sflag:s19], $0x4000  }
0x4d: {  	[sflag:s19] =	ssyncset.done $0x0  }
0x4e: {  	[sflag:s19] =	ssyncadd.s32 $0xFFFFC000  }
0x4f: {  	[hbm4b:s20+s3] =	stream.linear.scatter [tilespmem:s10], [sflag:$0x8], $0x4000, $0x38;
	[tilespmem:$0x14400] =	vst v63  }
0x50: {  	_ =	swait.ge [sflag:s21], $0x4000  }
0x51: {  	[sflag:s21] =	ssyncset.done $0x0  }
0x52: {  	[sflag:s21] =	ssyncadd.s32 $0xFFFFC000  }
0x53: {  	[hbm4b:s22+s3] =	stream.linear.scatter [tilespmem:s12], [sflag:$0x9], $0x4000, $0x38;
	[tilespmem:$0x14400] =	vst v63  }
0x54: {  	_ =	swait.ge [sflag:s23], $0x4000  }
0x55: {  	[sflag:s23] =	ssyncset.done $0x0  }
0x56: {  	[sflag:s23] =	ssyncadd.s32 $0xFFFFC000  }
0x57: {  	[hbm4b:s24+s3] =	stream.linear.scatter [tilespmem:s14], [sflag:$0xA], $0x4000, $0x38;
	[tilespmem:$0x14400] =	vst v63  }
0x58: {  	_ =	swait.ge [sflag:s25], $0x4000  }
0x59: {  	[sflag:s25] =	ssyncset.done $0x0  }
0x5a: {  	[sflag:s25] =	ssyncadd.s32 $0xFFFFC000  }
0x5b: {  	_ =	swait.ge [sflag:s26], $0x4000  }
0x5c: {  	[sflag:s26] =	ssyncset.done $0x0  }
0x5d: {  	[sflag:s26] =	ssyncadd.s32 $0xFFFFC000  }
0x5e: {  	_ =	swait.ge [sflag:s28], $0x4000  }
0x5f: {  	[sflag:s28] =	ssyncset.done $0x0  }
0x60: {  	[sflag:s28] =	ssyncadd.s32 $0xFFFFC000  }
.Ltmp1:
0x61: {  	_ =	swait.ge [sflag:s29], $0x4000;
	(pc) =	sbr.rel @p0 .LBB2_1-.Ltmp1, $4  }
0x62: {  	[sflag:s29] =	ssyncset.done $0x0  }
0x63: {  	[sflag:s29] =	ssyncadd.s32 $0xFFFFC000  }
0x64: {  	_ =	swait.ge [sflag:s30], $0x4000  }
0x65: {  	[sflag:s30] =	ssyncset.done $0x0  }
.LBB2_2:
0x66: {  	[sflag:s30] =	ssyncadd.s32 $0xFFFFC000  }
0x67: {  	_ =	sfence.sel $0x180000  }
0x68: {  	[bflag:$0x0] =	sbarrier.arrive $0xFFFF  }
0x69: {  	p0 =	sne.s32 s0, $0x0;
	_ =	strace $0x90000050  }
0x6a: {  	s0 =	sadd.s32 @!p0 $0x100000, s1;
	[bflag:$0x2] =	sbarrier.arrive $0xFFFF  }
0x6b: {  	[sflag:s0] =	ssyncadd.tile.s32 @!p0 $0x1;
	_ =	shalt  }
.Lfunc_end2:
_tile_overlayer_lowered:
.L_overlay_start_2:
0x6c: {  	(tag) =	ssettag $0x2  }
0x6d: {  	s0 =	rddreg [dreg:$0x0];
	s2 =	stileid.u32  }
0x6e: {  	s1 =	rddreg [dreg:$0x1];
	p0 =	sne.s32 s2, $0x0  }
0x6f: {  	s3 =	rddreg [dreg:$0x2];
	[bflag:$0x3] =	sbarrier.arrive $0xFFFF;
	s2 =	simm.s32 @!p0 $0x1C0B  }
0x70: {  	[timem:s3], [sflag:s2] =	dma.local @!p0 [hbm:s0], s1  }
0x71: {  	s0 =	simm.s32 @!p0 $0xB  }
0x72: {  	_ =	swait.ge @!p0 [sflag:s0], s1  }
0x73: {  	s1 =	ssub.s32 @!p0 $0x0, s1;
	[sflag:s0] =	ssyncset.done @!p0 $0x0  }
0x74: {  	[sflag:s0] =	ssyncadd.s32 @!p0 s1  }
0x75: {  	[bflag:$0x3] =	sbarrier.arrive $0xFFFF  }
0x76: {  	_ =	shalt  }

// kernel: kernel.21.cloned.1.call-start
scs
__scs_entry_jumppad:
0x0: {  	(pc) =	sbr.rel $0x88, $3  }
0x1: {  	(tag) =	ssettag $0x0;
	lr =	simm.s32 $0x1  }
0x2: {  	[smem:$0x3F98] =	sst lr;
	_ =	strace $0xD0000000  }
0x3: {  	_ = 	snop  }
0x4: {  	_ = 	snop  }
0x5: {  	_ = 	snop  }
0x6: {  	_ = 	snop  }
0x7: {  	_ = 	snop  }
__scs_overlays_trampoline_lowered:
0x8: {  	[smem:$0x3FA7] =	sst s0  }
0x9: {  	[smem:$0x3FA8] =	sst s1  }
0xa: {  	[smem:$0x3FA9] =	sst s2  }
0xb: {  	[smem:$0x3FAA] =	sst s3  }
0xc: {  	[smem:$0x3FAB] =	sst s4  }
0xd: {  	[smem:$0x3FAC] =	sst s5  }
0xe: {  	[smem:$0x3FAD] =	sst s6  }
0xf: {  	[smem:$0x3FAE] =	sst s7  }
0x10: {  	[smem:$0x3FAF] =	sst s8  }
0x11: {  	[smem:$0x3FB0] =	sst s9;
	s0 =	simm.s32 @!p0 $0x0  }
0x12: {  	s1 =	sld [smem:$0x3F96];
	s0 =	simm.s32 @p0 $0x1  }
0x13: {  	[smem:$0x3FB1] =	sst s0;
	s0 =	simm.s32 @!p1 $0x0  }
0x14: {  	s2 =	sld [smem:$0x3F95];
	s0 =	simm.s32 @p1 $0x1  }
0x15: {  	[smem:$0x3FB2] =	sst s0;
	s0 =	simm.s32 @!p2 $0x0  }
0x16: {  	s3 =	sld [smem:$0x3FDB];
	s0 =	simm.s32 @p2 $0x1  }
0x17: {  	s4 =	simm.s32 $0x1BF5;
	[smem:$0x3FB4] =	sst s0  }
0x18: {  	s0 =	sld [smem:$0x3F97];
	_ =	swait.ge [sflag:s4], $0x0  }
0x19: {  	s7 =	sld [smem:$0x3F98]  }
0x1a: {  	s8 =	sadd.s32 $0xFFFFE003, lr  }
0x1b: {  	s9 =	sadd.s32 $0xFFFFFEF7, lr;
	s5 =	simm.s32 $0xFFFFFFFF;
	p2 =	slt.u32 s8, $0xFFFFF086  }
0x1c: {  	p1 =	slt.u32 s9, $0xF7A;
	s5 =	simm.s32 @!p2 $0x0  }
0x1d: {  	s5 =	simm.s32 @p1 $0x1;
	p0 =	seq.s32 s7, s2  }
0x1e: {  	s7 =	smul.u32 @!p0 $0xF7A, s2;
	p2 =	seq.s32 @!p0 s5, $0x0  }
0x1f: {  	s9 =	smul.u32 $0xF7A, s1;
	s8 =	simm.s32 @!p0 $0x1BF5;
	p2 =	por !p2, p0  }
0x20: {  	[sflag:s8] =	ssyncset.s32 @!p0 $0xFFFFF086;
	s6 =	sadd.s32 @!p0 s3, s7;
	s7 =	simm.s32 @!p0 $0x108  }
0x21: {  	s3 =	sadd.s32 s3, s9;
	s6 =	sadd.s32 @!p0 $0x88, s6;
	s7 =	simm.s32 @p2 $0x1082  }
0x22: {  	[simem:s7], [sflag:s8] =	dma.local @!p0 [hbm:s6], $0xF7A  }
0x23: {  	s9 =	sor.u32 $0xD0000000, s2;
	s6 =	simm.s32 $0x108;
	_ =	swait.ge @!p0 [sflag:s8], $0x0  }
0x24: {  	s3 =	sadd.s32 $0x88, s3;
	s6 =	simm.s32 @!p1 $0x1082;
	[sflag:s4] =	ssyncset.s32 $0xFFFFF086  }
0x25: {  	[simem:s6], [sflag:s4] =	dma.local [hbm:s3], $0xF7A  }
0x26: {  	[smem:$0x3F98] =	sst s1;
	(tag) =	ssettag s2;
	_ =	strace s9  }
0x27: {  	s1 =	sld [smem:$0x3FA8]  }
0x28: {  	s2 =	sld [smem:$0x3FA9]  }
0x29: {  	s4 =	sld [smem:$0x3FAB]  }
0x2a: {  	p0 =	seq.s32 s5, $0x0;
	s5 =	sld [smem:$0x3FAC]  }
0x2b: {  	s6 =	sld [smem:$0x3FAD]  }
0x2c: {  	s7 =	sld [smem:$0x3FAE]  }
0x2d: {  	s3 =	simm.s32 $0x108;
	s8 =	sld [smem:$0x3FAF]  }
0x2e: {  	s3 =	simm.s32 @!p0 $0x1082;
	s9 =	sld [smem:$0x3FB0]  }
0x2f: {  	lr =	sadd.s32 s0, s3;
	s0 =	sld [smem:$0x3FA7]  }
0x30: {  	s3 =	sld [smem:$0x3FAA]  }
0x31: {  	[smem:$0x3FB3] =	sst s10  }
0x32: {  	s10 =	sld [smem:$0x3FB1];
	_ =	sdelay $0x3  }
0x33: {  	p0 =	seq.s32 s10, $0x1;
	s10 =	sld [smem:$0x3FB3];
	_ =	sdelay $0x3  }
0x34: {  	[smem:$0x3FB3] =	sst s10  }
0x35: {  	s10 =	sld [smem:$0x3FB2];
	_ =	sdelay $0x3  }
0x36: {  	p1 =	seq.s32 s10, $0x1;
	s10 =	sld [smem:$0x3FB3];
	_ =	sdelay $0x3  }
0x37: {  	[smem:$0x3FB3] =	sst s10  }
0x38: {  	s10 =	sld [smem:$0x3FB4]  }
0x39: {  	_ = 	snop;
	(pc) =	sbr.ind lr, $3  }
0x3a: {  	_ = 	snop  }
0x3b: {  	_ = 	snop  }
0x3c: {  	p2 =	seq.s32 s10, $0x1;
	s10 =	sld [smem:$0x3FB3]  }
0x3d: {  	_ =	shalt  }
0x3e: {  	_ =	shalt  }
0x3f: {  	_ =	shalt  }
0x40: {  	_ =	shalt  }
0x41: {  	_ =	shalt  }
0x42: {  	_ =	shalt  }
0x43: {  	_ =	shalt  }
0x44: {  	_ =	shalt  }
0x45: {  	_ =	shalt  }
0x46: {  	_ =	shalt  }
0x47: {  	_ =	shalt  }
0x48: {  	_ =	shalt  }
0x49: {  	_ =	shalt  }
0x4a: {  	_ =	shalt  }
0x4b: {  	_ =	shalt  }
0x4c: {  	_ =	shalt  }
0x4d: {  	_ =	shalt  }
0x4e: {  	_ =	shalt  }
0x4f: {  	_ =	shalt  }
0x50: {  	_ =	shalt  }
0x51: {  	_ =	shalt  }
0x52: {  	_ =	shalt  }
0x53: {  	_ =	shalt  }
0x54: {  	_ =	shalt  }
0x55: {  	_ =	shalt  }
0x56: {  	_ =	shalt  }
0x57: {  	_ =	shalt  }
0x58: {  	_ =	shalt  }
0x59: {  	_ =	shalt  }
0x5a: {  	_ =	shalt  }
0x5b: {  	_ =	shalt  }
0x5c: {  	_ =	shalt  }
0x5d: {  	_ =	shalt  }
0x5e: {  	_ =	shalt  }
0x5f: {  	_ =	shalt  }
0x60: {  	_ =	shalt  }
0x61: {  	_ =	shalt  }
0x62: {  	_ =	shalt  }
0x63: {  	_ =	shalt  }
0x64: {  	_ =	shalt  }
0x65: {  	_ =	shalt  }
0x66: {  	_ =	shalt  }
0x67: {  	_ =	shalt  }
0x68: {  	_ =	shalt  }
0x69: {  	_ =	shalt  }
0x6a: {  	_ =	shalt  }
0x6b: {  	_ =	shalt  }
0x6c: {  	_ =	shalt  }
0x6d: {  	_ =	shalt  }
0x6e: {  	_ =	shalt  }
0x6f: {  	_ =	shalt  }
0x70: {  	_ =	shalt  }
0x71: {  	_ =	shalt  }
0x72: {  	_ =	shalt  }
0x73: {  	_ =	shalt  }
0x74: {  	_ =	shalt  }
0x75: {  	_ =	shalt  }
0x76: {  	_ =	shalt  }
0x77: {  	_ =	shalt  }
0x78: {  	_ =	shalt  }
0x79: {  	_ =	shalt  }
0x7a: {  	_ =	shalt  }
0x7b: {  	_ =	shalt  }
0x7c: {  	_ =	shalt  }
0x7d: {  	_ =	shalt  }
0x7e: {  	_ =	shalt  }
0x7f: {  	_ =	shalt  }
0x80: {  	_ =	shalt  }
0x81: {  	_ =	shalt  }
0x82: {  	_ =	shalt  }
0x83: {  	_ =	shalt  }
0x84: {  	_ =	shalt  }
0x85: {  	_ =	shalt  }
0x86: {  	_ =	shalt  }
0x87: {  	_ =	shalt  }
.Lfunc_end0:
.L_simem_size_0:
called_computation.3_lowered:
.L_overlay_start_0:
0x88: {  	s2 =	sld [smem:$0x3FD9]  }
0x89: {  	s3 =	sld [smem:$0x3FFE];
	_ =	sdelay $0x1  }
0x8a: {  	s1 =	srdreg.scid  }
0x8b: {  	s0 =	sand.u32 $0x1, s1  }
0x8c: {  	s17 =	sshll.u32 s0, $0xA;
	s2 =	sadd.s32 s3, s2  }
0x8d: {  	s2 =	sadd.s32 s2, s17  }
0x8e: {  	[smem:$0x3FBF] =	sst s2  }
0x8f: {  	_ = 	snop  }
0x90: {  	s2 =	sld [smem:$0x3FC9];
	(tm) =	ssettm $0x1  }
0x91: {  	s18 =	sld [smem:$0x3FFB];
	_ =	sdelay $0x3  }
0x92: {  	_ =	strace s18  }
0x93: {  	s3 =	sld [smem:$0x3FFC];
	_ =	sdelay $0x3  }
0x94: {  	_ =	strace s3  }
0x95: {  	s3 =	sld [smem:$0x3FFD];
	_ =	sdelay $0x3  }
0x96: {  	_ =	strace s3  }
0x97: {  	_ =	strace $0x8FFFFFFF  }
0x98: {  	s19 =	sld [smem:$0x3FDB];
	_ =	sdelay $0x1  }
0x99: {  	s4 =	simm.s32 $_scs_section_size  }
0x9a: {  	s5 =	simm.s32 $_size__tile_overlayer_lowered;
	s6 =	simm.s32 $_tile_overlayer_lowered  }
0x9b: {  	s22 =	simm.s32 $0x1BFF;
	s21 =	sshll.u32 s6, $0x1;
	s3 =	sadd.s32 s4, s19  }
0x9c: {  	s7 =	simm.s32 $0x0;
	s20 =	sshll.u32 s5, $0x1;
	s5 =	sadd.s32 s21, s3  }
0x9d: {  	[timem:s7], [sflag:s22] =	dma.local [hbm:s5], s20  }
0x9e: {  	_ =	swait.ge [sflag:s22], s20  }
0x9f: {  	s4 =	ssub.s32 $0x0, s20;
	[sflag:s22] =	ssyncset.done $0x0  }
0xa0: {  	[sflag:s22] =	ssyncadd.s32 s4;
	_ =	sdelay $0x1  }
0xa1: {  	s23 =	simm.s32 $0x1B8B  }
0xa2: {  	_ =	swait.ge [sflag:s23], $0x1  }
0xa3: {  	[sflag:s23] =	ssyncset.done $0x0  }
0xa4: {  	s25 =	simm.s32 $0x1B8E;
	s24 =	sld [smem:$0x3FFE];
	[sflag:s23] =	ssyncadd.s32 $0xFFFFFFFF  }
0xa5: {  	s26 =	simm.s32 $execute0_lowered;
	[smem:$0x3FD2] =	sst s25  }
0xa6: {  	s5 =	sshll.u32 s26, $0x1;
	_ =	strace $0x80000046;
	[dreg:$0x1] =	wrdreg $0xFFFFFFFF  }
0xa7: {  	s28 =	simm.s32 $_size_execute0_lowered;
	s3 =	sadd.s32 s3, s5;
	[dreg:$0x0] =	wrdreg $0x0  }
0xa8: {  	s5 =	sshll.u32 s28, $0x1;
	[dreg:$0x2] =	wrdreg s3  }
0xa9: {  	[dreg:$0x3] =	wrdreg s5  }
0xaa: {  	[dreg:$0x4] =	wrdreg $0xC0  }
0xab: {  	_ =	task [dreg:s7], $0x5FFFF  }
0xac: {  	[dreg:$0x1] =	wrdreg $0xFFFFFFFF  }
0xad: {  	[dreg:$0x0] =	wrdreg $0x60  }
0xae: {  	[dreg:$0x2] =	wrdreg s2  }
0xaf: {  	[dreg:$0x3] =	wrdreg s24  }
0xb0: {  	[dreg:$0x4] =	wrdreg $0xC  }
0xb1: {  	_ =	task.clear_ibuf [dreg:s7], $0x5FFFF;
	_ =	strace $0x90000046  }
0xb2: {  	s29 =	simm.s32 $0xC;
	_ =	strace $0x80000048  }
0xb3: {  	_ =	swait.ge [sflag:s29], $0x1  }
0xb4: {  	[sflag:s29] =	ssyncadd.s32 $0xFFFFFFFF  }
0xb5: {  	_ =	strace $0x90000048  }
0xb6: {  	_ =	sfence  }
0xb7: {  	s30 =	sld [smem:$0x0];
	_ =	sdelay $0x2  }
0xb8: {  	s31 =	sshll.u32 s1, $0xD;
	s1 =	sshrl.u32 s1, $0x2  }
0xb9: {  	s3 =	sand.u32 $0x4000, s31;
	s1 =	sadd.s32 s1, s30  }
0xba: {  	s0 =	sor.u32 s3, s0;
	s1 =	sshll.u32 s1, $0x11  }
0xbb: {  	s0 =	sor.u32 s1, s0  }
0xbc: {  	s0 =	sadd.s32 $0x8F2B, s0  }
0xbd: {  	[sflag:s0] =	ssyncadd.remote.s32 $0x1  }
0xbe: {  	_ =	sfence.sel $0xFFFF  }
0xbf: {  	[dreg:$0x0] =	wrdreg $0xFFFFFFFF;
	(pc) =	sbr.abs _section_cstart, $3  }
0xc0: {  	[dreg:$0x1] =	wrdreg $0xFFFFFFFF  }
0xc1: {  	_ =	task.clear_ibuf [dreg:s7], $0x2FFFF;
	_ =	strace $0x9FFFFFFF  }
0xc2: {  	(tm) =	ssettm $0x7FFFFFFF  }
0xc3: {  	_ =	shalt  }
tec
execute0_lowered:
.L_overlay_start_1:
0x0: {  	(tag) =	ssettag $0x1  }
0x1: {  	s1 =	srdreg.scid;
	s0 =	stileid.u32  }
0x2: {  	s29 =	sand.u32 $0x1, s1;
	s26 =	sshll.u32 s0, $0x1  }
0x3: {  	s2 =	rddreg [dreg:$0x0];
	s11 =	sor.u32 s29, s26  }
0x4: {  	s16 =	rddreg [dreg:$0x1];
	s3 =	simm.s32 $0x0;
	s4 =	sshll.u32 s11, $0x7  }
0x5: {  	s5 =	simm.s32 $0xB;
	[smem:$0x7FF] =	sst s3;
	s4 =	sadd.s32 s4, s16  }
0x6: {  	s1 =	rddreg [dreg:$0x2];
	_ =	strace $0x80000047;
	s4 =	sadd.s32 $0x3E00, s4  }
0x7: {  	[tilespmem:s3], [sflag:$0xB] =	stream.linear.gather [hbm4b:s4+s3], $0x280, $0x38;
	[tilespmem:$0x14400] =	vst v63  }
0x8: {  	_ =	swait.ge [sflag:s5], $0x280  }
0x9: {  	[sflag:s5] =	ssyncset.done $0x0  }
0xa: {  	s6 =	simm.s32 $0x80;
	s7 =	simm.s32 $0x400;
	[sflag:s5] =	ssyncadd.s32 $0xFFFFFD80  }
0xb: {  	[tilespmem:s7], [sflag:$0x1] =	stream.indirect.gather [hbm4b:s2+s6], $0x80, s3, s6, $0xb8;
	[tilespmem:$0x14400] =	vst v63  }
0xc: {  	s8 =	simm.s32 $0x4400  }
0xd: {  	[tilespmem:s8], [sflag:$0x2] =	stream.indirect.gather [hbm4b:s2+s6], $0x80, s6, s6, $0xb8;
	[tilespmem:$0x14400] =	vst v63  }
0xe: {  	s9 =	simm.s32 $0x100;
	s10 =	simm.s32 $0x8400  }
0xf: {  	[tilespmem:s10], [sflag:$0x3] =	stream.indirect.gather [hbm4b:s2+s6], $0x80, s9, s6, $0xb8;
	[tilespmem:$0x14400] =	vst v63  }
0x10: {  	s12 =	simm.s32 $0xC400;
	s17 =	smul.u32 $0x14000, s11;
	s11 =	simm.s32 $0x180  }
0x11: {  	[tilespmem:s12], [sflag:$0x4] =	stream.indirect.gather [hbm4b:s2+s6], $0x80, s11, s6, $0xb8;
	[tilespmem:$0x14400] =	vst v63  }
0x12: {  	s13 =	simm.s32 $0x200;
	s14 =	simm.s32 $0x10400;
	s15 =	simm.s32 $0x1  }
0x13: {  	[tilespmem:s14], [sflag:$0x5] =	stream.indirect.gather [hbm4b:s2+s6], $0x80, s13, s6, $0xb8;
	[tilespmem:$0x14400] =	vst v63  }
0x14: {  	s17 =	sshrl.u32 s17, $0x3;
	_ =	swait.ge [sflag:s15], $0x4000  }
0x15: {  	s24 =	sadd.s32 s17, s16;
	[sflag:s15] =	ssyncset.done $0x0  }
0x16: {  	s17 =	simm.s32 $0x2;
	s16 =	sadd.s32 $0x7E00, s24;
	[sflag:s15] =	ssyncadd.s32 $0xFFFFC000  }
0x17: {  	[hbm4b:s16+s3] =	stream.linear.scatter [tilespmem:s7], [sflag:$0x6], $0x4000, $0x38;
	[tilespmem:$0x14400] =	vst v63  }
0x18: {  	_ =	swait.ge [sflag:s17], $0x4000  }
0x19: {  	[sflag:s17] =	ssyncset.done $0x0  }
0x1a: {  	s19 =	simm.s32 $0x3;
	s18 =	sadd.s32 $0x8600, s24;
	[sflag:s17] =	ssyncadd.s32 $0xFFFFC000  }
0x1b: {  	[hbm4b:s18+s3] =	stream.linear.scatter [tilespmem:s8], [sflag:$0x7], $0x4000, $0x38;
	[tilespmem:$0x14400] =	vst v63  }
0x1c: {  	_ =	swait.ge [sflag:s19], $0x4000  }
0x1d: {  	[sflag:s19] =	ssyncset.done $0x0  }
0x1e: {  	s21 =	simm.s32 $0x4;
	s20 =	sadd.s32 $0x8E00, s24;
	[sflag:s19] =	ssyncadd.s32 $0xFFFFC000  }
0x1f: {  	[hbm4b:s20+s3] =	stream.linear.scatter [tilespmem:s10], [sflag:$0x8], $0x4000, $0x38;
	[tilespmem:$0x14400] =	vst v63  }
0x20: {  	_ =	swait.ge [sflag:s21], $0x4000  }
0x21: {  	[sflag:s21] =	ssyncset.done $0x0  }
0x22: {  	s23 =	simm.s32 $0x5;
	s22 =	sadd.s32 $0x9600, s24;
	[sflag:s21] =	ssyncadd.s32 $0xFFFFC000  }
0x23: {  	[hbm4b:s22+s3] =	stream.linear.scatter [tilespmem:s12], [sflag:$0x9], $0x4000, $0x38;
	[tilespmem:$0x14400] =	vst v63  }
0x24: {  	_ =	swait.ge [sflag:s23], $0x4000  }
0x25: {  	[sflag:s23] =	ssyncset.done $0x0  }
0x26: {  	s25 =	simm.s32 $0x6;
	s24 =	sadd.s32 $0x9E00, s24;
	[sflag:s23] =	ssyncadd.s32 $0xFFFFC000  }
0x27: {  	[hbm4b:s24+s3] =	stream.linear.scatter [tilespmem:s14], [sflag:$0xA], $0x4000, $0x38;
	[tilespmem:$0x14400] =	vst v63  }
0x28: {  	_ =	swait.ge [sflag:s25], $0x4000  }
0x29: {  	[sflag:s25] =	ssyncset.done $0x0  }
0x2a: {  	s26 =	simm.s32 $0x7;
	[sflag:s25] =	ssyncadd.s32 $0xFFFFC000  }
0x2b: {  	_ =	swait.ge [sflag:s26], $0x4000  }
0x2c: {  	s30 =	ssub.s32 $0x2, s29;
	[sflag:s26] =	ssyncset.done $0x0  }
0x2d: {  	s28 =	simm.s32 $0x8;
	s31 =	sshrl.u32 s30, $0x1;
	[sflag:s26] =	ssyncadd.s32 $0xFFFFC000  }
0x2e: {  	s30 =	ssub.s32 s30, s31;
	_ =	swait.ge [sflag:s28], $0x4000  }
0x2f: {  	s31 =	smax.u32 s30, $0x1;
	[sflag:s28] =	ssyncset.done $0x0  }
0x30: {  	s29 =	simm.s32 $0x9;
	p0 =	sne.s32 s31, $0x1;
	[sflag:s28] =	ssyncadd.s32 $0xFFFFC000  }
.Ltmp0:
0x31: {  	_ =	swait.ge [sflag:s29], $0x4000;
	(pc) =	sbr.rel @!p0 .LBB2_2-.Ltmp0, $4  }
0x32: {  	[sflag:s29] =	ssyncset.done $0x0  }
0x33: {  	s30 =	simm.s32 $0xA;
	[sflag:s29] =	ssyncadd.s32 $0xFFFFC000  }
0x34: {  	_ =	swait.ge [sflag:s30], $0x4000  }
0x35: {  	s31 =	sadd.s32 $0xFFFFFFFF, s31;
	[sflag:s30] =	ssyncset.done $0x0  }
.LBB2_1:
0x36: {  	p0 =	sne.s32 s31, $0x1;
	s31 =	sadd.s32 $0xFFFFFFFF, s31;
	[sflag:s30] =	ssyncadd.s32 $0xFFFFC000  }
0x37: {  	[tilespmem:s3], [sflag:$0xB] =	stream.linear.gather [hbm4b:s4+s3], $0x280, $0x38;
	[tilespmem:$0x14400] =	vst v63  }
0x38: {  	_ =	swait.ge [sflag:s5], $0x280  }
0x39: {  	[sflag:s5] =	ssyncset.done $0x0  }
0x3a: {  	[sflag:s5] =	ssyncadd.s32 $0xFFFFFD80  }
0x3b: {  	[tilespmem:s7], [sflag:$0x1] =	stream.indirect.gather [hbm4b:s2+s6], $0x80, s3, s6, $0xb8;
	[tilespmem:$0x14400] =	vst v63  }
0x3c: {  	_ = 	snop  }
0x3d: {  	[tilespmem:s8], [sflag:$0x2] =	stream.indirect.gather [hbm4b:s2+s6], $0x80, s6, s6, $0xb8;
	[tilespmem:$0x14400] =	vst v63  }
0x3e: {  	_ = 	snop  }
0x3f: {  	[tilespmem:s10], [sflag:$0x3] =	stream.indirect.gather [hbm4b:s2+s6], $0x80, s9, s6, $0xb8;
	[tilespmem:$0x14400] =	vst v63  }
0x40: {  	_ = 	snop  }
0x41: {  	[tilespmem:s12], [sflag:$0x4] =	stream.indirect.gather [hbm4b:s2+s6], $0x80, s11, s6, $0xb8;
	[tilespmem:$0x14400] =	vst v63  }
0x42: {  	_ = 	snop  }
0x43: {  	[tilespmem:s14], [sflag:$0x5] =	stream.indirect.gather [hbm4b:s2+s6], $0x80, s13, s6, $0xb8;
	[tilespmem:$0x14400] =	vst v63  }
0x44: {  	_ =	swait.ge [sflag:s15], $0x4000  }
0x45: {  	[sflag:s15] =	ssyncset.done $0x0  }
0x46: {  	[sflag:s15] =	ssyncadd.s32 $0xFFFFC000  }
0x47: {  	[hbm4b:s16+s3] =	stream.linear.scatter [tilespmem:s7], [sflag:$0x6], $0x4000, $0x38;
	[tilespmem:$0x14400] =	vst v63  }
0x48: {  	_ =	swait.ge [sflag:s17], $0x4000  }
0x49: {  	[sflag:s17] =	ssyncset.done $0x0  }
0x4a: {  	[sflag:s17] =	ssyncadd.s32 $0xFFFFC000  }
0x4b: {  	[hbm4b:s18+s3] =	stream.linear.scatter [tilespmem:s8], [sflag:$0x7], $0x4000, $0x38;
	[tilespmem:$0x14400] =	vst v63  }
0x4c: {  	_ =	swait.ge [sflag:s19], $0x4000  }
0x4d: {  	[sflag:s19] =	ssyncset.done $0x0  }
0x4e: {  	[sflag:s19] =	ssyncadd.s32 $0xFFFFC000  }
0x4f: {  	[hbm4b:s20+s3] =	stream.linear.scatter [tilespmem:s10], [sflag:$0x8], $0x4000, $0x38;
	[tilespmem:$0x14400] =	vst v63  }
0x50: {  	_ =	swait.ge [sflag:s21], $0x4000  }
0x51: {  	[sflag:s21] =	ssyncset.done $0x0  }
0x52: {  	[sflag:s21] =	ssyncadd.s32 $0xFFFFC000  }
0x53: {  	[hbm4b:s22+s3] =	stream.linear.scatter [tilespmem:s12], [sflag:$0x9], $0x4000, $0x38;
	[tilespmem:$0x14400] =	vst v63  }
0x54: {  	_ =	swait.ge [sflag:s23], $0x4000  }
0x55: {  	[sflag:s23] =	ssyncset.done $0x0  }
0x56: {  	[sflag:s23] =	ssyncadd.s32 $0xFFFFC000  }
0x57: {  	[hbm4b:s24+s3] =	stream.linear.scatter [tilespmem:s14], [sflag:$0xA], $0x4000, $0x38;
	[tilespmem:$0x14400] =	vst v63  }
0x58: {  	_ =	swait.ge [sflag:s25], $0x4000  }
0x59: {  	[sflag:s25] =	ssyncset.done $0x0  }
0x5a: {  	[sflag:s25] =	ssyncadd.s32 $0xFFFFC000  }
0x5b: {  	_ =	swait.ge [sflag:s26], $0x4000  }
0x5c: {  	[sflag:s26] =	ssyncset.done $0x0  }
0x5d: {  	[sflag:s26] =	ssyncadd.s32 $0xFFFFC000  }
0x5e: {  	_ =	swait.ge [sflag:s28], $0x4000  }
0x5f: {  	[sflag:s28] =	ssyncset.done $0x0  }
0x60: {  	[sflag:s28] =	ssyncadd.s32 $0xFFFFC000  }
.Ltmp1:
0x61: {  	_ =	swait.ge [sflag:s29], $0x4000;
	(pc) =	sbr.rel @p0 .LBB2_1-.Ltmp1, $4  }
0x62: {  	[sflag:s29] =	ssyncset.done $0x0  }
0x63: {  	[sflag:s29] =	ssyncadd.s32 $0xFFFFC000  }
0x64: {  	_ =	swait.ge [sflag:s30], $0x4000  }
0x65: {  	[sflag:s30] =	ssyncset.done $0x0  }
.LBB2_2:
0x66: {  	[sflag:s30] =	ssyncadd.s32 $0xFFFFC000  }
0x67: {  	_ =	sfence.sel $0x180000  }
0x68: {  	[bflag:$0x0] =	sbarrier.arrive $0xFFFF  }
0x69: {  	p0 =	sne.s32 s0, $0x0;
	_ =	strace $0x90000047  }
0x6a: {  	s0 =	sadd.s32 @!p0 $0x100000, s1;
	[bflag:$0x2] =	sbarrier.arrive $0xFFFF  }
0x6b: {  	[sflag:s0] =	ssyncadd.tile.s32 @!p0 $0x1;
	_ =	shalt  }
.Lfunc_end2:
_tile_overlayer_lowered:
.L_overlay_start_2:
0x6c: {  	(tag) =	ssettag $0x2  }
0x6d: {  	s0 =	rddreg [dreg:$0x0];
	s2 =	stileid.u32  }
0x6e: {  	s1 =	rddreg [dreg:$0x1];
	p0 =	sne.s32 s2, $0x0  }
0x6f: {  	s3 =	rddreg [dreg:$0x2];
	[bflag:$0x3] =	sbarrier.arrive $0xFFFF;
	s2 =	simm.s32 @!p0 $0x1C0B  }
0x70: {  	[timem:s3], [sflag:s2] =	dma.local @!p0 [hbm:s0], s1  }
0x71: {  	s0 =	simm.s32 @!p0 $0xB  }
0x72: {  	_ =	swait.ge @!p0 [sflag:s0], s1  }
0x73: {  	s1 =	ssub.s32 @!p0 $0x0, s1;
	[sflag:s0] =	ssyncset.done @!p0 $0x0  }
0x74: {  	[sflag:s0] =	ssyncadd.s32 @!p0 s1  }
0x75: {  	[bflag:$0x3] =	sbarrier.arrive $0xFFFF  }
0x76: {  	_ =	shalt  }

// kernel: kernel.24.cloned.1.call-start
scs
__scs_entry_jumppad:
0x0: {  	(pc) =	sbr.rel $0x88, $3  }
0x1: {  	(tag) =	ssettag $0x0;
	lr =	simm.s32 $0x1  }
0x2: {  	[smem:$0x3F98] =	sst lr;
	_ =	strace $0xD0000000  }
0x3: {  	_ = 	snop  }
0x4: {  	_ = 	snop  }
0x5: {  	_ = 	snop  }
0x6: {  	_ = 	snop  }
0x7: {  	_ = 	snop  }
__scs_overlays_trampoline_lowered:
0x8: {  	[smem:$0x3FA7] =	sst s0  }
0x9: {  	[smem:$0x3FA8] =	sst s1  }
0xa: {  	[smem:$0x3FA9] =	sst s2  }
0xb: {  	[smem:$0x3FAA] =	sst s3  }
0xc: {  	[smem:$0x3FAB] =	sst s4  }
0xd: {  	[smem:$0x3FAC] =	sst s5  }
0xe: {  	[smem:$0x3FAD] =	sst s6  }
0xf: {  	[smem:$0x3FAE] =	sst s7  }
0x10: {  	[smem:$0x3FAF] =	sst s8  }
0x11: {  	[smem:$0x3FB0] =	sst s9;
	s0 =	simm.s32 @!p0 $0x0  }
0x12: {  	s1 =	sld [smem:$0x3F96];
	s0 =	simm.s32 @p0 $0x1  }
0x13: {  	[smem:$0x3FB1] =	sst s0;
	s0 =	simm.s32 @!p1 $0x0  }
0x14: {  	s2 =	sld [smem:$0x3F95];
	s0 =	simm.s32 @p1 $0x1  }
0x15: {  	[smem:$0x3FB2] =	sst s0;
	s0 =	simm.s32 @!p2 $0x0  }
0x16: {  	s3 =	sld [smem:$0x3FDB];
	s0 =	simm.s32 @p2 $0x1  }
0x17: {  	s4 =	simm.s32 $0x1BF5;
	[smem:$0x3FB4] =	sst s0  }
0x18: {  	s0 =	sld [smem:$0x3F97];
	_ =	swait.ge [sflag:s4], $0x0  }
0x19: {  	s7 =	sld [smem:$0x3F98]  }
0x1a: {  	s8 =	sadd.s32 $0xFFFFE003, lr  }
0x1b: {  	s9 =	sadd.s32 $0xFFFFFEF7, lr;
	s5 =	simm.s32 $0xFFFFFFFF;
	p2 =	slt.u32 s8, $0xFFFFF086  }
0x1c: {  	p1 =	slt.u32 s9, $0xF7A;
	s5 =	simm.s32 @!p2 $0x0  }
0x1d: {  	s5 =	simm.s32 @p1 $0x1;
	p0 =	seq.s32 s7, s2  }
0x1e: {  	s7 =	smul.u32 @!p0 $0xF7A, s2;
	p2 =	seq.s32 @!p0 s5, $0x0  }
0x1f: {  	s9 =	smul.u32 $0xF7A, s1;
	s8 =	simm.s32 @!p0 $0x1BF5;
	p2 =	por !p2, p0  }
0x20: {  	[sflag:s8] =	ssyncset.s32 @!p0 $0xFFFFF086;
	s6 =	sadd.s32 @!p0 s3, s7;
	s7 =	simm.s32 @!p0 $0x108  }
0x21: {  	s3 =	sadd.s32 s3, s9;
	s6 =	sadd.s32 @!p0 $0x88, s6;
	s7 =	simm.s32 @p2 $0x1082  }
0x22: {  	[simem:s7], [sflag:s8] =	dma.local @!p0 [hbm:s6], $0xF7A  }
0x23: {  	s9 =	sor.u32 $0xD0000000, s2;
	s6 =	simm.s32 $0x108;
	_ =	swait.ge @!p0 [sflag:s8], $0x0  }
0x24: {  	s3 =	sadd.s32 $0x88, s3;
	s6 =	simm.s32 @!p1 $0x1082;
	[sflag:s4] =	ssyncset.s32 $0xFFFFF086  }
0x25: {  	[simem:s6], [sflag:s4] =	dma.local [hbm:s3], $0xF7A  }
0x26: {  	[smem:$0x3F98] =	sst s1;
	(tag) =	ssettag s2;
	_ =	strace s9  }
0x27: {  	s1 =	sld [smem:$0x3FA8]  }
0x28: {  	s2 =	sld [smem:$0x3FA9]  }
0x29: {  	s4 =	sld [smem:$0x3FAB]  }
0x2a: {  	p0 =	seq.s32 s5, $0x0;
	s5 =	sld [smem:$0x3FAC]  }
0x2b: {  	s6 =	sld [smem:$0x3FAD]  }
0x2c: {  	s7 =	sld [smem:$0x3FAE]  }
0x2d: {  	s3 =	simm.s32 $0x108;
	s8 =	sld [smem:$0x3FAF]  }
0x2e: {  	s3 =	simm.s32 @!p0 $0x1082;
	s9 =	sld [smem:$0x3FB0]  }
0x2f: {  	lr =	sadd.s32 s0, s3;
	s0 =	sld [smem:$0x3FA7]  }
0x30: {  	s3 =	sld [smem:$0x3FAA]  }
0x31: {  	[smem:$0x3FB3] =	sst s10  }
0x32: {  	s10 =	sld [smem:$0x3FB1];
	_ =	sdelay $0x3  }
0x33: {  	p0 =	seq.s32 s10, $0x1;
	s10 =	sld [smem:$0x3FB3];
	_ =	sdelay $0x3  }
0x34: {  	[smem:$0x3FB3] =	sst s10  }
0x35: {  	s10 =	sld [smem:$0x3FB2];
	_ =	sdelay $0x3  }
0x36: {  	p1 =	seq.s32 s10, $0x1;
	s10 =	sld [smem:$0x3FB3];
	_ =	sdelay $0x3  }
0x37: {  	[smem:$0x3FB3] =	sst s10  }
0x38: {  	s10 =	sld [smem:$0x3FB4]  }
0x39: {  	_ = 	snop;
	(pc) =	sbr.ind lr, $3  }
0x3a: {  	_ = 	snop  }
0x3b: {  	_ = 	snop  }
0x3c: {  	p2 =	seq.s32 s10, $0x1;
	s10 =	sld [smem:$0x3FB3]  }
0x3d: {  	_ =	shalt  }
0x3e: {  	_ =	shalt  }
0x3f: {  	_ =	shalt  }
0x40: {  	_ =	shalt  }
0x41: {  	_ =	shalt  }
0x42: {  	_ =	shalt  }
0x43: {  	_ =	shalt  }
0x44: {  	_ =	shalt  }
0x45: {  	_ =	shalt  }
0x46: {  	_ =	shalt  }
0x47: {  	_ =	shalt  }
0x48: {  	_ =	shalt  }
0x49: {  	_ =	shalt  }
0x4a: {  	_ =	shalt  }
0x4b: {  	_ =	shalt  }
0x4c: {  	_ =	shalt  }
0x4d: {  	_ =	shalt  }
0x4e: {  	_ =	shalt  }
0x4f: {  	_ =	shalt  }
0x50: {  	_ =	shalt  }
0x51: {  	_ =	shalt  }
0x52: {  	_ =	shalt  }
0x53: {  	_ =	shalt  }
0x54: {  	_ =	shalt  }
0x55: {  	_ =	shalt  }
0x56: {  	_ =	shalt  }
0x57: {  	_ =	shalt  }
0x58: {  	_ =	shalt  }
0x59: {  	_ =	shalt  }
0x5a: {  	_ =	shalt  }
0x5b: {  	_ =	shalt  }
0x5c: {  	_ =	shalt  }
0x5d: {  	_ =	shalt  }
0x5e: {  	_ =	shalt  }
0x5f: {  	_ =	shalt  }
0x60: {  	_ =	shalt  }
0x61: {  	_ =	shalt  }
0x62: {  	_ =	shalt  }
0x63: {  	_ =	shalt  }
0x64: {  	_ =	shalt  }
0x65: {  	_ =	shalt  }
0x66: {  	_ =	shalt  }
0x67: {  	_ =	shalt  }
0x68: {  	_ =	shalt  }
0x69: {  	_ =	shalt  }
0x6a: {  	_ =	shalt  }
0x6b: {  	_ =	shalt  }
0x6c: {  	_ =	shalt  }
0x6d: {  	_ =	shalt  }
0x6e: {  	_ =	shalt  }
0x6f: {  	_ =	shalt  }
0x70: {  	_ =	shalt  }
0x71: {  	_ =	shalt  }
0x72: {  	_ =	shalt  }
0x73: {  	_ =	shalt  }
0x74: {  	_ =	shalt  }
0x75: {  	_ =	shalt  }
0x76: {  	_ =	shalt  }
0x77: {  	_ =	shalt  }
0x78: {  	_ =	shalt  }
0x79: {  	_ =	shalt  }
0x7a: {  	_ =	shalt  }
0x7b: {  	_ =	shalt  }
0x7c: {  	_ =	shalt  }
0x7d: {  	_ =	shalt  }
0x7e: {  	_ =	shalt  }
0x7f: {  	_ =	shalt  }
0x80: {  	_ =	shalt  }
0x81: {  	_ =	shalt  }
0x82: {  	_ =	shalt  }
0x83: {  	_ =	shalt  }
0x84: {  	_ =	shalt  }
0x85: {  	_ =	shalt  }
0x86: {  	_ =	shalt  }
0x87: {  	_ =	shalt  }
.Lfunc_end0:
.L_simem_size_0:
called_computation.4_lowered:
.L_overlay_start_0:
0x88: {  	s2 =	sld [smem:$0x3FD9]  }
0x89: {  	s3 =	sld [smem:$0x3FFE];
	_ =	sdelay $0x1  }
0x8a: {  	s1 =	srdreg.scid  }
0x8b: {  	s0 =	sand.u32 $0x1, s1  }
0x8c: {  	s17 =	sshll.u32 s0, $0xA;
	s2 =	sadd.s32 s3, s2  }
0x8d: {  	s2 =	sadd.s32 s2, s17  }
0x8e: {  	[smem:$0x3FBF] =	sst s2  }
0x8f: {  	_ = 	snop  }
0x90: {  	s2 =	sld [smem:$0x3FD0];
	(tm) =	ssettm $0x1  }
0x91: {  	s18 =	sld [smem:$0x3FFB];
	_ =	sdelay $0x3  }
0x92: {  	_ =	strace s18  }
0x93: {  	s3 =	sld [smem:$0x3FFC];
	_ =	sdelay $0x3  }
0x94: {  	_ =	strace s3  }
0x95: {  	s3 =	sld [smem:$0x3FFD];
	_ =	sdelay $0x3  }
0x96: {  	_ =	strace s3  }
0x97: {  	_ =	strace $0x8FFFFFFF  }
0x98: {  	s19 =	sld [smem:$0x3FDB];
	_ =	sdelay $0x1  }
0x99: {  	s4 =	simm.s32 $_scs_section_size  }
0x9a: {  	s5 =	simm.s32 $_size__tile_overlayer_lowered;
	s6 =	simm.s32 $_tile_overlayer_lowered  }
0x9b: {  	s22 =	simm.s32 $0x1BFF;
	s21 =	sshll.u32 s6, $0x1;
	s3 =	sadd.s32 s4, s19  }
0x9c: {  	s7 =	simm.s32 $0x0;
	s20 =	sshll.u32 s5, $0x1;
	s5 =	sadd.s32 s21, s3  }
0x9d: {  	[timem:s7], [sflag:s22] =	dma.local [hbm:s5], s20  }
0x9e: {  	_ =	swait.ge [sflag:s22], s20  }
0x9f: {  	s4 =	ssub.s32 $0x0, s20;
	[sflag:s22] =	ssyncset.done $0x0  }
0xa0: {  	[sflag:s22] =	ssyncadd.s32 s4;
	_ =	sdelay $0x1  }
0xa1: {  	s23 =	simm.s32 $0x1B8B  }
0xa2: {  	_ =	swait.ge [sflag:s23], $0x1  }
0xa3: {  	[sflag:s23] =	ssyncset.done $0x0  }
0xa4: {  	s25 =	simm.s32 $0x1B8E;
	s24 =	sld [smem:$0x3FFE];
	[sflag:s23] =	ssyncadd.s32 $0xFFFFFFFF  }
0xa5: {  	s26 =	simm.s32 $execute0_lowered;
	[smem:$0x3FD2] =	sst s25  }
0xa6: {  	s5 =	sshll.u32 s26, $0x1;
	_ =	strace $0x80000052;
	[dreg:$0x1] =	wrdreg $0xFFFFFFFF  }
0xa7: {  	s28 =	simm.s32 $_size_execute0_lowered;
	s3 =	sadd.s32 s3, s5;
	[dreg:$0x0] =	wrdreg $0x0  }
0xa8: {  	s5 =	sshll.u32 s28, $0x1;
	[dreg:$0x2] =	wrdreg s3  }
0xa9: {  	[dreg:$0x3] =	wrdreg s5  }
0xaa: {  	[dreg:$0x4] =	wrdreg $0xC0  }
0xab: {  	_ =	task [dreg:s7], $0x5FFFF  }
0xac: {  	[dreg:$0x1] =	wrdreg $0xFFFFFFFF  }
0xad: {  	[dreg:$0x0] =	wrdreg $0x60  }
0xae: {  	[dreg:$0x2] =	wrdreg s24  }
0xaf: {  	[dreg:$0x3] =	wrdreg s2  }
0xb0: {  	[dreg:$0x4] =	wrdreg $0x8C000  }
0xb1: {  	[dreg:$0x5] =	wrdreg $0x9  }
0xb2: {  	_ =	task.clear_ibuf [dreg:s7], $0x6FFFF;
	_ =	strace $0x90000052  }
0xb3: {  	s29 =	simm.s32 $0x9;
	_ =	strace $0x80000054  }
0xb4: {  	_ =	swait.ge [sflag:s29], $0x1  }
0xb5: {  	[sflag:s29] =	ssyncadd.s32 $0xFFFFFFFF  }
0xb6: {  	_ =	strace $0x90000054  }
0xb7: {  	_ =	sfence  }
0xb8: {  	s30 =	sld [smem:$0x0];
	_ =	sdelay $0x2  }
0xb9: {  	s31 =	sshll.u32 s1, $0xD;
	s1 =	sshrl.u32 s1, $0x2  }
0xba: {  	s3 =	sand.u32 $0x4000, s31;
	s1 =	sadd.s32 s1, s30  }
0xbb: {  	s0 =	sor.u32 s3, s0;
	s1 =	sshll.u32 s1, $0x11  }
0xbc: {  	s0 =	sor.u32 s1, s0  }
0xbd: {  	s0 =	sadd.s32 $0x8F2B, s0  }
0xbe: {  	[sflag:s0] =	ssyncadd.remote.s32 $0x1  }
0xbf: {  	_ =	sfence.sel $0xFFFF  }
0xc0: {  	[dreg:$0x0] =	wrdreg $0xFFFFFFFF;
	(pc) =	sbr.abs _section_cstart, $3  }
0xc1: {  	[dreg:$0x1] =	wrdreg $0xFFFFFFFF  }
0xc2: {  	_ =	task.clear_ibuf [dreg:s7], $0x2FFFF;
	_ =	strace $0x9FFFFFFF  }
0xc3: {  	(tm) =	ssettm $0x7FFFFFFF  }
tec
execute0_lowered:
.L_overlay_start_1:
0x0: {  	(tag) =	ssettag $0x1  }
0x1: {  	s1 =	srdreg.scid;
	s0 =	stileid.u32  }
0x2: {  	s4 =	rddreg [dreg:$0x0];
	s6 =	sand.u32 $0x1, s1;
	s7 =	sshll.u32 s0, $0x1  }
0x3: {  	s5 =	rddreg [dreg:$0x1];
	s7 =	sor.u32 s6, s7  }
0x4: {  	s2 =	rddreg [dreg:$0x2];
	s3 =	simm.s32 $0x0;
	s8 =	smul.u32 $0x14000, s7  }
0x5: {  	[smem:$0x7FF] =	sst s3;
	s7 =	smul.u32 $0x180, s7  }
0x6: {  	s9 =	sadd.s32 $0x3E00, s4;
	s10 =	sadd.s32 $0x57E00, s4;
	_ =	strace $0x80000053  }
0x7: {  	[dreg:$0x4] =	wrdreg s9;
	s8 =	sshrl.u32 s8, $0x3;
	s5 =	sadd.s32 s5, s7  }
0x8: {  	s16 =	sadd.s32 $0xF7E00, s4;
	s24 =	sadd.s32 s10, s8;
	[dreg:$0x7] =	wrdreg s5  }
0x9: {  	s11 =	sadd.s32 $0x800, s8;
	s20 =	sadd.s32 s16, s8;
	[dreg:$0x5] =	wrdreg s24  }
0xa: {  	s7 =	sadd.s32 $0x1000, s8;
	s25 =	sadd.s32 s10, s11;
	[dreg:$0x10] =	wrdreg s20  }
0xb: {  	s9 =	sadd.s32 $0x1800, s8;
	s26 =	sadd.s32 s10, s7;
	[dreg:$0x6] =	wrdreg s25  }
0xc: {  	s12 =	sadd.s32 $0x2000, s8;
	s29 =	sadd.s32 s10, s9;
	[dreg:$0x8] =	wrdreg s26  }
0xd: {  	s13 =	sadd.s32 $0xA7E00, s4;
	s1 =	sadd.s32 s10, s12;
	[dreg:$0x9] =	wrdreg s29  }
0xe: {  	s10 =	sadd.s32 s13, s8;
	[dreg:$0xa] =	wrdreg s1  }
0xf: {  	s14 =	sadd.s32 s13, s11;
	[dreg:$0xb] =	wrdreg s10  }
0x10: {  	s28 =	simm.s32 $0x280;
	s15 =	sadd.s32 s13, s7;
	[dreg:$0xc] =	wrdreg s14  }
0x11: {  	p0 =	por $0x0, $0x0;
	s17 =	sadd.s32 s13, s9;
	[dreg:$0xd] =	wrdreg s15  }
0x12: {  	s19 =	smul.u32 $0x14000, s0;
	s18 =	sadd.s32 s13, s12;
	[dreg:$0xe] =	wrdreg s17  }
0x13: {  	s21 =	sadd.s32 s16, s11;
	s22 =	sadd.s32 s16, s7;
	[dreg:$0xf] =	wrdreg s18  }
0x14: {  	s23 =	sadd.s32 s16, s9;
	s24 =	sadd.s32 s16, s12;
	[dreg:$0x11] =	wrdreg s21  }
0x15: {  	s20 =	simm.s32 $0x600;
	s16 =	simm.s32 $0x800;
	[dreg:$0x12] =	wrdreg s22  }
0x16: {  	s14 =	smul.u32 $0x140000, s6;
	s15 =	sadd.s32 $0x7E00, s4;
	[dreg:$0x13] =	wrdreg s23  }
0x17: {  	s6 =	ssub.s32 $0x2, s6;
	[dreg:$0x14] =	wrdreg s24;
	s1 =	smul.u32 $0x50000, s0  }
0x18: {  	s10 =	simm.s32 $0x4;
	s24 =	simm.s32 $0x400;
	s23 =	simm.s32 $0x480  }
0x19: {  	s22 =	simm.s32 $0x500;
	s21 =	simm.s32 $0x580;
	s18 =	simm.s32 $0x700  }
0x1a: {  	s17 =	simm.s32 $0x780;
	s31 =	rddreg [dreg:$0x5];
	s25 =	sadd.s32 s15, s8  }
0x1b: {  	s26 =	sshrl.u32 s6, $0x1;
	s29 =	sadd.s32 s15, s11;
	[dreg:$0x15] =	wrdreg s25  }
0x1c: {  	s7 =	sadd.s32 s15, s7;
	s9 =	sadd.s32 s15, s9;
	[dreg:$0x16] =	wrdreg s29  }
0x1d: {  	s8 =	simm.s32 $0x3;
	s13 =	sadd.s32 s19, s14;
	[dreg:$0x17] =	wrdreg s7  }
0x1e: {  	s6 =	ssub.s32 s6, s26;
	s11 =	sshrl.u32 s1, $0x2;
	[dreg:$0x18] =	wrdreg s9  }
0x1f: {  	s7 =	simm.s32 $0xC00;
	s9 =	simm.s32 $0x80;
	s25 =	simm.s32 $0x100  }
0x20: {  	s26 =	simm.s32 $0x180;
	s29 =	simm.s32 $0x200;
	s19 =	simm.s32 $0x680  }
0x21: {  	s13 =	sshrl.u32 s13, $0x3;
	s14 =	sadd.s32 s11, s2;
	[dreg:$0x1b] =	wrdreg s25  }
0x22: {  	s4 =	sadd.s32 s13, s4;
	s13 =	sadd.s32 s15, s12;
	s15 =	smax.u32 s6, $0x1  }
0x23: {  	s11 =	simm.s32 $0x1;
	[dreg:$0x1c] =	wrdreg s26;
	p1 =	sne.s32 s15, $0x1  }
.Ltmp0:
0x24: {  	[dreg:$0x1d] =	wrdreg s29;
	s26 =	simm.s32 $0x300;
	(pc) =	sbr.rel @!p1 .LBB2_3-.Ltmp0, $4  }
0x25: {  	s25 =	simm.s32 $0x380;
	s6 =	simm.s32 $0x4C00;
	s5 =	sshrl.u32 s14, $0x3  }
0x26: {  	s12 =	simm.s32 $0x2;
	s14 =	simm.s32 $0x900;
	[dreg:$0x19] =	wrdreg s13  }
0x27: {  	s4 =	sadd.s32 $0x147E00, s4;
	s30 =	sadd.s32 $0xFFFFFFFF, s15;
	s15 =	simm.s32 $0x880  }
0x28: {  	s13 =	simm.s32 $0x980;
	[dreg:$0x1a] =	wrdreg s4;
	s4 =	simm.s32 $0x5  }
0x29: {  	[tilespmem:s7], [sflag:$0x1] =	stream.linear.gather [hbm4b:s31+s3], $0x4000, $0x38;
	[tilespmem:$0x1CC00] =	vst v63  }
0x2a: {  	s29 =	rddreg [dreg:$0x6]  }
0x2b: {  	[tilespmem:s6], [sflag:$0x2] =	stream.linear.gather [hbm4b:s29+s3], $0x4000, $0x38;
	[tilespmem:$0x1CC00] =	vst v63  }
0x2c: {  	s31 =	rddreg [dreg:$0x7]  }
0x2d: {  	[tilespmem:s3], [sflag:$0x5] =	stream.linear.gather [hbm4b:s31+s3], $0xA00, $0x38;
	[tilespmem:$0x1CC00] =	vst v63  }
0x2e: {  	_ =	swait.ge [sflag:s4], $0xA00  }
0x2f: {  	s29 =	sshll.u32 s0, $0x6;
	[sflag:s4] =	ssyncset.done $0x0  }
0x30: {  	s29 =	sor.u32 $0x1C05, s29;
	s31 =	rddreg [dreg:$0x4];
	[sflag:s4] =	ssyncadd.s32 $0xFFFFF600  }
0x31: {  	[spmem:s5], [sflag:s29] =	dma.local [hbm:s31], $0x2800  }
0x32: {  	_ =	swait.ge [sflag:s4], $0x2800  }
0x33: {  	[sflag:s4] =	ssyncset.done $0x0  }
0x34: {  	[sflag:s4] =	ssyncadd.s32 $0xFFFFD800  }
0x35: {  	[bflag:$0x0] =	sbarrier.arrive $0xFFFF  }
0x36: {  	_ =	swait.ge [sflag:s11], $0x4000  }
0x37: {  	[sflag:s11] =	ssyncset.done $0x0  }
0x38: {  	[sflag:s11] =	ssyncadd.s32 $0xFFFFC000  }
0x39: {  	[spmem:s2] =	stream.indirect.scatter.add.f32 [tilespmem:s7], [sflag:$0x3], $0x80, s3, s9, $0xb8;
	[tilespmem:$0x1CC00] =	vst v63  }
0x3a: {  	_ =	swait.ge [sflag:s8], $0x4000  }
0x3b: {  	[sflag:s8] =	ssyncset.done $0x0  }
0x3c: {  	s31 =	rddreg [dreg:$0x8];
	[sflag:s8] =	ssyncadd.s32 $0xFFFFC000  }
0x3d: {  	[tilespmem:s7], [sflag:$0x1] =	stream.linear.gather [hbm4b:s31+s3], $0x4000, $0x38;
	[tilespmem:$0x1CC00] =	vst v63  }
0x3e: {  	_ =	swait.ge [sflag:s12], $0x4000  }
0x3f: {  	[sflag:s12] =	ssyncset.done $0x0  }
0x40: {  	[sflag:s12] =	ssyncadd.s32 $0xFFFFC000  }
0x41: {  	[spmem:s2] =	stream.indirect.scatter.add.f32 [tilespmem:s6], [sflag:$0x4], $0x80, s9, s9, $0xb8;
	[tilespmem:$0x1CC00] =	vst v63  }
0x42: {  	_ =	swait.ge [sflag:s10], $0x4000  }
0x43: {  	[sflag:s10] =	ssyncset.done $0x0  }
0x44: {  	s31 =	rddreg [dreg:$0x9];
	[sflag:s10] =	ssyncadd.s32 $0xFFFFC000  }
0x45: {  	[tilespmem:s6], [sflag:$0x2] =	stream.linear.gather [hbm4b:s31+s3], $0x4000, $0x38;
	[tilespmem:$0x1CC00] =	vst v63  }
0x46: {  	_ =	swait.ge [sflag:s11], $0x4000  }
0x47: {  	[sflag:s11] =	ssyncset.done $0x0  }
0x48: {  	s31 =	rddreg [dreg:$0x1b];
	[sflag:s11] =	ssyncadd.s32 $0xFFFFC000  }
0x49: {  	[spmem:s2] =	stream.indirect.scatter.add.f32 [tilespmem:s7], [sflag:$0x3], $0x80, s31, s9, $0xb8;
	[tilespmem:$0x1CC00] =	vst v63  }
0x4a: {  	_ =	swait.ge [sflag:s8], $0x4000  }
0x4b: {  	[sflag:s8] =	ssyncset.done $0x0  }
0x4c: {  	s31 =	rddreg [dreg:$0xa];
	[sflag:s8] =	ssyncadd.s32 $0xFFFFC000  }
0x4d: {  	[tilespmem:s7], [sflag:$0x1] =	stream.linear.gather [hbm4b:s31+s3], $0x4000, $0x38;
	[tilespmem:$0x1CC00] =	vst v63  }
0x4e: {  	_ =	swait.ge [sflag:s12], $0x4000  }
0x4f: {  	[sflag:s12] =	ssyncset.done $0x0  }
0x50: {  	s31 =	rddreg [dreg:$0x1c];
	[sflag:s12] =	ssyncadd.s32 $0xFFFFC000  }
0x51: {  	[spmem:s2] =	stream.indirect.scatter.add.f32 [tilespmem:s6], [sflag:$0x4], $0x80, s31, s9, $0xb8;
	[tilespmem:$0x1CC00] =	vst v63  }
0x52: {  	_ =	swait.ge [sflag:s10], $0x4000  }
0x53: {  	[sflag:s10] =	ssyncset.done $0x0  }
0x54: {  	s31 =	rddreg [dreg:$0xb];
	[sflag:s10] =	ssyncadd.s32 $0xFFFFC000  }
0x55: {  	[tilespmem:s6], [sflag:$0x2] =	stream.linear.gather [hbm4b:s31+s3], $0x4000, $0x38;
	[tilespmem:$0x1CC00] =	vst v63  }
0x56: {  	_ =	swait.ge [sflag:s11], $0x4000  }
0x57: {  	[sflag:s11] =	ssyncset.done $0x0  }
0x58: {  	s31 =	rddreg [dreg:$0x1d];
	[sflag:s11] =	ssyncadd.s32 $0xFFFFC000  }
0x59: {  	[spmem:s2] =	stream.indirect.scatter.add.f32 [tilespmem:s7], [sflag:$0x3], $0x80, s31, s9, $0xb8;
	[tilespmem:$0x1CC00] =	vst v63  }
0x5a: {  	_ =	swait.ge [sflag:s8], $0x4000  }
0x5b: {  	[sflag:s8] =	ssyncset.done $0x0  }
0x5c: {  	s31 =	rddreg [dreg:$0xc];
	[sflag:s8] =	ssyncadd.s32 $0xFFFFC000  }
0x5d: {  	[tilespmem:s7], [sflag:$0x1] =	stream.linear.gather [hbm4b:s31+s3], $0x4000, $0x38;
	[tilespmem:$0x1CC00] =	vst v63  }
0x5e: {  	_ =	swait.ge [sflag:s12], $0x4000  }
0x5f: {  	[sflag:s12] =	ssyncset.done $0x0  }
0x60: {  	[sflag:s12] =	ssyncadd.s32 $0xFFFFC000  }
0x61: {  	[spmem:s2] =	stream.indirect.scatter.add.f32 [tilespmem:s6], [sflag:$0x4], $0x80, s28, s9, $0xb8;
	[tilespmem:$0x1CC00] =	vst v63  }
0x62: {  	_ =	swait.ge [sflag:s10], $0x4000  }
0x63: {  	[sflag:s10] =	ssyncset.done $0x0  }
0x64: {  	s31 =	rddreg [dreg:$0xd];
	[sflag:s10] =	ssyncadd.s32 $0xFFFFC000  }
0x65: {  	[tilespmem:s6], [sflag:$0x2] =	stream.linear.gather [hbm4b:s31+s3], $0x4000, $0x38;
	[tilespmem:$0x1CC00] =	vst v63  }
0x66: {  	_ =	swait.ge [sflag:s11], $0x4000  }
0x67: {  	[sflag:s11] =	ssyncset.done $0x0  }
0x68: {  	[sflag:s11] =	ssyncadd.s32 $0xFFFFC000  }
0x69: {  	[spmem:s2] =	stream.indirect.scatter.add.f32 [tilespmem:s7], [sflag:$0x3], $0x80, s26, s9, $0xb8;
	[tilespmem:$0x1CC00] =	vst v63  }
0x6a: {  	_ =	swait.ge [sflag:s8], $0x4000  }
0x6b: {  	[sflag:s8] =	ssyncset.done $0x0  }
0x6c: {  	s31 =	rddreg [dreg:$0xe];
	[sflag:s8] =	ssyncadd.s32 $0xFFFFC000  }
0x6d: {  	[tilespmem:s7], [sflag:$0x1] =	stream.linear.gather [hbm4b:s31+s3], $0x4000, $0x38;
	[tilespmem:$0x1CC00] =	vst v63  }
0x6e: {  	_ =	swait.ge [sflag:s12], $0x4000  }
0x6f: {  	[sflag:s12] =	ssyncset.done $0x0  }
0x70: {  	[sflag:s12] =	ssyncadd.s32 $0xFFFFC000  }
0x71: {  	[spmem:s2] =	stream.indirect.scatter.add.f32 [tilespmem:s6], [sflag:$0x4], $0x80, s25, s9, $0xb8;
	[tilespmem:$0x1CC00] =	vst v63  }
0x72: {  	_ =	swait.ge [sflag:s10], $0x4000  }
0x73: {  	[sflag:s10] =	ssyncset.done $0x0  }
0x74: {  	s31 =	rddreg [dreg:$0xf];
	[sflag:s10] =	ssyncadd.s32 $0xFFFFC000  }
0x75: {  	[tilespmem:s6], [sflag:$0x2] =	stream.linear.gather [hbm4b:s31+s3], $0x4000, $0x38;
	[tilespmem:$0x1CC00] =	vst v63  }
0x76: {  	_ =	swait.ge [sflag:s11], $0x4000  }
0x77: {  	[sflag:s11] =	ssyncset.done $0x0  }
0x78: {  	[sflag:s11] =	ssyncadd.s32 $0xFFFFC000  }
0x79: {  	[spmem:s2] =	stream.indirect.scatter.add.f32 [tilespmem:s7], [sflag:$0x3], $0x80, s24, s9, $0xb8;
	[tilespmem:$0x1CC00] =	vst v63  }
0x7a: {  	_ =	swait.ge [sflag:s8], $0x4000  }
0x7b: {  	[sflag:s8] =	ssyncset.done $0x0  }
0x7c: {  	s31 =	rddreg [dreg:$0x10];
	[sflag:s8] =	ssyncadd.s32 $0xFFFFC000  }
0x7d: {  	[tilespmem:s7], [sflag:$0x1] =	stream.linear.gather [hbm4b:s31+s3], $0x4000, $0x38;
	[tilespmem:$0x1CC00] =	vst v63  }
0x7e: {  	_ =	swait.ge [sflag:s12], $0x4000  }
0x7f: {  	[sflag:s12] =	ssyncset.done $0x0  }
0x80: {  	[sflag:s12] =	ssyncadd.s32 $0xFFFFC000  }
0x81: {  	[spmem:s2] =	stream.indirect.scatter.add.f32 [tilespmem:s6], [sflag:$0x4], $0x80, s23, s9, $0xb8;
	[tilespmem:$0x1CC00] =	vst v63  }
0x82: {  	_ =	swait.ge [sflag:s10], $0x4000  }
0x83: {  	[sflag:s10] =	ssyncset.done $0x0  }
0x84: {  	s31 =	rddreg [dreg:$0x11];
	[sflag:s10] =	ssyncadd.s32 $0xFFFFC000  }
0x85: {  	[tilespmem:s6], [sflag:$0x2] =	stream.linear.gather [hbm4b:s31+s3], $0x4000, $0x38;
	[tilespmem:$0x1CC00] =	vst v63  }
0x86: {  	_ =	swait.ge [sflag:s11], $0x4000  }
0x87: {  	[sflag:s11] =	ssyncset.done $0x0  }
0x88: {  	[sflag:s11] =	ssyncadd.s32 $0xFFFFC000  }
0x89: {  	[spmem:s2] =	stream.indirect.scatter.add.f32 [tilespmem:s7], [sflag:$0x3], $0x80, s22, s9, $0xb8;
	[tilespmem:$0x1CC00] =	vst v63  }
0x8a: {  	_ =	swait.ge [sflag:s8], $0x4000  }
0x8b: {  	[sflag:s8] =	ssyncset.done $0x0  }
0x8c: {  	s31 =	rddreg [dreg:$0x12];
	[sflag:s8] =	ssyncadd.s32 $0xFFFFC000  }
0x8d: {  	[tilespmem:s7], [sflag:$0x1] =	stream.linear.gather [hbm4b:s31+s3], $0x4000, $0x38;
	[tilespmem:$0x1CC00] =	vst v63  }
0x8e: {  	_ =	swait.ge [sflag:s12], $0x4000  }
0x8f: {  	[sflag:s12] =	ssyncset.done $0x0  }
0x90: {  	[sflag:s12] =	ssyncadd.s32 $0xFFFFC000  }
0x91: {  	[spmem:s2] =	stream.indirect.scatter.add.f32 [tilespmem:s6], [sflag:$0x4], $0x80, s21, s9, $0xb8;
	[tilespmem:$0x1CC00] =	vst v63  }
0x92: {  	_ =	swait.ge [sflag:s10], $0x4000  }
0x93: {  	[sflag:s10] =	ssyncset.done $0x0  }
0x94: {  	s31 =	rddreg [dreg:$0x13];
	[sflag:s10] =	ssyncadd.s32 $0xFFFFC000  }
0x95: {  	[tilespmem:s6], [sflag:$0x2] =	stream.linear.gather [hbm4b:s31+s3], $0x4000, $0x38;
	[tilespmem:$0x1CC00] =	vst v63  }
0x96: {  	_ =	swait.ge [sflag:s11], $0x4000  }
0x97: {  	[sflag:s11] =	ssyncset.done $0x0  }
0x98: {  	[sflag:s11] =	ssyncadd.s32 $0xFFFFC000  }
0x99: {  	[spmem:s2] =	stream.indirect.scatter.add.f32 [tilespmem:s7], [sflag:$0x3], $0x80, s20, s9, $0xb8;
	[tilespmem:$0x1CC00] =	vst v63  }
0x9a: {  	_ =	swait.ge [sflag:s8], $0x4000  }
0x9b: {  	[sflag:s8] =	ssyncset.done $0x0  }
0x9c: {  	s31 =	rddreg [dreg:$0x14];
	[sflag:s8] =	ssyncadd.s32 $0xFFFFC000  }
0x9d: {  	[tilespmem:s7], [sflag:$0x1] =	stream.linear.gather [hbm4b:s31+s3], $0x4000, $0x38;
	[tilespmem:$0x1CC00] =	vst v63  }
0x9e: {  	_ =	swait.ge [sflag:s12], $0x4000  }
0x9f: {  	[sflag:s12] =	ssyncset.done $0x0  }
0xa0: {  	[sflag:s12] =	ssyncadd.s32 $0xFFFFC000  }
0xa1: {  	[spmem:s2] =	stream.indirect.scatter.add.f32 [tilespmem:s6], [sflag:$0x4], $0x80, s19, s9, $0xb8;
	[tilespmem:$0x1CC00] =	vst v63  }
0xa2: {  	_ =	swait.ge [sflag:s10], $0x4000  }
0xa3: {  	[sflag:s10] =	ssyncset.done $0x0  }
0xa4: {  	s31 =	rddreg [dreg:$0x15];
	[sflag:s10] =	ssyncadd.s32 $0xFFFFC000  }
0xa5: {  	[tilespmem:s6], [sflag:$0x2] =	stream.linear.gather [hbm4b:s31+s3], $0x4000, $0x38;
	[tilespmem:$0x1CC00] =	vst v63  }
0xa6: {  	_ =	swait.ge [sflag:s11], $0x4000  }
0xa7: {  	[sflag:s11] =	ssyncset.done $0x0  }
0xa8: {  	[sflag:s11] =	ssyncadd.s32 $0xFFFFC000  }
0xa9: {  	[spmem:s2] =	stream.indirect.scatter.add.f32 [tilespmem:s7], [sflag:$0x3], $0x80, s18, s9, $0xb8;
	[tilespmem:$0x1CC00] =	vst v63  }
0xaa: {  	_ =	swait.ge [sflag:s8], $0x4000  }
0xab: {  	[sflag:s8] =	ssyncset.done $0x0  }
0xac: {  	s31 =	rddreg [dreg:$0x16];
	[sflag:s8] =	ssyncadd.s32 $0xFFFFC000  }
0xad: {  	[tilespmem:s7], [sflag:$0x1] =	stream.linear.gather [hbm4b:s31+s3], $0x4000, $0x38;
	[tilespmem:$0x1CC00] =	vst v63  }
0xae: {  	_ =	swait.ge [sflag:s12], $0x4000  }
0xaf: {  	[sflag:s12] =	ssyncset.done $0x0  }
0xb0: {  	[sflag:s12] =	ssyncadd.s32 $0xFFFFC000  }
0xb1: {  	[spmem:s2] =	stream.indirect.scatter.add.f32 [tilespmem:s6], [sflag:$0x4], $0x80, s17, s9, $0xb8;
	[tilespmem:$0x1CC00] =	vst v63  }
0xb2: {  	_ =	swait.ge [sflag:s10], $0x4000  }
0xb3: {  	[sflag:s10] =	ssyncset.done $0x0  }
0xb4: {  	s31 =	rddreg [dreg:$0x17];
	[sflag:s10] =	ssyncadd.s32 $0xFFFFC000  }
0xb5: {  	[tilespmem:s6], [sflag:$0x2] =	stream.linear.gather [hbm4b:s31+s3], $0x4000, $0x38;
	[tilespmem:$0x1CC00] =	vst v63  }
0xb6: {  	_ =	swait.ge [sflag:s11], $0x4000  }
0xb7: {  	[sflag:s11] =	ssyncset.done $0x0  }
0xb8: {  	[sflag:s11] =	ssyncadd.s32 $0xFFFFC000  }
0xb9: {  	[spmem:s2] =	stream.indirect.scatter.add.f32 [tilespmem:s7], [sflag:$0x3], $0x80, s16, s9, $0xb8;
	[tilespmem:$0x1CC00] =	vst v63  }
0xba: {  	_ =	swait.ge [sflag:s8], $0x4000  }
0xbb: {  	[sflag:s8] =	ssyncset.done $0x0  }
0xbc: {  	s31 =	rddreg [dreg:$0x18];
	[sflag:s8] =	ssyncadd.s32 $0xFFFFC000  }
0xbd: {  	[tilespmem:s7], [sflag:$0x1] =	stream.linear.gather [hbm4b:s31+s3], $0x4000, $0x38;
	[tilespmem:$0x1CC00] =	vst v63  }
0xbe: {  	_ =	swait.ge [sflag:s12], $0x4000  }
0xbf: {  	[sflag:s12] =	ssyncset.done $0x0  }
0xc0: {  	[sflag:s12] =	ssyncadd.s32 $0xFFFFC000  }
0xc1: {  	[spmem:s2] =	stream.indirect.scatter.add.f32 [tilespmem:s6], [sflag:$0x4], $0x80, s15, s9, $0xb8;
	[tilespmem:$0x1CC00] =	vst v63  }
0xc2: {  	_ =	swait.ge [sflag:s10], $0x4000  }
0xc3: {  	[sflag:s10] =	ssyncset.done $0x0  }
0xc4: {  	s31 =	rddreg [dreg:$0x19];
	[sflag:s10] =	ssyncadd.s32 $0xFFFFC000  }
0xc5: {  	[tilespmem:s6], [sflag:$0x2] =	stream.linear.gather [hbm4b:s31+s3], $0x4000, $0x38;
	[tilespmem:$0x1CC00] =	vst v63  }
0xc6: {  	_ =	swait.ge [sflag:s11], $0x4000  }
0xc7: {  	[sflag:s11] =	ssyncset.done $0x0  }
0xc8: {  	[sflag:s11] =	ssyncadd.s32 $0xFFFFC000  }
0xc9: {  	[spmem:s2] =	stream.indirect.scatter.add.f32 [tilespmem:s7], [sflag:$0x3], $0x80, s14, s9, $0xb8;
	[tilespmem:$0x1CC00] =	vst v63  }
0xca: {  	_ =	swait.ge [sflag:s12], $0x4000  }
0xcb: {  	[sflag:s12] =	ssyncset.done $0x0  }
0xcc: {  	[sflag:s12] =	ssyncadd.s32 $0xFFFFC000  }
0xcd: {  	[spmem:s2] =	stream.indirect.scatter.add.f32 [tilespmem:s6], [sflag:$0x4], $0x80, s13, s9, $0xb8;
	[tilespmem:$0x1CC00] =	vst v63  }
0xce: {  	_ =	swait.ge [sflag:s8], $0x4000  }
0xcf: {  	[sflag:s8] =	ssyncset.done $0x0  }
0xd0: {  	[sflag:s8] =	ssyncadd.s32 $0xFFFFC000  }
0xd1: {  	_ =	swait.ge [sflag:s10], $0x4000  }
0xd2: {  	[sflag:s10] =	ssyncset.done $0x0  }
0xd3: {  	p1 =	sne.s32 s30, $0x1;
	[sflag:s10] =	ssyncadd.s32 $0xFFFFC000  }
.Ltmp1:
0xd4: {  	[bflag:$0x0] =	sbarrier.arrive $0xFFFF;
	(pc) =	sbr.rel @!p1 .LBB2_3-.Ltmp1, $4  }
0xd5: {  	s31 =	rddreg [dreg:$0x1a]  }
0xd6: {  	[hbm:s31], [sflag:s29] =	dma.local [spmem:s5], $0x2800  }
0xd7: {  	s30 =	sadd.s32 $0xFFFFFFFF, s30;
	_ =	swait.ge [sflag:s4], $0x2800  }
0xd8: {  	p0 =	por $0x1, $0x1;
	s31 =	rddreg [dreg:$0x5];
	[sflag:s4] =	ssyncset.done $0x0  }
.LBB2_2:
0xd9: {  	[sflag:s4] =	ssyncadd.s32 $0xFFFFD800  }
0xda: {  	[tilespmem:s7], [sflag:$0x1] =	stream.linear.gather [hbm4b:s31+s3], $0x4000, $0x38;
	[tilespmem:$0x1CC00] =	vst v63  }
0xdb: {  	s1 =	rddreg [dreg:$0x6]  }
0xdc: {  	[tilespmem:s6], [sflag:$0x2] =	stream.linear.gather [hbm4b:s1+s3], $0x4000, $0x38;
	[tilespmem:$0x1CC00] =	vst v63  }
0xdd: {  	s31 =	rddreg [dreg:$0x7]  }
0xde: {  	[tilespmem:s3], [sflag:$0x5] =	stream.linear.gather [hbm4b:s31+s3], $0xA00, $0x38;
	[tilespmem:$0x1CC00] =	vst v63  }
0xdf: {  	_ =	swait.ge [sflag:s4], $0xA00  }
0xe0: {  	[sflag:s4] =	ssyncset.done $0x0  }
0xe1: {  	s1 =	rddreg [dreg:$0x4];
	[sflag:s4] =	ssyncadd.s32 $0xFFFFF600  }
0xe2: {  	[spmem:s5], [sflag:s29] =	dma.local [hbm:s1], $0x2800  }
0xe3: {  	_ =	swait.ge [sflag:s4], $0x2800  }
0xe4: {  	[sflag:s4] =	ssyncset.done $0x0  }
0xe5: {  	[sflag:s4] =	ssyncadd.s32 $0xFFFFD800  }
0xe6: {  	[bflag:$0x0] =	sbarrier.arrive $0xFFFF  }
0xe7: {  	_ =	swait.ge [sflag:s11], $0x4000  }
0xe8: {  	[sflag:s11] =	ssyncset.done $0x0  }
0xe9: {  	[sflag:s11] =	ssyncadd.s32 $0xFFFFC000  }
0xea: {  	[spmem:s2] =	stream.indirect.scatter.add.f32 [tilespmem:s7], [sflag:$0x3], $0x80, s3, s9, $0xb8;
	[tilespmem:$0x1CC00] =	vst v63  }
0xeb: {  	_ =	swait.ge [sflag:s8], $0x4000  }
0xec: {  	[sflag:s8] =	ssyncset.done $0x0  }
0xed: {  	s1 =	rddreg [dreg:$0x8];
	[sflag:s8] =	ssyncadd.s32 $0xFFFFC000  }
0xee: {  	[tilespmem:s7], [sflag:$0x1] =	stream.linear.gather [hbm4b:s1+s3], $0x4000, $0x38;
	[tilespmem:$0x1CC00] =	vst v63  }
0xef: {  	_ =	swait.ge [sflag:s12], $0x4000  }
0xf0: {  	[sflag:s12] =	ssyncset.done $0x0  }
0xf1: {  	[sflag:s12] =	ssyncadd.s32 $0xFFFFC000  }
0xf2: {  	[spmem:s2] =	stream.indirect.scatter.add.f32 [tilespmem:s6], [sflag:$0x4], $0x80, s9, s9, $0xb8;
	[tilespmem:$0x1CC00] =	vst v63  }
0xf3: {  	_ =	swait.ge [sflag:s10], $0x4000  }
0xf4: {  	[sflag:s10] =	ssyncset.done $0x0  }
0xf5: {  	s1 =	rddreg [dreg:$0x9];
	[sflag:s10] =	ssyncadd.s32 $0xFFFFC000  }
0xf6: {  	[tilespmem:s6], [sflag:$0x2] =	stream.linear.gather [hbm4b:s1+s3], $0x4000, $0x38;
	[tilespmem:$0x1CC00] =	vst v63  }
0xf7: {  	_ =	swait.ge [sflag:s11], $0x4000  }
0xf8: {  	[sflag:s11] =	ssyncset.done $0x0  }
0xf9: {  	s1 =	rddreg [dreg:$0x1b];
	[sflag:s11] =	ssyncadd.s32 $0xFFFFC000  }
0xfa: {  	[spmem:s2] =	stream.indirect.scatter.add.f32 [tilespmem:s7], [sflag:$0x3], $0x80, s1, s9, $0xb8;
	[tilespmem:$0x1CC00] =	vst v63  }
0xfb: {  	_ =	swait.ge [sflag:s8], $0x4000  }
0xfc: {  	[sflag:s8] =	ssyncset.done $0x0  }
0xfd: {  	s1 =	rddreg [dreg:$0xa];
	[sflag:s8] =	ssyncadd.s32 $0xFFFFC000  }
0xfe: {  	[tilespmem:s7], [sflag:$0x1] =	stream.linear.gather [hbm4b:s1+s3], $0x4000, $0x38;
	[tilespmem:$0x1CC00] =	vst v63  }
0xff: {  	_ =	swait.ge [sflag:s12], $0x4000  }
0x100: {  	[sflag:s12] =	ssyncset.done $0x0  }
0x101: {  	s1 =	rddreg [dreg:$0x1c];
	[sflag:s12] =	ssyncadd.s32 $0xFFFFC000  }
0x102: {  	[spmem:s2] =	stream.indirect.scatter.add.f32 [tilespmem:s6], [sflag:$0x4], $0x80, s1, s9, $0xb8;
	[tilespmem:$0x1CC00] =	vst v63  }
0x103: {  	_ =	swait.ge [sflag:s10], $0x4000  }
0x104: {  	[sflag:s10] =	ssyncset.done $0x0  }
0x105: {  	s1 =	rddreg [dreg:$0xb];
	[sflag:s10] =	ssyncadd.s32 $0xFFFFC000  }
0x106: {  	[tilespmem:s6], [sflag:$0x2] =	stream.linear.gather [hbm4b:s1+s3], $0x4000, $0x38;
	[tilespmem:$0x1CC00] =	vst v63  }
0x107: {  	_ =	swait.ge [sflag:s11], $0x4000  }
0x108: {  	[sflag:s11] =	ssyncset.done $0x0  }
0x109: {  	s1 =	rddreg [dreg:$0x1d];
	[sflag:s11] =	ssyncadd.s32 $0xFFFFC000  }
0x10a: {  	[spmem:s2] =	stream.indirect.scatter.add.f32 [tilespmem:s7], [sflag:$0x3], $0x80, s1, s9, $0xb8;
	[tilespmem:$0x1CC00] =	vst v63  }
0x10b: {  	_ =	swait.ge [sflag:s8], $0x4000  }
0x10c: {  	[sflag:s8] =	ssyncset.done $0x0  }
0x10d: {  	s1 =	rddreg [dreg:$0xc];
	[sflag:s8] =	ssyncadd.s32 $0xFFFFC000  }
0x10e: {  	[tilespmem:s7], [sflag:$0x1] =	stream.linear.gather [hbm4b:s1+s3], $0x4000, $0x38;
	[tilespmem:$0x1CC00] =	vst v63  }
0x10f: {  	_ =	swait.ge [sflag:s12], $0x4000  }
0x110: {  	[sflag:s12] =	ssyncset.done $0x0  }
0x111: {  	[sflag:s12] =	ssyncadd.s32 $0xFFFFC000  }
0x112: {  	[spmem:s2] =	stream.indirect.scatter.add.f32 [tilespmem:s6], [sflag:$0x4], $0x80, s28, s9, $0xb8;
	[tilespmem:$0x1CC00] =	vst v63  }
0x113: {  	_ =	swait.ge [sflag:s10], $0x4000  }
0x114: {  	[sflag:s10] =	ssyncset.done $0x0  }
0x115: {  	s1 =	rddreg [dreg:$0xd];
	[sflag:s10] =	ssyncadd.s32 $0xFFFFC000  }
0x116: {  	[tilespmem:s6], [sflag:$0x2] =	stream.linear.gather [hbm4b:s1+s3], $0x4000, $0x38;
	[tilespmem:$0x1CC00] =	vst v63  }
0x117: {  	_ =	swait.ge [sflag:s11], $0x4000  }
0x118: {  	[sflag:s11] =	ssyncset.done $0x0  }
0x119: {  	[sflag:s11] =	ssyncadd.s32 $0xFFFFC000  }
0x11a: {  	[spmem:s2] =	stream.indirect.scatter.add.f32 [tilespmem:s7], [sflag:$0x3], $0x80, s26, s9, $0xb8;
	[tilespmem:$0x1CC00] =	vst v63  }
0x11b: {  	_ =	swait.ge [sflag:s8], $0x4000  }
0x11c: {  	[sflag:s8] =	ssyncset.done $0x0  }
0x11d: {  	s1 =	rddreg [dreg:$0xe];
	[sflag:s8] =	ssyncadd.s32 $0xFFFFC000  }
0x11e: {  	[tilespmem:s7], [sflag:$0x1] =	stream.linear.gather [hbm4b:s1+s3], $0x4000, $0x38;
	[tilespmem:$0x1CC00] =	vst v63  }
0x11f: {  	_ =	swait.ge [sflag:s12], $0x4000  }
0x120: {  	[sflag:s12] =	ssyncset.done $0x0  }
0x121: {  	[sflag:s12] =	ssyncadd.s32 $0xFFFFC000  }
0x122: {  	[spmem:s2] =	stream.indirect.scatter.add.f32 [tilespmem:s6], [sflag:$0x4], $0x80, s25, s9, $0xb8;
	[tilespmem:$0x1CC00] =	vst v63  }
0x123: {  	_ =	swait.ge [sflag:s10], $0x4000  }
0x124: {  	[sflag:s10] =	ssyncset.done $0x0  }
0x125: {  	s1 =	rddreg [dreg:$0xf];
	[sflag:s10] =	ssyncadd.s32 $0xFFFFC000  }
0x126: {  	[tilespmem:s6], [sflag:$0x2] =	stream.linear.gather [hbm4b:s1+s3], $0x4000, $0x38;
	[tilespmem:$0x1CC00] =	vst v63  }
0x127: {  	_ =	swait.ge [sflag:s11], $0x4000  }
0x128: {  	[sflag:s11] =	ssyncset.done $0x0  }
0x129: {  	[sflag:s11] =	ssyncadd.s32 $0xFFFFC000  }
0x12a: {  	[spmem:s2] =	stream.indirect.scatter.add.f32 [tilespmem:s7], [sflag:$0x3], $0x80, s24, s9, $0xb8;
	[tilespmem:$0x1CC00] =	vst v63  }
0x12b: {  	_ =	swait.ge [sflag:s8], $0x4000  }
0x12c: {  	[sflag:s8] =	ssyncset.done $0x0  }
0x12d: {  	s1 =	rddreg [dreg:$0x10];
	[sflag:s8] =	ssyncadd.s32 $0xFFFFC000  }
0x12e: {  	[tilespmem:s7], [sflag:$0x1] =	stream.linear.gather [hbm4b:s1+s3], $0x4000, $0x38;
	[tilespmem:$0x1CC00] =	vst v63  }
0x12f: {  	_ =	swait.ge [sflag:s12], $0x4000  }
0x130: {  	[sflag:s12] =	ssyncset.done $0x0  }
0x131: {  	[sflag:s12] =	ssyncadd.s32 $0xFFFFC000  }
0x132: {  	[spmem:s2] =	stream.indirect.scatter.add.f32 [tilespmem:s6], [sflag:$0x4], $0x80, s23, s9, $0xb8;
	[tilespmem:$0x1CC00] =	vst v63  }
0x133: {  	_ =	swait.ge [sflag:s10], $0x4000  }
0x134: {  	[sflag:s10] =	ssyncset.done $0x0  }
0x135: {  	s1 =	rddreg [dreg:$0x11];
	[sflag:s10] =	ssyncadd.s32 $0xFFFFC000  }
0x136: {  	[tilespmem:s6], [sflag:$0x2] =	stream.linear.gather [hbm4b:s1+s3], $0x4000, $0x38;
	[tilespmem:$0x1CC00] =	vst v63  }
0x137: {  	_ =	swait.ge [sflag:s11], $0x4000  }
0x138: {  	[sflag:s11] =	ssyncset.done $0x0  }
0x139: {  	[sflag:s11] =	ssyncadd.s32 $0xFFFFC000  }
0x13a: {  	[spmem:s2] =	stream.indirect.scatter.add.f32 [tilespmem:s7], [sflag:$0x3], $0x80, s22, s9, $0xb8;
	[tilespmem:$0x1CC00] =	vst v63  }
0x13b: {  	_ =	swait.ge [sflag:s8], $0x4000  }
0x13c: {  	[sflag:s8] =	ssyncset.done $0x0  }
0x13d: {  	s1 =	rddreg [dreg:$0x12];
	[sflag:s8] =	ssyncadd.s32 $0xFFFFC000  }
0x13e: {  	[tilespmem:s7], [sflag:$0x1] =	stream.linear.gather [hbm4b:s1+s3], $0x4000, $0x38;
	[tilespmem:$0x1CC00] =	vst v63  }
0x13f: {  	_ =	swait.ge [sflag:s12], $0x4000  }
0x140: {  	[sflag:s12] =	ssyncset.done $0x0  }
0x141: {  	[sflag:s12] =	ssyncadd.s32 $0xFFFFC000  }
0x142: {  	[spmem:s2] =	stream.indirect.scatter.add.f32 [tilespmem:s6], [sflag:$0x4], $0x80, s21, s9, $0xb8;
	[tilespmem:$0x1CC00] =	vst v63  }
0x143: {  	_ =	swait.ge [sflag:s10], $0x4000  }
0x144: {  	[sflag:s10] =	ssyncset.done $0x0  }
0x145: {  	s1 =	rddreg [dreg:$0x13];
	[sflag:s10] =	ssyncadd.s32 $0xFFFFC000  }
0x146: {  	[tilespmem:s6], [sflag:$0x2] =	stream.linear.gather [hbm4b:s1+s3], $0x4000, $0x38;
	[tilespmem:$0x1CC00] =	vst v63  }
0x147: {  	_ =	swait.ge [sflag:s11], $0x4000  }
0x148: {  	[sflag:s11] =	ssyncset.done $0x0  }
0x149: {  	[sflag:s11] =	ssyncadd.s32 $0xFFFFC000  }
0x14a: {  	[spmem:s2] =	stream.indirect.scatter.add.f32 [tilespmem:s7], [sflag:$0x3], $0x80, s20, s9, $0xb8;
	[tilespmem:$0x1CC00] =	vst v63  }
0x14b: {  	_ =	swait.ge [sflag:s8], $0x4000  }
0x14c: {  	[sflag:s8] =	ssyncset.done $0x0  }
0x14d: {  	s1 =	rddreg [dreg:$0x14];
	[sflag:s8] =	ssyncadd.s32 $0xFFFFC000  }
0x14e: {  	[tilespmem:s7], [sflag:$0x1] =	stream.linear.gather [hbm4b:s1+s3], $0x4000, $0x38;
	[tilespmem:$0x1CC00] =	vst v63  }
0x14f: {  	_ =	swait.ge [sflag:s12], $0x4000  }
0x150: {  	[sflag:s12] =	ssyncset.done $0x0  }
0x151: {  	[sflag:s12] =	ssyncadd.s32 $0xFFFFC000  }
0x152: {  	[spmem:s2] =	stream.indirect.scatter.add.f32 [tilespmem:s6], [sflag:$0x4], $0x80, s19, s9, $0xb8;
	[tilespmem:$0x1CC00] =	vst v63  }
0x153: {  	_ =	swait.ge [sflag:s10], $0x4000  }
0x154: {  	[sflag:s10] =	ssyncset.done $0x0  }
0x155: {  	s1 =	rddreg [dreg:$0x15];
	[sflag:s10] =	ssyncadd.s32 $0xFFFFC000  }
0x156: {  	[tilespmem:s6], [sflag:$0x2] =	stream.linear.gather [hbm4b:s1+s3], $0x4000, $0x38;
	[tilespmem:$0x1CC00] =	vst v63  }
0x157: {  	_ =	swait.ge [sflag:s11], $0x4000  }
0x158: {  	[sflag:s11] =	ssyncset.done $0x0  }
0x159: {  	[sflag:s11] =	ssyncadd.s32 $0xFFFFC000  }
0x15a: {  	[spmem:s2] =	stream.indirect.scatter.add.f32 [tilespmem:s7], [sflag:$0x3], $0x80, s18, s9, $0xb8;
	[tilespmem:$0x1CC00] =	vst v63  }
0x15b: {  	_ =	swait.ge [sflag:s8], $0x4000  }
0x15c: {  	[sflag:s8] =	ssyncset.done $0x0  }
0x15d: {  	s1 =	rddreg [dreg:$0x16];
	[sflag:s8] =	ssyncadd.s32 $0xFFFFC000  }
0x15e: {  	[tilespmem:s7], [sflag:$0x1] =	stream.linear.gather [hbm4b:s1+s3], $0x4000, $0x38;
	[tilespmem:$0x1CC00] =	vst v63  }
0x15f: {  	_ =	swait.ge [sflag:s12], $0x4000  }
0x160: {  	[sflag:s12] =	ssyncset.done $0x0  }
0x161: {  	[sflag:s12] =	ssyncadd.s32 $0xFFFFC000  }
0x162: {  	[spmem:s2] =	stream.indirect.scatter.add.f32 [tilespmem:s6], [sflag:$0x4], $0x80, s17, s9, $0xb8;
	[tilespmem:$0x1CC00] =	vst v63  }
0x163: {  	_ =	swait.ge [sflag:s10], $0x4000  }
0x164: {  	[sflag:s10] =	ssyncset.done $0x0  }
0x165: {  	s1 =	rddreg [dreg:$0x17];
	[sflag:s10] =	ssyncadd.s32 $0xFFFFC000  }
0x166: {  	[tilespmem:s6], [sflag:$0x2] =	stream.linear.gather [hbm4b:s1+s3], $0x4000, $0x38;
	[tilespmem:$0x1CC00] =	vst v63  }
0x167: {  	_ =	swait.ge [sflag:s11], $0x4000  }
0x168: {  	[sflag:s11] =	ssyncset.done $0x0  }
0x169: {  	[sflag:s11] =	ssyncadd.s32 $0xFFFFC000  }
0x16a: {  	[spmem:s2] =	stream.indirect.scatter.add.f32 [tilespmem:s7], [sflag:$0x3], $0x80, s16, s9, $0xb8;
	[tilespmem:$0x1CC00] =	vst v63  }
0x16b: {  	_ =	swait.ge [sflag:s8], $0x4000  }
0x16c: {  	[sflag:s8] =	ssyncset.done $0x0  }
0x16d: {  	s1 =	rddreg [dreg:$0x18];
	[sflag:s8] =	ssyncadd.s32 $0xFFFFC000  }
0x16e: {  	[tilespmem:s7], [sflag:$0x1] =	stream.linear.gather [hbm4b:s1+s3], $0x4000, $0x38;
	[tilespmem:$0x1CC00] =	vst v63  }
0x16f: {  	_ =	swait.ge [sflag:s12], $0x4000  }
0x170: {  	[sflag:s12] =	ssyncset.done $0x0  }
0x171: {  	[sflag:s12] =	ssyncadd.s32 $0xFFFFC000  }
0x172: {  	[spmem:s2] =	stream.indirect.scatter.add.f32 [tilespmem:s6], [sflag:$0x4], $0x80, s15, s9, $0xb8;
	[tilespmem:$0x1CC00] =	vst v63  }
0x173: {  	_ =	swait.ge [sflag:s10], $0x4000  }
0x174: {  	[sflag:s10] =	ssyncset.done $0x0  }
0x175: {  	s1 =	rddreg [dreg:$0x19];
	[sflag:s10] =	ssyncadd.s32 $0xFFFFC000  }
0x176: {  	[tilespmem:s6], [sflag:$0x2] =	stream.linear.gather [hbm4b:s1+s3], $0x4000, $0x38;
	[tilespmem:$0x1CC00] =	vst v63  }
0x177: {  	_ =	swait.ge [sflag:s11], $0x4000  }
0x178: {  	[sflag:s11] =	ssyncset.done $0x0  }
0x179: {  	[sflag:s11] =	ssyncadd.s32 $0xFFFFC000  }
0x17a: {  	[spmem:s2] =	stream.indirect.scatter.add.f32 [tilespmem:s7], [sflag:$0x3], $0x80, s14, s9, $0xb8;
	[tilespmem:$0x1CC00] =	vst v63  }
0x17b: {  	_ =	swait.ge [sflag:s12], $0x4000  }
0x17c: {  	[sflag:s12] =	ssyncset.done $0x0  }
0x17d: {  	[sflag:s12] =	ssyncadd.s32 $0xFFFFC000  }
0x17e: {  	[spmem:s2] =	stream.indirect.scatter.add.f32 [tilespmem:s6], [sflag:$0x4], $0x80, s13, s9, $0xb8;
	[tilespmem:$0x1CC00] =	vst v63  }
0x17f: {  	_ =	swait.ge [sflag:s8], $0x4000  }
0x180: {  	[sflag:s8] =	ssyncset.done $0x0  }
0x181: {  	[sflag:s8] =	ssyncadd.s32 $0xFFFFC000  }
0x182: {  	_ =	swait.ge [sflag:s10], $0x4000  }
0x183: {  	[sflag:s10] =	ssyncset.done $0x0  }
0x184: {  	p1 =	sne.s32 s30, $0x1;
	[sflag:s10] =	ssyncadd.s32 $0xFFFFC000  }
.Ltmp2:
0x185: {  	[bflag:$0x0] =	sbarrier.arrive $0xFFFF;
	(pc) =	sbr.rel @p1 .LBB2_2-.Ltmp2, $4  }
0x186: {  	s1 =	rddreg [dreg:$0x1a]  }
0x187: {  	[hbm:s1], [sflag:s29] =	dma.local [spmem:s5], $0x2800  }
0x188: {  	_ =	swait.ge [sflag:s4], $0x2800  }
0x189: {  	s30 =	sadd.s32 $0xFFFFFFFF, s30;
	s31 =	rddreg [dreg:$0x5];
	[sflag:s4] =	ssyncset.done $0x0  }
.LBB2_3:
0x18a: {  	[sflag:s4] =	ssyncadd.s32 @p0 $0xFFFFD800  }
0x18b: {  	[tilespmem:s7], [sflag:$0x1] =	stream.linear.gather [hbm4b:s31+s3], $0x4000, $0x38;
	[tilespmem:$0x1CC00] =	vst v63  }
0x18c: {  	s1 =	rddreg [dreg:$0x6]  }
0x18d: {  	[tilespmem:s6], [sflag:$0x2] =	stream.linear.gather [hbm4b:s1+s3], $0x4000, $0x38;
	[tilespmem:$0x1CC00] =	vst v63  }
0x18e: {  	s29 =	rddreg [dreg:$0x7]  }
0x18f: {  	[tilespmem:s3], [sflag:$0x5] =	stream.linear.gather [hbm4b:s29+s3], $0xA00, $0x38;
	[tilespmem:$0x1CC00] =	vst v63  }
0x190: {  	_ =	swait.ge [sflag:s4], $0xA00  }
0x191: {  	s31 =	sshll.u32 s0, $0x6;
	[sflag:s4] =	ssyncset.done $0x0  }
0x192: {  	s29 =	sor.u32 $0x1C05, s31;
	s30 =	rddreg [dreg:$0x4];
	[sflag:s4] =	ssyncadd.s32 $0xFFFFF600  }
0x193: {  	[spmem:s5], [sflag:s29] =	dma.local [hbm:s30], $0x2800  }
0x194: {  	_ =	swait.ge [sflag:s4], $0x2800  }
0x195: {  	[sflag:s4] =	ssyncset.done $0x0  }
0x196: {  	[sflag:s4] =	ssyncadd.s32 $0xFFFFD800  }
0x197: {  	[bflag:$0x0] =	sbarrier.arrive $0xFFFF  }
0x198: {  	_ =	swait.ge [sflag:s11], $0x4000  }
0x199: {  	[sflag:s11] =	ssyncset.done $0x0  }
0x19a: {  	[sflag:s11] =	ssyncadd.s32 $0xFFFFC000  }
0x19b: {  	[spmem:s2] =	stream.indirect.scatter.add.f32 [tilespmem:s7], [sflag:$0x3], $0x80, s3, s9, $0xb8;
	[tilespmem:$0x1CC00] =	vst v63  }
0x19c: {  	_ =	swait.ge [sflag:s8], $0x4000  }
0x19d: {  	[sflag:s8] =	ssyncset.done $0x0  }
0x19e: {  	s30 =	rddreg [dreg:$0x8];
	[sflag:s8] =	ssyncadd.s32 $0xFFFFC000  }
0x19f: {  	[tilespmem:s7], [sflag:$0x1] =	stream.linear.gather [hbm4b:s30+s3], $0x4000, $0x38;
	[tilespmem:$0x1CC00] =	vst v63  }
0x1a0: {  	_ =	swait.ge [sflag:s12], $0x4000  }
0x1a1: {  	[sflag:s12] =	ssyncset.done $0x0  }
0x1a2: {  	[sflag:s12] =	ssyncadd.s32 $0xFFFFC000  }
0x1a3: {  	[spmem:s2] =	stream.indirect.scatter.add.f32 [tilespmem:s6], [sflag:$0x4], $0x80, s9, s9, $0xb8;
	[tilespmem:$0x1CC00] =	vst v63  }
0x1a4: {  	_ =	swait.ge [sflag:s10], $0x4000  }
0x1a5: {  	[sflag:s10] =	ssyncset.done $0x0  }
0x1a6: {  	s31 =	rddreg [dreg:$0x9];
	[sflag:s10] =	ssyncadd.s32 $0xFFFFC000  }
0x1a7: {  	[tilespmem:s6], [sflag:$0x2] =	stream.linear.gather [hbm4b:s31+s3], $0x4000, $0x38;
	[tilespmem:$0x1CC00] =	vst v63  }
0x1a8: {  	_ =	swait.ge [sflag:s11], $0x4000  }
0x1a9: {  	[sflag:s11] =	ssyncset.done $0x0  }
0x1aa: {  	s30 =	rddreg [dreg:$0x1b];
	[sflag:s11] =	ssyncadd.s32 $0xFFFFC000  }
0x1ab: {  	[spmem:s2] =	stream.indirect.scatter.add.f32 [tilespmem:s7], [sflag:$0x3], $0x80, s30, s9, $0xb8;
	[tilespmem:$0x1CC00] =	vst v63  }
0x1ac: {  	_ =	swait.ge [sflag:s8], $0x4000  }
0x1ad: {  	[sflag:s8] =	ssyncset.done $0x0  }
0x1ae: {  	s31 =	rddreg [dreg:$0xa];
	[sflag:s8] =	ssyncadd.s32 $0xFFFFC000  }
0x1af: {  	[tilespmem:s7], [sflag:$0x1] =	stream.linear.gather [hbm4b:s31+s3], $0x4000, $0x38;
	[tilespmem:$0x1CC00] =	vst v63  }
0x1b0: {  	_ =	swait.ge [sflag:s12], $0x4000  }
0x1b1: {  	[sflag:s12] =	ssyncset.done $0x0  }
0x1b2: {  	s30 =	rddreg [dreg:$0x1c];
	[sflag:s12] =	ssyncadd.s32 $0xFFFFC000  }
0x1b3: {  	[spmem:s2] =	stream.indirect.scatter.add.f32 [tilespmem:s6], [sflag:$0x4], $0x80, s30, s9, $0xb8;
	[tilespmem:$0x1CC00] =	vst v63  }
0x1b4: {  	_ =	swait.ge [sflag:s10], $0x4000  }
0x1b5: {  	[sflag:s10] =	ssyncset.done $0x0  }
0x1b6: {  	s31 =	rddreg [dreg:$0xb];
	[sflag:s10] =	ssyncadd.s32 $0xFFFFC000  }
0x1b7: {  	[tilespmem:s6], [sflag:$0x2] =	stream.linear.gather [hbm4b:s31+s3], $0x4000, $0x38;
	[tilespmem:$0x1CC00] =	vst v63  }
0x1b8: {  	_ =	swait.ge [sflag:s11], $0x4000  }
0x1b9: {  	[sflag:s11] =	ssyncset.done $0x0  }
0x1ba: {  	s30 =	rddreg [dreg:$0x1d];
	[sflag:s11] =	ssyncadd.s32 $0xFFFFC000  }
0x1bb: {  	[spmem:s2] =	stream.indirect.scatter.add.f32 [tilespmem:s7], [sflag:$0x3], $0x80, s30, s9, $0xb8;
	[tilespmem:$0x1CC00] =	vst v63  }
0x1bc: {  	_ =	swait.ge [sflag:s8], $0x4000  }
0x1bd: {  	[sflag:s8] =	ssyncset.done $0x0  }
0x1be: {  	s31 =	rddreg [dreg:$0xc];
	[sflag:s8] =	ssyncadd.s32 $0xFFFFC000  }
0x1bf: {  	[tilespmem:s7], [sflag:$0x1] =	stream.linear.gather [hbm4b:s31+s3], $0x4000, $0x38;
	[tilespmem:$0x1CC00] =	vst v63  }
0x1c0: {  	_ =	swait.ge [sflag:s12], $0x4000  }
0x1c1: {  	[sflag:s12] =	ssyncset.done $0x0  }
0x1c2: {  	[sflag:s12] =	ssyncadd.s32 $0xFFFFC000  }
0x1c3: {  	[spmem:s2] =	stream.indirect.scatter.add.f32 [tilespmem:s6], [sflag:$0x4], $0x80, s28, s9, $0xb8;
	[tilespmem:$0x1CC00] =	vst v63  }
0x1c4: {  	_ =	swait.ge [sflag:s10], $0x4000  }
0x1c5: {  	[sflag:s10] =	ssyncset.done $0x0  }
0x1c6: {  	s30 =	rddreg [dreg:$0xd];
	[sflag:s10] =	ssyncadd.s32 $0xFFFFC000  }
0x1c7: {  	[tilespmem:s6], [sflag:$0x2] =	stream.linear.gather [hbm4b:s30+s3], $0x4000, $0x38;
	[tilespmem:$0x1CC00] =	vst v63  }
0x1c8: {  	_ =	swait.ge [sflag:s11], $0x4000  }
0x1c9: {  	[sflag:s11] =	ssyncset.done $0x0  }
0x1ca: {  	[sflag:s11] =	ssyncadd.s32 $0xFFFFC000  }
0x1cb: {  	[spmem:s2] =	stream.indirect.scatter.add.f32 [tilespmem:s7], [sflag:$0x3], $0x80, s26, s9, $0xb8;
	[tilespmem:$0x1CC00] =	vst v63  }
0x1cc: {  	_ =	swait.ge [sflag:s8], $0x4000  }
0x1cd: {  	[sflag:s8] =	ssyncset.done $0x0  }
0x1ce: {  	s31 =	rddreg [dreg:$0xe];
	[sflag:s8] =	ssyncadd.s32 $0xFFFFC000  }
0x1cf: {  	[tilespmem:s7], [sflag:$0x1] =	stream.linear.gather [hbm4b:s31+s3], $0x4000, $0x38;
	[tilespmem:$0x1CC00] =	vst v63  }
0x1d0: {  	_ =	swait.ge [sflag:s12], $0x4000  }
0x1d1: {  	[sflag:s12] =	ssyncset.done $0x0  }
0x1d2: {  	[sflag:s12] =	ssyncadd.s32 $0xFFFFC000  }
0x1d3: {  	[spmem:s2] =	stream.indirect.scatter.add.f32 [tilespmem:s6], [sflag:$0x4], $0x80, s25, s9, $0xb8;
	[tilespmem:$0x1CC00] =	vst v63  }
0x1d4: {  	_ =	swait.ge [sflag:s10], $0x4000  }
0x1d5: {  	[sflag:s10] =	ssyncset.done $0x0  }
0x1d6: {  	s26 =	rddreg [dreg:$0xf];
	[sflag:s10] =	ssyncadd.s32 $0xFFFFC000  }
0x1d7: {  	[tilespmem:s6], [sflag:$0x2] =	stream.linear.gather [hbm4b:s26+s3], $0x4000, $0x38;
	[tilespmem:$0x1CC00] =	vst v63  }
0x1d8: {  	_ =	swait.ge [sflag:s11], $0x4000  }
0x1d9: {  	[sflag:s11] =	ssyncset.done $0x0  }
0x1da: {  	[sflag:s11] =	ssyncadd.s32 $0xFFFFC000  }
0x1db: {  	[spmem:s2] =	stream.indirect.scatter.add.f32 [tilespmem:s7], [sflag:$0x3], $0x80, s24, s9, $0xb8;
	[tilespmem:$0x1CC00] =	vst v63  }
0x1dc: {  	_ =	swait.ge [sflag:s8], $0x4000  }
0x1dd: {  	[sflag:s8] =	ssyncset.done $0x0  }
0x1de: {  	s28 =	rddreg [dreg:$0x10];
	[sflag:s8] =	ssyncadd.s32 $0xFFFFC000  }
0x1df: {  	[tilespmem:s7], [sflag:$0x1] =	stream.linear.gather [hbm4b:s28+s3], $0x4000, $0x38;
	[tilespmem:$0x1CC00] =	vst v63  }
0x1e0: {  	_ =	swait.ge [sflag:s12], $0x4000  }
0x1e1: {  	[sflag:s12] =	ssyncset.done $0x0  }
0x1e2: {  	[sflag:s12] =	ssyncadd.s32 $0xFFFFC000  }
0x1e3: {  	[spmem:s2] =	stream.indirect.scatter.add.f32 [tilespmem:s6], [sflag:$0x4], $0x80, s23, s9, $0xb8;
	[tilespmem:$0x1CC00] =	vst v63  }
0x1e4: {  	_ =	swait.ge [sflag:s10], $0x4000  }
0x1e5: {  	[sflag:s10] =	ssyncset.done $0x0  }
0x1e6: {  	s30 =	rddreg [dreg:$0x11];
	[sflag:s10] =	ssyncadd.s32 $0xFFFFC000  }
0x1e7: {  	[tilespmem:s6], [sflag:$0x2] =	stream.linear.gather [hbm4b:s30+s3], $0x4000, $0x38;
	[tilespmem:$0x1CC00] =	vst v63  }
0x1e8: {  	_ =	swait.ge [sflag:s11], $0x4000  }
0x1e9: {  	[sflag:s11] =	ssyncset.done $0x0  }
0x1ea: {  	[sflag:s11] =	ssyncadd.s32 $0xFFFFC000  }
0x1eb: {  	[spmem:s2] =	stream.indirect.scatter.add.f32 [tilespmem:s7], [sflag:$0x3], $0x80, s22, s9, $0xb8;
	[tilespmem:$0x1CC00] =	vst v63  }
0x1ec: {  	_ =	swait.ge [sflag:s8], $0x4000  }
0x1ed: {  	[sflag:s8] =	ssyncset.done $0x0  }
0x1ee: {  	s31 =	rddreg [dreg:$0x12];
	[sflag:s8] =	ssyncadd.s32 $0xFFFFC000  }
0x1ef: {  	[tilespmem:s7], [sflag:$0x1] =	stream.linear.gather [hbm4b:s31+s3], $0x4000, $0x38;
	[tilespmem:$0x1CC00] =	vst v63  }
0x1f0: {  	_ =	swait.ge [sflag:s12], $0x4000  }
0x1f1: {  	[sflag:s12] =	ssyncset.done $0x0  }
0x1f2: {  	[sflag:s12] =	ssyncadd.s32 $0xFFFFC000  }
0x1f3: {  	[spmem:s2] =	stream.indirect.scatter.add.f32 [tilespmem:s6], [sflag:$0x4], $0x80, s21, s9, $0xb8;
	[tilespmem:$0x1CC00] =	vst v63  }
0x1f4: {  	_ =	swait.ge [sflag:s10], $0x4000  }
0x1f5: {  	[sflag:s10] =	ssyncset.done $0x0  }
0x1f6: {  	s22 =	rddreg [dreg:$0x13];
	[sflag:s10] =	ssyncadd.s32 $0xFFFFC000  }
0x1f7: {  	[tilespmem:s6], [sflag:$0x2] =	stream.linear.gather [hbm4b:s22+s3], $0x4000, $0x38;
	[tilespmem:$0x1CC00] =	vst v63  }
0x1f8: {  	_ =	swait.ge [sflag:s11], $0x4000  }
0x1f9: {  	[sflag:s11] =	ssyncset.done $0x0  }
0x1fa: {  	[sflag:s11] =	ssyncadd.s32 $0xFFFFC000  }
0x1fb: {  	[spmem:s2] =	stream.indirect.scatter.add.f32 [tilespmem:s7], [sflag:$0x3], $0x80, s20, s9, $0xb8;
	[tilespmem:$0x1CC00] =	vst v63  }
0x1fc: {  	_ =	swait.ge [sflag:s8], $0x4000  }
0x1fd: {  	[sflag:s8] =	ssyncset.done $0x0  }
0x1fe: {  	s23 =	rddreg [dreg:$0x14];
	[sflag:s8] =	ssyncadd.s32 $0xFFFFC000  }
0x1ff: {  	[tilespmem:s7], [sflag:$0x1] =	stream.linear.gather [hbm4b:s23+s3], $0x4000, $0x38;
	[tilespmem:$0x1CC00] =	vst v63  }
0x200: {  	_ =	swait.ge [sflag:s12], $0x4000  }
0x201: {  	[sflag:s12] =	ssyncset.done $0x0  }
0x202: {  	[sflag:s12] =	ssyncadd.s32 $0xFFFFC000  }
0x203: {  	[spmem:s2] =	stream.indirect.scatter.add.f32 [tilespmem:s6], [sflag:$0x4], $0x80, s19, s9, $0xb8;
	[tilespmem:$0x1CC00] =	vst v63  }
0x204: {  	_ =	swait.ge [sflag:s10], $0x4000  }
0x205: {  	[sflag:s10] =	ssyncset.done $0x0  }
0x206: {  	s24 =	rddreg [dreg:$0x15];
	[sflag:s10] =	ssyncadd.s32 $0xFFFFC000  }
0x207: {  	[tilespmem:s6], [sflag:$0x2] =	stream.linear.gather [hbm4b:s24+s3], $0x4000, $0x38;
	[tilespmem:$0x1CC00] =	vst v63  }
0x208: {  	_ =	swait.ge [sflag:s11], $0x4000  }
0x209: {  	[sflag:s11] =	ssyncset.done $0x0  }
0x20a: {  	[sflag:s11] =	ssyncadd.s32 $0xFFFFC000  }
0x20b: {  	[spmem:s2] =	stream.indirect.scatter.add.f32 [tilespmem:s7], [sflag:$0x3], $0x80, s18, s9, $0xb8;
	[tilespmem:$0x1CC00] =	vst v63  }
0x20c: {  	_ =	swait.ge [sflag:s8], $0x4000  }
0x20d: {  	[sflag:s8] =	ssyncset.done $0x0  }
0x20e: {  	s25 =	rddreg [dreg:$0x16];
	[sflag:s8] =	ssyncadd.s32 $0xFFFFC000  }
0x20f: {  	[tilespmem:s7], [sflag:$0x1] =	stream.linear.gather [hbm4b:s25+s3], $0x4000, $0x38;
	[tilespmem:$0x1CC00] =	vst v63  }
0x210: {  	_ =	swait.ge [sflag:s12], $0x4000  }
0x211: {  	[sflag:s12] =	ssyncset.done $0x0  }
0x212: {  	[sflag:s12] =	ssyncadd.s32 $0xFFFFC000  }
0x213: {  	[spmem:s2] =	stream.indirect.scatter.add.f32 [tilespmem:s6], [sflag:$0x4], $0x80, s17, s9, $0xb8;
	[tilespmem:$0x1CC00] =	vst v63  }
0x214: {  	_ =	swait.ge [sflag:s10], $0x4000  }
0x215: {  	[sflag:s10] =	ssyncset.done $0x0  }
0x216: {  	s26 =	rddreg [dreg:$0x17];
	[sflag:s10] =	ssyncadd.s32 $0xFFFFC000  }
0x217: {  	[tilespmem:s6], [sflag:$0x2] =	stream.linear.gather [hbm4b:s26+s3], $0x4000, $0x38;
	[tilespmem:$0x1CC00] =	vst v63  }
0x218: {  	_ =	swait.ge [sflag:s11], $0x4000  }
0x219: {  	[sflag:s11] =	ssyncset.done $0x0  }
0x21a: {  	[sflag:s11] =	ssyncadd.s32 $0xFFFFC000  }
0x21b: {  	[spmem:s2] =	stream.indirect.scatter.add.f32 [tilespmem:s7], [sflag:$0x3], $0x80, s16, s9, $0xb8;
	[tilespmem:$0x1CC00] =	vst v63  }
0x21c: {  	_ =	swait.ge [sflag:s8], $0x4000  }
0x21d: {  	[sflag:s8] =	ssyncset.done $0x0  }
0x21e: {  	s28 =	rddreg [dreg:$0x18];
	[sflag:s8] =	ssyncadd.s32 $0xFFFFC000  }
0x21f: {  	[tilespmem:s7], [sflag:$0x1] =	stream.linear.gather [hbm4b:s28+s3], $0x4000, $0x38;
	[tilespmem:$0x1CC00] =	vst v63  }
0x220: {  	_ =	swait.ge [sflag:s12], $0x4000  }
0x221: {  	[sflag:s12] =	ssyncset.done $0x0  }
0x222: {  	[sflag:s12] =	ssyncadd.s32 $0xFFFFC000  }
0x223: {  	[spmem:s2] =	stream.indirect.scatter.add.f32 [tilespmem:s6], [sflag:$0x4], $0x80, s15, s9, $0xb8;
	[tilespmem:$0x1CC00] =	vst v63  }
0x224: {  	_ =	swait.ge [sflag:s10], $0x4000  }
0x225: {  	[sflag:s10] =	ssyncset.done $0x0  }
0x226: {  	s30 =	rddreg [dreg:$0x19];
	[sflag:s10] =	ssyncadd.s32 $0xFFFFC000  }
0x227: {  	[tilespmem:s6], [sflag:$0x2] =	stream.linear.gather [hbm4b:s30+s3], $0x4000, $0x38;
	[tilespmem:$0x1CC00] =	vst v63  }
0x228: {  	_ =	swait.ge [sflag:s11], $0x4000  }
0x229: {  	[sflag:s11] =	ssyncset.done $0x0  }
0x22a: {  	[sflag:s11] =	ssyncadd.s32 $0xFFFFC000  }
0x22b: {  	[spmem:s2] =	stream.indirect.scatter.add.f32 [tilespmem:s7], [sflag:$0x3], $0x80, s14, s9, $0xb8;
	[tilespmem:$0x1CC00] =	vst v63  }
0x22c: {  	_ =	swait.ge [sflag:s12], $0x4000  }
0x22d: {  	[sflag:s12] =	ssyncset.done $0x0  }
0x22e: {  	[sflag:s12] =	ssyncadd.s32 $0xFFFFC000  }
0x22f: {  	[spmem:s2] =	stream.indirect.scatter.add.f32 [tilespmem:s6], [sflag:$0x4], $0x80, s13, s9, $0xb8;
	[tilespmem:$0x1CC00] =	vst v63  }
0x230: {  	_ =	swait.ge [sflag:s8], $0x4000  }
0x231: {  	[sflag:s8] =	ssyncset.done $0x0  }
0x232: {  	[sflag:s8] =	ssyncadd.s32 $0xFFFFC000  }
0x233: {  	_ =	swait.ge [sflag:s10], $0x4000  }
0x234: {  	[sflag:s10] =	ssyncset.done $0x0  }
0x235: {  	[sflag:s10] =	ssyncadd.s32 $0xFFFFC000  }
0x236: {  	[bflag:$0x0] =	sbarrier.arrive $0xFFFF  }
0x237: {  	s31 =	rddreg [dreg:$0x1a]  }
0x238: {  	[hbm:s31], [sflag:s29] =	dma.local [spmem:s5], $0x2800  }
0x239: {  	_ =	swait.ge [sflag:s4], $0x2800  }
0x23a: {  	[sflag:s4] =	ssyncset.done $0x0  }
0x23b: {  	[sflag:s4] =	ssyncadd.s32 $0xFFFFD800  }
0x23c: {  	_ =	sfence.sel $0x180000  }
0x23d: {  	[bflag:$0x0] =	sbarrier.arrive $0xFFFF  }
0x23e: {  	_ =	strace $0x90000053  }
0x23f: {  	[bflag:$0x2] =	sbarrier.arrive $0xFFFF  }
0x240: {  	p0 =	sne.s32 s0, $0x0;
	s0 =	rddreg [dreg:$0x3]  }
0x241: {  	s0 =	sadd.s32 @!p0 $0x100000, s0  }
0x242: {  	[sflag:s0] =	ssyncadd.tile.s32 @!p0 $0x1;
	_ =	shalt  }
.Lfunc_end2:
_tile_overlayer_lowered:
.L_overlay_start_2:
0x243: {  	(tag) =	ssettag $0x2  }
0x244: {  	s0 =	rddreg [dreg:$0x0];
	s2 =	stileid.u32  }
0x245: {  	s1 =	rddreg [dreg:$0x1];
	p0 =	sne.s32 s2, $0x0  }
0x246: {  	s3 =	rddreg [dreg:$0x2];
	[bflag:$0x3] =	sbarrier.arrive $0xFFFF;
	s2 =	simm.s32 @!p0 $0x1C05  }
0x247: {  	[timem:s3], [sflag:s2] =	dma.local @!p0 [hbm:s0], s1  }
0x248: {  	s0 =	simm.s32 @!p0 $0x5  }
0x249: {  	_ =	swait.ge @!p0 [sflag:s0], s1  }
0x24a: {  	s1 =	ssub.s32 @!p0 $0x0, s1;
	[sflag:s0] =	ssyncset.done @!p0 $0x0  }
0x24b: {  	[sflag:s0] =	ssyncadd.s32 @!p0 s1  }
0x24c: {  	[bflag:$0x3] =	sbarrier.arrive $0xFFFF  }
0x24d: {  	_ =	shalt  }

</sc_bundles>
